<compile_context>
chip_gen: v7x
topology: tpu7x:2x2x1
jax: 0.10.2.dev20260603
libtpu: 0.0.44.dev20260713+nightly
codegen_flags: <defaults>
</compile_context>

<pallas_src>
import functools

import jax
import jax.numpy as jnp
from jax import lax
from jax.experimental import pallas as pl
from jax.experimental.pallas import tpu as pltpu
from jax.experimental.pallas import tpu_sc as plsc

N = 10000
E = 320000
D = 40
K = 10
P = 10240
NW = 32
NODES_PER_SC_TILE = P // 16
EPT = E // NW
CHUNK = 128
NCHUNK = 79
EPT_PAD = NCHUNK * CHUNK
PAD_NODE = N + 100

_mesh = plsc.VectorSubcoreMesh(core_axis_name="c", subcore_axis_name="s")


@functools.partial(
    pl.kernel,
    out_type=[jax.ShapeDtypeStruct((P, D), jnp.float32),
              jax.ShapeDtypeStruct((P, D), jnp.float32)],
    mesh=_mesh,
    scratch_types=[
        pltpu.VMEM((NCHUNK, CHUNK), jnp.int32),
        pltpu.VMEM((NCHUNK, CHUNK), jnp.int32),
        pltpu.VMEM((CHUNK, D), jnp.float32),
        pltpu.VMEM_SHARED((P, D), jnp.float32),
        pltpu.SemaphoreType.DMA,
    ],
    compiler_params=pltpu.CompilerParams(use_tc_tiling_on_sc=False),
)
def _sc_scatter(y_hbm, src_hbm, dst_hbm, zeros_hbm, out0_hbm, out1_hbm,
                src_v, dst_v, rows_v, acc_sh, sem):
    c = lax.axis_index("c")
    s = lax.axis_index("s")
    wid = s * 2 + c
    nslice = pl.ds(s * NODES_PER_SC_TILE, NODES_PER_SC_TILE)
    pltpu.sync_copy(zeros_hbm.at[nslice], acc_sh.at[nslice])
    pltpu.sync_copy(src_hbm.at[wid], src_v)
    pltpu.sync_copy(dst_hbm.at[wid], dst_v)
    plsc.subcore_barrier()

    def body(j, carry):
        pltpu.async_copy(y_hbm.at[src_v.at[j]], rows_v, sem).wait()
        pltpu.sync_copy(rows_v, acc_sh.at[dst_v.at[j]], add=True)
        return carry

    lax.fori_loop(0, NCHUNK, body, 0)
    plsc.subcore_barrier()

    @pl.when(c == 0)
    def _():
        pltpu.sync_copy(acc_sh.at[nslice], out0_hbm.at[nslice])

    @pl.when(c == 1)
    def _():
        pltpu.sync_copy(acc_sh.at[nslice], out1_hbm.at[nslice])


_BLK = 2048
_GRID = P // _BLK


def _mlp_body(x_ref, w1_ref, b1_ref, w2_ref, b2_ref, o_ref):
    x = x_ref[...]
    h1 = lax.dot_general(x, w1_ref[...], (((1,), (1,)), ((), ())),
                         preferred_element_type=jnp.float32)
    h1 = jax.nn.relu(h1 + b1_ref[...][None, :])
    h2 = lax.dot_general(h1, w2_ref[...], (((1,), (1,)), ((), ())),
                         preferred_element_type=jnp.float32)
    h2 = h2 + b2_ref[...][None, :]
    row = pl.program_id(0) * _BLK + lax.broadcasted_iota(jnp.int32, h2.shape, 0)
    o_ref[...] = jnp.where(row < N, h2, 0.0)


def _mlp(xp, w1, b1, w2, b2):
    return pl.pallas_call(
        _mlp_body,
        grid=(_GRID,),
        in_specs=[
            pl.BlockSpec((_BLK, 128), lambda i: (i, 0)),
            pl.BlockSpec((128, 128), lambda i: (0, 0)),
            pl.BlockSpec((128,), lambda i: (0,)),
            pl.BlockSpec((D, 128), lambda i: (0, 0)),
            pl.BlockSpec((D,), lambda i: (0,)),
        ],
        out_specs=pl.BlockSpec((_BLK, D), lambda i: (i, 0)),
        out_shape=jax.ShapeDtypeStruct((P, D), jnp.float32),
    )(xp, w1, b1, w2, b2)


def _pre_body(pd0_ref, pd1_ref, h_ref, o_y, o_dis, o_dis2):
    deg = pd0_ref[:, 0:1] + pd1_ref[:, 0:1] + 1.0
    dis = lax.rsqrt(deg)
    dis2 = 1.0 / deg
    o_y[...] = dis * h_ref[...]
    o_dis[...] = jnp.broadcast_to(dis, o_dis.shape)
    o_dis2[...] = jnp.broadcast_to(dis2, o_dis2.shape)


def _pre(pd0, pd1, h):
    spec = pl.BlockSpec((_BLK, D), lambda i: (i, 0))
    return pl.pallas_call(
        _pre_body,
        grid=(_GRID,),
        in_specs=[spec, spec, spec],
        out_specs=[spec, spec, spec],
        out_shape=[jax.ShapeDtypeStruct((P, D), jnp.float32)] * 3,
    )(pd0, pd1, h)


def _combine_body(tj_ref, p0_ref, p1_ref, y_ref, s_ref, dis2_ref, o_y, o_s):
    z = p0_ref[...] + p1_ref[...] + y_ref[...]
    o_s[...] = s_ref[...] + tj_ref[0] * z
    o_y[...] = dis2_ref[...] * z


def _combine(tj, p0, p1, y, s, dis2):
    spec = pl.BlockSpec((_BLK, D), lambda i: (i, 0))
    return pl.pallas_call(
        _combine_body,
        grid=(_GRID,),
        in_specs=[pl.BlockSpec(memory_space=pltpu.SMEM),
                  spec, spec, spec, spec, spec],
        out_specs=[spec, spec],
        out_shape=[jax.ShapeDtypeStruct((P, D), jnp.float32)] * 2,
    )(tj, p0, p1, y, s, dis2)


def _final_body(t0_ref, h_ref, dis_ref, s_ref, o_ref):
    o_ref[...] = t0_ref[0] * h_ref[...] + dis_ref[...] * s_ref[...]


def _final(t0, h, dis, s):
    spec = pl.BlockSpec((_BLK, D), lambda i: (i, 0))
    return pl.pallas_call(
        _final_body,
        grid=(_GRID,),
        in_specs=[pl.BlockSpec(memory_space=pltpu.SMEM), spec, spec, spec],
        out_specs=spec,
        out_shape=jax.ShapeDtypeStruct((P, D), jnp.float32),
    )(t0, h, dis, s)


def kernel(x, lin1_w, lin1_b, lin2_w, lin2_b, temp, edge_index):
    xp = jnp.zeros((P, 128), jnp.float32).at[:N].set(x)
    h = _mlp(xp, lin1_w, lin1_b, lin2_w, lin2_b)

    def _tile_idx(v):
        v2 = v.reshape(NW, EPT)
        vp = jnp.full((NW, EPT_PAD), PAD_NODE, jnp.int32).at[:, :EPT].set(v2)
        return vp.reshape(NW, NCHUNK, CHUNK)

    src_p = _tile_idx(edge_index[0])
    dst_p = _tile_idx(edge_index[1])

    zeros = jnp.zeros((P, D), jnp.float32)
    ones_tbl = jnp.zeros((P, D), jnp.float32).at[:N].set(1.0)

    pd0, pd1 = _sc_scatter(ones_tbl, src_p, dst_p, zeros)
    y, dis, dis2 = _pre(pd0, pd1, h)

    s = zeros
    for k in range(K):
        p0, p1 = _sc_scatter(y, src_p, dst_p, zeros)
        y, s = _combine(temp[k + 1:k + 2], p0, p1, y, s, dis2)

    out = _final(temp[0:1], h, dis, s)
    return out[:N]

# --- scband reference (transcript-rebuilt; emitter-appended) ---
"""Pipeline reference for scband-gprgnn-3324304687176 (READ-ONLY COPY).

The authoritative reference and input builder live on the scoring server;
editing this copy changes nothing except your own understanding.
"""

import jax, jax.numpy as jnp
import numpy as np

N = 10000
E = 320000
D_IN = 128
D_HID = 128
D_OUT = 40
K = 10
ALPHA = 0.1


def _ppr_temp():
    t = ALPHA * (1.0 - ALPHA) ** np.arange(K + 1)
    t[-1] = (1.0 - ALPHA) ** K
    return jnp.asarray(t, dtype=jnp.float32)


def setup_inputs(seed: int = 0) -> dict:
    key = jax.random.key(seed)
    ks = jax.random.split(key, 8)
    x = jax.random.normal(ks[0], (N, D_IN), dtype=jnp.float32)
    edge_index = jax.random.randint(ks[1], (2, E), 0, N, dtype=jnp.int32)
    lin1_w = jax.random.normal(ks[2], (D_HID, D_IN), dtype=jnp.float32) / np.sqrt(D_IN)
    lin1_b = jnp.zeros((D_HID,), dtype=jnp.float32)
    lin2_w = jax.random.normal(ks[3], (D_OUT, D_HID), dtype=jnp.float32) / np.sqrt(D_HID)
    lin2_b = jnp.zeros((D_OUT,), dtype=jnp.float32)
    temp = _ppr_temp()
    return {"x": x, "lin1_w": lin1_w, "lin1_b": lin1_b, "lin2_w": lin2_w,
            "lin2_b": lin2_b, "temp": temp, "edge_index": edge_index}


def reference(x, lin1_w, lin1_b, lin2_w, lin2_b, temp, edge_index):
    # MLP part (dropout inactive in eval mode)
    h = jax.nn.relu(x @ lin1_w.T + lin1_b)
    h = h @ lin2_w.T + lin2_b
    n = h.shape[0]
    # gcn_norm with added self-loops, edge_weight = 1
    loop = jnp.arange(n, dtype=edge_index.dtype)
    src = jnp.concatenate([edge_index[0], loop])
    dst = jnp.concatenate([edge_index[1], loop])
    ew = jnp.ones(src.shape[0], dtype=h.dtype)
    deg = jax.ops.segment_sum(ew, dst, num_segments=n)
    dis = jnp.where(deg > 0, 1.0 / jnp.sqrt(deg), 0.0)
    norm = dis[src] * ew * dis[dst]
    # GPR propagation: hidden = sum_k temp[k] * A_hat^k h
    hidden = temp[0] * h
    cur = h
    for k in range(K):
        msg = norm[:, None] * cur[src]
        cur = jax.ops.segment_sum(msg, dst, num_segments=n)
        hidden = hidden + temp[k + 1] * cur
    return hidden

if __name__ == "__main__":
    import jax
    _d = setup_inputs()
    print(jax.jit(kernel)(*tuple(_d.values())))

</pallas_src>

<mosaic_0001>
#map = affine_map<(d0, d1) -> (0, 0)>
#map1 = affine_map<(d0, d1) -> (0, 0, 0)>
module attributes {stable_mosaic.version = 14 : i64} {
  func.func @_sc_scatter(%arg0: i32, %arg1: i32, %arg2: memref<10240x40xf32, #tpu.memory_space<hbm>>, %arg3: memref<32x79x128xi32, #tpu.memory_space<hbm>>, %arg4: memref<32x79x128xi32, #tpu.memory_space<hbm>>, %arg5: memref<10240x40xf32, #tpu.memory_space<hbm>>, %arg6: memref<10240x40xf32, #tpu.memory_space<hbm>>, %arg7: memref<10240x40xf32, #tpu.memory_space<hbm>>, %arg8: memref<79x128xi32, #tpu.memory_space<vmem>>, %arg9: memref<79x128xi32, #tpu.memory_space<vmem>>, %arg10: memref<128x40xf32, #tpu.memory_space<vmem>>, %arg11: memref<10240x40xf32, #tpu.memory_space<vmem_shared>>, %arg12: memref<!tpu.dma_semaphore, #tpu.memory_space<semaphore_mem>>) attributes {dimension_semantics = [#tpu.dimension_semantics<core_parallel>, #tpu.dimension_semantics<subcore_parallel>], iteration_bounds = array<i64: 2, 16>, scalar_prefetch = 0 : i64, scratch_operands = 5 : i64, tpu.core_type = #tpu.core_type<sc_vector_subcore>, window_params = [{transform_indices = #map}, {transform_indices = #map1}, {transform_indices = #map1}, {transform_indices = #map}, {transform_indices = #map}, {transform_indices = #map}]} {
    %mul3A = arith.constant 2 : i32
    %mul3A_0 = arith.muli %arg1, %mul3A : i32
    %add3A = arith.addi %mul3A_0, %arg0 : i32
    %mul3A_1 = arith.constant 640 : i32
    %mul3A_2 = arith.muli %arg1, %mul3A_1 : i32
    "tpu.region"() ({
      %run_scoped3A = tpu.sem_alloc : memref<!tpu.dma_semaphore, #tpu.memory_space<semaphore_mem>>
      %dma_start3A = arith.constant 0 : i32
      %dma_start3A_16 = tpu.memref_slice %arg11[%mul3A_2, %dma_start3A] : memref<10240x40xf32, #tpu.memory_space<vmem_shared>> -> memref<640x40xf32, #tpu.memory_space<vmem_shared>>
      %dma_start3A_17 = arith.constant 0 : i32
      %dma_start3A_18 = tpu.memref_slice %arg5[%mul3A_2, %dma_start3A_17] : memref<10240x40xf32, #tpu.memory_space<hbm>> -> memref<640x40xf32, #tpu.memory_space<hbm>>
      tpu.enqueue_dma source(%dma_start3A_18 : memref<640x40xf32, #tpu.memory_space<hbm>>) target(%dma_start3A_16 : memref<640x40xf32, #tpu.memory_space<vmem_shared>>) target_semaphore(%run_scoped3A : memref<!tpu.dma_semaphore, #tpu.memory_space<semaphore_mem>>)
      %dma_wait3A = arith.constant 0 : i32
      %dma_wait3A_19 = tpu.memref_slice %arg11[%mul3A_2, %dma_wait3A] : memref<10240x40xf32, #tpu.memory_space<vmem_shared>> -> memref<640x40xf32, #tpu.memory_space<vmem_shared>>
      %dma_wait3A_20 = arith.constant 0 : i32
      %dma_wait3A_21 = tpu.memref_slice %arg5[%mul3A_2, %dma_wait3A_20] : memref<10240x40xf32, #tpu.memory_space<hbm>> -> memref<640x40xf32, #tpu.memory_space<hbm>>
      tpu.wait_dma2 semaphore(%run_scoped3A : memref<!tpu.dma_semaphore, #tpu.memory_space<semaphore_mem>>) src(%dma_wait3A_21 : memref<640x40xf32, #tpu.memory_space<hbm>>) dst(%dma_wait3A_19 : memref<640x40xf32, #tpu.memory_space<vmem_shared>>)
      tpu.yield
    }) : () -> ()
    "tpu.region"() ({
      %run_scoped3A = tpu.sem_alloc : memref<!tpu.dma_semaphore, #tpu.memory_space<semaphore_mem>>
      %dma_start3A = arith.constant 0 : i32
      %dma_start3A_16 = arith.constant 0 : i32
      %dma_start3A_17 = tpu.memref_slice %arg3[%add3A, %dma_start3A, %dma_start3A_16] : memref<32x79x128xi32, #tpu.memory_space<hbm>> -> memref<1x79x128xi32, #tpu.memory_space<hbm>>
      %dma_start3A_18 = tpu.memref_squeeze %dma_start3A_17 : memref<1x79x128xi32, #tpu.memory_space<hbm>> -> memref<79x128xi32, #tpu.memory_space<hbm>>
      %dma_start3A_19 = arith.constant 0 : i32
      %dma_start3A_20 = arith.constant 0 : i32
      %dma_start3A_21 = tpu.memref_slice %arg3[%add3A, %dma_start3A_19, %dma_start3A_20] : memref<32x79x128xi32, #tpu.memory_space<hbm>> -> memref<1x79x128xi32, #tpu.memory_space<hbm>>
      %dma_start3A_22 = tpu.memref_squeeze %dma_start3A_21 : memref<1x79x128xi32, #tpu.memory_space<hbm>> -> memref<79x128xi32, #tpu.memory_space<hbm>>
      tpu.enqueue_dma source(%dma_start3A_22 : memref<79x128xi32, #tpu.memory_space<hbm>>) target(%arg8 : memref<79x128xi32, #tpu.memory_space<vmem>>) target_semaphore(%run_scoped3A : memref<!tpu.dma_semaphore, #tpu.memory_space<semaphore_mem>>)
      %dma_wait3A = arith.constant 0 : i32
      %dma_wait3A_23 = arith.constant 0 : i32
      %dma_wait3A_24 = tpu.memref_slice %arg3[%add3A, %dma_wait3A, %dma_wait3A_23] : memref<32x79x128xi32, #tpu.memory_space<hbm>> -> memref<1x79x128xi32, #tpu.memory_space<hbm>>
      %dma_wait3A_25 = tpu.memref_squeeze %dma_wait3A_24 : memref<1x79x128xi32, #tpu.memory_space<hbm>> -> memref<79x128xi32, #tpu.memory_space<hbm>>
      %dma_wait3A_26 = arith.constant 0 : i32
      %dma_wait3A_27 = arith.constant 0 : i32
      %dma_wait3A_28 = tpu.memref_slice %arg3[%add3A, %dma_wait3A_26, %dma_wait3A_27] : memref<32x79x128xi32, #tpu.memory_space<hbm>> -> memref<1x79x128xi32, #tpu.memory_space<hbm>>
      %dma_wait3A_29 = tpu.memref_squeeze %dma_wait3A_28 : memref<1x79x128xi32, #tpu.memory_space<hbm>> -> memref<79x128xi32, #tpu.memory_space<hbm>>
      tpu.wait_dma2 semaphore(%run_scoped3A : memref<!tpu.dma_semaphore, #tpu.memory_space<semaphore_mem>>) src(%dma_wait3A_29 : memref<79x128xi32, #tpu.memory_space<hbm>>) dst(%arg8 : memref<79x128xi32, #tpu.memory_space<vmem>>)
      tpu.yield
    }) : () -> ()
    "tpu.region"() ({
      %run_scoped3A = tpu.sem_alloc : memref<!tpu.dma_semaphore, #tpu.memory_space<semaphore_mem>>
      %dma_start3A = arith.constant 0 : i32
      %dma_start3A_16 = arith.constant 0 : i32
      %dma_start3A_17 = tpu.memref_slice %arg4[%add3A, %dma_start3A, %dma_start3A_16] : memref<32x79x128xi32, #tpu.memory_space<hbm>> -> memref<1x79x128xi32, #tpu.memory_space<hbm>>
      %dma_start3A_18 = tpu.memref_squeeze %dma_start3A_17 : memref<1x79x128xi32, #tpu.memory_space<hbm>> -> memref<79x128xi32, #tpu.memory_space<hbm>>
      %dma_start3A_19 = arith.constant 0 : i32
      %dma_start3A_20 = arith.constant 0 : i32
      %dma_start3A_21 = tpu.memref_slice %arg4[%add3A, %dma_start3A_19, %dma_start3A_20] : memref<32x79x128xi32, #tpu.memory_space<hbm>> -> memref<1x79x128xi32, #tpu.memory_space<hbm>>
      %dma_start3A_22 = tpu.memref_squeeze %dma_start3A_21 : memref<1x79x128xi32, #tpu.memory_space<hbm>> -> memref<79x128xi32, #tpu.memory_space<hbm>>
      tpu.enqueue_dma source(%dma_start3A_22 : memref<79x128xi32, #tpu.memory_space<hbm>>) target(%arg9 : memref<79x128xi32, #tpu.memory_space<vmem>>) target_semaphore(%run_scoped3A : memref<!tpu.dma_semaphore, #tpu.memory_space<semaphore_mem>>)
      %dma_wait3A = arith.constant 0 : i32
      %dma_wait3A_23 = arith.constant 0 : i32
      %dma_wait3A_24 = tpu.memref_slice %arg4[%add3A, %dma_wait3A, %dma_wait3A_23] : memref<32x79x128xi32, #tpu.memory_space<hbm>> -> memref<1x79x128xi32, #tpu.memory_space<hbm>>
      %dma_wait3A_25 = tpu.memref_squeeze %dma_wait3A_24 : memref<1x79x128xi32, #tpu.memory_space<hbm>> -> memref<79x128xi32, #tpu.memory_space<hbm>>
      %dma_wait3A_26 = arith.constant 0 : i32
      %dma_wait3A_27 = arith.constant 0 : i32
      %dma_wait3A_28 = tpu.memref_slice %arg4[%add3A, %dma_wait3A_26, %dma_wait3A_27] : memref<32x79x128xi32, #tpu.memory_space<hbm>> -> memref<1x79x128xi32, #tpu.memory_space<hbm>>
      %dma_wait3A_29 = tpu.memref_squeeze %dma_wait3A_28 : memref<1x79x128xi32, #tpu.memory_space<hbm>> -> memref<79x128xi32, #tpu.memory_space<hbm>>
      tpu.wait_dma2 semaphore(%run_scoped3A : memref<!tpu.dma_semaphore, #tpu.memory_space<semaphore_mem>>) src(%dma_wait3A_29 : memref<79x128xi32, #tpu.memory_space<hbm>>) dst(%arg9 : memref<79x128xi32, #tpu.memory_space<vmem>>)
      tpu.yield
    }) : () -> ()
    %barrier3A = arith.constant 0 : index
    tpu.barrier barrier_id(%barrier3A)
    %scan3A = arith.constant 0 : i32
    %scan3A_3 = arith.constant 0 : i32
    %scan3A_4 = arith.constant 79 : i32
    %scan3A_5 = arith.addi %scan3A_3, %scan3A_4 : i32
    %scan3A_6 = arith.constant 1 : i32
    scf.for %scan3A_16 = %scan3A_3 to %scan3A_5 step %scan3A_6  : i32 {
      %dma_start3A = arith.constant 0 : i32
      %dma_start3A_17 = tpu.memref_slice %arg8[%scan3A_16, %dma_start3A] : memref<79x128xi32, #tpu.memory_space<vmem>> -> memref<1x128xi32, #tpu.memory_space<vmem>>
      %dma_start3A_18 = tpu.memref_squeeze %dma_start3A_17 : memref<1x128xi32, #tpu.memory_space<vmem>> -> memref<128xi32, #tpu.memory_space<vmem>>
      %dma_start3A_19 = arith.constant 0 : i32
      %dma_start3A_20 = arith.constant 0 : i32
      %dma_start3A_21 = tpu.memref_slice %arg2[%dma_start3A_19, %dma_start3A_20] : memref<10240x40xf32, #tpu.memory_space<hbm>> -> memref<10240x40xf32, #tpu.memory_space<hbm>>
      tpu.enqueue_indirect_dma source(%dma_start3A_21 : memref<10240x40xf32, #tpu.memory_space<hbm>>) target(%arg10 : memref<128x40xf32, #tpu.memory_space<vmem>>) offsets(%dma_start3A_18 : memref<128xi32, #tpu.memory_space<vmem>>) semaphore(%arg12 : memref<!tpu.dma_semaphore, #tpu.memory_space<semaphore_mem>>)
      %dma_wait3A = arith.constant 0 : i32
      %dma_wait3A_22 = tpu.memref_slice %arg8[%scan3A_16, %dma_wait3A] : memref<79x128xi32, #tpu.memory_space<vmem>> -> memref<1x128xi32, #tpu.memory_space<vmem>>
      %dma_wait3A_23 = tpu.memref_squeeze %dma_wait3A_22 : memref<1x128xi32, #tpu.memory_space<vmem>> -> memref<128xi32, #tpu.memory_space<vmem>>
      %dma_wait3A_24 = arith.constant 0 : i32
      %dma_wait3A_25 = arith.constant 0 : i32
      %dma_wait3A_26 = tpu.memref_slice %arg2[%dma_wait3A_24, %dma_wait3A_25] : memref<10240x40xf32, #tpu.memory_space<hbm>> -> memref<10240x40xf32, #tpu.memory_space<hbm>>
      tpu.wait_indirect_dma semaphore(%arg12 : memref<!tpu.dma_semaphore, #tpu.memory_space<semaphore_mem>>) src(%dma_wait3A_26 : memref<10240x40xf32, #tpu.memory_space<hbm>>) dst(%arg10 : memref<128x40xf32, #tpu.memory_space<vmem>>)
      "tpu.region"() ({
        %run_scoped3A = tpu.sem_alloc : memref<!tpu.dma_semaphore, #tpu.memory_space<semaphore_mem>>
        %dma_start3A_27 = arith.constant 0 : i32
        %dma_start3A_28 = tpu.memref_slice %arg9[%scan3A_16, %dma_start3A_27] : memref<79x128xi32, #tpu.memory_space<vmem>> -> memref<1x128xi32, #tpu.memory_space<vmem>>
        %dma_start3A_29 = tpu.memref_squeeze %dma_start3A_28 : memref<1x128xi32, #tpu.memory_space<vmem>> -> memref<128xi32, #tpu.memory_space<vmem>>
        %dma_start3A_30 = arith.constant 0 : i32
        %dma_start3A_31 = arith.constant 0 : i32
        %dma_start3A_32 = tpu.memref_slice %arg11[%dma_start3A_30, %dma_start3A_31] : memref<10240x40xf32, #tpu.memory_space<vmem_shared>> -> memref<10240x40xf32, #tpu.memory_space<vmem_shared>>
        tpu.enqueue_indirect_dma source(%arg10 : memref<128x40xf32, #tpu.memory_space<vmem>>) target(%dma_start3A_32 : memref<10240x40xf32, #tpu.memory_space<vmem_shared>>) offsets(%dma_start3A_29 : memref<128xi32, #tpu.memory_space<vmem>>) semaphore(%run_scoped3A : memref<!tpu.dma_semaphore, #tpu.memory_space<semaphore_mem>>) {add = true}
        %dma_wait3A_33 = arith.constant 0 : i32
        %dma_wait3A_34 = tpu.memref_slice %arg9[%scan3A_16, %dma_wait3A_33] : memref<79x128xi32, #tpu.memory_space<vmem>> -> memref<1x128xi32, #tpu.memory_space<vmem>>
        %dma_wait3A_35 = tpu.memref_squeeze %dma_wait3A_34 : memref<1x128xi32, #tpu.memory_space<vmem>> -> memref<128xi32, #tpu.memory_space<vmem>>
        %dma_wait3A_36 = arith.constant 0 : i32
        %dma_wait3A_37 = arith.constant 0 : i32
        %dma_wait3A_38 = tpu.memref_slice %arg11[%dma_wait3A_36, %dma_wait3A_37] : memref<10240x40xf32, #tpu.memory_space<vmem_shared>> -> memref<10240x40xf32, #tpu.memory_space<vmem_shared>>
        tpu.wait_indirect_dma semaphore(%run_scoped3A : memref<!tpu.dma_semaphore, #tpu.memory_space<semaphore_mem>>) src(%arg10 : memref<128x40xf32, #tpu.memory_space<vmem>>) dst(%dma_wait3A_38 : memref<10240x40xf32, #tpu.memory_space<vmem_shared>>)
        tpu.yield
      }) : () -> ()
    }
    %scan3A_7 = arith.constant 79 : i32
    %barrier3A_8 = arith.constant 0 : index
    tpu.barrier barrier_id(%barrier3A_8)
    %eq3A = arith.constant 0 : i32
    %eq3A_9 = arith.cmpi eq, %arg0, %eq3A : i32
    %convert_element_type3A = arith.extui %eq3A_9 : i1 to i32
    %cond3A = arith.constant 0 : i32
    %cond3A_10 = arith.cmpi ne, %convert_element_type3A, %cond3A : i32
    scf.if %cond3A_10 {
      "tpu.region"() ({
        %run_scoped3A = tpu.sem_alloc : memref<!tpu.dma_semaphore, #tpu.memory_space<semaphore_mem>>
        %dma_start3A = arith.constant 0 : i32
        %dma_start3A_16 = tpu.memref_slice %arg6[%mul3A_2, %dma_start3A] : memref<10240x40xf32, #tpu.memory_space<hbm>> -> memref<640x40xf32, #tpu.memory_space<hbm>>
        %dma_start3A_17 = arith.constant 0 : i32
        %dma_start3A_18 = tpu.memref_slice %arg11[%mul3A_2, %dma_start3A_17] : memref<10240x40xf32, #tpu.memory_space<vmem_shared>> -> memref<640x40xf32, #tpu.memory_space<vmem_shared>>
        tpu.enqueue_dma source(%dma_start3A_18 : memref<640x40xf32, #tpu.memory_space<vmem_shared>>) target(%dma_start3A_16 : memref<640x40xf32, #tpu.memory_space<hbm>>) target_semaphore(%run_scoped3A : memref<!tpu.dma_semaphore, #tpu.memory_space<semaphore_mem>>)
        %dma_wait3A = arith.constant 0 : i32
        %dma_wait3A_19 = tpu.memref_slice %arg6[%mul3A_2, %dma_wait3A] : memref<10240x40xf32, #tpu.memory_space<hbm>> -> memref<640x40xf32, #tpu.memory_space<hbm>>
        %dma_wait3A_20 = arith.constant 0 : i32
        %dma_wait3A_21 = tpu.memref_slice %arg11[%mul3A_2, %dma_wait3A_20] : memref<10240x40xf32, #tpu.memory_space<vmem_shared>> -> memref<640x40xf32, #tpu.memory_space<vmem_shared>>
        tpu.wait_dma2 semaphore(%run_scoped3A : memref<!tpu.dma_semaphore, #tpu.memory_space<semaphore_mem>>) src(%dma_wait3A_21 : memref<640x40xf32, #tpu.memory_space<vmem_shared>>) dst(%dma_wait3A_19 : memref<640x40xf32, #tpu.memory_space<hbm>>)
        tpu.yield
      }) : () -> ()
    } else {
    }
    %eq3A_11 = arith.constant 1 : i32
    %eq3A_12 = arith.cmpi eq, %arg0, %eq3A_11 : i32
    %convert_element_type3A_13 = arith.extui %eq3A_12 : i1 to i32
    %cond3A_14 = arith.constant 0 : i32
    %cond3A_15 = arith.cmpi ne, %convert_element_type3A_13, %cond3A_14 : i32
    scf.if %cond3A_15 {
      "tpu.region"() ({
        %run_scoped3A = tpu.sem_alloc : memref<!tpu.dma_semaphore, #tpu.memory_space<semaphore_mem>>
        %dma_start3A = arith.constant 0 : i32
        %dma_start3A_16 = tpu.memref_slice %arg7[%mul3A_2, %dma_start3A] : memref<10240x40xf32, #tpu.memory_space<hbm>> -> memref<640x40xf32, #tpu.memory_space<hbm>>
        %dma_start3A_17 = arith.constant 0 : i32
        %dma_start3A_18 = tpu.memref_slice %arg11[%mul3A_2, %dma_start3A_17] : memref<10240x40xf32, #tpu.memory_space<vmem_shared>> -> memref<640x40xf32, #tpu.memory_space<vmem_shared>>
        tpu.enqueue_dma source(%dma_start3A_18 : memref<640x40xf32, #tpu.memory_space<vmem_shared>>) target(%dma_start3A_16 : memref<640x40xf32, #tpu.memory_space<hbm>>) target_semaphore(%run_scoped3A : memref<!tpu.dma_semaphore, #tpu.memory_space<semaphore_mem>>)
        %dma_wait3A = arith.constant 0 : i32
        %dma_wait3A_19 = tpu.memref_slice %arg7[%mul3A_2, %dma_wait3A] : memref<10240x40xf32, #tpu.memory_space<hbm>> -> memref<640x40xf32, #tpu.memory_space<hbm>>
        %dma_wait3A_20 = arith.constant 0 : i32
        %dma_wait3A_21 = tpu.memref_slice %arg11[%mul3A_2, %dma_wait3A_20] : memref<10240x40xf32, #tpu.memory_space<vmem_shared>> -> memref<640x40xf32, #tpu.memory_space<vmem_shared>>
        tpu.wait_dma2 semaphore(%run_scoped3A : memref<!tpu.dma_semaphore, #tpu.memory_space<semaphore_mem>>) src(%dma_wait3A_21 : memref<640x40xf32, #tpu.memory_space<vmem_shared>>) dst(%dma_wait3A_19 : memref<640x40xf32, #tpu.memory_space<hbm>>)
        tpu.yield
      }) : () -> ()
    } else {
    }
    return
  }
}

#map = affine_map<(d0, d1) -> (0, 0)>
#map1 = affine_map<(d0, d1) -> (0, 0, 0)>
module attributes {stable_mosaic.version = 14 : i64} {
  func.func @_sc_scatter(%arg0: i32, %arg1: i32, %arg2: memref<10240x40xf32, #tpu.memory_space<hbm>>, %arg3: memref<32x79x128xi32, #tpu.memory_space<hbm>>, %arg4: memref<32x79x128xi32, #tpu.memory_space<hbm>>, %arg5: memref<10240x40xf32, #tpu.memory_space<hbm>>, %arg6: memref<10240x40xf32, #tpu.memory_space<hbm>>, %arg7: memref<10240x40xf32, #tpu.memory_space<hbm>>, %arg8: memref<79x128xi32, #tpu.memory_space<vmem>>, %arg9: memref<79x128xi32, #tpu.memory_space<vmem>>, %arg10: memref<128x40xf32, #tpu.memory_space<vmem>>, %arg11: memref<10240x40xf32, #tpu.memory_space<vmem_shared>>, %arg12: memref<!tpu.dma_semaphore, #tpu.memory_space<semaphore_mem>>) attributes {dimension_semantics = [#tpu.dimension_semantics<core_parallel>, #tpu.dimension_semantics<subcore_parallel>], iteration_bounds = array<i64: 2, 16>, scalar_prefetch = 0 : i64, scratch_operands = 5 : i64, tpu.core_type = #tpu.core_type<sc_vector_subcore>, window_params = [{transform_indices = #map}, {transform_indices = #map1}, {transform_indices = #map1}, {transform_indices = #map}, {transform_indices = #map}, {transform_indices = #map}]} {
    %mul3A = arith.constant 2 : i32
    %mul3A_0 = arith.muli %arg1, %mul3A : i32
    %add3A = arith.addi %mul3A_0, %arg0 : i32
    %mul3A_1 = arith.constant 640 : i32
    %mul3A_2 = arith.muli %arg1, %mul3A_1 : i32
    "tpu.region"() ({
      %run_scoped3A = tpu.sem_alloc : memref<!tpu.dma_semaphore, #tpu.memory_space<semaphore_mem>>
      %dma_start3A = arith.constant 0 : i32
      %dma_start3A_16 = tpu.memref_slice %arg11[%mul3A_2, %dma_start3A] : memref<10240x40xf32, #tpu.memory_space<vmem_shared>> -> memref<640x40xf32, #tpu.memory_space<vmem_shared>>
      %dma_start3A_17 = arith.constant 0 : i32
      %dma_start3A_18 = tpu.memref_slice %arg5[%mul3A_2, %dma_start3A_17] : memref<10240x40xf32, #tpu.memory_space<hbm>> -> memref<640x40xf32, #tpu.memory_space<hbm>>
      tpu.enqueue_dma source(%dma_start3A_18 : memref<640x40xf32, #tpu.memory_space<hbm>>) target(%dma_start3A_16 : memref<640x40xf32, #tpu.memory_space<vmem_shared>>) target_semaphore(%run_scoped3A : memref<!tpu.dma_semaphore, #tpu.memory_space<semaphore_mem>>)
      %dma_wait3A = arith.constant 0 : i32
      %dma_wait3A_19 = tpu.memref_slice %arg11[%mul3A_2, %dma_wait3A] : memref<10240x40xf32, #tpu.memory_space<vmem_shared>> -> memref<640x40xf32, #tpu.memory_space<vmem_shared>>
      %dma_wait3A_20 = arith.constant 0 : i32
      %dma_wait3A_21 = tpu.memref_slice %arg5[%mul3A_2, %dma_wait3A_20] : memref<10240x40xf32, #tpu.memory_space<hbm>> -> memref<640x40xf32, #tpu.memory_space<hbm>>
      tpu.wait_dma2 semaphore(%run_scoped3A : memref<!tpu.dma_semaphore, #tpu.memory_space<semaphore_mem>>) src(%dma_wait3A_21 : memref<640x40xf32, #tpu.memory_space<hbm>>) dst(%dma_wait3A_19 : memref<640x40xf32, #tpu.memory_space<vmem_shared>>)
      tpu.yield
    }) : () -> ()
    "tpu.region"() ({
      %run_scoped3A = tpu.sem_alloc : memref<!tpu.dma_semaphore, #tpu.memory_space<semaphore_mem>>
      %dma_start3A = arith.constant 0 : i32
      %dma_start3A_16 = arith.constant 0 : i32
      %dma_start3A_17 = tpu.memref_slice %arg3[%add3A, %dma_start3A, %dma_start3A_16] : memref<32x79x128xi32, #tpu.memory_space<hbm>> -> memref<1x79x128xi32, #tpu.memory_space<hbm>>
      %dma_start3A_18 = tpu.memref_squeeze %dma_start3A_17 : memref<1x79x128xi32, #tpu.memory_space<hbm>> -> memref<79x128xi32, #tpu.memory_space<hbm>>
      %dma_start3A_19 = arith.constant 0 : i32
      %dma_start3A_20 = arith.constant 0 : i32
      %dma_start3A_21 = tpu.memref_slice %arg3[%add3A, %dma_start3A_19, %dma_start3A_20] : memref<32x79x128xi32, #tpu.memory_space<hbm>> -> memref<1x79x128xi32, #tpu.memory_space<hbm>>
      %dma_start3A_22 = tpu.memref_squeeze %dma_start3A_21 : memref<1x79x128xi32, #tpu.memory_space<hbm>> -> memref<79x128xi32, #tpu.memory_space<hbm>>
      tpu.enqueue_dma source(%dma_start3A_22 : memref<79x128xi32, #tpu.memory_space<hbm>>) target(%arg8 : memref<79x128xi32, #tpu.memory_space<vmem>>) target_semaphore(%run_scoped3A : memref<!tpu.dma_semaphore, #tpu.memory_space<semaphore_mem>>)
      %dma_wait3A = arith.constant 0 : i32
      %dma_wait3A_23 = arith.constant 0 : i32
      %dma_wait3A_24 = tpu.memref_slice %arg3[%add3A, %dma_wait3A, %dma_wait3A_23] : memref<32x79x128xi32, #tpu.memory_space<hbm>> -> memref<1x79x128xi32, #tpu.memory_space<hbm>>
      %dma_wait3A_25 = tpu.memref_squeeze %dma_wait3A_24 : memref<1x79x128xi32, #tpu.memory_space<hbm>> -> memref<79x128xi32, #tpu.memory_space<hbm>>
      %dma_wait3A_26 = arith.constant 0 : i32
      %dma_wait3A_27 = arith.constant 0 : i32
      %dma_wait3A_28 = tpu.memref_slice %arg3[%add3A, %dma_wait3A_26, %dma_wait3A_27] : memref<32x79x128xi32, #tpu.memory_space<hbm>> -> memref<1x79x128xi32, #tpu.memory_space<hbm>>
      %dma_wait3A_29 = tpu.memref_squeeze %dma_wait3A_28 : memref<1x79x128xi32, #tpu.memory_space<hbm>> -> memref<79x128xi32, #tpu.memory_space<hbm>>
      tpu.wait_dma2 semaphore(%run_scoped3A : memref<!tpu.dma_semaphore, #tpu.memory_space<semaphore_mem>>) src(%dma_wait3A_29 : memref<79x128xi32, #tpu.memory_space<hbm>>) dst(%arg8 : memref<79x128xi32, #tpu.memory_space<vmem>>)
      tpu.yield
    }) : () -> ()
    "tpu.region"() ({
      %run_scoped3A = tpu.sem_alloc : memref<!tpu.dma_semaphore, #tpu.memory_space<semaphore_mem>>
      %dma_start3A = arith.constant 0 : i32
      %dma_start3A_16 = arith.constant 0 : i32
      %dma_start3A_17 = tpu.memref_slice %arg4[%add3A, %dma_start3A, %dma_start3A_16] : memref<32x79x128xi32, #tpu.memory_space<hbm>> -> memref<1x79x128xi32, #tpu.memory_space<hbm>>
      %dma_start3A_18 = tpu.memref_squeeze %dma_start3A_17 : memref<1x79x128xi32, #tpu.memory_space<hbm>> -> memref<79x128xi32, #tpu.memory_space<hbm>>
      %dma_start3A_19 = arith.constant 0 : i32
      %dma_start3A_20 = arith.constant 0 : i32
      %dma_start3A_21 = tpu.memref_slice %arg4[%add3A, %dma_start3A_19, %dma_start3A_20] : memref<32x79x128xi32, #tpu.memory_space<hbm>> -> memref<1x79x128xi32, #tpu.memory_space<hbm>>
      %dma_start3A_22 = tpu.memref_squeeze %dma_start3A_21 : memref<1x79x128xi32, #tpu.memory_space<hbm>> -> memref<79x128xi32, #tpu.memory_space<hbm>>
      tpu.enqueue_dma source(%dma_start3A_22 : memref<79x128xi32, #tpu.memory_space<hbm>>) target(%arg9 : memref<79x128xi32, #tpu.memory_space<vmem>>) target_semaphore(%run_scoped3A : memref<!tpu.dma_semaphore, #tpu.memory_space<semaphore_mem>>)
      %dma_wait3A = arith.constant 0 : i32
      %dma_wait3A_23 = arith.constant 0 : i32
      %dma_wait3A_24 = tpu.memref_slice %arg4[%add3A, %dma_wait3A, %dma_wait3A_23] : memref<32x79x128xi32, #tpu.memory_space<hbm>> -> memref<1x79x128xi32, #tpu.memory_space<hbm>>
      %dma_wait3A_25 = tpu.memref_squeeze %dma_wait3A_24 : memref<1x79x128xi32, #tpu.memory_space<hbm>> -> memref<79x128xi32, #tpu.memory_space<hbm>>
      %dma_wait3A_26 = arith.constant 0 : i32
      %dma_wait3A_27 = arith.constant 0 : i32
      %dma_wait3A_28 = tpu.memref_slice %arg4[%add3A, %dma_wait3A_26, %dma_wait3A_27] : memref<32x79x128xi32, #tpu.memory_space<hbm>> -> memref<1x79x128xi32, #tpu.memory_space<hbm>>
      %dma_wait3A_29 = tpu.memref_squeeze %dma_wait3A_28 : memref<1x79x128xi32, #tpu.memory_space<hbm>> -> memref<79x128xi32, #tpu.memory_space<hbm>>
      tpu.wait_dma2 semaphore(%run_scoped3A : memref<!tpu.dma_semaphore, #tpu.memory_space<semaphore_mem>>) src(%dma_wait3A_29 : memref<79x128xi32, #tpu.memory_space<hbm>>) dst(%arg9 : memref<79x128xi32, #tpu.memory_space<vmem>>)
      tpu.yield
    }) : () -> ()
    %barrier3A = arith.constant 0 : index
    tpu.barrier barrier_id(%barrier3A)
    %scan3A = arith.constant 0 : i32
    %scan3A_3 = arith.constant 0 : i32
    %scan3A_4 = arith.constant 79 : i32
    %scan3A_5 = arith.addi %scan3A_3, %scan3A_4 : i32
    %scan3A_6 = arith.constant 1 : i32
    scf.for %scan3A_16 = %scan3A_3 to %scan3A_5 step %scan3A_6  : i32 {
      %dma_start3A = arith.constant 0 : i32
      %dma_start3A_17 = tpu.memref_slice %arg8[%scan3A_16, %dma_start3A] : memref<79x128xi32, #tpu.memory_space<vmem>> -> memref<1x128xi32, #tpu.memory_space<vmem>>
      %dma_start3A_18 = tpu.memref_squeeze %dma_start3A_17 : memref<1x128xi32, #tpu.memory_space<vmem>> -> memref<128xi32, #tpu.memory_space<vmem>>
      %dma_start3A_19 = arith.constant 0 : i32
      %dma_start3A_20 = arith.constant 0 : i32
      %dma_start3A_21 = tpu.memref_slice %arg2[%dma_start3A_19, %dma_start3A_20] : memref<10240x40xf32, #tpu.memory_space<hbm>> -> memref<10240x40xf32, #tpu.memory_space<hbm>>
      tpu.enqueue_indirect_dma source(%dma_start3A_21 : memref<10240x40xf32, #tpu.memory_space<hbm>>) target(%arg10 : memref<128x40xf32, #tpu.memory_space<vmem>>) offsets(%dma_start3A_18 : memref<128xi32, #tpu.memory_space<vmem>>) semaphore(%arg12 : memref<!tpu.dma_semaphore, #tpu.memory_space<semaphore_mem>>)
      %dma_wait3A = arith.constant 0 : i32
      %dma_wait3A_22 = tpu.memref_slice %arg8[%scan3A_16, %dma_wait3A] : memref<79x128xi32, #tpu.memory_space<vmem>> -> memref<1x128xi32, #tpu.memory_space<vmem>>
      %dma_wait3A_23 = tpu.memref_squeeze %dma_wait3A_22 : memref<1x128xi32, #tpu.memory_space<vmem>> -> memref<128xi32, #tpu.memory_space<vmem>>
      %dma_wait3A_24 = arith.constant 0 : i32
      %dma_wait3A_25 = arith.constant 0 : i32
      %dma_wait3A_26 = tpu.memref_slice %arg2[%dma_wait3A_24, %dma_wait3A_25] : memref<10240x40xf32, #tpu.memory_space<hbm>> -> memref<10240x40xf32, #tpu.memory_space<hbm>>
      tpu.wait_indirect_dma semaphore(%arg12 : memref<!tpu.dma_semaphore, #tpu.memory_space<semaphore_mem>>) src(%dma_wait3A_26 : memref<10240x40xf32, #tpu.memory_space<hbm>>) dst(%arg10 : memref<128x40xf32, #tpu.memory_space<vmem>>)
      "tpu.region"() ({
        %run_scoped3A = tpu.sem_alloc : memref<!tpu.dma_semaphore, #tpu.memory_space<semaphore_mem>>
        %dma_start3A_27 = arith.constant 0 : i32
        %dma_start3A_28 = tpu.memref_slice %arg9[%scan3A_16, %dma_start3A_27] : memref<79x128xi32, #tpu.memory_space<vmem>> -> memref<1x128xi32, #tpu.memory_space<vmem>>
        %dma_start3A_29 = tpu.memref_squeeze %dma_start3A_28 : memref<1x128xi32, #tpu.memory_space<vmem>> -> memref<128xi32, #tpu.memory_space<vmem>>
        %dma_start3A_30 = arith.constant 0 : i32
        %dma_start3A_31 = arith.constant 0 : i32
        %dma_start3A_32 = tpu.memref_slice %arg11[%dma_start3A_30, %dma_start3A_31] : memref<10240x40xf32, #tpu.memory_space<vmem_shared>> -> memref<10240x40xf32, #tpu.memory_space<vmem_shared>>
        tpu.enqueue_indirect_dma source(%arg10 : memref<128x40xf32, #tpu.memory_space<vmem>>) target(%dma_start3A_32 : memref<10240x40xf32, #tpu.memory_space<vmem_shared>>) offsets(%dma_start3A_29 : memref<128xi32, #tpu.memory_space<vmem>>) semaphore(%run_scoped3A : memref<!tpu.dma_semaphore, #tpu.memory_space<semaphore_mem>>) {add = true}
        %dma_wait3A_33 = arith.constant 0 : i32
        %dma_wait3A_34 = tpu.memref_slice %arg9[%scan3A_16, %dma_wait3A_33] : memref<79x128xi32, #tpu.memory_space<vmem>> -> memref<1x128xi32, #tpu.memory_space<vmem>>
        %dma_wait3A_35 = tpu.memref_squeeze %dma_wait3A_34 : memref<1x128xi32, #tpu.memory_space<vmem>> -> memref<128xi32, #tpu.memory_space<vmem>>
        %dma_wait3A_36 = arith.constant 0 : i32
        %dma_wait3A_37 = arith.constant 0 : i32
        %dma_wait3A_38 = tpu.memref_slice %arg11[%dma_wait3A_36, %dma_wait3A_37] : memref<10240x40xf32, #tpu.memory_space<vmem_shared>> -> memref<10240x40xf32, #tpu.memory_space<vmem_shared>>
        tpu.wait_indirect_dma semaphore(%run_scoped3A : memref<!tpu.dma_semaphore, #tpu.memory_space<semaphore_mem>>) src(%arg10 : memref<128x40xf32, #tpu.memory_space<vmem>>) dst(%dma_wait3A_38 : memref<10240x40xf32, #tpu.memory_space<vmem_shared>>)
        tpu.yield
      }) : () -> ()
    }
    %scan3A_7 = arith.constant 79 : i32
    %barrier3A_8 = arith.constant 0 : index
    tpu.barrier barrier_id(%barrier3A_8)
    %eq3A = arith.constant 0 : i32
    %eq3A_9 = arith.cmpi eq, %arg0, %eq3A : i32
    %convert_element_type3A = arith.extui %eq3A_9 : i1 to i32
    %cond3A = arith.constant 0 : i32
    %cond3A_10 = arith.cmpi ne, %convert_element_type3A, %cond3A : i32
    scf.if %cond3A_10 {
      "tpu.region"() ({
        %run_scoped3A = tpu.sem_alloc : memref<!tpu.dma_semaphore, #tpu.memory_space<semaphore_mem>>
        %dma_start3A = arith.constant 0 : i32
        %dma_start3A_16 = tpu.memref_slice %arg6[%mul3A_2, %dma_start3A] : memref<10240x40xf32, #tpu.memory_space<hbm>> -> memref<640x40xf32, #tpu.memory_space<hbm>>
        %dma_start3A_17 = arith.constant 0 : i32
        %dma_start3A_18 = tpu.memref_slice %arg11[%mul3A_2, %dma_start3A_17] : memref<10240x40xf32, #tpu.memory_space<vmem_shared>> -> memref<640x40xf32, #tpu.memory_space<vmem_shared>>
        tpu.enqueue_dma source(%dma_start3A_18 : memref<640x40xf32, #tpu.memory_space<vmem_shared>>) target(%dma_start3A_16 : memref<640x40xf32, #tpu.memory_space<hbm>>) target_semaphore(%run_scoped3A : memref<!tpu.dma_semaphore, #tpu.memory_space<semaphore_mem>>)
        %dma_wait3A = arith.constant 0 : i32
        %dma_wait3A_19 = tpu.memref_slice %arg6[%mul3A_2, %dma_wait3A] : memref<10240x40xf32, #tpu.memory_space<hbm>> -> memref<640x40xf32, #tpu.memory_space<hbm>>
        %dma_wait3A_20 = arith.constant 0 : i32
        %dma_wait3A_21 = tpu.memref_slice %arg11[%mul3A_2, %dma_wait3A_20] : memref<10240x40xf32, #tpu.memory_space<vmem_shared>> -> memref<640x40xf32, #tpu.memory_space<vmem_shared>>
        tpu.wait_dma2 semaphore(%run_scoped3A : memref<!tpu.dma_semaphore, #tpu.memory_space<semaphore_mem>>) src(%dma_wait3A_21 : memref<640x40xf32, #tpu.memory_space<vmem_shared>>) dst(%dma_wait3A_19 : memref<640x40xf32, #tpu.memory_space<hbm>>)
        tpu.yield
      }) : () -> ()
    } else {
    }
    %eq3A_11 = arith.constant 1 : i32
    %eq3A_12 = arith.cmpi eq, %arg0, %eq3A_11 : i32
    %convert_element_type3A_13 = arith.extui %eq3A_12 : i1 to i32
    %cond3A_14 = arith.constant 0 : i32
    %cond3A_15 = arith.cmpi ne, %convert_element_type3A_13, %cond3A_14 : i32
    scf.if %cond3A_15 {
      "tpu.region"() ({
        %run_scoped3A = tpu.sem_alloc : memref<!tpu.dma_semaphore, #tpu.memory_space<semaphore_mem>>
        %dma_start3A = arith.constant 0 : i32
        %dma_start3A_16 = tpu.memref_slice %arg7[%mul3A_2, %dma_start3A] : memref<10240x40xf32, #tpu.memory_space<hbm>> -> memref<640x40xf32, #tpu.memory_space<hbm>>
        %dma_start3A_17 = arith.constant 0 : i32
        %dma_start3A_18 = tpu.memref_slice %arg11[%mul3A_2, %dma_start3A_17] : memref<10240x40xf32, #tpu.memory_space<vmem_shared>> -> memref<640x40xf32, #tpu.memory_space<vmem_shared>>
        tpu.enqueue_dma source(%dma_start3A_18 : memref<640x40xf32, #tpu.memory_space<vmem_shared>>) target(%dma_start3A_16 : memref<640x40xf32, #tpu.memory_space<hbm>>) target_semaphore(%run_scoped3A : memref<!tpu.dma_semaphore, #tpu.memory_space<semaphore_mem>>)
        %dma_wait3A = arith.constant 0 : i32
        %dma_wait3A_19 = tpu.memref_slice %arg7[%mul3A_2, %dma_wait3A] : memref<10240x40xf32, #tpu.memory_space<hbm>> -> memref<640x40xf32, #tpu.memory_space<hbm>>
        %dma_wait3A_20 = arith.constant 0 : i32
        %dma_wait3A_21 = tpu.memref_slice %arg11[%mul3A_2, %dma_wait3A_20] : memref<10240x40xf32, #tpu.memory_space<vmem_shared>> -> memref<640x40xf32, #tpu.memory_space<vmem_shared>>
        tpu.wait_dma2 semaphore(%run_scoped3A : memref<!tpu.dma_semaphore, #tpu.memory_space<semaphore_mem>>) src(%dma_wait3A_21 : memref<640x40xf32, #tpu.memory_space<vmem_shared>>) dst(%dma_wait3A_19 : memref<640x40xf32, #tpu.memory_space<hbm>>)
        tpu.yield
      }) : () -> ()
    } else {
    }
    return
  }
}

#map = affine_map<(d0, d1) -> (0, 0)>
#map1 = affine_map<(d0, d1) -> (0, 0, 0)>
module attributes {stable_mosaic.version = 14 : i64} {
  func.func @_sc_scatter(%arg0: i32, %arg1: i32, %arg2: memref<10240x40xf32, #tpu.memory_space<hbm>>, %arg3: memref<32x79x128xi32, #tpu.memory_space<hbm>>, %arg4: memref<32x79x128xi32, #tpu.memory_space<hbm>>, %arg5: memref<10240x40xf32, #tpu.memory_space<hbm>>, %arg6: memref<10240x40xf32, #tpu.memory_space<hbm>>, %arg7: memref<10240x40xf32, #tpu.memory_space<hbm>>, %arg8: memref<79x128xi32, #tpu.memory_space<vmem>>, %arg9: memref<79x128xi32, #tpu.memory_space<vmem>>, %arg10: memref<128x40xf32, #tpu.memory_space<vmem>>, %arg11: memref<10240x40xf32, #tpu.memory_space<vmem_shared>>, %arg12: memref<!tpu.dma_semaphore, #tpu.memory_space<semaphore_mem>>) attributes {dimension_semantics = [#tpu.dimension_semantics<core_parallel>, #tpu.dimension_semantics<subcore_parallel>], iteration_bounds = array<i64: 2, 16>, scalar_prefetch = 0 : i64, scratch_operands = 5 : i64, tpu.core_type = #tpu.core_type<sc_vector_subcore>, window_params = [{transform_indices = #map}, {transform_indices = #map1}, {transform_indices = #map1}, {transform_indices = #map}, {transform_indices = #map}, {transform_indices = #map}]} {
    %mul3A = arith.constant 2 : i32
    %mul3A_0 = arith.muli %arg1, %mul3A : i32
    %add3A = arith.addi %mul3A_0, %arg0 : i32
    %mul3A_1 = arith.constant 640 : i32
    %mul3A_2 = arith.muli %arg1, %mul3A_1 : i32
    "tpu.region"() ({
      %run_scoped3A = tpu.sem_alloc : memref<!tpu.dma_semaphore, #tpu.memory_space<semaphore_mem>>
      %dma_start3A = arith.constant 0 : i32
      %dma_start3A_16 = tpu.memref_slice %arg11[%mul3A_2, %dma_start3A] : memref<10240x40xf32, #tpu.memory_space<vmem_shared>> -> memref<640x40xf32, #tpu.memory_space<vmem_shared>>
      %dma_start3A_17 = arith.constant 0 : i32
      %dma_start3A_18 = tpu.memref_slice %arg5[%mul3A_2, %dma_start3A_17] : memref<10240x40xf32, #tpu.memory_space<hbm>> -> memref<640x40xf32, #tpu.memory_space<hbm>>
      tpu.enqueue_dma source(%dma_start3A_18 : memref<640x40xf32, #tpu.memory_space<hbm>>) target(%dma_start3A_16 : memref<640x40xf32, #tpu.memory_space<vmem_shared>>) target_semaphore(%run_scoped3A : memref<!tpu.dma_semaphore, #tpu.memory_space<semaphore_mem>>)
      %dma_wait3A = arith.constant 0 : i32
      %dma_wait3A_19 = tpu.memref_slice %arg11[%mul3A_2, %dma_wait3A] : memref<10240x40xf32, #tpu.memory_space<vmem_shared>> -> memref<640x40xf32, #tpu.memory_space<vmem_shared>>
      %dma_wait3A_20 = arith.constant 0 : i32
      %dma_wait3A_21 = tpu.memref_slice %arg5[%mul3A_2, %dma_wait3A_20] : memref<10240x40xf32, #tpu.memory_space<hbm>> -> memref<640x40xf32, #tpu.memory_space<hbm>>
      tpu.wait_dma2 semaphore(%run_scoped3A : memref<!tpu.dma_semaphore, #tpu.memory_space<semaphore_mem>>) src(%dma_wait3A_21 : memref<640x40xf32, #tpu.memory_space<hbm>>) dst(%dma_wait3A_19 : memref<640x40xf32, #tpu.memory_space<vmem_shared>>)
      tpu.yield
    }) : () -> ()
    "tpu.region"() ({
      %run_scoped3A = tpu.sem_alloc : memref<!tpu.dma_semaphore, #tpu.memory_space<semaphore_mem>>
      %dma_start3A = arith.constant 0 : i32
      %dma_start3A_16 = arith.constant 0 : i32
      %dma_start3A_17 = tpu.memref_slice %arg3[%add3A, %dma_start3A, %dma_start3A_16] : memref<32x79x128xi32, #tpu.memory_space<hbm>> -> memref<1x79x128xi32, #tpu.memory_space<hbm>>
      %dma_start3A_18 = tpu.memref_squeeze %dma_start3A_17 : memref<1x79x128xi32, #tpu.memory_space<hbm>> -> memref<79x128xi32, #tpu.memory_space<hbm>>
      %dma_start3A_19 = arith.constant 0 : i32
      %dma_start3A_20 = arith.constant 0 : i32
      %dma_start3A_21 = tpu.memref_slice %arg3[%add3A, %dma_start3A_19, %dma_start3A_20] : memref<32x79x128xi32, #tpu.memory_space<hbm>> -> memref<1x79x128xi32, #tpu.memory_space<hbm>>
      %dma_start3A_22 = tpu.memref_squeeze %dma_start3A_21 : memref<1x79x128xi32, #tpu.memory_space<hbm>> -> memref<79x128xi32, #tpu.memory_space<hbm>>
      tpu.enqueue_dma source(%dma_start3A_22 : memref<79x128xi32, #tpu.memory_space<hbm>>) target(%arg8 : memref<79x128xi32, #tpu.memory_space<vmem>>) target_semaphore(%run_scoped3A : memref<!tpu.dma_semaphore, #tpu.memory_space<semaphore_mem>>)
      %dma_wait3A = arith.constant 0 : i32
      %dma_wait3A_23 = arith.constant 0 : i32
      %dma_wait3A_24 = tpu.memref_slice %arg3[%add3A, %dma_wait3A, %dma_wait3A_23] : memref<32x79x128xi32, #tpu.memory_space<hbm>> -> memref<1x79x128xi32, #tpu.memory_space<hbm>>
      %dma_wait3A_25 = tpu.memref_squeeze %dma_wait3A_24 : memref<1x79x128xi32, #tpu.memory_space<hbm>> -> memref<79x128xi32, #tpu.memory_space<hbm>>
      %dma_wait3A_26 = arith.constant 0 : i32
      %dma_wait3A_27 = arith.constant 0 : i32
      %dma_wait3A_28 = tpu.memref_slice %arg3[%add3A, %dma_wait3A_26, %dma_wait3A_27] : memref<32x79x128xi32, #tpu.memory_space<hbm>> -> memref<1x79x128xi32, #tpu.memory_space<hbm>>
      %dma_wait3A_29 = tpu.memref_squeeze %dma_wait3A_28 : memref<1x79x128xi32, #tpu.memory_space<hbm>> -> memref<79x128xi32, #tpu.memory_space<hbm>>
      tpu.wait_dma2 semaphore(%run_scoped3A : memref<!tpu.dma_semaphore, #tpu.memory_space<semaphore_mem>>) src(%dma_wait3A_29 : memref<79x128xi32, #tpu.memory_space<hbm>>) dst(%arg8 : memref<79x128xi32, #tpu.memory_space<vmem>>)
      tpu.yield
    }) : () -> ()
    "tpu.region"() ({
      %run_scoped3A = tpu.sem_alloc : memref<!tpu.dma_semaphore, #tpu.memory_space<semaphore_mem>>
      %dma_start3A = arith.constant 0 : i32
      %dma_start3A_16 = arith.constant 0 : i32
      %dma_start3A_17 = tpu.memref_slice %arg4[%add3A, %dma_start3A, %dma_start3A_16] : memref<32x79x128xi32, #tpu.memory_space<hbm>> -> memref<1x79x128xi32, #tpu.memory_space<hbm>>
      %dma_start3A_18 = tpu.memref_squeeze %dma_start3A_17 : memref<1x79x128xi32, #tpu.memory_space<hbm>> -> memref<79x128xi32, #tpu.memory_space<hbm>>
      %dma_start3A_19 = arith.constant 0 : i32
      %dma_start3A_20 = arith.constant 0 : i32
      %dma_start3A_21 = tpu.memref_slice %arg4[%add3A, %dma_start3A_19, %dma_start3A_20] : memref<32x79x128xi32, #tpu.memory_space<hbm>> -> memref<1x79x128xi32, #tpu.memory_space<hbm>>
      %dma_start3A_22 = tpu.memref_squeeze %dma_start3A_21 : memref<1x79x128xi32, #tpu.memory_space<hbm>> -> memref<79x128xi32, #tpu.memory_space<hbm>>
      tpu.enqueue_dma source(%dma_start3A_22 : memref<79x128xi32, #tpu.memory_space<hbm>>) target(%arg9 : memref<79x128xi32, #tpu.memory_space<vmem>>) target_semaphore(%run_scoped3A : memref<!tpu.dma_semaphore, #tpu.memory_space<semaphore_mem>>)
      %dma_wait3A = arith.constant 0 : i32
      %dma_wait3A_23 = arith.constant 0 : i32
      %dma_wait3A_24 = tpu.memref_slice %arg4[%add3A, %dma_wait3A, %dma_wait3A_23] : memref<32x79x128xi32, #tpu.memory_space<hbm>> -> memref<1x79x128xi32, #tpu.memory_space<hbm>>
      %dma_wait3A_25 = tpu.memref_squeeze %dma_wait3A_24 : memref<1x79x128xi32, #tpu.memory_space<hbm>> -> memref<79x128xi32, #tpu.memory_space<hbm>>
      %dma_wait3A_26 = arith.constant 0 : i32
      %dma_wait3A_27 = arith.constant 0 : i32
      %dma_wait3A_28 = tpu.memref_slice %arg4[%add3A, %dma_wait3A_26, %dma_wait3A_27] : memref<32x79x128xi32, #tpu.memory_space<hbm>> -> memref<1x79x128xi32, #tpu.memory_space<hbm>>
      %dma_wait3A_29 = tpu.memref_squeeze %dma_wait3A_28 : memref<1x79x128xi32, #tpu.memory_space<hbm>> -> memref<79x128xi32, #tpu.memory_space<hbm>>
      tpu.wait_dma2 semaphore(%run_scoped3A : memref<!tpu.dma_semaphore, #tpu.memory_space<semaphore_mem>>) src(%dma_wait3A_29 : memref<79x128xi32, #tpu.memory_space<hbm>>) dst(%arg9 : memref<79x128xi32, #tpu.memory_space<vmem>>)
      tpu.yield
    }) : () -> ()
    %barrier3A = arith.constant 0 : index
    tpu.barrier barrier_id(%barrier3A)
    %scan3A = arith.constant 0 : i32
    %scan3A_3 = arith.constant 0 : i32
    %scan3A_4 = arith.constant 79 : i32
    %scan3A_5 = arith.addi %scan3A_3, %scan3A_4 : i32
    %scan3A_6 = arith.constant 1 : i32
    scf.for %scan3A_16 = %scan3A_3 to %scan3A_5 step %scan3A_6  : i32 {
      %dma_start3A = arith.constant 0 : i32
      %dma_start3A_17 = tpu.memref_slice %arg8[%scan3A_16, %dma_start3A] : memref<79x128xi32, #tpu.memory_space<vmem>> -> memref<1x128xi32, #tpu.memory_space<vmem>>
      %dma_start3A_18 = tpu.memref_squeeze %dma_start3A_17 : memref<1x128xi32, #tpu.memory_space<vmem>> -> memref<128xi32, #tpu.memory_space<vmem>>
      %dma_start3A_19 = arith.constant 0 : i32
      %dma_start3A_20 = arith.constant 0 : i32
      %dma_start3A_21 = tpu.memref_slice %arg2[%dma_start3A_19, %dma_start3A_20] : memref<10240x40xf32, #tpu.memory_space<hbm>> -> memref<10240x40xf32, #tpu.memory_space<hbm>>
      tpu.enqueue_indirect_dma source(%dma_start3A_21 : memref<10240x40xf32, #tpu.memory_space<hbm>>) target(%arg10 : memref<128x40xf32, #tpu.memory_space<vmem>>) offsets(%dma_start3A_18 : memref<128xi32, #tpu.memory_space<vmem>>) semaphore(%arg12 : memref<!tpu.dma_semaphore, #tpu.memory_space<semaphore_mem>>)
      %dma_wait3A = arith.constant 0 : i32
      %dma_wait3A_22 = tpu.memref_slice %arg8[%scan3A_16, %dma_wait3A] : memref<79x128xi32, #tpu.memory_space<vmem>> -> memref<1x128xi32, #tpu.memory_space<vmem>>
      %dma_wait3A_23 = tpu.memref_squeeze %dma_wait3A_22 : memref<1x128xi32, #tpu.memory_space<vmem>> -> memref<128xi32, #tpu.memory_space<vmem>>
      %dma_wait3A_24 = arith.constant 0 : i32
      %dma_wait3A_25 = arith.constant 0 : i32
      %dma_wait3A_26 = tpu.memref_slice %arg2[%dma_wait3A_24, %dma_wait3A_25] : memref<10240x40xf32, #tpu.memory_space<hbm>> -> memref<10240x40xf32, #tpu.memory_space<hbm>>
      tpu.wait_indirect_dma semaphore(%arg12 : memref<!tpu.dma_semaphore, #tpu.memory_space<semaphore_mem>>) src(%dma_wait3A_26 : memref<10240x40xf32, #tpu.memory_space<hbm>>) dst(%arg10 : memref<128x40xf32, #tpu.memory_space<vmem>>)
      "tpu.region"() ({
        %run_scoped3A = tpu.sem_alloc : memref<!tpu.dma_semaphore, #tpu.memory_space<semaphore_mem>>
        %dma_start3A_27 = arith.constant 0 : i32
        %dma_start3A_28 = tpu.memref_slice %arg9[%scan3A_16, %dma_start3A_27] : memref<79x128xi32, #tpu.memory_space<vmem>> -> memref<1x128xi32, #tpu.memory_space<vmem>>
        %dma_start3A_29 = tpu.memref_squeeze %dma_start3A_28 : memref<1x128xi32, #tpu.memory_space<vmem>> -> memref<128xi32, #tpu.memory_space<vmem>>
        %dma_start3A_30 = arith.constant 0 : i32
        %dma_start3A_31 = arith.constant 0 : i32
        %dma_start3A_32 = tpu.memref_slice %arg11[%dma_start3A_30, %dma_start3A_31] : memref<10240x40xf32, #tpu.memory_space<vmem_shared>> -> memref<10240x40xf32, #tpu.memory_space<vmem_shared>>
        tpu.enqueue_indirect_dma source(%arg10 : memref<128x40xf32, #tpu.memory_space<vmem>>) target(%dma_start3A_32 : memref<10240x40xf32, #tpu.memory_space<vmem_shared>>) offsets(%dma_start3A_29 : memref<128xi32, #tpu.memory_space<vmem>>) semaphore(%run_scoped3A : memref<!tpu.dma_semaphore, #tpu.memory_space<semaphore_mem>>) {add = true}
        %dma_wait3A_33 = arith.constant 0 : i32
        %dma_wait3A_34 = tpu.memref_slice %arg9[%scan3A_16, %dma_wait3A_33] : memref<79x128xi32, #tpu.memory_space<vmem>> -> memref<1x128xi32, #tpu.memory_space<vmem>>
        %dma_wait3A_35 = tpu.memref_squeeze %dma_wait3A_34 : memref<1x128xi32, #tpu.memory_space<vmem>> -> memref<128xi32, #tpu.memory_space<vmem>>
        %dma_wait3A_36 = arith.constant 0 : i32
        %dma_wait3A_37 = arith.constant 0 : i32
        %dma_wait3A_38 = tpu.memref_slice %arg11[%dma_wait3A_36, %dma_wait3A_37] : memref<10240x40xf32, #tpu.memory_space<vmem_shared>> -> memref<10240x40xf32, #tpu.memory_space<vmem_shared>>
        tpu.wait_indirect_dma semaphore(%run_scoped3A : memref<!tpu.dma_semaphore, #tpu.memory_space<semaphore_mem>>) src(%arg10 : memref<128x40xf32, #tpu.memory_space<vmem>>) dst(%dma_wait3A_38 : memref<10240x40xf32, #tpu.memory_space<vmem_shared>>)
        tpu.yield
      }) : () -> ()
    }
    %scan3A_7 = arith.constant 79 : i32
    %barrier3A_8 = arith.constant 0 : index
    tpu.barrier barrier_id(%barrier3A_8)
    %eq3A = arith.constant 0 : i32
    %eq3A_9 = arith.cmpi eq, %arg0, %eq3A : i32
    %convert_element_type3A = arith.extui %eq3A_9 : i1 to i32
    %cond3A = arith.constant 0 : i32
    %cond3A_10 = arith.cmpi ne, %convert_element_type3A, %cond3A : i32
    scf.if %cond3A_10 {
      "tpu.region"() ({
        %run_scoped3A = tpu.sem_alloc : memref<!tpu.dma_semaphore, #tpu.memory_space<semaphore_mem>>
        %dma_start3A = arith.constant 0 : i32
        %dma_start3A_16 = tpu.memref_slice %arg6[%mul3A_2, %dma_start3A] : memref<10240x40xf32, #tpu.memory_space<hbm>> -> memref<640x40xf32, #tpu.memory_space<hbm>>
        %dma_start3A_17 = arith.constant 0 : i32
        %dma_start3A_18 = tpu.memref_slice %arg11[%mul3A_2, %dma_start3A_17] : memref<10240x40xf32, #tpu.memory_space<vmem_shared>> -> memref<640x40xf32, #tpu.memory_space<vmem_shared>>
        tpu.enqueue_dma source(%dma_start3A_18 : memref<640x40xf32, #tpu.memory_space<vmem_shared>>) target(%dma_start3A_16 : memref<640x40xf32, #tpu.memory_space<hbm>>) target_semaphore(%run_scoped3A : memref<!tpu.dma_semaphore, #tpu.memory_space<semaphore_mem>>)
        %dma_wait3A = arith.constant 0 : i32
        %dma_wait3A_19 = tpu.memref_slice %arg6[%mul3A_2, %dma_wait3A] : memref<10240x40xf32, #tpu.memory_space<hbm>> -> memref<640x40xf32, #tpu.memory_space<hbm>>
        %dma_wait3A_20 = arith.constant 0 : i32
        %dma_wait3A_21 = tpu.memref_slice %arg11[%mul3A_2, %dma_wait3A_20] : memref<10240x40xf32, #tpu.memory_space<vmem_shared>> -> memref<640x40xf32, #tpu.memory_space<vmem_shared>>
        tpu.wait_dma2 semaphore(%run_scoped3A : memref<!tpu.dma_semaphore, #tpu.memory_space<semaphore_mem>>) src(%dma_wait3A_21 : memref<640x40xf32, #tpu.memory_space<vmem_shared>>) dst(%dma_wait3A_19 : memref<640x40xf32, #tpu.memory_space<hbm>>)
        tpu.yield
      }) : () -> ()
    } else {
    }
    %eq3A_11 = arith.constant 1 : i32
    %eq3A_12 = arith.cmpi eq, %arg0, %eq3A_11 : i32
    %convert_element_type3A_13 = arith.extui %eq3A_12 : i1 to i32
    %cond3A_14 = arith.constant 0 : i32
    %cond3A_15 = arith.cmpi ne, %convert_element_type3A_13, %cond3A_14 : i32
    scf.if %cond3A_15 {
      "tpu.region"() ({
        %run_scoped3A = tpu.sem_alloc : memref<!tpu.dma_semaphore, #tpu.memory_space<semaphore_mem>>
        %dma_start3A = arith.constant 0 : i32
        %dma_start3A_16 = tpu.memref_slice %arg7[%mul3A_2, %dma_start3A] : memref<10240x40xf32, #tpu.memory_space<hbm>> -> memref<640x40xf32, #tpu.memory_space<hbm>>
        %dma_start3A_17 = arith.constant 0 : i32
        %dma_start3A_18 = tpu.memref_slice %arg11[%mul3A_2, %dma_start3A_17] : memref<10240x40xf32, #tpu.memory_space<vmem_shared>> -> memref<640x40xf32, #tpu.memory_space<vmem_shared>>
        tpu.enqueue_dma source(%dma_start3A_18 : memref<640x40xf32, #tpu.memory_space<vmem_shared>>) target(%dma_start3A_16 : memref<640x40xf32, #tpu.memory_space<hbm>>) target_semaphore(%run_scoped3A : memref<!tpu.dma_semaphore, #tpu.memory_space<semaphore_mem>>)
        %dma_wait3A = arith.constant 0 : i32
        %dma_wait3A_19 = tpu.memref_slice %arg7[%mul3A_2, %dma_wait3A] : memref<10240x40xf32, #tpu.memory_space<hbm>> -> memref<640x40xf32, #tpu.memory_space<hbm>>
        %dma_wait3A_20 = arith.constant 0 : i32
        %dma_wait3A_21 = tpu.memref_slice %arg11[%mul3A_2, %dma_wait3A_20] : memref<10240x40xf32, #tpu.memory_space<vmem_shared>> -> memref<640x40xf32, #tpu.memory_space<vmem_shared>>
        tpu.wait_dma2 semaphore(%run_scoped3A : memref<!tpu.dma_semaphore, #tpu.memory_space<semaphore_mem>>) src(%dma_wait3A_21 : memref<640x40xf32, #tpu.memory_space<vmem_shared>>) dst(%dma_wait3A_19 : memref<640x40xf32, #tpu.memory_space<hbm>>)
        tpu.yield
      }) : () -> ()
    } else {
    }
    return
  }
}

#map = affine_map<(d0, d1) -> (0, 0)>
#map1 = affine_map<(d0, d1) -> (0, 0, 0)>
module attributes {stable_mosaic.version = 14 : i64} {
  func.func @_sc_scatter(%arg0: i32, %arg1: i32, %arg2: memref<10240x40xf32, #tpu.memory_space<hbm>>, %arg3: memref<32x79x128xi32, #tpu.memory_space<hbm>>, %arg4: memref<32x79x128xi32, #tpu.memory_space<hbm>>, %arg5: memref<10240x40xf32, #tpu.memory_space<hbm>>, %arg6: memref<10240x40xf32, #tpu.memory_space<hbm>>, %arg7: memref<10240x40xf32, #tpu.memory_space<hbm>>, %arg8: memref<79x128xi32, #tpu.memory_space<vmem>>, %arg9: memref<79x128xi32, #tpu.memory_space<vmem>>, %arg10: memref<128x40xf32, #tpu.memory_space<vmem>>, %arg11: memref<10240x40xf32, #tpu.memory_space<vmem_shared>>, %arg12: memref<!tpu.dma_semaphore, #tpu.memory_space<semaphore_mem>>) attributes {dimension_semantics = [#tpu.dimension_semantics<core_parallel>, #tpu.dimension_semantics<subcore_parallel>], iteration_bounds = array<i64: 2, 16>, scalar_prefetch = 0 : i64, scratch_operands = 5 : i64, tpu.core_type = #tpu.core_type<sc_vector_subcore>, window_params = [{transform_indices = #map}, {transform_indices = #map1}, {transform_indices = #map1}, {transform_indices = #map}, {transform_indices = #map}, {transform_indices = #map}]} {
    %mul3A = arith.constant 2 : i32
    %mul3A_0 = arith.muli %arg1, %mul3A : i32
    %add3A = arith.addi %mul3A_0, %arg0 : i32
    %mul3A_1 = arith.constant 640 : i32
    %mul3A_2 = arith.muli %arg1, %mul3A_1 : i32
    "tpu.region"() ({
      %run_scoped3A = tpu.sem_alloc : memref<!tpu.dma_semaphore, #tpu.memory_space<semaphore_mem>>
      %dma_start3A = arith.constant 0 : i32
      %dma_start3A_16 = tpu.memref_slice %arg11[%mul3A_2, %dma_start3A] : memref<10240x40xf32, #tpu.memory_space<vmem_shared>> -> memref<640x40xf32, #tpu.memory_space<vmem_shared>>
      %dma_start3A_17 = arith.constant 0 : i32
      %dma_start3A_18 = tpu.memref_slice %arg5[%mul3A_2, %dma_start3A_17] : memref<10240x40xf32, #tpu.memory_space<hbm>> -> memref<640x40xf32, #tpu.memory_space<hbm>>
      tpu.enqueue_dma source(%dma_start3A_18 : memref<640x40xf32, #tpu.memory_space<hbm>>) target(%dma_start3A_16 : memref<640x40xf32, #tpu.memory_space<vmem_shared>>) target_semaphore(%run_scoped3A : memref<!tpu.dma_semaphore, #tpu.memory_space<semaphore_mem>>)
      %dma_wait3A = arith.constant 0 : i32
      %dma_wait3A_19 = tpu.memref_slice %arg11[%mul3A_2, %dma_wait3A] : memref<10240x40xf32, #tpu.memory_space<vmem_shared>> -> memref<640x40xf32, #tpu.memory_space<vmem_shared>>
      %dma_wait3A_20 = arith.constant 0 : i32
      %dma_wait3A_21 = tpu.memref_slice %arg5[%mul3A_2, %dma_wait3A_20] : memref<10240x40xf32, #tpu.memory_space<hbm>> -> memref<640x40xf32, #tpu.memory_space<hbm>>
      tpu.wait_dma2 semaphore(%run_scoped3A : memref<!tpu.dma_semaphore, #tpu.memory_space<semaphore_mem>>) src(%dma_wait3A_21 : memref<640x40xf32, #tpu.memory_space<hbm>>) dst(%dma_wait3A_19 : memref<640x40xf32, #tpu.memory_space<vmem_shared>>)
      tpu.yield
    }) : () -> ()
    "tpu.region"() ({
      %run_scoped3A = tpu.sem_alloc : memref<!tpu.dma_semaphore, #tpu.memory_space<semaphore_mem>>
      %dma_start3A = arith.constant 0 : i32
      %dma_start3A_16 = arith.constant 0 : i32
      %dma_start3A_17 = tpu.memref_slice %arg3[%add3A, %dma_start3A, %dma_start3A_16] : memref<32x79x128xi32, #tpu.memory_space<hbm>> -> memref<1x79x128xi32, #tpu.memory_space<hbm>>
      %dma_start3A_18 = tpu.memref_squeeze %dma_start3A_17 : memref<1x79x128xi32, #tpu.memory_space<hbm>> -> memref<79x128xi32, #tpu.memory_space<hbm>>
      %dma_start3A_19 = arith.constant 0 : i32
      %dma_start3A_20 = arith.constant 0 : i32
      %dma_start3A_21 = tpu.memref_slice %arg3[%add3A, %dma_start3A_19, %dma_start3A_20] : memref<32x79x128xi32, #tpu.memory_space<hbm>> -> memref<1x79x128xi32, #tpu.memory_space<hbm>>
      %dma_start3A_22 = tpu.memref_squeeze %dma_start3A_21 : memref<1x79x128xi32, #tpu.memory_space<hbm>> -> memref<79x128xi32, #tpu.memory_space<hbm>>
      tpu.enqueue_dma source(%dma_start3A_22 : memref<79x128xi32, #tpu.memory_space<hbm>>) target(%arg8 : memref<79x128xi32, #tpu.memory_space<vmem>>) target_semaphore(%run_scoped3A : memref<!tpu.dma_semaphore, #tpu.memory_space<semaphore_mem>>)
      %dma_wait3A = arith.constant 0 : i32
      %dma_wait3A_23 = arith.constant 0 : i32
      %dma_wait3A_24 = tpu.memref_slice %arg3[%add3A, %dma_wait3A, %dma_wait3A_23] : memref<32x79x128xi32, #tpu.memory_space<hbm>> -> memref<1x79x128xi32, #tpu.memory_space<hbm>>
      %dma_wait3A_25 = tpu.memref_squeeze %dma_wait3A_24 : memref<1x79x128xi32, #tpu.memory_space<hbm>> -> memref<79x128xi32, #tpu.memory_space<hbm>>
      %dma_wait3A_26 = arith.constant 0 : i32
      %dma_wait3A_27 = arith.constant 0 : i32
      %dma_wait3A_28 = tpu.memref_slice %arg3[%add3A, %dma_wait3A_26, %dma_wait3A_27] : memref<32x79x128xi32, #tpu.memory_space<hbm>> -> memref<1x79x128xi32, #tpu.memory_space<hbm>>
      %dma_wait3A_29 = tpu.memref_squeeze %dma_wait3A_28 : memref<1x79x128xi32, #tpu.memory_space<hbm>> -> memref<79x128xi32, #tpu.memory_space<hbm>>
      tpu.wait_dma2 semaphore(%run_scoped3A : memref<!tpu.dma_semaphore, #tpu.memory_space<semaphore_mem>>) src(%dma_wait3A_29 : memref<79x128xi32, #tpu.memory_space<hbm>>) dst(%arg8 : memref<79x128xi32, #tpu.memory_space<vmem>>)
      tpu.yield
    }) : () -> ()
    "tpu.region"() ({
      %run_scoped3A = tpu.sem_alloc : memref<!tpu.dma_semaphore, #tpu.memory_space<semaphore_mem>>
      %dma_start3A = arith.constant 0 : i32
      %dma_start3A_16 = arith.constant 0 : i32
      %dma_start3A_17 = tpu.memref_slice %arg4[%add3A, %dma_start3A, %dma_start3A_16] : memref<32x79x128xi32, #tpu.memory_space<hbm>> -> memref<1x79x128xi32, #tpu.memory_space<hbm>>
      %dma_start3A_18 = tpu.memref_squeeze %dma_start3A_17 : memref<1x79x128xi32, #tpu.memory_space<hbm>> -> memref<79x128xi32, #tpu.memory_space<hbm>>
      %dma_start3A_19 = arith.constant 0 : i32
      %dma_start3A_20 = arith.constant 0 : i32
      %dma_start3A_21 = tpu.memref_slice %arg4[%add3A, %dma_start3A_19, %dma_start3A_20] : memref<32x79x128xi32, #tpu.memory_space<hbm>> -> memref<1x79x128xi32, #tpu.memory_space<hbm>>
      %dma_start3A_22 = tpu.memref_squeeze %dma_start3A_21 : memref<1x79x128xi32, #tpu.memory_space<hbm>> -> memref<79x128xi32, #tpu.memory_space<hbm>>
      tpu.enqueue_dma source(%dma_start3A_22 : memref<79x128xi32, #tpu.memory_space<hbm>>) target(%arg9 : memref<79x128xi32, #tpu.memory_space<vmem>>) target_semaphore(%run_scoped3A : memref<!tpu.dma_semaphore, #tpu.memory_space<semaphore_mem>>)
      %dma_wait3A = arith.constant 0 : i32
      %dma_wait3A_23 = arith.constant 0 : i32
      %dma_wait3A_24 = tpu.memref_slice %arg4[%add3A, %dma_wait3A, %dma_wait3A_23] : memref<32x79x128xi32, #tpu.memory_space<hbm>> -> memref<1x79x128xi32, #tpu.memory_space<hbm>>
      %dma_wait3A_25 = tpu.memref_squeeze %dma_wait3A_24 : memref<1x79x128xi32, #tpu.memory_space<hbm>> -> memref<79x128xi32, #tpu.memory_space<hbm>>
      %dma_wait3A_26 = arith.constant 0 : i32
      %dma_wait3A_27 = arith.constant 0 : i32
      %dma_wait3A_28 = tpu.memref_slice %arg4[%add3A, %dma_wait3A_26, %dma_wait3A_27] : memref<32x79x128xi32, #tpu.memory_space<hbm>> -> memref<1x79x128xi32, #tpu.memory_space<hbm>>
      %dma_wait3A_29 = tpu.memref_squeeze %dma_wait3A_28 : memref<1x79x128xi32, #tpu.memory_space<hbm>> -> memref<79x128xi32, #tpu.memory_space<hbm>>
      tpu.wait_dma2 semaphore(%run_scoped3A : memref<!tpu.dma_semaphore, #tpu.memory_space<semaphore_mem>>) src(%dma_wait3A_29 : memref<79x128xi32, #tpu.memory_space<hbm>>) dst(%arg9 : memref<79x128xi32, #tpu.memory_space<vmem>>)
      tpu.yield
    }) : () -> ()
    %barrier3A = arith.constant 0 : index
    tpu.barrier barrier_id(%barrier3A)
    %scan3A = arith.constant 0 : i32
    %scan3A_3 = arith.constant 0 : i32
    %scan3A_4 = arith.constant 79 : i32
    %scan3A_5 = arith.addi %scan3A_3, %scan3A_4 : i32
    %scan3A_6 = arith.constant 1 : i32
    scf.for %scan3A_16 = %scan3A_3 to %scan3A_5 step %scan3A_6  : i32 {
      %dma_start3A = arith.constant 0 : i32
      %dma_start3A_17 = tpu.memref_slice %arg8[%scan3A_16, %dma_start3A] : memref<79x128xi32, #tpu.memory_space<vmem>> -> memref<1x128xi32, #tpu.memory_space<vmem>>
      %dma_start3A_18 = tpu.memref_squeeze %dma_start3A_17 : memref<1x128xi32, #tpu.memory_space<vmem>> -> memref<128xi32, #tpu.memory_space<vmem>>
      %dma_start3A_19 = arith.constant 0 : i32
      %dma_start3A_20 = arith.constant 0 : i32
      %dma_start3A_21 = tpu.memref_slice %arg2[%dma_start3A_19, %dma_start3A_20] : memref<10240x40xf32, #tpu.memory_space<hbm>> -> memref<10240x40xf32, #tpu.memory_space<hbm>>
      tpu.enqueue_indirect_dma source(%dma_start3A_21 : memref<10240x40xf32, #tpu.memory_space<hbm>>) target(%arg10 : memref<128x40xf32, #tpu.memory_space<vmem>>) offsets(%dma_start3A_18 : memref<128xi32, #tpu.memory_space<vmem>>) semaphore(%arg12 : memref<!tpu.dma_semaphore, #tpu.memory_space<semaphore_mem>>)
      %dma_wait3A = arith.constant 0 : i32
      %dma_wait3A_22 = tpu.memref_slice %arg8[%scan3A_16, %dma_wait3A] : memref<79x128xi32, #tpu.memory_space<vmem>> -> memref<1x128xi32, #tpu.memory_space<vmem>>
      %dma_wait3A_23 = tpu.memref_squeeze %dma_wait3A_22 : memref<1x128xi32, #tpu.memory_space<vmem>> -> memref<128xi32, #tpu.memory_space<vmem>>
      %dma_wait3A_24 = arith.constant 0 : i32
      %dma_wait3A_25 = arith.constant 0 : i32
      %dma_wait3A_26 = tpu.memref_slice %arg2[%dma_wait3A_24, %dma_wait3A_25] : memref<10240x40xf32, #tpu.memory_space<hbm>> -> memref<10240x40xf32, #tpu.memory_space<hbm>>
      tpu.wait_indirect_dma semaphore(%arg12 : memref<!tpu.dma_semaphore, #tpu.memory_space<semaphore_mem>>) src(%dma_wait3A_26 : memref<10240x40xf32, #tpu.memory_space<hbm>>) dst(%arg10 : memref<128x40xf32, #tpu.memory_space<vmem>>)
      "tpu.region"() ({
        %run_scoped3A = tpu.sem_alloc : memref<!tpu.dma_semaphore, #tpu.memory_space<semaphore_mem>>
        %dma_start3A_27 = arith.constant 0 : i32
        %dma_start3A_28 = tpu.memref_slice %arg9[%scan3A_16, %dma_start3A_27] : memref<79x128xi32, #tpu.memory_space<vmem>> -> memref<1x128xi32, #tpu.memory_space<vmem>>
        %dma_start3A_29 = tpu.memref_squeeze %dma_start3A_28 : memref<1x128xi32, #tpu.memory_space<vmem>> -> memref<128xi32, #tpu.memory_space<vmem>>
        %dma_start3A_30 = arith.constant 0 : i32
        %dma_start3A_31 = arith.constant 0 : i32
        %dma_start3A_32 = tpu.memref_slice %arg11[%dma_start3A_30, %dma_start3A_31] : memref<10240x40xf32, #tpu.memory_space<vmem_shared>> -> memref<10240x40xf32, #tpu.memory_space<vmem_shared>>
        tpu.enqueue_indirect_dma source(%arg10 : memref<128x40xf32, #tpu.memory_space<vmem>>) target(%dma_start3A_32 : memref<10240x40xf32, #tpu.memory_space<vmem_shared>>) offsets(%dma_start3A_29 : memref<128xi32, #tpu.memory_space<vmem>>) semaphore(%run_scoped3A : memref<!tpu.dma_semaphore, #tpu.memory_space<semaphore_mem>>) {add = true}
        %dma_wait3A_33 = arith.constant 0 : i32
        %dma_wait3A_34 = tpu.memref_slice %arg9[%scan3A_16, %dma_wait3A_33] : memref<79x128xi32, #tpu.memory_space<vmem>> -> memref<1x128xi32, #tpu.memory_space<vmem>>
        %dma_wait3A_35 = tpu.memref_squeeze %dma_wait3A_34 : memref<1x128xi32, #tpu.memory_space<vmem>> -> memref<128xi32, #tpu.memory_space<vmem>>
        %dma_wait3A_36 = arith.constant 0 : i32
        %dma_wait3A_37 = arith.constant 0 : i32
        %dma_wait3A_38 = tpu.memref_slice %arg11[%dma_wait3A_36, %dma_wait3A_37] : memref<10240x40xf32, #tpu.memory_space<vmem_shared>> -> memref<10240x40xf32, #tpu.memory_space<vmem_shared>>
        tpu.wait_indirect_dma semaphore(%run_scoped3A : memref<!tpu.dma_semaphore, #tpu.memory_space<semaphore_mem>>) src(%arg10 : memref<128x40xf32, #tpu.memory_space<vmem>>) dst(%dma_wait3A_38 : memref<10240x40xf32, #tpu.memory_space<vmem_shared>>)
        tpu.yield
      }) : () -> ()
    }
    %scan3A_7 = arith.constant 79 : i32
    %barrier3A_8 = arith.constant 0 : index
    tpu.barrier barrier_id(%barrier3A_8)
    %eq3A = arith.constant 0 : i32
    %eq3A_9 = arith.cmpi eq, %arg0, %eq3A : i32
    %convert_element_type3A = arith.extui %eq3A_9 : i1 to i32
    %cond3A = arith.constant 0 : i32
    %cond3A_10 = arith.cmpi ne, %convert_element_type3A, %cond3A : i32
    scf.if %cond3A_10 {
      "tpu.region"() ({
        %run_scoped3A = tpu.sem_alloc : memref<!tpu.dma_semaphore, #tpu.memory_space<semaphore_mem>>
        %dma_start3A = arith.constant 0 : i32
        %dma_start3A_16 = tpu.memref_slice %arg6[%mul3A_2, %dma_start3A] : memref<10240x40xf32, #tpu.memory_space<hbm>> -> memref<640x40xf32, #tpu.memory_space<hbm>>
        %dma_start3A_17 = arith.constant 0 : i32
        %dma_start3A_18 = tpu.memref_slice %arg11[%mul3A_2, %dma_start3A_17] : memref<10240x40xf32, #tpu.memory_space<vmem_shared>> -> memref<640x40xf32, #tpu.memory_space<vmem_shared>>
        tpu.enqueue_dma source(%dma_start3A_18 : memref<640x40xf32, #tpu.memory_space<vmem_shared>>) target(%dma_start3A_16 : memref<640x40xf32, #tpu.memory_space<hbm>>) target_semaphore(%run_scoped3A : memref<!tpu.dma_semaphore, #tpu.memory_space<semaphore_mem>>)
        %dma_wait3A = arith.constant 0 : i32
        %dma_wait3A_19 = tpu.memref_slice %arg6[%mul3A_2, %dma_wait3A] : memref<10240x40xf32, #tpu.memory_space<hbm>> -> memref<640x40xf32, #tpu.memory_space<hbm>>
        %dma_wait3A_20 = arith.constant 0 : i32
        %dma_wait3A_21 = tpu.memref_slice %arg11[%mul3A_2, %dma_wait3A_20] : memref<10240x40xf32, #tpu.memory_space<vmem_shared>> -> memref<640x40xf32, #tpu.memory_space<vmem_shared>>
        tpu.wait_dma2 semaphore(%run_scoped3A : memref<!tpu.dma_semaphore, #tpu.memory_space<semaphore_mem>>) src(%dma_wait3A_21 : memref<640x40xf32, #tpu.memory_space<vmem_shared>>) dst(%dma_wait3A_19 : memref<640x40xf32, #tpu.memory_space<hbm>>)
        tpu.yield
      }) : () -> ()
    } else {
    }
    %eq3A_11 = arith.constant 1 : i32
    %eq3A_12 = arith.cmpi eq, %arg0, %eq3A_11 : i32
    %convert_element_type3A_13 = arith.extui %eq3A_12 : i1 to i32
    %cond3A_14 = arith.constant 0 : i32
    %cond3A_15 = arith.cmpi ne, %convert_element_type3A_13, %cond3A_14 : i32
    scf.if %cond3A_15 {
      "tpu.region"() ({
        %run_scoped3A = tpu.sem_alloc : memref<!tpu.dma_semaphore, #tpu.memory_space<semaphore_mem>>
        %dma_start3A = arith.constant 0 : i32
        %dma_start3A_16 = tpu.memref_slice %arg7[%mul3A_2, %dma_start3A] : memref<10240x40xf32, #tpu.memory_space<hbm>> -> memref<640x40xf32, #tpu.memory_space<hbm>>
        %dma_start3A_17 = arith.constant 0 : i32
        %dma_start3A_18 = tpu.memref_slice %arg11[%mul3A_2, %dma_start3A_17] : memref<10240x40xf32, #tpu.memory_space<vmem_shared>> -> memref<640x40xf32, #tpu.memory_space<vmem_shared>>
        tpu.enqueue_dma source(%dma_start3A_18 : memref<640x40xf32, #tpu.memory_space<vmem_shared>>) target(%dma_start3A_16 : memref<640x40xf32, #tpu.memory_space<hbm>>) target_semaphore(%run_scoped3A : memref<!tpu.dma_semaphore, #tpu.memory_space<semaphore_mem>>)
        %dma_wait3A = arith.constant 0 : i32
        %dma_wait3A_19 = tpu.memref_slice %arg7[%mul3A_2, %dma_wait3A] : memref<10240x40xf32, #tpu.memory_space<hbm>> -> memref<640x40xf32, #tpu.memory_space<hbm>>
        %dma_wait3A_20 = arith.constant 0 : i32
        %dma_wait3A_21 = tpu.memref_slice %arg11[%mul3A_2, %dma_wait3A_20] : memref<10240x40xf32, #tpu.memory_space<vmem_shared>> -> memref<640x40xf32, #tpu.memory_space<vmem_shared>>
        tpu.wait_dma2 semaphore(%run_scoped3A : memref<!tpu.dma_semaphore, #tpu.memory_space<semaphore_mem>>) src(%dma_wait3A_21 : memref<640x40xf32, #tpu.memory_space<vmem_shared>>) dst(%dma_wait3A_19 : memref<640x40xf32, #tpu.memory_space<hbm>>)
        tpu.yield
      }) : () -> ()
    } else {
    }
    return
  }
}

#map = affine_map<(d0, d1) -> (0, 0)>
#map1 = affine_map<(d0, d1) -> (0, 0, 0)>
module attributes {stable_mosaic.version = 14 : i64} {
  func.func @_sc_scatter(%arg0: i32, %arg1: i32, %arg2: memref<10240x40xf32, #tpu.memory_space<hbm>>, %arg3: memref<32x79x128xi32, #tpu.memory_space<hbm>>, %arg4: memref<32x79x128xi32, #tpu.memory_space<hbm>>, %arg5: memref<10240x40xf32, #tpu.memory_space<hbm>>, %arg6: memref<10240x40xf32, #tpu.memory_space<hbm>>, %arg7: memref<10240x40xf32, #tpu.memory_space<hbm>>, %arg8: memref<79x128xi32, #tpu.memory_space<vmem>>, %arg9: memref<79x128xi32, #tpu.memory_space<vmem>>, %arg10: memref<128x40xf32, #tpu.memory_space<vmem>>, %arg11: memref<10240x40xf32, #tpu.memory_space<vmem_shared>>, %arg12: memref<!tpu.dma_semaphore, #tpu.memory_space<semaphore_mem>>) attributes {dimension_semantics = [#tpu.dimension_semantics<core_parallel>, #tpu.dimension_semantics<subcore_parallel>], iteration_bounds = array<i64: 2, 16>, scalar_prefetch = 0 : i64, scratch_operands = 5 : i64, tpu.core_type = #tpu.core_type<sc_vector_subcore>, window_params = [{transform_indices = #map}, {transform_indices = #map1}, {transform_indices = #map1}, {transform_indices = #map}, {transform_indices = #map}, {transform_indices = #map}]} {
    %mul3A = arith.constant 2 : i32
    %mul3A_0 = arith.muli %arg1, %mul3A : i32
    %add3A = arith.addi %mul3A_0, %arg0 : i32
    %mul3A_1 = arith.constant 640 : i32
    %mul3A_2 = arith.muli %arg1, %mul3A_1 : i32
    "tpu.region"() ({
      %run_scoped3A = tpu.sem_alloc : memref<!tpu.dma_semaphore, #tpu.memory_space<semaphore_mem>>
      %dma_start3A = arith.constant 0 : i32
      %dma_start3A_16 = tpu.memref_slice %arg11[%mul3A_2, %dma_start3A] : memref<10240x40xf32, #tpu.memory_space<vmem_shared>> -> memref<640x40xf32, #tpu.memory_space<vmem_shared>>
      %dma_start3A_17 = arith.constant 0 : i32
      %dma_start3A_18 = tpu.memref_slice %arg5[%mul3A_2, %dma_start3A_17] : memref<10240x40xf32, #tpu.memory_space<hbm>> -> memref<640x40xf32, #tpu.memory_space<hbm>>
      tpu.enqueue_dma source(%dma_start3A_18 : memref<640x40xf32, #tpu.memory_space<hbm>>) target(%dma_start3A_16 : memref<640x40xf32, #tpu.memory_space<vmem_shared>>) target_semaphore(%run_scoped3A : memref<!tpu.dma_semaphore, #tpu.memory_space<semaphore_mem>>)
      %dma_wait3A = arith.constant 0 : i32
      %dma_wait3A_19 = tpu.memref_slice %arg11[%mul3A_2, %dma_wait3A] : memref<10240x40xf32, #tpu.memory_space<vmem_shared>> -> memref<640x40xf32, #tpu.memory_space<vmem_shared>>
      %dma_wait3A_20 = arith.constant 0 : i32
      %dma_wait3A_21 = tpu.memref_slice %arg5[%mul3A_2, %dma_wait3A_20] : memref<10240x40xf32, #tpu.memory_space<hbm>> -> memref<640x40xf32, #tpu.memory_space<hbm>>
      tpu.wait_dma2 semaphore(%run_scoped3A : memref<!tpu.dma_semaphore, #tpu.memory_space<semaphore_mem>>) src(%dma_wait3A_21 : memref<640x40xf32, #tpu.memory_space<hbm>>) dst(%dma_wait3A_19 : memref<640x40xf32, #tpu.memory_space<vmem_shared>>)
      tpu.yield
    }) : () -> ()
    "tpu.region"() ({
      %run_scoped3A = tpu.sem_alloc : memref<!tpu.dma_semaphore, #tpu.memory_space<semaphore_mem>>
      %dma_start3A = arith.constant 0 : i32
      %dma_start3A_16 = arith.constant 0 : i32
      %dma_start3A_17 = tpu.memref_slice %arg3[%add3A, %dma_start3A, %dma_start3A_16] : memref<32x79x128xi32, #tpu.memory_space<hbm>> -> memref<1x79x128xi32, #tpu.memory_space<hbm>>
      %dma_start3A_18 = tpu.memref_squeeze %dma_start3A_17 : memref<1x79x128xi32, #tpu.memory_space<hbm>> -> memref<79x128xi32, #tpu.memory_space<hbm>>
      %dma_start3A_19 = arith.constant 0 : i32
      %dma_start3A_20 = arith.constant 0 : i32
      %dma_start3A_21 = tpu.memref_slice %arg3[%add3A, %dma_start3A_19, %dma_start3A_20] : memref<32x79x128xi32, #tpu.memory_space<hbm>> -> memref<1x79x128xi32, #tpu.memory_space<hbm>>
      %dma_start3A_22 = tpu.memref_squeeze %dma_start3A_21 : memref<1x79x128xi32, #tpu.memory_space<hbm>> -> memref<79x128xi32, #tpu.memory_space<hbm>>
      tpu.enqueue_dma source(%dma_start3A_22 : memref<79x128xi32, #tpu.memory_space<hbm>>) target(%arg8 : memref<79x128xi32, #tpu.memory_space<vmem>>) target_semaphore(%run_scoped3A : memref<!tpu.dma_semaphore, #tpu.memory_space<semaphore_mem>>)
      %dma_wait3A = arith.constant 0 : i32
      %dma_wait3A_23 = arith.constant 0 : i32
      %dma_wait3A_24 = tpu.memref_slice %arg3[%add3A, %dma_wait3A, %dma_wait3A_23] : memref<32x79x128xi32, #tpu.memory_space<hbm>> -> memref<1x79x128xi32, #tpu.memory_space<hbm>>
      %dma_wait3A_25 = tpu.memref_squeeze %dma_wait3A_24 : memref<1x79x128xi32, #tpu.memory_space<hbm>> -> memref<79x128xi32, #tpu.memory_space<hbm>>
      %dma_wait3A_26 = arith.constant 0 : i32
      %dma_wait3A_27 = arith.constant 0 : i32
      %dma_wait3A_28 = tpu.memref_slice %arg3[%add3A, %dma_wait3A_26, %dma_wait3A_27] : memref<32x79x128xi32, #tpu.memory_space<hbm>> -> memref<1x79x128xi32, #tpu.memory_space<hbm>>
      %dma_wait3A_29 = tpu.memref_squeeze %dma_wait3A_28 : memref<1x79x128xi32, #tpu.memory_space<hbm>> -> memref<79x128xi32, #tpu.memory_space<hbm>>
      tpu.wait_dma2 semaphore(%run_scoped3A : memref<!tpu.dma_semaphore, #tpu.memory_space<semaphore_mem>>) src(%dma_wait3A_29 : memref<79x128xi32, #tpu.memory_space<hbm>>) dst(%arg8 : memref<79x128xi32, #tpu.memory_space<vmem>>)
      tpu.yield
    }) : () -> ()
    "tpu.region"() ({
      %run_scoped3A = tpu.sem_alloc : memref<!tpu.dma_semaphore, #tpu.memory_space<semaphore_mem>>
      %dma_start3A = arith.constant 0 : i32
      %dma_start3A_16 = arith.constant 0 : i32
      %dma_start3A_17 = tpu.memref_slice %arg4[%add3A, %dma_start3A, %dma_start3A_16] : memref<32x79x128xi32, #tpu.memory_space<hbm>> -> memref<1x79x128xi32, #tpu.memory_space<hbm>>
      %dma_start3A_18 = tpu.memref_squeeze %dma_start3A_17 : memref<1x79x128xi32, #tpu.memory_space<hbm>> -> memref<79x128xi32, #tpu.memory_space<hbm>>
      %dma_start3A_19 = arith.constant 0 : i32
      %dma_start3A_20 = arith.constant 0 : i32
      %dma_start3A_21 = tpu.memref_slice %arg4[%add3A, %dma_start3A_19, %dma_start3A_20] : memref<32x79x128xi32, #tpu.memory_space<hbm>> -> memref<1x79x128xi32, #tpu.memory_space<hbm>>
      %dma_start3A_22 = tpu.memref_squeeze %dma_start3A_21 : memref<1x79x128xi32, #tpu.memory_space<hbm>> -> memref<79x128xi32, #tpu.memory_space<hbm>>
      tpu.enqueue_dma source(%dma_start3A_22 : memref<79x128xi32, #tpu.memory_space<hbm>>) target(%arg9 : memref<79x128xi32, #tpu.memory_space<vmem>>) target_semaphore(%run_scoped3A : memref<!tpu.dma_semaphore, #tpu.memory_space<semaphore_mem>>)
      %dma_wait3A = arith.constant 0 : i32
      %dma_wait3A_23 = arith.constant 0 : i32
      %dma_wait3A_24 = tpu.memref_slice %arg4[%add3A, %dma_wait3A, %dma_wait3A_23] : memref<32x79x128xi32, #tpu.memory_space<hbm>> -> memref<1x79x128xi32, #tpu.memory_space<hbm>>
      %dma_wait3A_25 = tpu.memref_squeeze %dma_wait3A_24 : memref<1x79x128xi32, #tpu.memory_space<hbm>> -> memref<79x128xi32, #tpu.memory_space<hbm>>
      %dma_wait3A_26 = arith.constant 0 : i32
      %dma_wait3A_27 = arith.constant 0 : i32
      %dma_wait3A_28 = tpu.memref_slice %arg4[%add3A, %dma_wait3A_26, %dma_wait3A_27] : memref<32x79x128xi32, #tpu.memory_space<hbm>> -> memref<1x79x128xi32, #tpu.memory_space<hbm>>
      %dma_wait3A_29 = tpu.memref_squeeze %dma_wait3A_28 : memref<1x79x128xi32, #tpu.memory_space<hbm>> -> memref<79x128xi32, #tpu.memory_space<hbm>>
      tpu.wait_dma2 semaphore(%run_scoped3A : memref<!tpu.dma_semaphore, #tpu.memory_space<semaphore_mem>>) src(%dma_wait3A_29 : memref<79x128xi32, #tpu.memory_space<hbm>>) dst(%arg9 : memref<79x128xi32, #tpu.memory_space<vmem>>)
      tpu.yield
    }) : () -> ()
    %barrier3A = arith.constant 0 : index
    tpu.barrier barrier_id(%barrier3A)
    %scan3A = arith.constant 0 : i32
    %scan3A_3 = arith.constant 0 : i32
    %scan3A_4 = arith.constant 79 : i32
    %scan3A_5 = arith.addi %scan3A_3, %scan3A_4 : i32
    %scan3A_6 = arith.constant 1 : i32
    scf.for %scan3A_16 = %scan3A_3 to %scan3A_5 step %scan3A_6  : i32 {
      %dma_start3A = arith.constant 0 : i32
      %dma_start3A_17 = tpu.memref_slice %arg8[%scan3A_16, %dma_start3A] : memref<79x128xi32, #tpu.memory_space<vmem>> -> memref<1x128xi32, #tpu.memory_space<vmem>>
      %dma_start3A_18 = tpu.memref_squeeze %dma_start3A_17 : memref<1x128xi32, #tpu.memory_space<vmem>> -> memref<128xi32, #tpu.memory_space<vmem>>
      %dma_start3A_19 = arith.constant 0 : i32
      %dma_start3A_20 = arith.constant 0 : i32
      %dma_start3A_21 = tpu.memref_slice %arg2[%dma_start3A_19, %dma_start3A_20] : memref<10240x40xf32, #tpu.memory_space<hbm>> -> memref<10240x40xf32, #tpu.memory_space<hbm>>
      tpu.enqueue_indirect_dma source(%dma_start3A_21 : memref<10240x40xf32, #tpu.memory_space<hbm>>) target(%arg10 : memref<128x40xf32, #tpu.memory_space<vmem>>) offsets(%dma_start3A_18 : memref<128xi32, #tpu.memory_space<vmem>>) semaphore(%arg12 : memref<!tpu.dma_semaphore, #tpu.memory_space<semaphore_mem>>)
      %dma_wait3A = arith.constant 0 : i32
      %dma_wait3A_22 = tpu.memref_slice %arg8[%scan3A_16, %dma_wait3A] : memref<79x128xi32, #tpu.memory_space<vmem>> -> memref<1x128xi32, #tpu.memory_space<vmem>>
      %dma_wait3A_23 = tpu.memref_squeeze %dma_wait3A_22 : memref<1x128xi32, #tpu.memory_space<vmem>> -> memref<128xi32, #tpu.memory_space<vmem>>
      %dma_wait3A_24 = arith.constant 0 : i32
      %dma_wait3A_25 = arith.constant 0 : i32
      %dma_wait3A_26 = tpu.memref_slice %arg2[%dma_wait3A_24, %dma_wait3A_25] : memref<10240x40xf32, #tpu.memory_space<hbm>> -> memref<10240x40xf32, #tpu.memory_space<hbm>>
      tpu.wait_indirect_dma semaphore(%arg12 : memref<!tpu.dma_semaphore, #tpu.memory_space<semaphore_mem>>) src(%dma_wait3A_26 : memref<10240x40xf32, #tpu.memory_space<hbm>>) dst(%arg10 : memref<128x40xf32, #tpu.memory_space<vmem>>)
      "tpu.region"() ({
        %run_scoped3A = tpu.sem_alloc : memref<!tpu.dma_semaphore, #tpu.memory_space<semaphore_mem>>
        %dma_start3A_27 = arith.constant 0 : i32
        %dma_start3A_28 = tpu.memref_slice %arg9[%scan3A_16, %dma_start3A_27] : memref<79x128xi32, #tpu.memory_space<vmem>> -> memref<1x128xi32, #tpu.memory_space<vmem>>
        %dma_start3A_29 = tpu.memref_squeeze %dma_start3A_28 : memref<1x128xi32, #tpu.memory_space<vmem>> -> memref<128xi32, #tpu.memory_space<vmem>>
        %dma_start3A_30 = arith.constant 0 : i32
        %dma_start3A_31 = arith.constant 0 : i32
        %dma_start3A_32 = tpu.memref_slice %arg11[%dma_start3A_30, %dma_start3A_31] : memref<10240x40xf32, #tpu.memory_space<vmem_shared>> -> memref<10240x40xf32, #tpu.memory_space<vmem_shared>>
        tpu.enqueue_indirect_dma source(%arg10 : memref<128x40xf32, #tpu.memory_space<vmem>>) target(%dma_start3A_32 : memref<10240x40xf32, #tpu.memory_space<vmem_shared>>) offsets(%dma_start3A_29 : memref<128xi32, #tpu.memory_space<vmem>>) semaphore(%run_scoped3A : memref<!tpu.dma_semaphore, #tpu.memory_space<semaphore_mem>>) {add = true}
        %dma_wait3A_33 = arith.constant 0 : i32
        %dma_wait3A_34 = tpu.memref_slice %arg9[%scan3A_16, %dma_wait3A_33] : memref<79x128xi32, #tpu.memory_space<vmem>> -> memref<1x128xi32, #tpu.memory_space<vmem>>
        %dma_wait3A_35 = tpu.memref_squeeze %dma_wait3A_34 : memref<1x128xi32, #tpu.memory_space<vmem>> -> memref<128xi32, #tpu.memory_space<vmem>>
        %dma_wait3A_36 = arith.constant 0 : i32
        %dma_wait3A_37 = arith.constant 0 : i32
        %dma_wait3A_38 = tpu.memref_slice %arg11[%dma_wait3A_36, %dma_wait3A_37] : memref<10240x40xf32, #tpu.memory_space<vmem_shared>> -> memref<10240x40xf32, #tpu.memory_space<vmem_shared>>
        tpu.wait_indirect_dma semaphore(%run_scoped3A : memref<!tpu.dma_semaphore, #tpu.memory_space<semaphore_mem>>) src(%arg10 : memref<128x40xf32, #tpu.memory_space<vmem>>) dst(%dma_wait3A_38 : memref<10240x40xf32, #tpu.memory_space<vmem_shared>>)
        tpu.yield
      }) : () -> ()
    }
    %scan3A_7 = arith.constant 79 : i32
    %barrier3A_8 = arith.constant 0 : index
    tpu.barrier barrier_id(%barrier3A_8)
    %eq3A = arith.constant 0 : i32
    %eq3A_9 = arith.cmpi eq, %arg0, %eq3A : i32
    %convert_element_type3A = arith.extui %eq3A_9 : i1 to i32
    %cond3A = arith.constant 0 : i32
    %cond3A_10 = arith.cmpi ne, %convert_element_type3A, %cond3A : i32
    scf.if %cond3A_10 {
      "tpu.region"() ({
        %run_scoped3A = tpu.sem_alloc : memref<!tpu.dma_semaphore, #tpu.memory_space<semaphore_mem>>
        %dma_start3A = arith.constant 0 : i32
        %dma_start3A_16 = tpu.memref_slice %arg6[%mul3A_2, %dma_start3A] : memref<10240x40xf32, #tpu.memory_space<hbm>> -> memref<640x40xf32, #tpu.memory_space<hbm>>
        %dma_start3A_17 = arith.constant 0 : i32
        %dma_start3A_18 = tpu.memref_slice %arg11[%mul3A_2, %dma_start3A_17] : memref<10240x40xf32, #tpu.memory_space<vmem_shared>> -> memref<640x40xf32, #tpu.memory_space<vmem_shared>>
        tpu.enqueue_dma source(%dma_start3A_18 : memref<640x40xf32, #tpu.memory_space<vmem_shared>>) target(%dma_start3A_16 : memref<640x40xf32, #tpu.memory_space<hbm>>) target_semaphore(%run_scoped3A : memref<!tpu.dma_semaphore, #tpu.memory_space<semaphore_mem>>)
        %dma_wait3A = arith.constant 0 : i32
        %dma_wait3A_19 = tpu.memref_slice %arg6[%mul3A_2, %dma_wait3A] : memref<10240x40xf32, #tpu.memory_space<hbm>> -> memref<640x40xf32, #tpu.memory_space<hbm>>
        %dma_wait3A_20 = arith.constant 0 : i32
        %dma_wait3A_21 = tpu.memref_slice %arg11[%mul3A_2, %dma_wait3A_20] : memref<10240x40xf32, #tpu.memory_space<vmem_shared>> -> memref<640x40xf32, #tpu.memory_space<vmem_shared>>
        tpu.wait_dma2 semaphore(%run_scoped3A : memref<!tpu.dma_semaphore, #tpu.memory_space<semaphore_mem>>) src(%dma_wait3A_21 : memref<640x40xf32, #tpu.memory_space<vmem_shared>>) dst(%dma_wait3A_19 : memref<640x40xf32, #tpu.memory_space<hbm>>)
        tpu.yield
      }) : () -> ()
    } else {
    }
    %eq3A_11 = arith.constant 1 : i32
    %eq3A_12 = arith.cmpi eq, %arg0, %eq3A_11 : i32
    %convert_element_type3A_13 = arith.extui %eq3A_12 : i1 to i32
    %cond3A_14 = arith.constant 0 : i32
    %cond3A_15 = arith.cmpi ne, %convert_element_type3A_13, %cond3A_14 : i32
    scf.if %cond3A_15 {
      "tpu.region"() ({
        %run_scoped3A = tpu.sem_alloc : memref<!tpu.dma_semaphore, #tpu.memory_space<semaphore_mem>>
        %dma_start3A = arith.constant 0 : i32
        %dma_start3A_16 = tpu.memref_slice %arg7[%mul3A_2, %dma_start3A] : memref<10240x40xf32, #tpu.memory_space<hbm>> -> memref<640x40xf32, #tpu.memory_space<hbm>>
        %dma_start3A_17 = arith.constant 0 : i32
        %dma_start3A_18 = tpu.memref_slice %arg11[%mul3A_2, %dma_start3A_17] : memref<10240x40xf32, #tpu.memory_space<vmem_shared>> -> memref<640x40xf32, #tpu.memory_space<vmem_shared>>
        tpu.enqueue_dma source(%dma_start3A_18 : memref<640x40xf32, #tpu.memory_space<vmem_shared>>) target(%dma_start3A_16 : memref<640x40xf32, #tpu.memory_space<hbm>>) target_semaphore(%run_scoped3A : memref<!tpu.dma_semaphore, #tpu.memory_space<semaphore_mem>>)
        %dma_wait3A = arith.constant 0 : i32
        %dma_wait3A_19 = tpu.memref_slice %arg7[%mul3A_2, %dma_wait3A] : memref<10240x40xf32, #tpu.memory_space<hbm>> -> memref<640x40xf32, #tpu.memory_space<hbm>>
        %dma_wait3A_20 = arith.constant 0 : i32
        %dma_wait3A_21 = tpu.memref_slice %arg11[%mul3A_2, %dma_wait3A_20] : memref<10240x40xf32, #tpu.memory_space<vmem_shared>> -> memref<640x40xf32, #tpu.memory_space<vmem_shared>>
        tpu.wait_dma2 semaphore(%run_scoped3A : memref<!tpu.dma_semaphore, #tpu.memory_space<semaphore_mem>>) src(%dma_wait3A_21 : memref<640x40xf32, #tpu.memory_space<vmem_shared>>) dst(%dma_wait3A_19 : memref<640x40xf32, #tpu.memory_space<hbm>>)
        tpu.yield
      }) : () -> ()
    } else {
    }
    return
  }
}

#map = affine_map<(d0, d1) -> (0, 0)>
#map1 = affine_map<(d0, d1) -> (0, 0, 0)>
module attributes {stable_mosaic.version = 14 : i64} {
  func.func @_sc_scatter(%arg0: i32, %arg1: i32, %arg2: memref<10240x40xf32, #tpu.memory_space<hbm>>, %arg3: memref<32x79x128xi32, #tpu.memory_space<hbm>>, %arg4: memref<32x79x128xi32, #tpu.memory_space<hbm>>, %arg5: memref<10240x40xf32, #tpu.memory_space<hbm>>, %arg6: memref<10240x40xf32, #tpu.memory_space<hbm>>, %arg7: memref<10240x40xf32, #tpu.memory_space<hbm>>, %arg8: memref<79x128xi32, #tpu.memory_space<vmem>>, %arg9: memref<79x128xi32, #tpu.memory_space<vmem>>, %arg10: memref<128x40xf32, #tpu.memory_space<vmem>>, %arg11: memref<10240x40xf32, #tpu.memory_space<vmem_shared>>, %arg12: memref<!tpu.dma_semaphore, #tpu.memory_space<semaphore_mem>>) attributes {dimension_semantics = [#tpu.dimension_semantics<core_parallel>, #tpu.dimension_semantics<subcore_parallel>], iteration_bounds = array<i64: 2, 16>, scalar_prefetch = 0 : i64, scratch_operands = 5 : i64, tpu.core_type = #tpu.core_type<sc_vector_subcore>, window_params = [{transform_indices = #map}, {transform_indices = #map1}, {transform_indices = #map1}, {transform_indices = #map}, {transform_indices = #map}, {transform_indices = #map}]} {
    %mul3A = arith.constant 2 : i32
    %mul3A_0 = arith.muli %arg1, %mul3A : i32
    %add3A = arith.addi %mul3A_0, %arg0 : i32
    %mul3A_1 = arith.constant 640 : i32
    %mul3A_2 = arith.muli %arg1, %mul3A_1 : i32
    "tpu.region"() ({
      %run_scoped3A = tpu.sem_alloc : memref<!tpu.dma_semaphore, #tpu.memory_space<semaphore_mem>>
      %dma_start3A = arith.constant 0 : i32
      %dma_start3A_16 = tpu.memref_slice %arg11[%mul3A_2, %dma_start3A] : memref<10240x40xf32, #tpu.memory_space<vmem_shared>> -> memref<640x40xf32, #tpu.memory_space<vmem_shared>>
      %dma_start3A_17 = arith.constant 0 : i32
      %dma_start3A_18 = tpu.memref_slice %arg5[%mul3A_2, %dma_start3A_17] : memref<10240x40xf32, #tpu.memory_space<hbm>> -> memref<640x40xf32, #tpu.memory_space<hbm>>
      tpu.enqueue_dma source(%dma_start3A_18 : memref<640x40xf32, #tpu.memory_space<hbm>>) target(%dma_start3A_16 : memref<640x40xf32, #tpu.memory_space<vmem_shared>>) target_semaphore(%run_scoped3A : memref<!tpu.dma_semaphore, #tpu.memory_space<semaphore_mem>>)
      %dma_wait3A = arith.constant 0 : i32
      %dma_wait3A_19 = tpu.memref_slice %arg11[%mul3A_2, %dma_wait3A] : memref<10240x40xf32, #tpu.memory_space<vmem_shared>> -> memref<640x40xf32, #tpu.memory_space<vmem_shared>>
      %dma_wait3A_20 = arith.constant 0 : i32
      %dma_wait3A_21 = tpu.memref_slice %arg5[%mul3A_2, %dma_wait3A_20] : memref<10240x40xf32, #tpu.memory_space<hbm>> -> memref<640x40xf32, #tpu.memory_space<hbm>>
      tpu.wait_dma2 semaphore(%run_scoped3A : memref<!tpu.dma_semaphore, #tpu.memory_space<semaphore_mem>>) src(%dma_wait3A_21 : memref<640x40xf32, #tpu.memory_space<hbm>>) dst(%dma_wait3A_19 : memref<640x40xf32, #tpu.memory_space<vmem_shared>>)
      tpu.yield
    }) : () -> ()
    "tpu.region"() ({
      %run_scoped3A = tpu.sem_alloc : memref<!tpu.dma_semaphore, #tpu.memory_space<semaphore_mem>>
      %dma_start3A = arith.constant 0 : i32
      %dma_start3A_16 = arith.constant 0 : i32
      %dma_start3A_17 = tpu.memref_slice %arg3[%add3A, %dma_start3A, %dma_start3A_16] : memref<32x79x128xi32, #tpu.memory_space<hbm>> -> memref<1x79x128xi32, #tpu.memory_space<hbm>>
      %dma_start3A_18 = tpu.memref_squeeze %dma_start3A_17 : memref<1x79x128xi32, #tpu.memory_space<hbm>> -> memref<79x128xi32, #tpu.memory_space<hbm>>
      %dma_start3A_19 = arith.constant 0 : i32
      %dma_start3A_20 = arith.constant 0 : i32
      %dma_start3A_21 = tpu.memref_slice %arg3[%add3A, %dma_start3A_19, %dma_start3A_20] : memref<32x79x128xi32, #tpu.memory_space<hbm>> -> memref<1x79x128xi32, #tpu.memory_space<hbm>>
      %dma_start3A_22 = tpu.memref_squeeze %dma_start3A_21 : memref<1x79x128xi32, #tpu.memory_space<hbm>> -> memref<79x128xi32, #tpu.memory_space<hbm>>
      tpu.enqueue_dma source(%dma_start3A_22 : memref<79x128xi32, #tpu.memory_space<hbm>>) target(%arg8 : memref<79x128xi32, #tpu.memory_space<vmem>>) target_semaphore(%run_scoped3A : memref<!tpu.dma_semaphore, #tpu.memory_space<semaphore_mem>>)
      %dma_wait3A = arith.constant 0 : i32
      %dma_wait3A_23 = arith.constant 0 : i32
      %dma_wait3A_24 = tpu.memref_slice %arg3[%add3A, %dma_wait3A, %dma_wait3A_23] : memref<32x79x128xi32, #tpu.memory_space<hbm>> -> memref<1x79x128xi32, #tpu.memory_space<hbm>>
      %dma_wait3A_25 = tpu.memref_squeeze %dma_wait3A_24 : memref<1x79x128xi32, #tpu.memory_space<hbm>> -> memref<79x128xi32, #tpu.memory_space<hbm>>
      %dma_wait3A_26 = arith.constant 0 : i32
      %dma_wait3A_27 = arith.constant 0 : i32
      %dma_wait3A_28 = tpu.memref_slice %arg3[%add3A, %dma_wait3A_26, %dma_wait3A_27] : memref<32x79x128xi32, #tpu.memory_space<hbm>> -> memref<1x79x128xi32, #tpu.memory_space<hbm>>
      %dma_wait3A_29 = tpu.memref_squeeze %dma_wait3A_28 : memref<1x79x128xi32, #tpu.memory_space<hbm>> -> memref<79x128xi32, #tpu.memory_space<hbm>>
      tpu.wait_dma2 semaphore(%run_scoped3A : memref<!tpu.dma_semaphore, #tpu.memory_space<semaphore_mem>>) src(%dma_wait3A_29 : memref<79x128xi32, #tpu.memory_space<hbm>>) dst(%arg8 : memref<79x128xi32, #tpu.memory_space<vmem>>)
      tpu.yield
    }) : () -> ()
    "tpu.region"() ({
      %run_scoped3A = tpu.sem_alloc : memref<!tpu.dma_semaphore, #tpu.memory_space<semaphore_mem>>
      %dma_start3A = arith.constant 0 : i32
      %dma_start3A_16 = arith.constant 0 : i32
      %dma_start3A_17 = tpu.memref_slice %arg4[%add3A, %dma_start3A, %dma_start3A_16] : memref<32x79x128xi32, #tpu.memory_space<hbm>> -> memref<1x79x128xi32, #tpu.memory_space<hbm>>
      %dma_start3A_18 = tpu.memref_squeeze %dma_start3A_17 : memref<1x79x128xi32, #tpu.memory_space<hbm>> -> memref<79x128xi32, #tpu.memory_space<hbm>>
      %dma_start3A_19 = arith.constant 0 : i32
      %dma_start3A_20 = arith.constant 0 : i32
      %dma_start3A_21 = tpu.memref_slice %arg4[%add3A, %dma_start3A_19, %dma_start3A_20] : memref<32x79x128xi32, #tpu.memory_space<hbm>> -> memref<1x79x128xi32, #tpu.memory_space<hbm>>
      %dma_start3A_22 = tpu.memref_squeeze %dma_start3A_21 : memref<1x79x128xi32, #tpu.memory_space<hbm>> -> memref<79x128xi32, #tpu.memory_space<hbm>>
      tpu.enqueue_dma source(%dma_start3A_22 : memref<79x128xi32, #tpu.memory_space<hbm>>) target(%arg9 : memref<79x128xi32, #tpu.memory_space<vmem>>) target_semaphore(%run_scoped3A : memref<!tpu.dma_semaphore, #tpu.memory_space<semaphore_mem>>)
      %dma_wait3A = arith.constant 0 : i32
      %dma_wait3A_23 = arith.constant 0 : i32
      %dma_wait3A_24 = tpu.memref_slice %arg4[%add3A, %dma_wait3A, %dma_wait3A_23] : memref<32x79x128xi32, #tpu.memory_space<hbm>> -> memref<1x79x128xi32, #tpu.memory_space<hbm>>
      %dma_wait3A_25 = tpu.memref_squeeze %dma_wait3A_24 : memref<1x79x128xi32, #tpu.memory_space<hbm>> -> memref<79x128xi32, #tpu.memory_space<hbm>>
      %dma_wait3A_26 = arith.constant 0 : i32
      %dma_wait3A_27 = arith.constant 0 : i32
      %dma_wait3A_28 = tpu.memref_slice %arg4[%add3A, %dma_wait3A_26, %dma_wait3A_27] : memref<32x79x128xi32, #tpu.memory_space<hbm>> -> memref<1x79x128xi32, #tpu.memory_space<hbm>>
      %dma_wait3A_29 = tpu.memref_squeeze %dma_wait3A_28 : memref<1x79x128xi32, #tpu.memory_space<hbm>> -> memref<79x128xi32, #tpu.memory_space<hbm>>
      tpu.wait_dma2 semaphore(%run_scoped3A : memref<!tpu.dma_semaphore, #tpu.memory_space<semaphore_mem>>) src(%dma_wait3A_29 : memref<79x128xi32, #tpu.memory_space<hbm>>) dst(%arg9 : memref<79x128xi32, #tpu.memory_space<vmem>>)
      tpu.yield
    }) : () -> ()
    %barrier3A = arith.constant 0 : index
    tpu.barrier barrier_id(%barrier3A)
    %scan3A = arith.constant 0 : i32
    %scan3A_3 = arith.constant 0 : i32
    %scan3A_4 = arith.constant 79 : i32
    %scan3A_5 = arith.addi %scan3A_3, %scan3A_4 : i32
    %scan3A_6 = arith.constant 1 : i32
    scf.for %scan3A_16 = %scan3A_3 to %scan3A_5 step %scan3A_6  : i32 {
      %dma_start3A = arith.constant 0 : i32
      %dma_start3A_17 = tpu.memref_slice %arg8[%scan3A_16, %dma_start3A] : memref<79x128xi32, #tpu.memory_space<vmem>> -> memref<1x128xi32, #tpu.memory_space<vmem>>
      %dma_start3A_18 = tpu.memref_squeeze %dma_start3A_17 : memref<1x128xi32, #tpu.memory_space<vmem>> -> memref<128xi32, #tpu.memory_space<vmem>>
      %dma_start3A_19 = arith.constant 0 : i32
      %dma_start3A_20 = arith.constant 0 : i32
      %dma_start3A_21 = tpu.memref_slice %arg2[%dma_start3A_19, %dma_start3A_20] : memref<10240x40xf32, #tpu.memory_space<hbm>> -> memref<10240x40xf32, #tpu.memory_space<hbm>>
      tpu.enqueue_indirect_dma source(%dma_start3A_21 : memref<10240x40xf32, #tpu.memory_space<hbm>>) target(%arg10 : memref<128x40xf32, #tpu.memory_space<vmem>>) offsets(%dma_start3A_18 : memref<128xi32, #tpu.memory_space<vmem>>) semaphore(%arg12 : memref<!tpu.dma_semaphore, #tpu.memory_space<semaphore_mem>>)
      %dma_wait3A = arith.constant 0 : i32
      %dma_wait3A_22 = tpu.memref_slice %arg8[%scan3A_16, %dma_wait3A] : memref<79x128xi32, #tpu.memory_space<vmem>> -> memref<1x128xi32, #tpu.memory_space<vmem>>
      %dma_wait3A_23 = tpu.memref_squeeze %dma_wait3A_22 : memref<1x128xi32, #tpu.memory_space<vmem>> -> memref<128xi32, #tpu.memory_space<vmem>>
      %dma_wait3A_24 = arith.constant 0 : i32
      %dma_wait3A_25 = arith.constant 0 : i32
      %dma_wait3A_26 = tpu.memref_slice %arg2[%dma_wait3A_24, %dma_wait3A_25] : memref<10240x40xf32, #tpu.memory_space<hbm>> -> memref<10240x40xf32, #tpu.memory_space<hbm>>
      tpu.wait_indirect_dma semaphore(%arg12 : memref<!tpu.dma_semaphore, #tpu.memory_space<semaphore_mem>>) src(%dma_wait3A_26 : memref<10240x40xf32, #tpu.memory_space<hbm>>) dst(%arg10 : memref<128x40xf32, #tpu.memory_space<vmem>>)
      "tpu.region"() ({
        %run_scoped3A = tpu.sem_alloc : memref<!tpu.dma_semaphore, #tpu.memory_space<semaphore_mem>>
        %dma_start3A_27 = arith.constant 0 : i32
        %dma_start3A_28 = tpu.memref_slice %arg9[%scan3A_16, %dma_start3A_27] : memref<79x128xi32, #tpu.memory_space<vmem>> -> memref<1x128xi32, #tpu.memory_space<vmem>>
        %dma_start3A_29 = tpu.memref_squeeze %dma_start3A_28 : memref<1x128xi32, #tpu.memory_space<vmem>> -> memref<128xi32, #tpu.memory_space<vmem>>
        %dma_start3A_30 = arith.constant 0 : i32
        %dma_start3A_31 = arith.constant 0 : i32
        %dma_start3A_32 = tpu.memref_slice %arg11[%dma_start3A_30, %dma_start3A_31] : memref<10240x40xf32, #tpu.memory_space<vmem_shared>> -> memref<10240x40xf32, #tpu.memory_space<vmem_shared>>
        tpu.enqueue_indirect_dma source(%arg10 : memref<128x40xf32, #tpu.memory_space<vmem>>) target(%dma_start3A_32 : memref<10240x40xf32, #tpu.memory_space<vmem_shared>>) offsets(%dma_start3A_29 : memref<128xi32, #tpu.memory_space<vmem>>) semaphore(%run_scoped3A : memref<!tpu.dma_semaphore, #tpu.memory_space<semaphore_mem>>) {add = true}
        %dma_wait3A_33 = arith.constant 0 : i32
        %dma_wait3A_34 = tpu.memref_slice %arg9[%scan3A_16, %dma_wait3A_33] : memref<79x128xi32, #tpu.memory_space<vmem>> -> memref<1x128xi32, #tpu.memory_space<vmem>>
        %dma_wait3A_35 = tpu.memref_squeeze %dma_wait3A_34 : memref<1x128xi32, #tpu.memory_space<vmem>> -> memref<128xi32, #tpu.memory_space<vmem>>
        %dma_wait3A_36 = arith.constant 0 : i32
        %dma_wait3A_37 = arith.constant 0 : i32
        %dma_wait3A_38 = tpu.memref_slice %arg11[%dma_wait3A_36, %dma_wait3A_37] : memref<10240x40xf32, #tpu.memory_space<vmem_shared>> -> memref<10240x40xf32, #tpu.memory_space<vmem_shared>>
        tpu.wait_indirect_dma semaphore(%run_scoped3A : memref<!tpu.dma_semaphore, #tpu.memory_space<semaphore_mem>>) src(%arg10 : memref<128x40xf32, #tpu.memory_space<vmem>>) dst(%dma_wait3A_38 : memref<10240x40xf32, #tpu.memory_space<vmem_shared>>)
        tpu.yield
      }) : () -> ()
    }
    %scan3A_7 = arith.constant 79 : i32
    %barrier3A_8 = arith.constant 0 : index
    tpu.barrier barrier_id(%barrier3A_8)
    %eq3A = arith.constant 0 : i32
    %eq3A_9 = arith.cmpi eq, %arg0, %eq3A : i32
    %convert_element_type3A = arith.extui %eq3A_9 : i1 to i32
    %cond3A = arith.constant 0 : i32
    %cond3A_10 = arith.cmpi ne, %convert_element_type3A, %cond3A : i32
    scf.if %cond3A_10 {
      "tpu.region"() ({
        %run_scoped3A = tpu.sem_alloc : memref<!tpu.dma_semaphore, #tpu.memory_space<semaphore_mem>>
        %dma_start3A = arith.constant 0 : i32
        %dma_start3A_16 = tpu.memref_slice %arg6[%mul3A_2, %dma_start3A] : memref<10240x40xf32, #tpu.memory_space<hbm>> -> memref<640x40xf32, #tpu.memory_space<hbm>>
        %dma_start3A_17 = arith.constant 0 : i32
        %dma_start3A_18 = tpu.memref_slice %arg11[%mul3A_2, %dma_start3A_17] : memref<10240x40xf32, #tpu.memory_space<vmem_shared>> -> memref<640x40xf32, #tpu.memory_space<vmem_shared>>
        tpu.enqueue_dma source(%dma_start3A_18 : memref<640x40xf32, #tpu.memory_space<vmem_shared>>) target(%dma_start3A_16 : memref<640x40xf32, #tpu.memory_space<hbm>>) target_semaphore(%run_scoped3A : memref<!tpu.dma_semaphore, #tpu.memory_space<semaphore_mem>>)
        %dma_wait3A = arith.constant 0 : i32
        %dma_wait3A_19 = tpu.memref_slice %arg6[%mul3A_2, %dma_wait3A] : memref<10240x40xf32, #tpu.memory_space<hbm>> -> memref<640x40xf32, #tpu.memory_space<hbm>>
        %dma_wait3A_20 = arith.constant 0 : i32
        %dma_wait3A_21 = tpu.memref_slice %arg11[%mul3A_2, %dma_wait3A_20] : memref<10240x40xf32, #tpu.memory_space<vmem_shared>> -> memref<640x40xf32, #tpu.memory_space<vmem_shared>>
        tpu.wait_dma2 semaphore(%run_scoped3A : memref<!tpu.dma_semaphore, #tpu.memory_space<semaphore_mem>>) src(%dma_wait3A_21 : memref<640x40xf32, #tpu.memory_space<vmem_shared>>) dst(%dma_wait3A_19 : memref<640x40xf32, #tpu.memory_space<hbm>>)
        tpu.yield
      }) : () -> ()
    } else {
    }
    %eq3A_11 = arith.constant 1 : i32
    %eq3A_12 = arith.cmpi eq, %arg0, %eq3A_11 : i32
    %convert_element_type3A_13 = arith.extui %eq3A_12 : i1 to i32
    %cond3A_14 = arith.constant 0 : i32
    %cond3A_15 = arith.cmpi ne, %convert_element_type3A_13, %cond3A_14 : i32
    scf.if %cond3A_15 {
      "tpu.region"() ({
        %run_scoped3A = tpu.sem_alloc : memref<!tpu.dma_semaphore, #tpu.memory_space<semaphore_mem>>
        %dma_start3A = arith.constant 0 : i32
        %dma_start3A_16 = tpu.memref_slice %arg7[%mul3A_2, %dma_start3A] : memref<10240x40xf32, #tpu.memory_space<hbm>> -> memref<640x40xf32, #tpu.memory_space<hbm>>
        %dma_start3A_17 = arith.constant 0 : i32
        %dma_start3A_18 = tpu.memref_slice %arg11[%mul3A_2, %dma_start3A_17] : memref<10240x40xf32, #tpu.memory_space<vmem_shared>> -> memref<640x40xf32, #tpu.memory_space<vmem_shared>>
        tpu.enqueue_dma source(%dma_start3A_18 : memref<640x40xf32, #tpu.memory_space<vmem_shared>>) target(%dma_start3A_16 : memref<640x40xf32, #tpu.memory_space<hbm>>) target_semaphore(%run_scoped3A : memref<!tpu.dma_semaphore, #tpu.memory_space<semaphore_mem>>)
        %dma_wait3A = arith.constant 0 : i32
        %dma_wait3A_19 = tpu.memref_slice %arg7[%mul3A_2, %dma_wait3A] : memref<10240x40xf32, #tpu.memory_space<hbm>> -> memref<640x40xf32, #tpu.memory_space<hbm>>
        %dma_wait3A_20 = arith.constant 0 : i32
        %dma_wait3A_21 = tpu.memref_slice %arg11[%mul3A_2, %dma_wait3A_20] : memref<10240x40xf32, #tpu.memory_space<vmem_shared>> -> memref<640x40xf32, #tpu.memory_space<vmem_shared>>
        tpu.wait_dma2 semaphore(%run_scoped3A : memref<!tpu.dma_semaphore, #tpu.memory_space<semaphore_mem>>) src(%dma_wait3A_21 : memref<640x40xf32, #tpu.memory_space<vmem_shared>>) dst(%dma_wait3A_19 : memref<640x40xf32, #tpu.memory_space<hbm>>)
        tpu.yield
      }) : () -> ()
    } else {
    }
    return
  }
}

#map = affine_map<(d0, d1) -> (0, 0)>
#map1 = affine_map<(d0, d1) -> (0, 0, 0)>
module attributes {stable_mosaic.version = 14 : i64} {
  func.func @_sc_scatter(%arg0: i32, %arg1: i32, %arg2: memref<10240x40xf32, #tpu.memory_space<hbm>>, %arg3: memref<32x79x128xi32, #tpu.memory_space<hbm>>, %arg4: memref<32x79x128xi32, #tpu.memory_space<hbm>>, %arg5: memref<10240x40xf32, #tpu.memory_space<hbm>>, %arg6: memref<10240x40xf32, #tpu.memory_space<hbm>>, %arg7: memref<10240x40xf32, #tpu.memory_space<hbm>>, %arg8: memref<79x128xi32, #tpu.memory_space<vmem>>, %arg9: memref<79x128xi32, #tpu.memory_space<vmem>>, %arg10: memref<128x40xf32, #tpu.memory_space<vmem>>, %arg11: memref<10240x40xf32, #tpu.memory_space<vmem_shared>>, %arg12: memref<!tpu.dma_semaphore, #tpu.memory_space<semaphore_mem>>) attributes {dimension_semantics = [#tpu.dimension_semantics<core_parallel>, #tpu.dimension_semantics<subcore_parallel>], iteration_bounds = array<i64: 2, 16>, scalar_prefetch = 0 : i64, scratch_operands = 5 : i64, tpu.core_type = #tpu.core_type<sc_vector_subcore>, window_params = [{transform_indices = #map}, {transform_indices = #map1}, {transform_indices = #map1}, {transform_indices = #map}, {transform_indices = #map}, {transform_indices = #map}]} {
    %mul3A = arith.constant 2 : i32
    %mul3A_0 = arith.muli %arg1, %mul3A : i32
    %add3A = arith.addi %mul3A_0, %arg0 : i32
    %mul3A_1 = arith.constant 640 : i32
    %mul3A_2 = arith.muli %arg1, %mul3A_1 : i32
    "tpu.region"() ({
      %run_scoped3A = tpu.sem_alloc : memref<!tpu.dma_semaphore, #tpu.memory_space<semaphore_mem>>
      %dma_start3A = arith.constant 0 : i32
      %dma_start3A_16 = tpu.memref_slice %arg11[%mul3A_2, %dma_start3A] : memref<10240x40xf32, #tpu.memory_space<vmem_shared>> -> memref<640x40xf32, #tpu.memory_space<vmem_shared>>
      %dma_start3A_17 = arith.constant 0 : i32
      %dma_start3A_18 = tpu.memref_slice %arg5[%mul3A_2, %dma_start3A_17] : memref<10240x40xf32, #tpu.memory_space<hbm>> -> memref<640x40xf32, #tpu.memory_space<hbm>>
      tpu.enqueue_dma source(%dma_start3A_18 : memref<640x40xf32, #tpu.memory_space<hbm>>) target(%dma_start3A_16 : memref<640x40xf32, #tpu.memory_space<vmem_shared>>) target_semaphore(%run_scoped3A : memref<!tpu.dma_semaphore, #tpu.memory_space<semaphore_mem>>)
      %dma_wait3A = arith.constant 0 : i32
      %dma_wait3A_19 = tpu.memref_slice %arg11[%mul3A_2, %dma_wait3A] : memref<10240x40xf32, #tpu.memory_space<vmem_shared>> -> memref<640x40xf32, #tpu.memory_space<vmem_shared>>
      %dma_wait3A_20 = arith.constant 0 : i32
      %dma_wait3A_21 = tpu.memref_slice %arg5[%mul3A_2, %dma_wait3A_20] : memref<10240x40xf32, #tpu.memory_space<hbm>> -> memref<640x40xf32, #tpu.memory_space<hbm>>
      tpu.wait_dma2 semaphore(%run_scoped3A : memref<!tpu.dma_semaphore, #tpu.memory_space<semaphore_mem>>) src(%dma_wait3A_21 : memref<640x40xf32, #tpu.memory_space<hbm>>) dst(%dma_wait3A_19 : memref<640x40xf32, #tpu.memory_space<vmem_shared>>)
      tpu.yield
    }) : () -> ()
    "tpu.region"() ({
      %run_scoped3A = tpu.sem_alloc : memref<!tpu.dma_semaphore, #tpu.memory_space<semaphore_mem>>
      %dma_start3A = arith.constant 0 : i32
      %dma_start3A_16 = arith.constant 0 : i32
      %dma_start3A_17 = tpu.memref_slice %arg3[%add3A, %dma_start3A, %dma_start3A_16] : memref<32x79x128xi32, #tpu.memory_space<hbm>> -> memref<1x79x128xi32, #tpu.memory_space<hbm>>
      %dma_start3A_18 = tpu.memref_squeeze %dma_start3A_17 : memref<1x79x128xi32, #tpu.memory_space<hbm>> -> memref<79x128xi32, #tpu.memory_space<hbm>>
      %dma_start3A_19 = arith.constant 0 : i32
      %dma_start3A_20 = arith.constant 0 : i32
      %dma_start3A_21 = tpu.memref_slice %arg3[%add3A, %dma_start3A_19, %dma_start3A_20] : memref<32x79x128xi32, #tpu.memory_space<hbm>> -> memref<1x79x128xi32, #tpu.memory_space<hbm>>
      %dma_start3A_22 = tpu.memref_squeeze %dma_start3A_21 : memref<1x79x128xi32, #tpu.memory_space<hbm>> -> memref<79x128xi32, #tpu.memory_space<hbm>>
      tpu.enqueue_dma source(%dma_start3A_22 : memref<79x128xi32, #tpu.memory_space<hbm>>) target(%arg8 : memref<79x128xi32, #tpu.memory_space<vmem>>) target_semaphore(%run_scoped3A : memref<!tpu.dma_semaphore, #tpu.memory_space<semaphore_mem>>)
      %dma_wait3A = arith.constant 0 : i32
      %dma_wait3A_23 = arith.constant 0 : i32
      %dma_wait3A_24 = tpu.memref_slice %arg3[%add3A, %dma_wait3A, %dma_wait3A_23] : memref<32x79x128xi32, #tpu.memory_space<hbm>> -> memref<1x79x128xi32, #tpu.memory_space<hbm>>
      %dma_wait3A_25 = tpu.memref_squeeze %dma_wait3A_24 : memref<1x79x128xi32, #tpu.memory_space<hbm>> -> memref<79x128xi32, #tpu.memory_space<hbm>>
      %dma_wait3A_26 = arith.constant 0 : i32
      %dma_wait3A_27 = arith.constant 0 : i32
      %dma_wait3A_28 = tpu.memref_slice %arg3[%add3A, %dma_wait3A_26, %dma_wait3A_27] : memref<32x79x128xi32, #tpu.memory_space<hbm>> -> memref<1x79x128xi32, #tpu.memory_space<hbm>>
      %dma_wait3A_29 = tpu.memref_squeeze %dma_wait3A_28 : memref<1x79x128xi32, #tpu.memory_space<hbm>> -> memref<79x128xi32, #tpu.memory_space<hbm>>
      tpu.wait_dma2 semaphore(%run_scoped3A : memref<!tpu.dma_semaphore, #tpu.memory_space<semaphore_mem>>) src(%dma_wait3A_29 : memref<79x128xi32, #tpu.memory_space<hbm>>) dst(%arg8 : memref<79x128xi32, #tpu.memory_space<vmem>>)
      tpu.yield
    }) : () -> ()
    "tpu.region"() ({
      %run_scoped3A = tpu.sem_alloc : memref<!tpu.dma_semaphore, #tpu.memory_space<semaphore_mem>>
      %dma_start3A = arith.constant 0 : i32
      %dma_start3A_16 = arith.constant 0 : i32
      %dma_start3A_17 = tpu.memref_slice %arg4[%add3A, %dma_start3A, %dma_start3A_16] : memref<32x79x128xi32, #tpu.memory_space<hbm>> -> memref<1x79x128xi32, #tpu.memory_space<hbm>>
      %dma_start3A_18 = tpu.memref_squeeze %dma_start3A_17 : memref<1x79x128xi32, #tpu.memory_space<hbm>> -> memref<79x128xi32, #tpu.memory_space<hbm>>
      %dma_start3A_19 = arith.constant 0 : i32
      %dma_start3A_20 = arith.constant 0 : i32
      %dma_start3A_21 = tpu.memref_slice %arg4[%add3A, %dma_start3A_19, %dma_start3A_20] : memref<32x79x128xi32, #tpu.memory_space<hbm>> -> memref<1x79x128xi32, #tpu.memory_space<hbm>>
      %dma_start3A_22 = tpu.memref_squeeze %dma_start3A_21 : memref<1x79x128xi32, #tpu.memory_space<hbm>> -> memref<79x128xi32, #tpu.memory_space<hbm>>
      tpu.enqueue_dma source(%dma_start3A_22 : memref<79x128xi32, #tpu.memory_space<hbm>>) target(%arg9 : memref<79x128xi32, #tpu.memory_space<vmem>>) target_semaphore(%run_scoped3A : memref<!tpu.dma_semaphore, #tpu.memory_space<semaphore_mem>>)
      %dma_wait3A = arith.constant 0 : i32
      %dma_wait3A_23 = arith.constant 0 : i32
      %dma_wait3A_24 = tpu.memref_slice %arg4[%add3A, %dma_wait3A, %dma_wait3A_23] : memref<32x79x128xi32, #tpu.memory_space<hbm>> -> memref<1x79x128xi32, #tpu.memory_space<hbm>>
      %dma_wait3A_25 = tpu.memref_squeeze %dma_wait3A_24 : memref<1x79x128xi32, #tpu.memory_space<hbm>> -> memref<79x128xi32, #tpu.memory_space<hbm>>
      %dma_wait3A_26 = arith.constant 0 : i32
      %dma_wait3A_27 = arith.constant 0 : i32
      %dma_wait3A_28 = tpu.memref_slice %arg4[%add3A, %dma_wait3A_26, %dma_wait3A_27] : memref<32x79x128xi32, #tpu.memory_space<hbm>> -> memref<1x79x128xi32, #tpu.memory_space<hbm>>
      %dma_wait3A_29 = tpu.memref_squeeze %dma_wait3A_28 : memref<1x79x128xi32, #tpu.memory_space<hbm>> -> memref<79x128xi32, #tpu.memory_space<hbm>>
      tpu.wait_dma2 semaphore(%run_scoped3A : memref<!tpu.dma_semaphore, #tpu.memory_space<semaphore_mem>>) src(%dma_wait3A_29 : memref<79x128xi32, #tpu.memory_space<hbm>>) dst(%arg9 : memref<79x128xi32, #tpu.memory_space<vmem>>)
      tpu.yield
    }) : () -> ()
    %barrier3A = arith.constant 0 : index
    tpu.barrier barrier_id(%barrier3A)
    %scan3A = arith.constant 0 : i32
    %scan3A_3 = arith.constant 0 : i32
    %scan3A_4 = arith.constant 79 : i32
    %scan3A_5 = arith.addi %scan3A_3, %scan3A_4 : i32
    %scan3A_6 = arith.constant 1 : i32
    scf.for %scan3A_16 = %scan3A_3 to %scan3A_5 step %scan3A_6  : i32 {
      %dma_start3A = arith.constant 0 : i32
      %dma_start3A_17 = tpu.memref_slice %arg8[%scan3A_16, %dma_start3A] : memref<79x128xi32, #tpu.memory_space<vmem>> -> memref<1x128xi32, #tpu.memory_space<vmem>>
      %dma_start3A_18 = tpu.memref_squeeze %dma_start3A_17 : memref<1x128xi32, #tpu.memory_space<vmem>> -> memref<128xi32, #tpu.memory_space<vmem>>
      %dma_start3A_19 = arith.constant 0 : i32
      %dma_start3A_20 = arith.constant 0 : i32
      %dma_start3A_21 = tpu.memref_slice %arg2[%dma_start3A_19, %dma_start3A_20] : memref<10240x40xf32, #tpu.memory_space<hbm>> -> memref<10240x40xf32, #tpu.memory_space<hbm>>
      tpu.enqueue_indirect_dma source(%dma_start3A_21 : memref<10240x40xf32, #tpu.memory_space<hbm>>) target(%arg10 : memref<128x40xf32, #tpu.memory_space<vmem>>) offsets(%dma_start3A_18 : memref<128xi32, #tpu.memory_space<vmem>>) semaphore(%arg12 : memref<!tpu.dma_semaphore, #tpu.memory_space<semaphore_mem>>)
      %dma_wait3A = arith.constant 0 : i32
      %dma_wait3A_22 = tpu.memref_slice %arg8[%scan3A_16, %dma_wait3A] : memref<79x128xi32, #tpu.memory_space<vmem>> -> memref<1x128xi32, #tpu.memory_space<vmem>>
      %dma_wait3A_23 = tpu.memref_squeeze %dma_wait3A_22 : memref<1x128xi32, #tpu.memory_space<vmem>> -> memref<128xi32, #tpu.memory_space<vmem>>
      %dma_wait3A_24 = arith.constant 0 : i32
      %dma_wait3A_25 = arith.constant 0 : i32
      %dma_wait3A_26 = tpu.memref_slice %arg2[%dma_wait3A_24, %dma_wait3A_25] : memref<10240x40xf32, #tpu.memory_space<hbm>> -> memref<10240x40xf32, #tpu.memory_space<hbm>>
      tpu.wait_indirect_dma semaphore(%arg12 : memref<!tpu.dma_semaphore, #tpu.memory_space<semaphore_mem>>) src(%dma_wait3A_26 : memref<10240x40xf32, #tpu.memory_space<hbm>>) dst(%arg10 : memref<128x40xf32, #tpu.memory_space<vmem>>)
      "tpu.region"() ({
        %run_scoped3A = tpu.sem_alloc : memref<!tpu.dma_semaphore, #tpu.memory_space<semaphore_mem>>
        %dma_start3A_27 = arith.constant 0 : i32
        %dma_start3A_28 = tpu.memref_slice %arg9[%scan3A_16, %dma_start3A_27] : memref<79x128xi32, #tpu.memory_space<vmem>> -> memref<1x128xi32, #tpu.memory_space<vmem>>
        %dma_start3A_29 = tpu.memref_squeeze %dma_start3A_28 : memref<1x128xi32, #tpu.memory_space<vmem>> -> memref<128xi32, #tpu.memory_space<vmem>>
        %dma_start3A_30 = arith.constant 0 : i32
        %dma_start3A_31 = arith.constant 0 : i32
        %dma_start3A_32 = tpu.memref_slice %arg11[%dma_start3A_30, %dma_start3A_31] : memref<10240x40xf32, #tpu.memory_space<vmem_shared>> -> memref<10240x40xf32, #tpu.memory_space<vmem_shared>>
        tpu.enqueue_indirect_dma source(%arg10 : memref<128x40xf32, #tpu.memory_space<vmem>>) target(%dma_start3A_32 : memref<10240x40xf32, #tpu.memory_space<vmem_shared>>) offsets(%dma_start3A_29 : memref<128xi32, #tpu.memory_space<vmem>>) semaphore(%run_scoped3A : memref<!tpu.dma_semaphore, #tpu.memory_space<semaphore_mem>>) {add = true}
        %dma_wait3A_33 = arith.constant 0 : i32
        %dma_wait3A_34 = tpu.memref_slice %arg9[%scan3A_16, %dma_wait3A_33] : memref<79x128xi32, #tpu.memory_space<vmem>> -> memref<1x128xi32, #tpu.memory_space<vmem>>
        %dma_wait3A_35 = tpu.memref_squeeze %dma_wait3A_34 : memref<1x128xi32, #tpu.memory_space<vmem>> -> memref<128xi32, #tpu.memory_space<vmem>>
        %dma_wait3A_36 = arith.constant 0 : i32
        %dma_wait3A_37 = arith.constant 0 : i32
        %dma_wait3A_38 = tpu.memref_slice %arg11[%dma_wait3A_36, %dma_wait3A_37] : memref<10240x40xf32, #tpu.memory_space<vmem_shared>> -> memref<10240x40xf32, #tpu.memory_space<vmem_shared>>
        tpu.wait_indirect_dma semaphore(%run_scoped3A : memref<!tpu.dma_semaphore, #tpu.memory_space<semaphore_mem>>) src(%arg10 : memref<128x40xf32, #tpu.memory_space<vmem>>) dst(%dma_wait3A_38 : memref<10240x40xf32, #tpu.memory_space<vmem_shared>>)
        tpu.yield
      }) : () -> ()
    }
    %scan3A_7 = arith.constant 79 : i32
    %barrier3A_8 = arith.constant 0 : index
    tpu.barrier barrier_id(%barrier3A_8)
    %eq3A = arith.constant 0 : i32
    %eq3A_9 = arith.cmpi eq, %arg0, %eq3A : i32
    %convert_element_type3A = arith.extui %eq3A_9 : i1 to i32
    %cond3A = arith.constant 0 : i32
    %cond3A_10 = arith.cmpi ne, %convert_element_type3A, %cond3A : i32
    scf.if %cond3A_10 {
      "tpu.region"() ({
        %run_scoped3A = tpu.sem_alloc : memref<!tpu.dma_semaphore, #tpu.memory_space<semaphore_mem>>
        %dma_start3A = arith.constant 0 : i32
        %dma_start3A_16 = tpu.memref_slice %arg6[%mul3A_2, %dma_start3A] : memref<10240x40xf32, #tpu.memory_space<hbm>> -> memref<640x40xf32, #tpu.memory_space<hbm>>
        %dma_start3A_17 = arith.constant 0 : i32
        %dma_start3A_18 = tpu.memref_slice %arg11[%mul3A_2, %dma_start3A_17] : memref<10240x40xf32, #tpu.memory_space<vmem_shared>> -> memref<640x40xf32, #tpu.memory_space<vmem_shared>>
        tpu.enqueue_dma source(%dma_start3A_18 : memref<640x40xf32, #tpu.memory_space<vmem_shared>>) target(%dma_start3A_16 : memref<640x40xf32, #tpu.memory_space<hbm>>) target_semaphore(%run_scoped3A : memref<!tpu.dma_semaphore, #tpu.memory_space<semaphore_mem>>)
        %dma_wait3A = arith.constant 0 : i32
        %dma_wait3A_19 = tpu.memref_slice %arg6[%mul3A_2, %dma_wait3A] : memref<10240x40xf32, #tpu.memory_space<hbm>> -> memref<640x40xf32, #tpu.memory_space<hbm>>
        %dma_wait3A_20 = arith.constant 0 : i32
        %dma_wait3A_21 = tpu.memref_slice %arg11[%mul3A_2, %dma_wait3A_20] : memref<10240x40xf32, #tpu.memory_space<vmem_shared>> -> memref<640x40xf32, #tpu.memory_space<vmem_shared>>
        tpu.wait_dma2 semaphore(%run_scoped3A : memref<!tpu.dma_semaphore, #tpu.memory_space<semaphore_mem>>) src(%dma_wait3A_21 : memref<640x40xf32, #tpu.memory_space<vmem_shared>>) dst(%dma_wait3A_19 : memref<640x40xf32, #tpu.memory_space<hbm>>)
        tpu.yield
      }) : () -> ()
    } else {
    }
    %eq3A_11 = arith.constant 1 : i32
    %eq3A_12 = arith.cmpi eq, %arg0, %eq3A_11 : i32
    %convert_element_type3A_13 = arith.extui %eq3A_12 : i1 to i32
    %cond3A_14 = arith.constant 0 : i32
    %cond3A_15 = arith.cmpi ne, %convert_element_type3A_13, %cond3A_14 : i32
    scf.if %cond3A_15 {
      "tpu.region"() ({
        %run_scoped3A = tpu.sem_alloc : memref<!tpu.dma_semaphore, #tpu.memory_space<semaphore_mem>>
        %dma_start3A = arith.constant 0 : i32
        %dma_start3A_16 = tpu.memref_slice %arg7[%mul3A_2, %dma_start3A] : memref<10240x40xf32, #tpu.memory_space<hbm>> -> memref<640x40xf32, #tpu.memory_space<hbm>>
        %dma_start3A_17 = arith.constant 0 : i32
        %dma_start3A_18 = tpu.memref_slice %arg11[%mul3A_2, %dma_start3A_17] : memref<10240x40xf32, #tpu.memory_space<vmem_shared>> -> memref<640x40xf32, #tpu.memory_space<vmem_shared>>
        tpu.enqueue_dma source(%dma_start3A_18 : memref<640x40xf32, #tpu.memory_space<vmem_shared>>) target(%dma_start3A_16 : memref<640x40xf32, #tpu.memory_space<hbm>>) target_semaphore(%run_scoped3A : memref<!tpu.dma_semaphore, #tpu.memory_space<semaphore_mem>>)
        %dma_wait3A = arith.constant 0 : i32
        %dma_wait3A_19 = tpu.memref_slice %arg7[%mul3A_2, %dma_wait3A] : memref<10240x40xf32, #tpu.memory_space<hbm>> -> memref<640x40xf32, #tpu.memory_space<hbm>>
        %dma_wait3A_20 = arith.constant 0 : i32
        %dma_wait3A_21 = tpu.memref_slice %arg11[%mul3A_2, %dma_wait3A_20] : memref<10240x40xf32, #tpu.memory_space<vmem_shared>> -> memref<640x40xf32, #tpu.memory_space<vmem_shared>>
        tpu.wait_dma2 semaphore(%run_scoped3A : memref<!tpu.dma_semaphore, #tpu.memory_space<semaphore_mem>>) src(%dma_wait3A_21 : memref<640x40xf32, #tpu.memory_space<vmem_shared>>) dst(%dma_wait3A_19 : memref<640x40xf32, #tpu.memory_space<hbm>>)
        tpu.yield
      }) : () -> ()
    } else {
    }
    return
  }
}

#map = affine_map<(d0, d1) -> (0, 0)>
#map1 = affine_map<(d0, d1) -> (0, 0, 0)>
module attributes {stable_mosaic.version = 14 : i64} {
  func.func @_sc_scatter(%arg0: i32, %arg1: i32, %arg2: memref<10240x40xf32, #tpu.memory_space<hbm>>, %arg3: memref<32x79x128xi32, #tpu.memory_space<hbm>>, %arg4: memref<32x79x128xi32, #tpu.memory_space<hbm>>, %arg5: memref<10240x40xf32, #tpu.memory_space<hbm>>, %arg6: memref<10240x40xf32, #tpu.memory_space<hbm>>, %arg7: memref<10240x40xf32, #tpu.memory_space<hbm>>, %arg8: memref<79x128xi32, #tpu.memory_space<vmem>>, %arg9: memref<79x128xi32, #tpu.memory_space<vmem>>, %arg10: memref<128x40xf32, #tpu.memory_space<vmem>>, %arg11: memref<10240x40xf32, #tpu.memory_space<vmem_shared>>, %arg12: memref<!tpu.dma_semaphore, #tpu.memory_space<semaphore_mem>>) attributes {dimension_semantics = [#tpu.dimension_semantics<core_parallel>, #tpu.dimension_semantics<subcore_parallel>], iteration_bounds = array<i64: 2, 16>, scalar_prefetch = 0 : i64, scratch_operands = 5 : i64, tpu.core_type = #tpu.core_type<sc_vector_subcore>, window_params = [{transform_indices = #map}, {transform_indices = #map1}, {transform_indices = #map1}, {transform_indices = #map}, {transform_indices = #map}, {transform_indices = #map}]} {
    %mul3A = arith.constant 2 : i32
    %mul3A_0 = arith.muli %arg1, %mul3A : i32
    %add3A = arith.addi %mul3A_0, %arg0 : i32
    %mul3A_1 = arith.constant 640 : i32
    %mul3A_2 = arith.muli %arg1, %mul3A_1 : i32
    "tpu.region"() ({
      %run_scoped3A = tpu.sem_alloc : memref<!tpu.dma_semaphore, #tpu.memory_space<semaphore_mem>>
      %dma_start3A = arith.constant 0 : i32
      %dma_start3A_16 = tpu.memref_slice %arg11[%mul3A_2, %dma_start3A] : memref<10240x40xf32, #tpu.memory_space<vmem_shared>> -> memref<640x40xf32, #tpu.memory_space<vmem_shared>>
      %dma_start3A_17 = arith.constant 0 : i32
      %dma_start3A_18 = tpu.memref_slice %arg5[%mul3A_2, %dma_start3A_17] : memref<10240x40xf32, #tpu.memory_space<hbm>> -> memref<640x40xf32, #tpu.memory_space<hbm>>
      tpu.enqueue_dma source(%dma_start3A_18 : memref<640x40xf32, #tpu.memory_space<hbm>>) target(%dma_start3A_16 : memref<640x40xf32, #tpu.memory_space<vmem_shared>>) target_semaphore(%run_scoped3A : memref<!tpu.dma_semaphore, #tpu.memory_space<semaphore_mem>>)
      %dma_wait3A = arith.constant 0 : i32
      %dma_wait3A_19 = tpu.memref_slice %arg11[%mul3A_2, %dma_wait3A] : memref<10240x40xf32, #tpu.memory_space<vmem_shared>> -> memref<640x40xf32, #tpu.memory_space<vmem_shared>>
      %dma_wait3A_20 = arith.constant 0 : i32
      %dma_wait3A_21 = tpu.memref_slice %arg5[%mul3A_2, %dma_wait3A_20] : memref<10240x40xf32, #tpu.memory_space<hbm>> -> memref<640x40xf32, #tpu.memory_space<hbm>>
      tpu.wait_dma2 semaphore(%run_scoped3A : memref<!tpu.dma_semaphore, #tpu.memory_space<semaphore_mem>>) src(%dma_wait3A_21 : memref<640x40xf32, #tpu.memory_space<hbm>>) dst(%dma_wait3A_19 : memref<640x40xf32, #tpu.memory_space<vmem_shared>>)
      tpu.yield
    }) : () -> ()
    "tpu.region"() ({
      %run_scoped3A = tpu.sem_alloc : memref<!tpu.dma_semaphore, #tpu.memory_space<semaphore_mem>>
      %dma_start3A = arith.constant 0 : i32
      %dma_start3A_16 = arith.constant 0 : i32
      %dma_start3A_17 = tpu.memref_slice %arg3[%add3A, %dma_start3A, %dma_start3A_16] : memref<32x79x128xi32, #tpu.memory_space<hbm>> -> memref<1x79x128xi32, #tpu.memory_space<hbm>>
      %dma_start3A_18 = tpu.memref_squeeze %dma_start3A_17 : memref<1x79x128xi32, #tpu.memory_space<hbm>> -> memref<79x128xi32, #tpu.memory_space<hbm>>
      %dma_start3A_19 = arith.constant 0 : i32
      %dma_start3A_20 = arith.constant 0 : i32
      %dma_start3A_21 = tpu.memref_slice %arg3[%add3A, %dma_start3A_19, %dma_start3A_20] : memref<32x79x128xi32, #tpu.memory_space<hbm>> -> memref<1x79x128xi32, #tpu.memory_space<hbm>>
      %dma_start3A_22 = tpu.memref_squeeze %dma_start3A_21 : memref<1x79x128xi32, #tpu.memory_space<hbm>> -> memref<79x128xi32, #tpu.memory_space<hbm>>
      tpu.enqueue_dma source(%dma_start3A_22 : memref<79x128xi32, #tpu.memory_space<hbm>>) target(%arg8 : memref<79x128xi32, #tpu.memory_space<vmem>>) target_semaphore(%run_scoped3A : memref<!tpu.dma_semaphore, #tpu.memory_space<semaphore_mem>>)
      %dma_wait3A = arith.constant 0 : i32
      %dma_wait3A_23 = arith.constant 0 : i32
      %dma_wait3A_24 = tpu.memref_slice %arg3[%add3A, %dma_wait3A, %dma_wait3A_23] : memref<32x79x128xi32, #tpu.memory_space<hbm>> -> memref<1x79x128xi32, #tpu.memory_space<hbm>>
      %dma_wait3A_25 = tpu.memref_squeeze %dma_wait3A_24 : memref<1x79x128xi32, #tpu.memory_space<hbm>> -> memref<79x128xi32, #tpu.memory_space<hbm>>
      %dma_wait3A_26 = arith.constant 0 : i32
      %dma_wait3A_27 = arith.constant 0 : i32
      %dma_wait3A_28 = tpu.memref_slice %arg3[%add3A, %dma_wait3A_26, %dma_wait3A_27] : memref<32x79x128xi32, #tpu.memory_space<hbm>> -> memref<1x79x128xi32, #tpu.memory_space<hbm>>
      %dma_wait3A_29 = tpu.memref_squeeze %dma_wait3A_28 : memref<1x79x128xi32, #tpu.memory_space<hbm>> -> memref<79x128xi32, #tpu.memory_space<hbm>>
      tpu.wait_dma2 semaphore(%run_scoped3A : memref<!tpu.dma_semaphore, #tpu.memory_space<semaphore_mem>>) src(%dma_wait3A_29 : memref<79x128xi32, #tpu.memory_space<hbm>>) dst(%arg8 : memref<79x128xi32, #tpu.memory_space<vmem>>)
      tpu.yield
    }) : () -> ()
    "tpu.region"() ({
      %run_scoped3A = tpu.sem_alloc : memref<!tpu.dma_semaphore, #tpu.memory_space<semaphore_mem>>
      %dma_start3A = arith.constant 0 : i32
      %dma_start3A_16 = arith.constant 0 : i32
      %dma_start3A_17 = tpu.memref_slice %arg4[%add3A, %dma_start3A, %dma_start3A_16] : memref<32x79x128xi32, #tpu.memory_space<hbm>> -> memref<1x79x128xi32, #tpu.memory_space<hbm>>
      %dma_start3A_18 = tpu.memref_squeeze %dma_start3A_17 : memref<1x79x128xi32, #tpu.memory_space<hbm>> -> memref<79x128xi32, #tpu.memory_space<hbm>>
      %dma_start3A_19 = arith.constant 0 : i32
      %dma_start3A_20 = arith.constant 0 : i32
      %dma_start3A_21 = tpu.memref_slice %arg4[%add3A, %dma_start3A_19, %dma_start3A_20] : memref<32x79x128xi32, #tpu.memory_space<hbm>> -> memref<1x79x128xi32, #tpu.memory_space<hbm>>
      %dma_start3A_22 = tpu.memref_squeeze %dma_start3A_21 : memref<1x79x128xi32, #tpu.memory_space<hbm>> -> memref<79x128xi32, #tpu.memory_space<hbm>>
      tpu.enqueue_dma source(%dma_start3A_22 : memref<79x128xi32, #tpu.memory_space<hbm>>) target(%arg9 : memref<79x128xi32, #tpu.memory_space<vmem>>) target_semaphore(%run_scoped3A : memref<!tpu.dma_semaphore, #tpu.memory_space<semaphore_mem>>)
      %dma_wait3A = arith.constant 0 : i32
      %dma_wait3A_23 = arith.constant 0 : i32
      %dma_wait3A_24 = tpu.memref_slice %arg4[%add3A, %dma_wait3A, %dma_wait3A_23] : memref<32x79x128xi32, #tpu.memory_space<hbm>> -> memref<1x79x128xi32, #tpu.memory_space<hbm>>
      %dma_wait3A_25 = tpu.memref_squeeze %dma_wait3A_24 : memref<1x79x128xi32, #tpu.memory_space<hbm>> -> memref<79x128xi32, #tpu.memory_space<hbm>>
      %dma_wait3A_26 = arith.constant 0 : i32
      %dma_wait3A_27 = arith.constant 0 : i32
      %dma_wait3A_28 = tpu.memref_slice %arg4[%add3A, %dma_wait3A_26, %dma_wait3A_27] : memref<32x79x128xi32, #tpu.memory_space<hbm>> -> memref<1x79x128xi32, #tpu.memory_space<hbm>>
      %dma_wait3A_29 = tpu.memref_squeeze %dma_wait3A_28 : memref<1x79x128xi32, #tpu.memory_space<hbm>> -> memref<79x128xi32, #tpu.memory_space<hbm>>
      tpu.wait_dma2 semaphore(%run_scoped3A : memref<!tpu.dma_semaphore, #tpu.memory_space<semaphore_mem>>) src(%dma_wait3A_29 : memref<79x128xi32, #tpu.memory_space<hbm>>) dst(%arg9 : memref<79x128xi32, #tpu.memory_space<vmem>>)
      tpu.yield
    }) : () -> ()
    %barrier3A = arith.constant 0 : index
    tpu.barrier barrier_id(%barrier3A)
    %scan3A = arith.constant 0 : i32
    %scan3A_3 = arith.constant 0 : i32
    %scan3A_4 = arith.constant 79 : i32
    %scan3A_5 = arith.addi %scan3A_3, %scan3A_4 : i32
    %scan3A_6 = arith.constant 1 : i32
    scf.for %scan3A_16 = %scan3A_3 to %scan3A_5 step %scan3A_6  : i32 {
      %dma_start3A = arith.constant 0 : i32
      %dma_start3A_17 = tpu.memref_slice %arg8[%scan3A_16, %dma_start3A] : memref<79x128xi32, #tpu.memory_space<vmem>> -> memref<1x128xi32, #tpu.memory_space<vmem>>
      %dma_start3A_18 = tpu.memref_squeeze %dma_start3A_17 : memref<1x128xi32, #tpu.memory_space<vmem>> -> memref<128xi32, #tpu.memory_space<vmem>>
      %dma_start3A_19 = arith.constant 0 : i32
      %dma_start3A_20 = arith.constant 0 : i32
      %dma_start3A_21 = tpu.memref_slice %arg2[%dma_start3A_19, %dma_start3A_20] : memref<10240x40xf32, #tpu.memory_space<hbm>> -> memref<10240x40xf32, #tpu.memory_space<hbm>>
      tpu.enqueue_indirect_dma source(%dma_start3A_21 : memref<10240x40xf32, #tpu.memory_space<hbm>>) target(%arg10 : memref<128x40xf32, #tpu.memory_space<vmem>>) offsets(%dma_start3A_18 : memref<128xi32, #tpu.memory_space<vmem>>) semaphore(%arg12 : memref<!tpu.dma_semaphore, #tpu.memory_space<semaphore_mem>>)
      %dma_wait3A = arith.constant 0 : i32
      %dma_wait3A_22 = tpu.memref_slice %arg8[%scan3A_16, %dma_wait3A] : memref<79x128xi32, #tpu.memory_space<vmem>> -> memref<1x128xi32, #tpu.memory_space<vmem>>
      %dma_wait3A_23 = tpu.memref_squeeze %dma_wait3A_22 : memref<1x128xi32, #tpu.memory_space<vmem>> -> memref<128xi32, #tpu.memory_space<vmem>>
      %dma_wait3A_24 = arith.constant 0 : i32
      %dma_wait3A_25 = arith.constant 0 : i32
      %dma_wait3A_26 = tpu.memref_slice %arg2[%dma_wait3A_24, %dma_wait3A_25] : memref<10240x40xf32, #tpu.memory_space<hbm>> -> memref<10240x40xf32, #tpu.memory_space<hbm>>
      tpu.wait_indirect_dma semaphore(%arg12 : memref<!tpu.dma_semaphore, #tpu.memory_space<semaphore_mem>>) src(%dma_wait3A_26 : memref<10240x40xf32, #tpu.memory_space<hbm>>) dst(%arg10 : memref<128x40xf32, #tpu.memory_space<vmem>>)
      "tpu.region"() ({
        %run_scoped3A = tpu.sem_alloc : memref<!tpu.dma_semaphore, #tpu.memory_space<semaphore_mem>>
        %dma_start3A_27 = arith.constant 0 : i32
        %dma_start3A_28 = tpu.memref_slice %arg9[%scan3A_16, %dma_start3A_27] : memref<79x128xi32, #tpu.memory_space<vmem>> -> memref<1x128xi32, #tpu.memory_space<vmem>>
        %dma_start3A_29 = tpu.memref_squeeze %dma_start3A_28 : memref<1x128xi32, #tpu.memory_space<vmem>> -> memref<128xi32, #tpu.memory_space<vmem>>
        %dma_start3A_30 = arith.constant 0 : i32
        %dma_start3A_31 = arith.constant 0 : i32
        %dma_start3A_32 = tpu.memref_slice %arg11[%dma_start3A_30, %dma_start3A_31] : memref<10240x40xf32, #tpu.memory_space<vmem_shared>> -> memref<10240x40xf32, #tpu.memory_space<vmem_shared>>
        tpu.enqueue_indirect_dma source(%arg10 : memref<128x40xf32, #tpu.memory_space<vmem>>) target(%dma_start3A_32 : memref<10240x40xf32, #tpu.memory_space<vmem_shared>>) offsets(%dma_start3A_29 : memref<128xi32, #tpu.memory_space<vmem>>) semaphore(%run_scoped3A : memref<!tpu.dma_semaphore, #tpu.memory_space<semaphore_mem>>) {add = true}
        %dma_wait3A_33 = arith.constant 0 : i32
        %dma_wait3A_34 = tpu.memref_slice %arg9[%scan3A_16, %dma_wait3A_33] : memref<79x128xi32, #tpu.memory_space<vmem>> -> memref<1x128xi32, #tpu.memory_space<vmem>>
        %dma_wait3A_35 = tpu.memref_squeeze %dma_wait3A_34 : memref<1x128xi32, #tpu.memory_space<vmem>> -> memref<128xi32, #tpu.memory_space<vmem>>
        %dma_wait3A_36 = arith.constant 0 : i32
        %dma_wait3A_37 = arith.constant 0 : i32
        %dma_wait3A_38 = tpu.memref_slice %arg11[%dma_wait3A_36, %dma_wait3A_37] : memref<10240x40xf32, #tpu.memory_space<vmem_shared>> -> memref<10240x40xf32, #tpu.memory_space<vmem_shared>>
        tpu.wait_indirect_dma semaphore(%run_scoped3A : memref<!tpu.dma_semaphore, #tpu.memory_space<semaphore_mem>>) src(%arg10 : memref<128x40xf32, #tpu.memory_space<vmem>>) dst(%dma_wait3A_38 : memref<10240x40xf32, #tpu.memory_space<vmem_shared>>)
        tpu.yield
      }) : () -> ()
    }
    %scan3A_7 = arith.constant 79 : i32
    %barrier3A_8 = arith.constant 0 : index
    tpu.barrier barrier_id(%barrier3A_8)
    %eq3A = arith.constant 0 : i32
    %eq3A_9 = arith.cmpi eq, %arg0, %eq3A : i32
    %convert_element_type3A = arith.extui %eq3A_9 : i1 to i32
    %cond3A = arith.constant 0 : i32
    %cond3A_10 = arith.cmpi ne, %convert_element_type3A, %cond3A : i32
    scf.if %cond3A_10 {
      "tpu.region"() ({
        %run_scoped3A = tpu.sem_alloc : memref<!tpu.dma_semaphore, #tpu.memory_space<semaphore_mem>>
        %dma_start3A = arith.constant 0 : i32
        %dma_start3A_16 = tpu.memref_slice %arg6[%mul3A_2, %dma_start3A] : memref<10240x40xf32, #tpu.memory_space<hbm>> -> memref<640x40xf32, #tpu.memory_space<hbm>>
        %dma_start3A_17 = arith.constant 0 : i32
        %dma_start3A_18 = tpu.memref_slice %arg11[%mul3A_2, %dma_start3A_17] : memref<10240x40xf32, #tpu.memory_space<vmem_shared>> -> memref<640x40xf32, #tpu.memory_space<vmem_shared>>
        tpu.enqueue_dma source(%dma_start3A_18 : memref<640x40xf32, #tpu.memory_space<vmem_shared>>) target(%dma_start3A_16 : memref<640x40xf32, #tpu.memory_space<hbm>>) target_semaphore(%run_scoped3A : memref<!tpu.dma_semaphore, #tpu.memory_space<semaphore_mem>>)
        %dma_wait3A = arith.constant 0 : i32
        %dma_wait3A_19 = tpu.memref_slice %arg6[%mul3A_2, %dma_wait3A] : memref<10240x40xf32, #tpu.memory_space<hbm>> -> memref<640x40xf32, #tpu.memory_space<hbm>>
        %dma_wait3A_20 = arith.constant 0 : i32
        %dma_wait3A_21 = tpu.memref_slice %arg11[%mul3A_2, %dma_wait3A_20] : memref<10240x40xf32, #tpu.memory_space<vmem_shared>> -> memref<640x40xf32, #tpu.memory_space<vmem_shared>>
        tpu.wait_dma2 semaphore(%run_scoped3A : memref<!tpu.dma_semaphore, #tpu.memory_space<semaphore_mem>>) src(%dma_wait3A_21 : memref<640x40xf32, #tpu.memory_space<vmem_shared>>) dst(%dma_wait3A_19 : memref<640x40xf32, #tpu.memory_space<hbm>>)
        tpu.yield
      }) : () -> ()
    } else {
    }
    %eq3A_11 = arith.constant 1 : i32
    %eq3A_12 = arith.cmpi eq, %arg0, %eq3A_11 : i32
    %convert_element_type3A_13 = arith.extui %eq3A_12 : i1 to i32
    %cond3A_14 = arith.constant 0 : i32
    %cond3A_15 = arith.cmpi ne, %convert_element_type3A_13, %cond3A_14 : i32
    scf.if %cond3A_15 {
      "tpu.region"() ({
        %run_scoped3A = tpu.sem_alloc : memref<!tpu.dma_semaphore, #tpu.memory_space<semaphore_mem>>
        %dma_start3A = arith.constant 0 : i32
        %dma_start3A_16 = tpu.memref_slice %arg7[%mul3A_2, %dma_start3A] : memref<10240x40xf32, #tpu.memory_space<hbm>> -> memref<640x40xf32, #tpu.memory_space<hbm>>
        %dma_start3A_17 = arith.constant 0 : i32
        %dma_start3A_18 = tpu.memref_slice %arg11[%mul3A_2, %dma_start3A_17] : memref<10240x40xf32, #tpu.memory_space<vmem_shared>> -> memref<640x40xf32, #tpu.memory_space<vmem_shared>>
        tpu.enqueue_dma source(%dma_start3A_18 : memref<640x40xf32, #tpu.memory_space<vmem_shared>>) target(%dma_start3A_16 : memref<640x40xf32, #tpu.memory_space<hbm>>) target_semaphore(%run_scoped3A : memref<!tpu.dma_semaphore, #tpu.memory_space<semaphore_mem>>)
        %dma_wait3A = arith.constant 0 : i32
        %dma_wait3A_19 = tpu.memref_slice %arg7[%mul3A_2, %dma_wait3A] : memref<10240x40xf32, #tpu.memory_space<hbm>> -> memref<640x40xf32, #tpu.memory_space<hbm>>
        %dma_wait3A_20 = arith.constant 0 : i32
        %dma_wait3A_21 = tpu.memref_slice %arg11[%mul3A_2, %dma_wait3A_20] : memref<10240x40xf32, #tpu.memory_space<vmem_shared>> -> memref<640x40xf32, #tpu.memory_space<vmem_shared>>
        tpu.wait_dma2 semaphore(%run_scoped3A : memref<!tpu.dma_semaphore, #tpu.memory_space<semaphore_mem>>) src(%dma_wait3A_21 : memref<640x40xf32, #tpu.memory_space<vmem_shared>>) dst(%dma_wait3A_19 : memref<640x40xf32, #tpu.memory_space<hbm>>)
        tpu.yield
      }) : () -> ()
    } else {
    }
    return
  }
}

#map = affine_map<(d0, d1) -> (0, 0)>
#map1 = affine_map<(d0, d1) -> (0, 0, 0)>
module attributes {stable_mosaic.version = 14 : i64} {
  func.func @_sc_scatter(%arg0: i32, %arg1: i32, %arg2: memref<10240x40xf32, #tpu.memory_space<hbm>>, %arg3: memref<32x79x128xi32, #tpu.memory_space<hbm>>, %arg4: memref<32x79x128xi32, #tpu.memory_space<hbm>>, %arg5: memref<10240x40xf32, #tpu.memory_space<hbm>>, %arg6: memref<10240x40xf32, #tpu.memory_space<hbm>>, %arg7: memref<10240x40xf32, #tpu.memory_space<hbm>>, %arg8: memref<79x128xi32, #tpu.memory_space<vmem>>, %arg9: memref<79x128xi32, #tpu.memory_space<vmem>>, %arg10: memref<128x40xf32, #tpu.memory_space<vmem>>, %arg11: memref<10240x40xf32, #tpu.memory_space<vmem_shared>>, %arg12: memref<!tpu.dma_semaphore, #tpu.memory_space<semaphore_mem>>) attributes {dimension_semantics = [#tpu.dimension_semantics<core_parallel>, #tpu.dimension_semantics<subcore_parallel>], iteration_bounds = array<i64: 2, 16>, scalar_prefetch = 0 : i64, scratch_operands = 5 : i64, tpu.core_type = #tpu.core_type<sc_vector_subcore>, window_params = [{transform_indices = #map}, {transform_indices = #map1}, {transform_indices = #map1}, {transform_indices = #map}, {transform_indices = #map}, {transform_indices = #map}]} {
    %mul3A = arith.constant 2 : i32
    %mul3A_0 = arith.muli %arg1, %mul3A : i32
    %add3A = arith.addi %mul3A_0, %arg0 : i32
    %mul3A_1 = arith.constant 640 : i32
    %mul3A_2 = arith.muli %arg1, %mul3A_1 : i32
    "tpu.region"() ({
      %run_scoped3A = tpu.sem_alloc : memref<!tpu.dma_semaphore, #tpu.memory_space<semaphore_mem>>
      %dma_start3A = arith.constant 0 : i32
      %dma_start3A_16 = tpu.memref_slice %arg11[%mul3A_2, %dma_start3A] : memref<10240x40xf32, #tpu.memory_space<vmem_shared>> -> memref<640x40xf32, #tpu.memory_space<vmem_shared>>
      %dma_start3A_17 = arith.constant 0 : i32
      %dma_start3A_18 = tpu.memref_slice %arg5[%mul3A_2, %dma_start3A_17] : memref<10240x40xf32, #tpu.memory_space<hbm>> -> memref<640x40xf32, #tpu.memory_space<hbm>>
      tpu.enqueue_dma source(%dma_start3A_18 : memref<640x40xf32, #tpu.memory_space<hbm>>) target(%dma_start3A_16 : memref<640x40xf32, #tpu.memory_space<vmem_shared>>) target_semaphore(%run_scoped3A : memref<!tpu.dma_semaphore, #tpu.memory_space<semaphore_mem>>)
      %dma_wait3A = arith.constant 0 : i32
      %dma_wait3A_19 = tpu.memref_slice %arg11[%mul3A_2, %dma_wait3A] : memref<10240x40xf32, #tpu.memory_space<vmem_shared>> -> memref<640x40xf32, #tpu.memory_space<vmem_shared>>
      %dma_wait3A_20 = arith.constant 0 : i32
      %dma_wait3A_21 = tpu.memref_slice %arg5[%mul3A_2, %dma_wait3A_20] : memref<10240x40xf32, #tpu.memory_space<hbm>> -> memref<640x40xf32, #tpu.memory_space<hbm>>
      tpu.wait_dma2 semaphore(%run_scoped3A : memref<!tpu.dma_semaphore, #tpu.memory_space<semaphore_mem>>) src(%dma_wait3A_21 : memref<640x40xf32, #tpu.memory_space<hbm>>) dst(%dma_wait3A_19 : memref<640x40xf32, #tpu.memory_space<vmem_shared>>)
      tpu.yield
    }) : () -> ()
    "tpu.region"() ({
      %run_scoped3A = tpu.sem_alloc : memref<!tpu.dma_semaphore, #tpu.memory_space<semaphore_mem>>
      %dma_start3A = arith.constant 0 : i32
      %dma_start3A_16 = arith.constant 0 : i32
      %dma_start3A_17 = tpu.memref_slice %arg3[%add3A, %dma_start3A, %dma_start3A_16] : memref<32x79x128xi32, #tpu.memory_space<hbm>> -> memref<1x79x128xi32, #tpu.memory_space<hbm>>
      %dma_start3A_18 = tpu.memref_squeeze %dma_start3A_17 : memref<1x79x128xi32, #tpu.memory_space<hbm>> -> memref<79x128xi32, #tpu.memory_space<hbm>>
      %dma_start3A_19 = arith.constant 0 : i32
      %dma_start3A_20 = arith.constant 0 : i32
      %dma_start3A_21 = tpu.memref_slice %arg3[%add3A, %dma_start3A_19, %dma_start3A_20] : memref<32x79x128xi32, #tpu.memory_space<hbm>> -> memref<1x79x128xi32, #tpu.memory_space<hbm>>
      %dma_start3A_22 = tpu.memref_squeeze %dma_start3A_21 : memref<1x79x128xi32, #tpu.memory_space<hbm>> -> memref<79x128xi32, #tpu.memory_space<hbm>>
      tpu.enqueue_dma source(%dma_start3A_22 : memref<79x128xi32, #tpu.memory_space<hbm>>) target(%arg8 : memref<79x128xi32, #tpu.memory_space<vmem>>) target_semaphore(%run_scoped3A : memref<!tpu.dma_semaphore, #tpu.memory_space<semaphore_mem>>)
      %dma_wait3A = arith.constant 0 : i32
      %dma_wait3A_23 = arith.constant 0 : i32
      %dma_wait3A_24 = tpu.memref_slice %arg3[%add3A, %dma_wait3A, %dma_wait3A_23] : memref<32x79x128xi32, #tpu.memory_space<hbm>> -> memref<1x79x128xi32, #tpu.memory_space<hbm>>
      %dma_wait3A_25 = tpu.memref_squeeze %dma_wait3A_24 : memref<1x79x128xi32, #tpu.memory_space<hbm>> -> memref<79x128xi32, #tpu.memory_space<hbm>>
      %dma_wait3A_26 = arith.constant 0 : i32
      %dma_wait3A_27 = arith.constant 0 : i32
      %dma_wait3A_28 = tpu.memref_slice %arg3[%add3A, %dma_wait3A_26, %dma_wait3A_27] : memref<32x79x128xi32, #tpu.memory_space<hbm>> -> memref<1x79x128xi32, #tpu.memory_space<hbm>>
      %dma_wait3A_29 = tpu.memref_squeeze %dma_wait3A_28 : memref<1x79x128xi32, #tpu.memory_space<hbm>> -> memref<79x128xi32, #tpu.memory_space<hbm>>
      tpu.wait_dma2 semaphore(%run_scoped3A : memref<!tpu.dma_semaphore, #tpu.memory_space<semaphore_mem>>) src(%dma_wait3A_29 : memref<79x128xi32, #tpu.memory_space<hbm>>) dst(%arg8 : memref<79x128xi32, #tpu.memory_space<vmem>>)
      tpu.yield
    }) : () -> ()
    "tpu.region"() ({
      %run_scoped3A = tpu.sem_alloc : memref<!tpu.dma_semaphore, #tpu.memory_space<semaphore_mem>>
      %dma_start3A = arith.constant 0 : i32
      %dma_start3A_16 = arith.constant 0 : i32
      %dma_start3A_17 = tpu.memref_slice %arg4[%add3A, %dma_start3A, %dma_start3A_16] : memref<32x79x128xi32, #tpu.memory_space<hbm>> -> memref<1x79x128xi32, #tpu.memory_space<hbm>>
      %dma_start3A_18 = tpu.memref_squeeze %dma_start3A_17 : memref<1x79x128xi32, #tpu.memory_space<hbm>> -> memref<79x128xi32, #tpu.memory_space<hbm>>
      %dma_start3A_19 = arith.constant 0 : i32
      %dma_start3A_20 = arith.constant 0 : i32
      %dma_start3A_21 = tpu.memref_slice %arg4[%add3A, %dma_start3A_19, %dma_start3A_20] : memref<32x79x128xi32, #tpu.memory_space<hbm>> -> memref<1x79x128xi32, #tpu.memory_space<hbm>>
      %dma_start3A_22 = tpu.memref_squeeze %dma_start3A_21 : memref<1x79x128xi32, #tpu.memory_space<hbm>> -> memref<79x128xi32, #tpu.memory_space<hbm>>
      tpu.enqueue_dma source(%dma_start3A_22 : memref<79x128xi32, #tpu.memory_space<hbm>>) target(%arg9 : memref<79x128xi32, #tpu.memory_space<vmem>>) target_semaphore(%run_scoped3A : memref<!tpu.dma_semaphore, #tpu.memory_space<semaphore_mem>>)
      %dma_wait3A = arith.constant 0 : i32
      %dma_wait3A_23 = arith.constant 0 : i32
      %dma_wait3A_24 = tpu.memref_slice %arg4[%add3A, %dma_wait3A, %dma_wait3A_23] : memref<32x79x128xi32, #tpu.memory_space<hbm>> -> memref<1x79x128xi32, #tpu.memory_space<hbm>>
      %dma_wait3A_25 = tpu.memref_squeeze %dma_wait3A_24 : memref<1x79x128xi32, #tpu.memory_space<hbm>> -> memref<79x128xi32, #tpu.memory_space<hbm>>
      %dma_wait3A_26 = arith.constant 0 : i32
      %dma_wait3A_27 = arith.constant 0 : i32
      %dma_wait3A_28 = tpu.memref_slice %arg4[%add3A, %dma_wait3A_26, %dma_wait3A_27] : memref<32x79x128xi32, #tpu.memory_space<hbm>> -> memref<1x79x128xi32, #tpu.memory_space<hbm>>
      %dma_wait3A_29 = tpu.memref_squeeze %dma_wait3A_28 : memref<1x79x128xi32, #tpu.memory_space<hbm>> -> memref<79x128xi32, #tpu.memory_space<hbm>>
      tpu.wait_dma2 semaphore(%run_scoped3A : memref<!tpu.dma_semaphore, #tpu.memory_space<semaphore_mem>>) src(%dma_wait3A_29 : memref<79x128xi32, #tpu.memory_space<hbm>>) dst(%arg9 : memref<79x128xi32, #tpu.memory_space<vmem>>)
      tpu.yield
    }) : () -> ()
    %barrier3A = arith.constant 0 : index
    tpu.barrier barrier_id(%barrier3A)
    %scan3A = arith.constant 0 : i32
    %scan3A_3 = arith.constant 0 : i32
    %scan3A_4 = arith.constant 79 : i32
    %scan3A_5 = arith.addi %scan3A_3, %scan3A_4 : i32
    %scan3A_6 = arith.constant 1 : i32
    scf.for %scan3A_16 = %scan3A_3 to %scan3A_5 step %scan3A_6  : i32 {
      %dma_start3A = arith.constant 0 : i32
      %dma_start3A_17 = tpu.memref_slice %arg8[%scan3A_16, %dma_start3A] : memref<79x128xi32, #tpu.memory_space<vmem>> -> memref<1x128xi32, #tpu.memory_space<vmem>>
      %dma_start3A_18 = tpu.memref_squeeze %dma_start3A_17 : memref<1x128xi32, #tpu.memory_space<vmem>> -> memref<128xi32, #tpu.memory_space<vmem>>
      %dma_start3A_19 = arith.constant 0 : i32
      %dma_start3A_20 = arith.constant 0 : i32
      %dma_start3A_21 = tpu.memref_slice %arg2[%dma_start3A_19, %dma_start3A_20] : memref<10240x40xf32, #tpu.memory_space<hbm>> -> memref<10240x40xf32, #tpu.memory_space<hbm>>
      tpu.enqueue_indirect_dma source(%dma_start3A_21 : memref<10240x40xf32, #tpu.memory_space<hbm>>) target(%arg10 : memref<128x40xf32, #tpu.memory_space<vmem>>) offsets(%dma_start3A_18 : memref<128xi32, #tpu.memory_space<vmem>>) semaphore(%arg12 : memref<!tpu.dma_semaphore, #tpu.memory_space<semaphore_mem>>)
      %dma_wait3A = arith.constant 0 : i32
      %dma_wait3A_22 = tpu.memref_slice %arg8[%scan3A_16, %dma_wait3A] : memref<79x128xi32, #tpu.memory_space<vmem>> -> memref<1x128xi32, #tpu.memory_space<vmem>>
      %dma_wait3A_23 = tpu.memref_squeeze %dma_wait3A_22 : memref<1x128xi32, #tpu.memory_space<vmem>> -> memref<128xi32, #tpu.memory_space<vmem>>
      %dma_wait3A_24 = arith.constant 0 : i32
      %dma_wait3A_25 = arith.constant 0 : i32
      %dma_wait3A_26 = tpu.memref_slice %arg2[%dma_wait3A_24, %dma_wait3A_25] : memref<10240x40xf32, #tpu.memory_space<hbm>> -> memref<10240x40xf32, #tpu.memory_space<hbm>>
      tpu.wait_indirect_dma semaphore(%arg12 : memref<!tpu.dma_semaphore, #tpu.memory_space<semaphore_mem>>) src(%dma_wait3A_26 : memref<10240x40xf32, #tpu.memory_space<hbm>>) dst(%arg10 : memref<128x40xf32, #tpu.memory_space<vmem>>)
      "tpu.region"() ({
        %run_scoped3A = tpu.sem_alloc : memref<!tpu.dma_semaphore, #tpu.memory_space<semaphore_mem>>
        %dma_start3A_27 = arith.constant 0 : i32
        %dma_start3A_28 = tpu.memref_slice %arg9[%scan3A_16, %dma_start3A_27] : memref<79x128xi32, #tpu.memory_space<vmem>> -> memref<1x128xi32, #tpu.memory_space<vmem>>
        %dma_start3A_29 = tpu.memref_squeeze %dma_start3A_28 : memref<1x128xi32, #tpu.memory_space<vmem>> -> memref<128xi32, #tpu.memory_space<vmem>>
        %dma_start3A_30 = arith.constant 0 : i32
        %dma_start3A_31 = arith.constant 0 : i32
        %dma_start3A_32 = tpu.memref_slice %arg11[%dma_start3A_30, %dma_start3A_31] : memref<10240x40xf32, #tpu.memory_space<vmem_shared>> -> memref<10240x40xf32, #tpu.memory_space<vmem_shared>>
        tpu.enqueue_indirect_dma source(%arg10 : memref<128x40xf32, #tpu.memory_space<vmem>>) target(%dma_start3A_32 : memref<10240x40xf32, #tpu.memory_space<vmem_shared>>) offsets(%dma_start3A_29 : memref<128xi32, #tpu.memory_space<vmem>>) semaphore(%run_scoped3A : memref<!tpu.dma_semaphore, #tpu.memory_space<semaphore_mem>>) {add = true}
        %dma_wait3A_33 = arith.constant 0 : i32
        %dma_wait3A_34 = tpu.memref_slice %arg9[%scan3A_16, %dma_wait3A_33] : memref<79x128xi32, #tpu.memory_space<vmem>> -> memref<1x128xi32, #tpu.memory_space<vmem>>
        %dma_wait3A_35 = tpu.memref_squeeze %dma_wait3A_34 : memref<1x128xi32, #tpu.memory_space<vmem>> -> memref<128xi32, #tpu.memory_space<vmem>>
        %dma_wait3A_36 = arith.constant 0 : i32
        %dma_wait3A_37 = arith.constant 0 : i32
        %dma_wait3A_38 = tpu.memref_slice %arg11[%dma_wait3A_36, %dma_wait3A_37] : memref<10240x40xf32, #tpu.memory_space<vmem_shared>> -> memref<10240x40xf32, #tpu.memory_space<vmem_shared>>
        tpu.wait_indirect_dma semaphore(%run_scoped3A : memref<!tpu.dma_semaphore, #tpu.memory_space<semaphore_mem>>) src(%arg10 : memref<128x40xf32, #tpu.memory_space<vmem>>) dst(%dma_wait3A_38 : memref<10240x40xf32, #tpu.memory_space<vmem_shared>>)
        tpu.yield
      }) : () -> ()
    }
    %scan3A_7 = arith.constant 79 : i32
    %barrier3A_8 = arith.constant 0 : index
    tpu.barrier barrier_id(%barrier3A_8)
    %eq3A = arith.constant 0 : i32
    %eq3A_9 = arith.cmpi eq, %arg0, %eq3A : i32
    %convert_element_type3A = arith.extui %eq3A_9 : i1 to i32
    %cond3A = arith.constant 0 : i32
    %cond3A_10 = arith.cmpi ne, %convert_element_type3A, %cond3A : i32
    scf.if %cond3A_10 {
      "tpu.region"() ({
        %run_scoped3A = tpu.sem_alloc : memref<!tpu.dma_semaphore, #tpu.memory_space<semaphore_mem>>
        %dma_start3A = arith.constant 0 : i32
        %dma_start3A_16 = tpu.memref_slice %arg6[%mul3A_2, %dma_start3A] : memref<10240x40xf32, #tpu.memory_space<hbm>> -> memref<640x40xf32, #tpu.memory_space<hbm>>
        %dma_start3A_17 = arith.constant 0 : i32
        %dma_start3A_18 = tpu.memref_slice %arg11[%mul3A_2, %dma_start3A_17] : memref<10240x40xf32, #tpu.memory_space<vmem_shared>> -> memref<640x40xf32, #tpu.memory_space<vmem_shared>>
        tpu.enqueue_dma source(%dma_start3A_18 : memref<640x40xf32, #tpu.memory_space<vmem_shared>>) target(%dma_start3A_16 : memref<640x40xf32, #tpu.memory_space<hbm>>) target_semaphore(%run_scoped3A : memref<!tpu.dma_semaphore, #tpu.memory_space<semaphore_mem>>)
        %dma_wait3A = arith.constant 0 : i32
        %dma_wait3A_19 = tpu.memref_slice %arg6[%mul3A_2, %dma_wait3A] : memref<10240x40xf32, #tpu.memory_space<hbm>> -> memref<640x40xf32, #tpu.memory_space<hbm>>
        %dma_wait3A_20 = arith.constant 0 : i32
        %dma_wait3A_21 = tpu.memref_slice %arg11[%mul3A_2, %dma_wait3A_20] : memref<10240x40xf32, #tpu.memory_space<vmem_shared>> -> memref<640x40xf32, #tpu.memory_space<vmem_shared>>
        tpu.wait_dma2 semaphore(%run_scoped3A : memref<!tpu.dma_semaphore, #tpu.memory_space<semaphore_mem>>) src(%dma_wait3A_21 : memref<640x40xf32, #tpu.memory_space<vmem_shared>>) dst(%dma_wait3A_19 : memref<640x40xf32, #tpu.memory_space<hbm>>)
        tpu.yield
      }) : () -> ()
    } else {
    }
    %eq3A_11 = arith.constant 1 : i32
    %eq3A_12 = arith.cmpi eq, %arg0, %eq3A_11 : i32
    %convert_element_type3A_13 = arith.extui %eq3A_12 : i1 to i32
    %cond3A_14 = arith.constant 0 : i32
    %cond3A_15 = arith.cmpi ne, %convert_element_type3A_13, %cond3A_14 : i32
    scf.if %cond3A_15 {
      "tpu.region"() ({
        %run_scoped3A = tpu.sem_alloc : memref<!tpu.dma_semaphore, #tpu.memory_space<semaphore_mem>>
        %dma_start3A = arith.constant 0 : i32
        %dma_start3A_16 = tpu.memref_slice %arg7[%mul3A_2, %dma_start3A] : memref<10240x40xf32, #tpu.memory_space<hbm>> -> memref<640x40xf32, #tpu.memory_space<hbm>>
        %dma_start3A_17 = arith.constant 0 : i32
        %dma_start3A_18 = tpu.memref_slice %arg11[%mul3A_2, %dma_start3A_17] : memref<10240x40xf32, #tpu.memory_space<vmem_shared>> -> memref<640x40xf32, #tpu.memory_space<vmem_shared>>
        tpu.enqueue_dma source(%dma_start3A_18 : memref<640x40xf32, #tpu.memory_space<vmem_shared>>) target(%dma_start3A_16 : memref<640x40xf32, #tpu.memory_space<hbm>>) target_semaphore(%run_scoped3A : memref<!tpu.dma_semaphore, #tpu.memory_space<semaphore_mem>>)
        %dma_wait3A = arith.constant 0 : i32
        %dma_wait3A_19 = tpu.memref_slice %arg7[%mul3A_2, %dma_wait3A] : memref<10240x40xf32, #tpu.memory_space<hbm>> -> memref<640x40xf32, #tpu.memory_space<hbm>>
        %dma_wait3A_20 = arith.constant 0 : i32
        %dma_wait3A_21 = tpu.memref_slice %arg11[%mul3A_2, %dma_wait3A_20] : memref<10240x40xf32, #tpu.memory_space<vmem_shared>> -> memref<640x40xf32, #tpu.memory_space<vmem_shared>>
        tpu.wait_dma2 semaphore(%run_scoped3A : memref<!tpu.dma_semaphore, #tpu.memory_space<semaphore_mem>>) src(%dma_wait3A_21 : memref<640x40xf32, #tpu.memory_space<vmem_shared>>) dst(%dma_wait3A_19 : memref<640x40xf32, #tpu.memory_space<hbm>>)
        tpu.yield
      }) : () -> ()
    } else {
    }
    return
  }
}

#map = affine_map<(d0, d1) -> (0, 0)>
#map1 = affine_map<(d0, d1) -> (0, 0, 0)>
module attributes {stable_mosaic.version = 14 : i64} {
  func.func @_sc_scatter(%arg0: i32, %arg1: i32, %arg2: memref<10240x40xf32, #tpu.memory_space<hbm>>, %arg3: memref<32x79x128xi32, #tpu.memory_space<hbm>>, %arg4: memref<32x79x128xi32, #tpu.memory_space<hbm>>, %arg5: memref<10240x40xf32, #tpu.memory_space<hbm>>, %arg6: memref<10240x40xf32, #tpu.memory_space<hbm>>, %arg7: memref<10240x40xf32, #tpu.memory_space<hbm>>, %arg8: memref<79x128xi32, #tpu.memory_space<vmem>>, %arg9: memref<79x128xi32, #tpu.memory_space<vmem>>, %arg10: memref<128x40xf32, #tpu.memory_space<vmem>>, %arg11: memref<10240x40xf32, #tpu.memory_space<vmem_shared>>, %arg12: memref<!tpu.dma_semaphore, #tpu.memory_space<semaphore_mem>>) attributes {dimension_semantics = [#tpu.dimension_semantics<core_parallel>, #tpu.dimension_semantics<subcore_parallel>], iteration_bounds = array<i64: 2, 16>, scalar_prefetch = 0 : i64, scratch_operands = 5 : i64, tpu.core_type = #tpu.core_type<sc_vector_subcore>, window_params = [{transform_indices = #map}, {transform_indices = #map1}, {transform_indices = #map1}, {transform_indices = #map}, {transform_indices = #map}, {transform_indices = #map}]} {
    %mul3A = arith.constant 2 : i32
    %mul3A_0 = arith.muli %arg1, %mul3A : i32
    %add3A = arith.addi %mul3A_0, %arg0 : i32
    %mul3A_1 = arith.constant 640 : i32
    %mul3A_2 = arith.muli %arg1, %mul3A_1 : i32
    "tpu.region"() ({
      %run_scoped3A = tpu.sem_alloc : memref<!tpu.dma_semaphore, #tpu.memory_space<semaphore_mem>>
      %dma_start3A = arith.constant 0 : i32
      %dma_start3A_16 = tpu.memref_slice %arg11[%mul3A_2, %dma_start3A] : memref<10240x40xf32, #tpu.memory_space<vmem_shared>> -> memref<640x40xf32, #tpu.memory_space<vmem_shared>>
      %dma_start3A_17 = arith.constant 0 : i32
      %dma_start3A_18 = tpu.memref_slice %arg5[%mul3A_2, %dma_start3A_17] : memref<10240x40xf32, #tpu.memory_space<hbm>> -> memref<640x40xf32, #tpu.memory_space<hbm>>
      tpu.enqueue_dma source(%dma_start3A_18 : memref<640x40xf32, #tpu.memory_space<hbm>>) target(%dma_start3A_16 : memref<640x40xf32, #tpu.memory_space<vmem_shared>>) target_semaphore(%run_scoped3A : memref<!tpu.dma_semaphore, #tpu.memory_space<semaphore_mem>>)
      %dma_wait3A = arith.constant 0 : i32
      %dma_wait3A_19 = tpu.memref_slice %arg11[%mul3A_2, %dma_wait3A] : memref<10240x40xf32, #tpu.memory_space<vmem_shared>> -> memref<640x40xf32, #tpu.memory_space<vmem_shared>>
      %dma_wait3A_20 = arith.constant 0 : i32
      %dma_wait3A_21 = tpu.memref_slice %arg5[%mul3A_2, %dma_wait3A_20] : memref<10240x40xf32, #tpu.memory_space<hbm>> -> memref<640x40xf32, #tpu.memory_space<hbm>>
      tpu.wait_dma2 semaphore(%run_scoped3A : memref<!tpu.dma_semaphore, #tpu.memory_space<semaphore_mem>>) src(%dma_wait3A_21 : memref<640x40xf32, #tpu.memory_space<hbm>>) dst(%dma_wait3A_19 : memref<640x40xf32, #tpu.memory_space<vmem_shared>>)
      tpu.yield
    }) : () -> ()
    "tpu.region"() ({
      %run_scoped3A = tpu.sem_alloc : memref<!tpu.dma_semaphore, #tpu.memory_space<semaphore_mem>>
      %dma_start3A = arith.constant 0 : i32
      %dma_start3A_16 = arith.constant 0 : i32
      %dma_start3A_17 = tpu.memref_slice %arg3[%add3A, %dma_start3A, %dma_start3A_16] : memref<32x79x128xi32, #tpu.memory_space<hbm>> -> memref<1x79x128xi32, #tpu.memory_space<hbm>>
      %dma_start3A_18 = tpu.memref_squeeze %dma_start3A_17 : memref<1x79x128xi32, #tpu.memory_space<hbm>> -> memref<79x128xi32, #tpu.memory_space<hbm>>
      %dma_start3A_19 = arith.constant 0 : i32
      %dma_start3A_20 = arith.constant 0 : i32
      %dma_start3A_21 = tpu.memref_slice %arg3[%add3A, %dma_start3A_19, %dma_start3A_20] : memref<32x79x128xi32, #tpu.memory_space<hbm>> -> memref<1x79x128xi32, #tpu.memory_space<hbm>>
      %dma_start3A_22 = tpu.memref_squeeze %dma_start3A_21 : memref<1x79x128xi32, #tpu.memory_space<hbm>> -> memref<79x128xi32, #tpu.memory_space<hbm>>
      tpu.enqueue_dma source(%dma_start3A_22 : memref<79x128xi32, #tpu.memory_space<hbm>>) target(%arg8 : memref<79x128xi32, #tpu.memory_space<vmem>>) target_semaphore(%run_scoped3A : memref<!tpu.dma_semaphore, #tpu.memory_space<semaphore_mem>>)
      %dma_wait3A = arith.constant 0 : i32
      %dma_wait3A_23 = arith.constant 0 : i32
      %dma_wait3A_24 = tpu.memref_slice %arg3[%add3A, %dma_wait3A, %dma_wait3A_23] : memref<32x79x128xi32, #tpu.memory_space<hbm>> -> memref<1x79x128xi32, #tpu.memory_space<hbm>>
      %dma_wait3A_25 = tpu.memref_squeeze %dma_wait3A_24 : memref<1x79x128xi32, #tpu.memory_space<hbm>> -> memref<79x128xi32, #tpu.memory_space<hbm>>
      %dma_wait3A_26 = arith.constant 0 : i32
      %dma_wait3A_27 = arith.constant 0 : i32
      %dma_wait3A_28 = tpu.memref_slice %arg3[%add3A, %dma_wait3A_26, %dma_wait3A_27] : memref<32x79x128xi32, #tpu.memory_space<hbm>> -> memref<1x79x128xi32, #tpu.memory_space<hbm>>
      %dma_wait3A_29 = tpu.memref_squeeze %dma_wait3A_28 : memref<1x79x128xi32, #tpu.memory_space<hbm>> -> memref<79x128xi32, #tpu.memory_space<hbm>>
      tpu.wait_dma2 semaphore(%run_scoped3A : memref<!tpu.dma_semaphore, #tpu.memory_space<semaphore_mem>>) src(%dma_wait3A_29 : memref<79x128xi32, #tpu.memory_space<hbm>>) dst(%arg8 : memref<79x128xi32, #tpu.memory_space<vmem>>)
      tpu.yield
    }) : () -> ()
    "tpu.region"() ({
      %run_scoped3A = tpu.sem_alloc : memref<!tpu.dma_semaphore, #tpu.memory_space<semaphore_mem>>
      %dma_start3A = arith.constant 0 : i32
      %dma_start3A_16 = arith.constant 0 : i32
      %dma_start3A_17 = tpu.memref_slice %arg4[%add3A, %dma_start3A, %dma_start3A_16] : memref<32x79x128xi32, #tpu.memory_space<hbm>> -> memref<1x79x128xi32, #tpu.memory_space<hbm>>
      %dma_start3A_18 = tpu.memref_squeeze %dma_start3A_17 : memref<1x79x128xi32, #tpu.memory_space<hbm>> -> memref<79x128xi32, #tpu.memory_space<hbm>>
      %dma_start3A_19 = arith.constant 0 : i32
      %dma_start3A_20 = arith.constant 0 : i32
      %dma_start3A_21 = tpu.memref_slice %arg4[%add3A, %dma_start3A_19, %dma_start3A_20] : memref<32x79x128xi32, #tpu.memory_space<hbm>> -> memref<1x79x128xi32, #tpu.memory_space<hbm>>
      %dma_start3A_22 = tpu.memref_squeeze %dma_start3A_21 : memref<1x79x128xi32, #tpu.memory_space<hbm>> -> memref<79x128xi32, #tpu.memory_space<hbm>>
      tpu.enqueue_dma source(%dma_start3A_22 : memref<79x128xi32, #tpu.memory_space<hbm>>) target(%arg9 : memref<79x128xi32, #tpu.memory_space<vmem>>) target_semaphore(%run_scoped3A : memref<!tpu.dma_semaphore, #tpu.memory_space<semaphore_mem>>)
      %dma_wait3A = arith.constant 0 : i32
      %dma_wait3A_23 = arith.constant 0 : i32
      %dma_wait3A_24 = tpu.memref_slice %arg4[%add3A, %dma_wait3A, %dma_wait3A_23] : memref<32x79x128xi32, #tpu.memory_space<hbm>> -> memref<1x79x128xi32, #tpu.memory_space<hbm>>
      %dma_wait3A_25 = tpu.memref_squeeze %dma_wait3A_24 : memref<1x79x128xi32, #tpu.memory_space<hbm>> -> memref<79x128xi32, #tpu.memory_space<hbm>>
      %dma_wait3A_26 = arith.constant 0 : i32
      %dma_wait3A_27 = arith.constant 0 : i32
      %dma_wait3A_28 = tpu.memref_slice %arg4[%add3A, %dma_wait3A_26, %dma_wait3A_27] : memref<32x79x128xi32, #tpu.memory_space<hbm>> -> memref<1x79x128xi32, #tpu.memory_space<hbm>>
      %dma_wait3A_29 = tpu.memref_squeeze %dma_wait3A_28 : memref<1x79x128xi32, #tpu.memory_space<hbm>> -> memref<79x128xi32, #tpu.memory_space<hbm>>
      tpu.wait_dma2 semaphore(%run_scoped3A : memref<!tpu.dma_semaphore, #tpu.memory_space<semaphore_mem>>) src(%dma_wait3A_29 : memref<79x128xi32, #tpu.memory_space<hbm>>) dst(%arg9 : memref<79x128xi32, #tpu.memory_space<vmem>>)
      tpu.yield
    }) : () -> ()
    %barrier3A = arith.constant 0 : index
    tpu.barrier barrier_id(%barrier3A)
    %scan3A = arith.constant 0 : i32
    %scan3A_3 = arith.constant 0 : i32
    %scan3A_4 = arith.constant 79 : i32
    %scan3A_5 = arith.addi %scan3A_3, %scan3A_4 : i32
    %scan3A_6 = arith.constant 1 : i32
    scf.for %scan3A_16 = %scan3A_3 to %scan3A_5 step %scan3A_6  : i32 {
      %dma_start3A = arith.constant 0 : i32
      %dma_start3A_17 = tpu.memref_slice %arg8[%scan3A_16, %dma_start3A] : memref<79x128xi32, #tpu.memory_space<vmem>> -> memref<1x128xi32, #tpu.memory_space<vmem>>
      %dma_start3A_18 = tpu.memref_squeeze %dma_start3A_17 : memref<1x128xi32, #tpu.memory_space<vmem>> -> memref<128xi32, #tpu.memory_space<vmem>>
      %dma_start3A_19 = arith.constant 0 : i32
      %dma_start3A_20 = arith.constant 0 : i32
      %dma_start3A_21 = tpu.memref_slice %arg2[%dma_start3A_19, %dma_start3A_20] : memref<10240x40xf32, #tpu.memory_space<hbm>> -> memref<10240x40xf32, #tpu.memory_space<hbm>>
      tpu.enqueue_indirect_dma source(%dma_start3A_21 : memref<10240x40xf32, #tpu.memory_space<hbm>>) target(%arg10 : memref<128x40xf32, #tpu.memory_space<vmem>>) offsets(%dma_start3A_18 : memref<128xi32, #tpu.memory_space<vmem>>) semaphore(%arg12 : memref<!tpu.dma_semaphore, #tpu.memory_space<semaphore_mem>>)
      %dma_wait3A = arith.constant 0 : i32
      %dma_wait3A_22 = tpu.memref_slice %arg8[%scan3A_16, %dma_wait3A] : memref<79x128xi32, #tpu.memory_space<vmem>> -> memref<1x128xi32, #tpu.memory_space<vmem>>
      %dma_wait3A_23 = tpu.memref_squeeze %dma_wait3A_22 : memref<1x128xi32, #tpu.memory_space<vmem>> -> memref<128xi32, #tpu.memory_space<vmem>>
      %dma_wait3A_24 = arith.constant 0 : i32
      %dma_wait3A_25 = arith.constant 0 : i32
      %dma_wait3A_26 = tpu.memref_slice %arg2[%dma_wait3A_24, %dma_wait3A_25] : memref<10240x40xf32, #tpu.memory_space<hbm>> -> memref<10240x40xf32, #tpu.memory_space<hbm>>
      tpu.wait_indirect_dma semaphore(%arg12 : memref<!tpu.dma_semaphore, #tpu.memory_space<semaphore_mem>>) src(%dma_wait3A_26 : memref<10240x40xf32, #tpu.memory_space<hbm>>) dst(%arg10 : memref<128x40xf32, #tpu.memory_space<vmem>>)
      "tpu.region"() ({
        %run_scoped3A = tpu.sem_alloc : memref<!tpu.dma_semaphore, #tpu.memory_space<semaphore_mem>>
        %dma_start3A_27 = arith.constant 0 : i32
        %dma_start3A_28 = tpu.memref_slice %arg9[%scan3A_16, %dma_start3A_27] : memref<79x128xi32, #tpu.memory_space<vmem>> -> memref<1x128xi32, #tpu.memory_space<vmem>>
        %dma_start3A_29 = tpu.memref_squeeze %dma_start3A_28 : memref<1x128xi32, #tpu.memory_space<vmem>> -> memref<128xi32, #tpu.memory_space<vmem>>
        %dma_start3A_30 = arith.constant 0 : i32
        %dma_start3A_31 = arith.constant 0 : i32
        %dma_start3A_32 = tpu.memref_slice %arg11[%dma_start3A_30, %dma_start3A_31] : memref<10240x40xf32, #tpu.memory_space<vmem_shared>> -> memref<10240x40xf32, #tpu.memory_space<vmem_shared>>
        tpu.enqueue_indirect_dma source(%arg10 : memref<128x40xf32, #tpu.memory_space<vmem>>) target(%dma_start3A_32 : memref<10240x40xf32, #tpu.memory_space<vmem_shared>>) offsets(%dma_start3A_29 : memref<128xi32, #tpu.memory_space<vmem>>) semaphore(%run_scoped3A : memref<!tpu.dma_semaphore, #tpu.memory_space<semaphore_mem>>) {add = true}
        %dma_wait3A_33 = arith.constant 0 : i32
        %dma_wait3A_34 = tpu.memref_slice %arg9[%scan3A_16, %dma_wait3A_33] : memref<79x128xi32, #tpu.memory_space<vmem>> -> memref<1x128xi32, #tpu.memory_space<vmem>>
        %dma_wait3A_35 = tpu.memref_squeeze %dma_wait3A_34 : memref<1x128xi32, #tpu.memory_space<vmem>> -> memref<128xi32, #tpu.memory_space<vmem>>
        %dma_wait3A_36 = arith.constant 0 : i32
        %dma_wait3A_37 = arith.constant 0 : i32
        %dma_wait3A_38 = tpu.memref_slice %arg11[%dma_wait3A_36, %dma_wait3A_37] : memref<10240x40xf32, #tpu.memory_space<vmem_shared>> -> memref<10240x40xf32, #tpu.memory_space<vmem_shared>>
        tpu.wait_indirect_dma semaphore(%run_scoped3A : memref<!tpu.dma_semaphore, #tpu.memory_space<semaphore_mem>>) src(%arg10 : memref<128x40xf32, #tpu.memory_space<vmem>>) dst(%dma_wait3A_38 : memref<10240x40xf32, #tpu.memory_space<vmem_shared>>)
        tpu.yield
      }) : () -> ()
    }
    %scan3A_7 = arith.constant 79 : i32
    %barrier3A_8 = arith.constant 0 : index
    tpu.barrier barrier_id(%barrier3A_8)
    %eq3A = arith.constant 0 : i32
    %eq3A_9 = arith.cmpi eq, %arg0, %eq3A : i32
    %convert_element_type3A = arith.extui %eq3A_9 : i1 to i32
    %cond3A = arith.constant 0 : i32
    %cond3A_10 = arith.cmpi ne, %convert_element_type3A, %cond3A : i32
    scf.if %cond3A_10 {
      "tpu.region"() ({
        %run_scoped3A = tpu.sem_alloc : memref<!tpu.dma_semaphore, #tpu.memory_space<semaphore_mem>>
        %dma_start3A = arith.constant 0 : i32
        %dma_start3A_16 = tpu.memref_slice %arg6[%mul3A_2, %dma_start3A] : memref<10240x40xf32, #tpu.memory_space<hbm>> -> memref<640x40xf32, #tpu.memory_space<hbm>>
        %dma_start3A_17 = arith.constant 0 : i32
        %dma_start3A_18 = tpu.memref_slice %arg11[%mul3A_2, %dma_start3A_17] : memref<10240x40xf32, #tpu.memory_space<vmem_shared>> -> memref<640x40xf32, #tpu.memory_space<vmem_shared>>
        tpu.enqueue_dma source(%dma_start3A_18 : memref<640x40xf32, #tpu.memory_space<vmem_shared>>) target(%dma_start3A_16 : memref<640x40xf32, #tpu.memory_space<hbm>>) target_semaphore(%run_scoped3A : memref<!tpu.dma_semaphore, #tpu.memory_space<semaphore_mem>>)
        %dma_wait3A = arith.constant 0 : i32
        %dma_wait3A_19 = tpu.memref_slice %arg6[%mul3A_2, %dma_wait3A] : memref<10240x40xf32, #tpu.memory_space<hbm>> -> memref<640x40xf32, #tpu.memory_space<hbm>>
        %dma_wait3A_20 = arith.constant 0 : i32
        %dma_wait3A_21 = tpu.memref_slice %arg11[%mul3A_2, %dma_wait3A_20] : memref<10240x40xf32, #tpu.memory_space<vmem_shared>> -> memref<640x40xf32, #tpu.memory_space<vmem_shared>>
        tpu.wait_dma2 semaphore(%run_scoped3A : memref<!tpu.dma_semaphore, #tpu.memory_space<semaphore_mem>>) src(%dma_wait3A_21 : memref<640x40xf32, #tpu.memory_space<vmem_shared>>) dst(%dma_wait3A_19 : memref<640x40xf32, #tpu.memory_space<hbm>>)
        tpu.yield
      }) : () -> ()
    } else {
    }
    %eq3A_11 = arith.constant 1 : i32
    %eq3A_12 = arith.cmpi eq, %arg0, %eq3A_11 : i32
    %convert_element_type3A_13 = arith.extui %eq3A_12 : i1 to i32
    %cond3A_14 = arith.constant 0 : i32
    %cond3A_15 = arith.cmpi ne, %convert_element_type3A_13, %cond3A_14 : i32
    scf.if %cond3A_15 {
      "tpu.region"() ({
        %run_scoped3A = tpu.sem_alloc : memref<!tpu.dma_semaphore, #tpu.memory_space<semaphore_mem>>
        %dma_start3A = arith.constant 0 : i32
        %dma_start3A_16 = tpu.memref_slice %arg7[%mul3A_2, %dma_start3A] : memref<10240x40xf32, #tpu.memory_space<hbm>> -> memref<640x40xf32, #tpu.memory_space<hbm>>
        %dma_start3A_17 = arith.constant 0 : i32
        %dma_start3A_18 = tpu.memref_slice %arg11[%mul3A_2, %dma_start3A_17] : memref<10240x40xf32, #tpu.memory_space<vmem_shared>> -> memref<640x40xf32, #tpu.memory_space<vmem_shared>>
        tpu.enqueue_dma source(%dma_start3A_18 : memref<640x40xf32, #tpu.memory_space<vmem_shared>>) target(%dma_start3A_16 : memref<640x40xf32, #tpu.memory_space<hbm>>) target_semaphore(%run_scoped3A : memref<!tpu.dma_semaphore, #tpu.memory_space<semaphore_mem>>)
        %dma_wait3A = arith.constant 0 : i32
        %dma_wait3A_19 = tpu.memref_slice %arg7[%mul3A_2, %dma_wait3A] : memref<10240x40xf32, #tpu.memory_space<hbm>> -> memref<640x40xf32, #tpu.memory_space<hbm>>
        %dma_wait3A_20 = arith.constant 0 : i32
        %dma_wait3A_21 = tpu.memref_slice %arg11[%mul3A_2, %dma_wait3A_20] : memref<10240x40xf32, #tpu.memory_space<vmem_shared>> -> memref<640x40xf32, #tpu.memory_space<vmem_shared>>
        tpu.wait_dma2 semaphore(%run_scoped3A : memref<!tpu.dma_semaphore, #tpu.memory_space<semaphore_mem>>) src(%dma_wait3A_21 : memref<640x40xf32, #tpu.memory_space<vmem_shared>>) dst(%dma_wait3A_19 : memref<640x40xf32, #tpu.memory_space<hbm>>)
        tpu.yield
      }) : () -> ()
    } else {
    }
    return
  }
}

#map = affine_map<(d0, d1) -> (0, 0)>
#map1 = affine_map<(d0, d1) -> (0, 0, 0)>
module attributes {stable_mosaic.version = 14 : i64} {
  func.func @_sc_scatter(%arg0: i32, %arg1: i32, %arg2: memref<10240x40xf32, #tpu.memory_space<hbm>>, %arg3: memref<32x79x128xi32, #tpu.memory_space<hbm>>, %arg4: memref<32x79x128xi32, #tpu.memory_space<hbm>>, %arg5: memref<10240x40xf32, #tpu.memory_space<hbm>>, %arg6: memref<10240x40xf32, #tpu.memory_space<hbm>>, %arg7: memref<10240x40xf32, #tpu.memory_space<hbm>>, %arg8: memref<79x128xi32, #tpu.memory_space<vmem>>, %arg9: memref<79x128xi32, #tpu.memory_space<vmem>>, %arg10: memref<128x40xf32, #tpu.memory_space<vmem>>, %arg11: memref<10240x40xf32, #tpu.memory_space<vmem_shared>>, %arg12: memref<!tpu.dma_semaphore, #tpu.memory_space<semaphore_mem>>) attributes {dimension_semantics = [#tpu.dimension_semantics<core_parallel>, #tpu.dimension_semantics<subcore_parallel>], iteration_bounds = array<i64: 2, 16>, scalar_prefetch = 0 : i64, scratch_operands = 5 : i64, tpu.core_type = #tpu.core_type<sc_vector_subcore>, window_params = [{transform_indices = #map}, {transform_indices = #map1}, {transform_indices = #map1}, {transform_indices = #map}, {transform_indices = #map}, {transform_indices = #map}]} {
    %mul3A = arith.constant 2 : i32
    %mul3A_0 = arith.muli %arg1, %mul3A : i32
    %add3A = arith.addi %mul3A_0, %arg0 : i32
    %mul3A_1 = arith.constant 640 : i32
    %mul3A_2 = arith.muli %arg1, %mul3A_1 : i32
    "tpu.region"() ({
      %run_scoped3A = tpu.sem_alloc : memref<!tpu.dma_semaphore, #tpu.memory_space<semaphore_mem>>
      %dma_start3A = arith.constant 0 : i32
      %dma_start3A_16 = tpu.memref_slice %arg11[%mul3A_2, %dma_start3A] : memref<10240x40xf32, #tpu.memory_space<vmem_shared>> -> memref<640x40xf32, #tpu.memory_space<vmem_shared>>
      %dma_start3A_17 = arith.constant 0 : i32
      %dma_start3A_18 = tpu.memref_slice %arg5[%mul3A_2, %dma_start3A_17] : memref<10240x40xf32, #tpu.memory_space<hbm>> -> memref<640x40xf32, #tpu.memory_space<hbm>>
      tpu.enqueue_dma source(%dma_start3A_18 : memref<640x40xf32, #tpu.memory_space<hbm>>) target(%dma_start3A_16 : memref<640x40xf32, #tpu.memory_space<vmem_shared>>) target_semaphore(%run_scoped3A : memref<!tpu.dma_semaphore, #tpu.memory_space<semaphore_mem>>)
      %dma_wait3A = arith.constant 0 : i32
      %dma_wait3A_19 = tpu.memref_slice %arg11[%mul3A_2, %dma_wait3A] : memref<10240x40xf32, #tpu.memory_space<vmem_shared>> -> memref<640x40xf32, #tpu.memory_space<vmem_shared>>
      %dma_wait3A_20 = arith.constant 0 : i32
      %dma_wait3A_21 = tpu.memref_slice %arg5[%mul3A_2, %dma_wait3A_20] : memref<10240x40xf32, #tpu.memory_space<hbm>> -> memref<640x40xf32, #tpu.memory_space<hbm>>
      tpu.wait_dma2 semaphore(%run_scoped3A : memref<!tpu.dma_semaphore, #tpu.memory_space<semaphore_mem>>) src(%dma_wait3A_21 : memref<640x40xf32, #tpu.memory_space<hbm>>) dst(%dma_wait3A_19 : memref<640x40xf32, #tpu.memory_space<vmem_shared>>)
      tpu.yield
    }) : () -> ()
    "tpu.region"() ({
      %run_scoped3A = tpu.sem_alloc : memref<!tpu.dma_semaphore, #tpu.memory_space<semaphore_mem>>
      %dma_start3A = arith.constant 0 : i32
      %dma_start3A_16 = arith.constant 0 : i32
      %dma_start3A_17 = tpu.memref_slice %arg3[%add3A, %dma_start3A, %dma_start3A_16] : memref<32x79x128xi32, #tpu.memory_space<hbm>> -> memref<1x79x128xi32, #tpu.memory_space<hbm>>
      %dma_start3A_18 = tpu.memref_squeeze %dma_start3A_17 : memref<1x79x128xi32, #tpu.memory_space<hbm>> -> memref<79x128xi32, #tpu.memory_space<hbm>>
      %dma_start3A_19 = arith.constant 0 : i32
      %dma_start3A_20 = arith.constant 0 : i32
      %dma_start3A_21 = tpu.memref_slice %arg3[%add3A, %dma_start3A_19, %dma_start3A_20] : memref<32x79x128xi32, #tpu.memory_space<hbm>> -> memref<1x79x128xi32, #tpu.memory_space<hbm>>
      %dma_start3A_22 = tpu.memref_squeeze %dma_start3A_21 : memref<1x79x128xi32, #tpu.memory_space<hbm>> -> memref<79x128xi32, #tpu.memory_space<hbm>>
      tpu.enqueue_dma source(%dma_start3A_22 : memref<79x128xi32, #tpu.memory_space<hbm>>) target(%arg8 : memref<79x128xi32, #tpu.memory_space<vmem>>) target_semaphore(%run_scoped3A : memref<!tpu.dma_semaphore, #tpu.memory_space<semaphore_mem>>)
      %dma_wait3A = arith.constant 0 : i32
      %dma_wait3A_23 = arith.constant 0 : i32
      %dma_wait3A_24 = tpu.memref_slice %arg3[%add3A, %dma_wait3A, %dma_wait3A_23] : memref<32x79x128xi32, #tpu.memory_space<hbm>> -> memref<1x79x128xi32, #tpu.memory_space<hbm>>
      %dma_wait3A_25 = tpu.memref_squeeze %dma_wait3A_24 : memref<1x79x128xi32, #tpu.memory_space<hbm>> -> memref<79x128xi32, #tpu.memory_space<hbm>>
      %dma_wait3A_26 = arith.constant 0 : i32
      %dma_wait3A_27 = arith.constant 0 : i32
      %dma_wait3A_28 = tpu.memref_slice %arg3[%add3A, %dma_wait3A_26, %dma_wait3A_27] : memref<32x79x128xi32, #tpu.memory_space<hbm>> -> memref<1x79x128xi32, #tpu.memory_space<hbm>>
      %dma_wait3A_29 = tpu.memref_squeeze %dma_wait3A_28 : memref<1x79x128xi32, #tpu.memory_space<hbm>> -> memref<79x128xi32, #tpu.memory_space<hbm>>
      tpu.wait_dma2 semaphore(%run_scoped3A : memref<!tpu.dma_semaphore, #tpu.memory_space<semaphore_mem>>) src(%dma_wait3A_29 : memref<79x128xi32, #tpu.memory_space<hbm>>) dst(%arg8 : memref<79x128xi32, #tpu.memory_space<vmem>>)
      tpu.yield
    }) : () -> ()
    "tpu.region"() ({
      %run_scoped3A = tpu.sem_alloc : memref<!tpu.dma_semaphore, #tpu.memory_space<semaphore_mem>>
      %dma_start3A = arith.constant 0 : i32
      %dma_start3A_16 = arith.constant 0 : i32
      %dma_start3A_17 = tpu.memref_slice %arg4[%add3A, %dma_start3A, %dma_start3A_16] : memref<32x79x128xi32, #tpu.memory_space<hbm>> -> memref<1x79x128xi32, #tpu.memory_space<hbm>>
      %dma_start3A_18 = tpu.memref_squeeze %dma_start3A_17 : memref<1x79x128xi32, #tpu.memory_space<hbm>> -> memref<79x128xi32, #tpu.memory_space<hbm>>
      %dma_start3A_19 = arith.constant 0 : i32
      %dma_start3A_20 = arith.constant 0 : i32
      %dma_start3A_21 = tpu.memref_slice %arg4[%add3A, %dma_start3A_19, %dma_start3A_20] : memref<32x79x128xi32, #tpu.memory_space<hbm>> -> memref<1x79x128xi32, #tpu.memory_space<hbm>>
      %dma_start3A_22 = tpu.memref_squeeze %dma_start3A_21 : memref<1x79x128xi32, #tpu.memory_space<hbm>> -> memref<79x128xi32, #tpu.memory_space<hbm>>
      tpu.enqueue_dma source(%dma_start3A_22 : memref<79x128xi32, #tpu.memory_space<hbm>>) target(%arg9 : memref<79x128xi32, #tpu.memory_space<vmem>>) target_semaphore(%run_scoped3A : memref<!tpu.dma_semaphore, #tpu.memory_space<semaphore_mem>>)
      %dma_wait3A = arith.constant 0 : i32
      %dma_wait3A_23 = arith.constant 0 : i32
      %dma_wait3A_24 = tpu.memref_slice %arg4[%add3A, %dma_wait3A, %dma_wait3A_23] : memref<32x79x128xi32, #tpu.memory_space<hbm>> -> memref<1x79x128xi32, #tpu.memory_space<hbm>>
      %dma_wait3A_25 = tpu.memref_squeeze %dma_wait3A_24 : memref<1x79x128xi32, #tpu.memory_space<hbm>> -> memref<79x128xi32, #tpu.memory_space<hbm>>
      %dma_wait3A_26 = arith.constant 0 : i32
      %dma_wait3A_27 = arith.constant 0 : i32
      %dma_wait3A_28 = tpu.memref_slice %arg4[%add3A, %dma_wait3A_26, %dma_wait3A_27] : memref<32x79x128xi32, #tpu.memory_space<hbm>> -> memref<1x79x128xi32, #tpu.memory_space<hbm>>
      %dma_wait3A_29 = tpu.memref_squeeze %dma_wait3A_28 : memref<1x79x128xi32, #tpu.memory_space<hbm>> -> memref<79x128xi32, #tpu.memory_space<hbm>>
      tpu.wait_dma2 semaphore(%run_scoped3A : memref<!tpu.dma_semaphore, #tpu.memory_space<semaphore_mem>>) src(%dma_wait3A_29 : memref<79x128xi32, #tpu.memory_space<hbm>>) dst(%arg9 : memref<79x128xi32, #tpu.memory_space<vmem>>)
      tpu.yield
    }) : () -> ()
    %barrier3A = arith.constant 0 : index
    tpu.barrier barrier_id(%barrier3A)
    %scan3A = arith.constant 0 : i32
    %scan3A_3 = arith.constant 0 : i32
    %scan3A_4 = arith.constant 79 : i32
    %scan3A_5 = arith.addi %scan3A_3, %scan3A_4 : i32
    %scan3A_6 = arith.constant 1 : i32
    scf.for %scan3A_16 = %scan3A_3 to %scan3A_5 step %scan3A_6  : i32 {
      %dma_start3A = arith.constant 0 : i32
      %dma_start3A_17 = tpu.memref_slice %arg8[%scan3A_16, %dma_start3A] : memref<79x128xi32, #tpu.memory_space<vmem>> -> memref<1x128xi32, #tpu.memory_space<vmem>>
      %dma_start3A_18 = tpu.memref_squeeze %dma_start3A_17 : memref<1x128xi32, #tpu.memory_space<vmem>> -> memref<128xi32, #tpu.memory_space<vmem>>
      %dma_start3A_19 = arith.constant 0 : i32
      %dma_start3A_20 = arith.constant 0 : i32
      %dma_start3A_21 = tpu.memref_slice %arg2[%dma_start3A_19, %dma_start3A_20] : memref<10240x40xf32, #tpu.memory_space<hbm>> -> memref<10240x40xf32, #tpu.memory_space<hbm>>
      tpu.enqueue_indirect_dma source(%dma_start3A_21 : memref<10240x40xf32, #tpu.memory_space<hbm>>) target(%arg10 : memref<128x40xf32, #tpu.memory_space<vmem>>) offsets(%dma_start3A_18 : memref<128xi32, #tpu.memory_space<vmem>>) semaphore(%arg12 : memref<!tpu.dma_semaphore, #tpu.memory_space<semaphore_mem>>)
      %dma_wait3A = arith.constant 0 : i32
      %dma_wait3A_22 = tpu.memref_slice %arg8[%scan3A_16, %dma_wait3A] : memref<79x128xi32, #tpu.memory_space<vmem>> -> memref<1x128xi32, #tpu.memory_space<vmem>>
      %dma_wait3A_23 = tpu.memref_squeeze %dma_wait3A_22 : memref<1x128xi32, #tpu.memory_space<vmem>> -> memref<128xi32, #tpu.memory_space<vmem>>
      %dma_wait3A_24 = arith.constant 0 : i32
      %dma_wait3A_25 = arith.constant 0 : i32
      %dma_wait3A_26 = tpu.memref_slice %arg2[%dma_wait3A_24, %dma_wait3A_25] : memref<10240x40xf32, #tpu.memory_space<hbm>> -> memref<10240x40xf32, #tpu.memory_space<hbm>>
      tpu.wait_indirect_dma semaphore(%arg12 : memref<!tpu.dma_semaphore, #tpu.memory_space<semaphore_mem>>) src(%dma_wait3A_26 : memref<10240x40xf32, #tpu.memory_space<hbm>>) dst(%arg10 : memref<128x40xf32, #tpu.memory_space<vmem>>)
      "tpu.region"() ({
        %run_scoped3A = tpu.sem_alloc : memref<!tpu.dma_semaphore, #tpu.memory_space<semaphore_mem>>
        %dma_start3A_27 = arith.constant 0 : i32
        %dma_start3A_28 = tpu.memref_slice %arg9[%scan3A_16, %dma_start3A_27] : memref<79x128xi32, #tpu.memory_space<vmem>> -> memref<1x128xi32, #tpu.memory_space<vmem>>
        %dma_start3A_29 = tpu.memref_squeeze %dma_start3A_28 : memref<1x128xi32, #tpu.memory_space<vmem>> -> memref<128xi32, #tpu.memory_space<vmem>>
        %dma_start3A_30 = arith.constant 0 : i32
        %dma_start3A_31 = arith.constant 0 : i32
        %dma_start3A_32 = tpu.memref_slice %arg11[%dma_start3A_30, %dma_start3A_31] : memref<10240x40xf32, #tpu.memory_space<vmem_shared>> -> memref<10240x40xf32, #tpu.memory_space<vmem_shared>>
        tpu.enqueue_indirect_dma source(%arg10 : memref<128x40xf32, #tpu.memory_space<vmem>>) target(%dma_start3A_32 : memref<10240x40xf32, #tpu.memory_space<vmem_shared>>) offsets(%dma_start3A_29 : memref<128xi32, #tpu.memory_space<vmem>>) semaphore(%run_scoped3A : memref<!tpu.dma_semaphore, #tpu.memory_space<semaphore_mem>>) {add = true}
        %dma_wait3A_33 = arith.constant 0 : i32
        %dma_wait3A_34 = tpu.memref_slice %arg9[%scan3A_16, %dma_wait3A_33] : memref<79x128xi32, #tpu.memory_space<vmem>> -> memref<1x128xi32, #tpu.memory_space<vmem>>
        %dma_wait3A_35 = tpu.memref_squeeze %dma_wait3A_34 : memref<1x128xi32, #tpu.memory_space<vmem>> -> memref<128xi32, #tpu.memory_space<vmem>>
        %dma_wait3A_36 = arith.constant 0 : i32
        %dma_wait3A_37 = arith.constant 0 : i32
        %dma_wait3A_38 = tpu.memref_slice %arg11[%dma_wait3A_36, %dma_wait3A_37] : memref<10240x40xf32, #tpu.memory_space<vmem_shared>> -> memref<10240x40xf32, #tpu.memory_space<vmem_shared>>
        tpu.wait_indirect_dma semaphore(%run_scoped3A : memref<!tpu.dma_semaphore, #tpu.memory_space<semaphore_mem>>) src(%arg10 : memref<128x40xf32, #tpu.memory_space<vmem>>) dst(%dma_wait3A_38 : memref<10240x40xf32, #tpu.memory_space<vmem_shared>>)
        tpu.yield
      }) : () -> ()
    }
    %scan3A_7 = arith.constant 79 : i32
    %barrier3A_8 = arith.constant 0 : index
    tpu.barrier barrier_id(%barrier3A_8)
    %eq3A = arith.constant 0 : i32
    %eq3A_9 = arith.cmpi eq, %arg0, %eq3A : i32
    %convert_element_type3A = arith.extui %eq3A_9 : i1 to i32
    %cond3A = arith.constant 0 : i32
    %cond3A_10 = arith.cmpi ne, %convert_element_type3A, %cond3A : i32
    scf.if %cond3A_10 {
      "tpu.region"() ({
        %run_scoped3A = tpu.sem_alloc : memref<!tpu.dma_semaphore, #tpu.memory_space<semaphore_mem>>
        %dma_start3A = arith.constant 0 : i32
        %dma_start3A_16 = tpu.memref_slice %arg6[%mul3A_2, %dma_start3A] : memref<10240x40xf32, #tpu.memory_space<hbm>> -> memref<640x40xf32, #tpu.memory_space<hbm>>
        %dma_start3A_17 = arith.constant 0 : i32
        %dma_start3A_18 = tpu.memref_slice %arg11[%mul3A_2, %dma_start3A_17] : memref<10240x40xf32, #tpu.memory_space<vmem_shared>> -> memref<640x40xf32, #tpu.memory_space<vmem_shared>>
        tpu.enqueue_dma source(%dma_start3A_18 : memref<640x40xf32, #tpu.memory_space<vmem_shared>>) target(%dma_start3A_16 : memref<640x40xf32, #tpu.memory_space<hbm>>) target_semaphore(%run_scoped3A : memref<!tpu.dma_semaphore, #tpu.memory_space<semaphore_mem>>)
        %dma_wait3A = arith.constant 0 : i32
        %dma_wait3A_19 = tpu.memref_slice %arg6[%mul3A_2, %dma_wait3A] : memref<10240x40xf32, #tpu.memory_space<hbm>> -> memref<640x40xf32, #tpu.memory_space<hbm>>
        %dma_wait3A_20 = arith.constant 0 : i32
        %dma_wait3A_21 = tpu.memref_slice %arg11[%mul3A_2, %dma_wait3A_20] : memref<10240x40xf32, #tpu.memory_space<vmem_shared>> -> memref<640x40xf32, #tpu.memory_space<vmem_shared>>
        tpu.wait_dma2 semaphore(%run_scoped3A : memref<!tpu.dma_semaphore, #tpu.memory_space<semaphore_mem>>) src(%dma_wait3A_21 : memref<640x40xf32, #tpu.memory_space<vmem_shared>>) dst(%dma_wait3A_19 : memref<640x40xf32, #tpu.memory_space<hbm>>)
        tpu.yield
      }) : () -> ()
    } else {
    }
    %eq3A_11 = arith.constant 1 : i32
    %eq3A_12 = arith.cmpi eq, %arg0, %eq3A_11 : i32
    %convert_element_type3A_13 = arith.extui %eq3A_12 : i1 to i32
    %cond3A_14 = arith.constant 0 : i32
    %cond3A_15 = arith.cmpi ne, %convert_element_type3A_13, %cond3A_14 : i32
    scf.if %cond3A_15 {
      "tpu.region"() ({
        %run_scoped3A = tpu.sem_alloc : memref<!tpu.dma_semaphore, #tpu.memory_space<semaphore_mem>>
        %dma_start3A = arith.constant 0 : i32
        %dma_start3A_16 = tpu.memref_slice %arg7[%mul3A_2, %dma_start3A] : memref<10240x40xf32, #tpu.memory_space<hbm>> -> memref<640x40xf32, #tpu.memory_space<hbm>>
        %dma_start3A_17 = arith.constant 0 : i32
        %dma_start3A_18 = tpu.memref_slice %arg11[%mul3A_2, %dma_start3A_17] : memref<10240x40xf32, #tpu.memory_space<vmem_shared>> -> memref<640x40xf32, #tpu.memory_space<vmem_shared>>
        tpu.enqueue_dma source(%dma_start3A_18 : memref<640x40xf32, #tpu.memory_space<vmem_shared>>) target(%dma_start3A_16 : memref<640x40xf32, #tpu.memory_space<hbm>>) target_semaphore(%run_scoped3A : memref<!tpu.dma_semaphore, #tpu.memory_space<semaphore_mem>>)
        %dma_wait3A = arith.constant 0 : i32
        %dma_wait3A_19 = tpu.memref_slice %arg7[%mul3A_2, %dma_wait3A] : memref<10240x40xf32, #tpu.memory_space<hbm>> -> memref<640x40xf32, #tpu.memory_space<hbm>>
        %dma_wait3A_20 = arith.constant 0 : i32
        %dma_wait3A_21 = tpu.memref_slice %arg11[%mul3A_2, %dma_wait3A_20] : memref<10240x40xf32, #tpu.memory_space<vmem_shared>> -> memref<640x40xf32, #tpu.memory_space<vmem_shared>>
        tpu.wait_dma2 semaphore(%run_scoped3A : memref<!tpu.dma_semaphore, #tpu.memory_space<semaphore_mem>>) src(%dma_wait3A_21 : memref<640x40xf32, #tpu.memory_space<vmem_shared>>) dst(%dma_wait3A_19 : memref<640x40xf32, #tpu.memory_space<hbm>>)
        tpu.yield
      }) : () -> ()
    } else {
    }
    return
  }
}

module attributes {stable_mosaic.version = 14 : i64} {
  func.func @_mlp_body(%arg0: i32, %arg1: memref<2048x128xf32, #tpu.memory_space<vmem>>, %arg2: memref<128x128xf32, #tpu.memory_space<vmem>>, %arg3: memref<128xf32, #tpu.memory_space<vmem>>, %arg4: memref<40x128xf32, #tpu.memory_space<vmem>>, %arg5: memref<40xf32, #tpu.memory_space<vmem>>, %arg6: memref<2048x40xf32, #tpu.memory_space<vmem>>) attributes {dimension_semantics = [#tpu.dimension_semantics<arbitrary>], iteration_bounds = array<i64: 5>, scalar_prefetch = 0 : i64, scratch_operands = 0 : i64, tpu.core_type = #tpu.core_type<tc>, window_params = [{transform_indices = @transform_0, window_bounds = array<i64: 2048, 128>}, {pipeline_mode = #tpu.pipeline_mode<synchronous>, transform_indices = @transform_1, window_bounds = array<i64: 128, 128>}, {pipeline_mode = #tpu.pipeline_mode<synchronous>, transform_indices = @transform_2, window_bounds = array<i64: 128>}, {pipeline_mode = #tpu.pipeline_mode<synchronous>, transform_indices = @transform_3, window_bounds = array<i64: 40, 128>}, {pipeline_mode = #tpu.pipeline_mode<synchronous>, transform_indices = @transform_4, window_bounds = array<i64: 40>}, {transform_indices = @transform_5, window_bounds = array<i64: 2048, 40>}]} {
    %get3A = arith.constant 0 : index
    %get3A_0 = arith.constant 0 : index
    %get3A_1 = vector.load %arg1[%get3A, %get3A_0] : memref<2048x128xf32, #tpu.memory_space<vmem>>, vector<2048x128xf32>
    %get3A_2 = arith.constant 0 : index
    %get3A_3 = arith.constant 0 : index
    %get3A_4 = vector.load %arg2[%get3A_2, %get3A_3] : memref<128x128xf32, #tpu.memory_space<vmem>>, vector<128x128xf32>
    %dot_general3A = arith.constant dense<0.000000e+00> : vector<2048x128xf32>
    %dot_general3A_5 = tpu.matmul %get3A_1, %get3A_4, %dot_general3A {dimension_numbers = #tpu.dot_dimension_numbers<[1], [1], [0], [0], [0, 0, 1, 0], [], []>, transpose_lhs_hint = false} : vector<2048x128xf32>, vector<128x128xf32>, vector<2048x128xf32> -> vector<2048x128xf32>
    %get3A_6 = arith.constant 0 : index
    %get3A_7 = vector.load %arg3[%get3A_6] : memref<128xf32, #tpu.memory_space<vmem>>, vector<128xf32>
    %broadcast_in_dim3A = vector.shape_cast %get3A_7 : vector<128xf32> to vector<1x128xf32>
    %add3A = vector.broadcast %broadcast_in_dim3A : vector<1x128xf32> to vector<2048x128xf32>
    %add3A_8 = arith.addf %dot_general3A_5, %add3A : vector<2048x128xf32>
    %max3A = arith.constant 0.000000e+00 : f32
    %max3A_9 = vector.broadcast %max3A : f32 to vector<2048x128xf32>
    %max3A_10 = arith.maximumf %add3A_8, %max3A_9 : vector<2048x128xf32>
    %get3A_11 = arith.constant 0 : index
    %get3A_12 = arith.constant 0 : index
    %get3A_13 = vector.load %arg4[%get3A_11, %get3A_12] : memref<40x128xf32, #tpu.memory_space<vmem>>, vector<40x128xf32>
    %dot_general3A_14 = arith.constant dense<0.000000e+00> : vector<2048x40xf32>
    %dot_general3A_15 = tpu.matmul %max3A_10, %get3A_13, %dot_general3A_14 {dimension_numbers = #tpu.dot_dimension_numbers<[1], [1], [0], [0], [0, 0, 1, 0], [], []>, transpose_lhs_hint = false} : vector<2048x128xf32>, vector<40x128xf32>, vector<2048x40xf32> -> vector<2048x40xf32>
    %get3A_16 = arith.constant 0 : index
    %get3A_17 = vector.load %arg5[%get3A_16] : memref<40xf32, #tpu.memory_space<vmem>>, vector<40xf32>
    %broadcast_in_dim3A_18 = vector.shape_cast %get3A_17 : vector<40xf32> to vector<1x40xf32>
    %add3A_19 = vector.broadcast %broadcast_in_dim3A_18 : vector<1x40xf32> to vector<2048x40xf32>
    %add3A_20 = arith.addf %dot_general3A_15, %add3A_19 : vector<2048x40xf32>
    %mul3A = arith.constant 2048 : i32
    %mul3A_21 = arith.muli %arg0, %mul3A : i32
    %iota3A = tpu.iota {dimensions = array<i32: 0>} : vector<2048x40xi32>
    %add3A_22 = vector.broadcast %mul3A_21 : i32 to vector<2048x40xi32>
    %add3A_23 = arith.addi %add3A_22, %iota3A : vector<2048x40xi32>
    %lt3A = arith.constant 10000 : i32
    %lt3A_24 = vector.broadcast %lt3A : i32 to vector<2048x40xi32>
    %lt3A_25 = arith.cmpi slt, %add3A_23, %lt3A_24 : vector<2048x40xi32>
    %jit3A = arith.constant 0.000000e+00 : f32
    %broadcast_in_dim3A_26 = vector.broadcast %jit3A : f32 to vector<2048x40xf32>
    %select_n3A = arith.select %lt3A_25, %add3A_20, %broadcast_in_dim3A_26 : vector<2048x40xi1>, vector<2048x40xf32>
    %swap3A = arith.constant 0 : index
    %swap3A_27 = arith.constant 0 : index
    %swap3A_28 = vector.load %arg6[%swap3A, %swap3A_27] : memref<2048x40xf32, #tpu.memory_space<vmem>>, vector<2048x40xf32>
    tpu.vector_store %arg6[%swap3A, %swap3A_27], %select_n3A {strides = array<i32>} : memref<2048x40xf32, #tpu.memory_space<vmem>>, vector<2048x40xf32>,
    return
  }
  func.func @transform_0(%arg0: i32) -> (i32, i32) {
    %c0_i32 = arith.constant 0 : i32
    %c0_i32_0 = arith.constant 0 : i32
    return %arg0, %c0_i32 : i32, i32
  }
  func.func @transform_1(%arg0: i32) -> (i32, i32) {
    %c0_i32 = arith.constant 0 : i32
    %c0_i32_0 = arith.constant 0 : i32
    %c0_i32_1 = arith.constant 0 : i32
    return %c0_i32, %c0_i32_0 : i32, i32
  }
  func.func @transform_2(%arg0: i32) -> i32 {
    %c0_i32 = arith.constant 0 : i32
    %c0_i32_0 = arith.constant 0 : i32
    return %c0_i32 : i32
  }
  func.func @transform_3(%arg0: i32) -> (i32, i32) {
    %c0_i32 = arith.constant 0 : i32
    %c0_i32_0 = arith.constant 0 : i32
    %c0_i32_1 = arith.constant 0 : i32
    return %c0_i32, %c0_i32_0 : i32, i32
  }
  func.func @transform_4(%arg0: i32) -> i32 {
    %c0_i32 = arith.constant 0 : i32
    %c0_i32_0 = arith.constant 0 : i32
    return %c0_i32 : i32
  }
  func.func @transform_5(%arg0: i32) -> (i32, i32) {
    %c0_i32 = arith.constant 0 : i32
    %c0_i32_0 = arith.constant 0 : i32
    return %arg0, %c0_i32 : i32, i32
  }
}

module attributes {stable_mosaic.version = 14 : i64} {
  func.func @_pre_body(%arg0: i32, %arg1: memref<2048x40xf32, #tpu.memory_space<vmem>>, %arg2: memref<2048x40xf32, #tpu.memory_space<vmem>>, %arg3: memref<2048x40xf32, #tpu.memory_space<vmem>>, %arg4: memref<2048x40xf32, #tpu.memory_space<vmem>>, %arg5: memref<2048x40xf32, #tpu.memory_space<vmem>>, %arg6: memref<2048x40xf32, #tpu.memory_space<vmem>>) attributes {dimension_semantics = [#tpu.dimension_semantics<arbitrary>], iteration_bounds = array<i64: 5>, scalar_prefetch = 0 : i64, scratch_operands = 0 : i64, tpu.core_type = #tpu.core_type<tc>, window_params = [{transform_indices = @transform_0, window_bounds = array<i64: 2048, 40>}, {transform_indices = @transform_1, window_bounds = array<i64: 2048, 40>}, {transform_indices = @transform_2, window_bounds = array<i64: 2048, 40>}, {transform_indices = @transform_3, window_bounds = array<i64: 2048, 40>}, {transform_indices = @transform_4, window_bounds = array<i64: 2048, 40>}, {transform_indices = @transform_5, window_bounds = array<i64: 2048, 40>}]} {
    %get3A = arith.constant 0 : index
    %get3A_0 = arith.constant 0 : index
    %get3A_1 = vector.load %arg1[%get3A, %get3A_0] : memref<2048x40xf32, #tpu.memory_space<vmem>>, vector<2048x1xf32>
    %get3A_2 = arith.constant 0 : index
    %get3A_3 = arith.constant 0 : index
    %get3A_4 = vector.load %arg2[%get3A_2, %get3A_3] : memref<2048x40xf32, #tpu.memory_space<vmem>>, vector<2048x1xf32>
    %add3A = arith.addf %get3A_1, %get3A_4 : vector<2048x1xf32>
    %add3A_5 = arith.constant 1.000000e+00 : f32
    %add3A_6 = vector.broadcast %add3A_5 : f32 to vector<2048x1xf32>
    %add3A_7 = arith.addf %add3A, %add3A_6 : vector<2048x1xf32>
    %rsqrt3A = math.rsqrt %add3A_7 : vector<2048x1xf32>
    %div3A = arith.constant 1.000000e+00 : f32
    %div3A_8 = vector.broadcast %div3A : f32 to vector<2048x1xf32>
    %div3A_9 = arith.divf %div3A_8, %add3A_7 : vector<2048x1xf32>
    %get3A_10 = arith.constant 0 : index
    %get3A_11 = arith.constant 0 : index
    %get3A_12 = vector.load %arg3[%get3A_10, %get3A_11] : memref<2048x40xf32, #tpu.memory_space<vmem>>, vector<2048x40xf32>
    %mul3A = vector.broadcast %rsqrt3A : vector<2048x1xf32> to vector<2048x40xf32>
    %mul3A_13 = arith.mulf %mul3A, %get3A_12 : vector<2048x40xf32>
    %swap3A = arith.constant 0 : index
    %swap3A_14 = arith.constant 0 : index
    %swap3A_15 = vector.load %arg4[%swap3A, %swap3A_14] : memref<2048x40xf32, #tpu.memory_space<vmem>>, vector<2048x40xf32>
    tpu.vector_store %arg4[%swap3A, %swap3A_14], %mul3A_13 {strides = array<i32>} : memref<2048x40xf32, #tpu.memory_space<vmem>>, vector<2048x40xf32>,
    %broadcast_in_dim3A = vector.shape_cast %rsqrt3A : vector<2048x1xf32> to vector<2048x1xf32>
    %broadcast_in_dim3A_16 = vector.broadcast %broadcast_in_dim3A : vector<2048x1xf32> to vector<2048x40xf32>
    %swap3A_17 = arith.constant 0 : index
    %swap3A_18 = arith.constant 0 : index
    %swap3A_19 = vector.load %arg5[%swap3A_17, %swap3A_18] : memref<2048x40xf32, #tpu.memory_space<vmem>>, vector<2048x40xf32>
    tpu.vector_store %arg5[%swap3A_17, %swap3A_18], %broadcast_in_dim3A_16 {strides = array<i32>} : memref<2048x40xf32, #tpu.memory_space<vmem>>, vector<2048x40xf32>,
    %broadcast_in_dim3A_20 = vector.shape_cast %div3A_9 : vector<2048x1xf32> to vector<2048x1xf32>
    %broadcast_in_dim3A_21 = vector.broadcast %broadcast_in_dim3A_20 : vector<2048x1xf32> to vector<2048x40xf32>
    %swap3A_22 = arith.constant 0 : index
    %swap3A_23 = arith.constant 0 : index
    %swap3A_24 = vector.load %arg6[%swap3A_22, %swap3A_23] : memref<2048x40xf32, #tpu.memory_space<vmem>>, vector<2048x40xf32>
    tpu.vector_store %arg6[%swap3A_22, %swap3A_23], %broadcast_in_dim3A_21 {strides = array<i32>} : memref<2048x40xf32, #tpu.memory_space<vmem>>, vector<2048x40xf32>,
    return
  }
  func.func @transform_0(%arg0: i32) -> (i32, i32) {
    %c0_i32 = arith.constant 0 : i32
    %c0_i32_0 = arith.constant 0 : i32
    return %arg0, %c0_i32 : i32, i32
  }
  func.func @transform_1(%arg0: i32) -> (i32, i32) {
    %c0_i32 = arith.constant 0 : i32
    %c0_i32_0 = arith.constant 0 : i32
    return %arg0, %c0_i32 : i32, i32
  }
  func.func @transform_2(%arg0: i32) -> (i32, i32) {
    %c0_i32 = arith.constant 0 : i32
    %c0_i32_0 = arith.constant 0 : i32
    return %arg0, %c0_i32 : i32, i32
  }
  func.func @transform_3(%arg0: i32) -> (i32, i32) {
    %c0_i32 = arith.constant 0 : i32
    %c0_i32_0 = arith.constant 0 : i32
    return %arg0, %c0_i32 : i32, i32
  }
  func.func @transform_4(%arg0: i32) -> (i32, i32) {
    %c0_i32 = arith.constant 0 : i32
    %c0_i32_0 = arith.constant 0 : i32
    return %arg0, %c0_i32 : i32, i32
  }
  func.func @transform_5(%arg0: i32) -> (i32, i32) {
    %c0_i32 = arith.constant 0 : i32
    %c0_i32_0 = arith.constant 0 : i32
    return %arg0, %c0_i32 : i32, i32
  }
}

module attributes {stable_mosaic.version = 14 : i64} {
  func.func @_combine_body(%arg0: i32, %arg1: memref<1xf32, #tpu.memory_space<smem>>, %arg2: memref<2048x40xf32, #tpu.memory_space<vmem>>, %arg3: memref<2048x40xf32, #tpu.memory_space<vmem>>, %arg4: memref<2048x40xf32, #tpu.memory_space<vmem>>, %arg5: memref<2048x40xf32, #tpu.memory_space<vmem>>, %arg6: memref<2048x40xf32, #tpu.memory_space<vmem>>, %arg7: memref<2048x40xf32, #tpu.memory_space<vmem>>, %arg8: memref<2048x40xf32, #tpu.memory_space<vmem>>) attributes {dimension_semantics = [#tpu.dimension_semantics<arbitrary>], iteration_bounds = array<i64: 5>, scalar_prefetch = 0 : i64, scratch_operands = 0 : i64, tpu.core_type = #tpu.core_type<tc>, window_params = [{transform_indices = @transform_0, window_bounds = array<i64: 1>}, {transform_indices = @transform_1, window_bounds = array<i64: 2048, 40>}, {transform_indices = @transform_2, window_bounds = array<i64: 2048, 40>}, {transform_indices = @transform_3, window_bounds = array<i64: 2048, 40>}, {transform_indices = @transform_4, window_bounds = array<i64: 2048, 40>}, {transform_indices = @transform_5, window_bounds = array<i64: 2048, 40>}, {transform_indices = @transform_6, window_bounds = array<i64: 2048, 40>}, {transform_indices = @transform_7, window_bounds = array<i64: 2048, 40>}]} {
    %get3A = arith.constant 0 : index
    %get3A_0 = arith.constant 0 : index
    %get3A_1 = vector.load %arg2[%get3A, %get3A_0] : memref<2048x40xf32, #tpu.memory_space<vmem>>, vector<2048x40xf32>
    %get3A_2 = arith.constant 0 : index
    %get3A_3 = arith.constant 0 : index
    %get3A_4 = vector.load %arg3[%get3A_2, %get3A_3] : memref<2048x40xf32, #tpu.memory_space<vmem>>, vector<2048x40xf32>
    %add3A = arith.addf %get3A_1, %get3A_4 : vector<2048x40xf32>
    %get3A_5 = arith.constant 0 : index
    %get3A_6 = arith.constant 0 : index
    %get3A_7 = vector.load %arg4[%get3A_5, %get3A_6] : memref<2048x40xf32, #tpu.memory_space<vmem>>, vector<2048x40xf32>
    %add3A_8 = arith.addf %add3A, %get3A_7 : vector<2048x40xf32>
    %get3A_9 = arith.constant 0 : index
    %get3A_10 = arith.constant 0 : index
    %get3A_11 = vector.load %arg5[%get3A_9, %get3A_10] : memref<2048x40xf32, #tpu.memory_space<vmem>>, vector<2048x40xf32>
    %get3A_12 = arith.constant 0 : index
    %get3A_13 = memref.load %arg1[%get3A_12] : memref<1xf32, #tpu.memory_space<smem>>
    %mul3A = vector.broadcast %get3A_13 : f32 to vector<2048x40xf32>
    %mul3A_14 = arith.mulf %mul3A, %add3A_8 : vector<2048x40xf32>
    %add3A_15 = arith.addf %get3A_11, %mul3A_14 : vector<2048x40xf32>
    %swap3A = arith.constant 0 : index
    %swap3A_16 = arith.constant 0 : index
    %swap3A_17 = vector.load %arg8[%swap3A, %swap3A_16] : memref<2048x40xf32, #tpu.memory_space<vmem>>, vector<2048x40xf32>
    tpu.vector_store %arg8[%swap3A, %swap3A_16], %add3A_15 {strides = array<i32>} : memref<2048x40xf32, #tpu.memory_space<vmem>>, vector<2048x40xf32>,
    %get3A_18 = arith.constant 0 : index
    %get3A_19 = arith.constant 0 : index
    %get3A_20 = vector.load %arg6[%get3A_18, %get3A_19] : memref<2048x40xf32, #tpu.memory_space<vmem>>, vector<2048x40xf32>
    %mul3A_21 = arith.mulf %get3A_20, %add3A_8 : vector<2048x40xf32>
    %swap3A_22 = arith.constant 0 : index
    %swap3A_23 = arith.constant 0 : index
    %swap3A_24 = vector.load %arg7[%swap3A_22, %swap3A_23] : memref<2048x40xf32, #tpu.memory_space<vmem>>, vector<2048x40xf32>
    tpu.vector_store %arg7[%swap3A_22, %swap3A_23], %mul3A_21 {strides = array<i32>} : memref<2048x40xf32, #tpu.memory_space<vmem>>, vector<2048x40xf32>,
    return
  }
  func.func @transform_0(%arg0: i32) -> i32 {
    %c0_i32 = arith.constant 0 : i32
    %c0_i32_0 = arith.constant 0 : i32
    return %c0_i32 : i32
  }
  func.func @transform_1(%arg0: i32) -> (i32, i32) {
    %c0_i32 = arith.constant 0 : i32
    %c0_i32_0 = arith.constant 0 : i32
    return %arg0, %c0_i32 : i32, i32
  }
  func.func @transform_2(%arg0: i32) -> (i32, i32) {
    %c0_i32 = arith.constant 0 : i32
    %c0_i32_0 = arith.constant 0 : i32
    return %arg0, %c0_i32 : i32, i32
  }
  func.func @transform_3(%arg0: i32) -> (i32, i32) {
    %c0_i32 = arith.constant 0 : i32
    %c0_i32_0 = arith.constant 0 : i32
    return %arg0, %c0_i32 : i32, i32
  }
  func.func @transform_4(%arg0: i32) -> (i32, i32) {
    %c0_i32 = arith.constant 0 : i32
    %c0_i32_0 = arith.constant 0 : i32
    return %arg0, %c0_i32 : i32, i32
  }
  func.func @transform_5(%arg0: i32) -> (i32, i32) {
    %c0_i32 = arith.constant 0 : i32
    %c0_i32_0 = arith.constant 0 : i32
    return %arg0, %c0_i32 : i32, i32
  }
  func.func @transform_6(%arg0: i32) -> (i32, i32) {
    %c0_i32 = arith.constant 0 : i32
    %c0_i32_0 = arith.constant 0 : i32
    return %arg0, %c0_i32 : i32, i32
  }
  func.func @transform_7(%arg0: i32) -> (i32, i32) {
    %c0_i32 = arith.constant 0 : i32
    %c0_i32_0 = arith.constant 0 : i32
    return %arg0, %c0_i32 : i32, i32
  }
}

module attributes {stable_mosaic.version = 14 : i64} {
  func.func @_combine_body(%arg0: i32, %arg1: memref<1xf32, #tpu.memory_space<smem>>, %arg2: memref<2048x40xf32, #tpu.memory_space<vmem>>, %arg3: memref<2048x40xf32, #tpu.memory_space<vmem>>, %arg4: memref<2048x40xf32, #tpu.memory_space<vmem>>, %arg5: memref<2048x40xf32, #tpu.memory_space<vmem>>, %arg6: memref<2048x40xf32, #tpu.memory_space<vmem>>, %arg7: memref<2048x40xf32, #tpu.memory_space<vmem>>, %arg8: memref<2048x40xf32, #tpu.memory_space<vmem>>) attributes {dimension_semantics = [#tpu.dimension_semantics<arbitrary>], iteration_bounds = array<i64: 5>, scalar_prefetch = 0 : i64, scratch_operands = 0 : i64, tpu.core_type = #tpu.core_type<tc>, window_params = [{transform_indices = @transform_0, window_bounds = array<i64: 1>}, {transform_indices = @transform_1, window_bounds = array<i64: 2048, 40>}, {transform_indices = @transform_2, window_bounds = array<i64: 2048, 40>}, {transform_indices = @transform_3, window_bounds = array<i64: 2048, 40>}, {transform_indices = @transform_4, window_bounds = array<i64: 2048, 40>}, {transform_indices = @transform_5, window_bounds = array<i64: 2048, 40>}, {transform_indices = @transform_6, window_bounds = array<i64: 2048, 40>}, {transform_indices = @transform_7, window_bounds = array<i64: 2048, 40>}]} {
    %get3A = arith.constant 0 : index
    %get3A_0 = arith.constant 0 : index
    %get3A_1 = vector.load %arg2[%get3A, %get3A_0] : memref<2048x40xf32, #tpu.memory_space<vmem>>, vector<2048x40xf32>
    %get3A_2 = arith.constant 0 : index
    %get3A_3 = arith.constant 0 : index
    %get3A_4 = vector.load %arg3[%get3A_2, %get3A_3] : memref<2048x40xf32, #tpu.memory_space<vmem>>, vector<2048x40xf32>
    %add3A = arith.addf %get3A_1, %get3A_4 : vector<2048x40xf32>
    %get3A_5 = arith.constant 0 : index
    %get3A_6 = arith.constant 0 : index
    %get3A_7 = vector.load %arg4[%get3A_5, %get3A_6] : memref<2048x40xf32, #tpu.memory_space<vmem>>, vector<2048x40xf32>
    %add3A_8 = arith.addf %add3A, %get3A_7 : vector<2048x40xf32>
    %get3A_9 = arith.constant 0 : index
    %get3A_10 = arith.constant 0 : index
    %get3A_11 = vector.load %arg5[%get3A_9, %get3A_10] : memref<2048x40xf32, #tpu.memory_space<vmem>>, vector<2048x40xf32>
    %get3A_12 = arith.constant 0 : index
    %get3A_13 = memref.load %arg1[%get3A_12] : memref<1xf32, #tpu.memory_space<smem>>
    %mul3A = vector.broadcast %get3A_13 : f32 to vector<2048x40xf32>
    %mul3A_14 = arith.mulf %mul3A, %add3A_8 : vector<2048x40xf32>
    %add3A_15 = arith.addf %get3A_11, %mul3A_14 : vector<2048x40xf32>
    %swap3A = arith.constant 0 : index
    %swap3A_16 = arith.constant 0 : index
    %swap3A_17 = vector.load %arg8[%swap3A, %swap3A_16] : memref<2048x40xf32, #tpu.memory_space<vmem>>, vector<2048x40xf32>
    tpu.vector_store %arg8[%swap3A, %swap3A_16], %add3A_15 {strides = array<i32>} : memref<2048x40xf32, #tpu.memory_space<vmem>>, vector<2048x40xf32>,
    %get3A_18 = arith.constant 0 : index
    %get3A_19 = arith.constant 0 : index
    %get3A_20 = vector.load %arg6[%get3A_18, %get3A_19] : memref<2048x40xf32, #tpu.memory_space<vmem>>, vector<2048x40xf32>
    %mul3A_21 = arith.mulf %get3A_20, %add3A_8 : vector<2048x40xf32>
    %swap3A_22 = arith.constant 0 : index
    %swap3A_23 = arith.constant 0 : index
    %swap3A_24 = vector.load %arg7[%swap3A_22, %swap3A_23] : memref<2048x40xf32, #tpu.memory_space<vmem>>, vector<2048x40xf32>
    tpu.vector_store %arg7[%swap3A_22, %swap3A_23], %mul3A_21 {strides = array<i32>} : memref<2048x40xf32, #tpu.memory_space<vmem>>, vector<2048x40xf32>,
    return
  }
  func.func @transform_0(%arg0: i32) -> i32 {
    %c0_i32 = arith.constant 0 : i32
    %c0_i32_0 = arith.constant 0 : i32
    return %c0_i32 : i32
  }
  func.func @transform_1(%arg0: i32) -> (i32, i32) {
    %c0_i32 = arith.constant 0 : i32
    %c0_i32_0 = arith.constant 0 : i32
    return %arg0, %c0_i32 : i32, i32
  }
  func.func @transform_2(%arg0: i32) -> (i32, i32) {
    %c0_i32 = arith.constant 0 : i32
    %c0_i32_0 = arith.constant 0 : i32
    return %arg0, %c0_i32 : i32, i32
  }
  func.func @transform_3(%arg0: i32) -> (i32, i32) {
    %c0_i32 = arith.constant 0 : i32
    %c0_i32_0 = arith.constant 0 : i32
    return %arg0, %c0_i32 : i32, i32
  }
  func.func @transform_4(%arg0: i32) -> (i32, i32) {
    %c0_i32 = arith.constant 0 : i32
    %c0_i32_0 = arith.constant 0 : i32
    return %arg0, %c0_i32 : i32, i32
  }
  func.func @transform_5(%arg0: i32) -> (i32, i32) {
    %c0_i32 = arith.constant 0 : i32
    %c0_i32_0 = arith.constant 0 : i32
    return %arg0, %c0_i32 : i32, i32
  }
  func.func @transform_6(%arg0: i32) -> (i32, i32) {
    %c0_i32 = arith.constant 0 : i32
    %c0_i32_0 = arith.constant 0 : i32
    return %arg0, %c0_i32 : i32, i32
  }
  func.func @transform_7(%arg0: i32) -> (i32, i32) {
    %c0_i32 = arith.constant 0 : i32
    %c0_i32_0 = arith.constant 0 : i32
    return %arg0, %c0_i32 : i32, i32
  }
}

module attributes {stable_mosaic.version = 14 : i64} {
  func.func @_final_body(%arg0: i32, %arg1: memref<1xf32, #tpu.memory_space<smem>>, %arg2: memref<2048x40xf32, #tpu.memory_space<vmem>>, %arg3: memref<2048x40xf32, #tpu.memory_space<vmem>>, %arg4: memref<2048x40xf32, #tpu.memory_space<vmem>>, %arg5: memref<2048x40xf32, #tpu.memory_space<vmem>>) attributes {dimension_semantics = [#tpu.dimension_semantics<arbitrary>], iteration_bounds = array<i64: 5>, scalar_prefetch = 0 : i64, scratch_operands = 0 : i64, tpu.core_type = #tpu.core_type<tc>, window_params = [{transform_indices = @transform_0, window_bounds = array<i64: 1>}, {transform_indices = @transform_1, window_bounds = array<i64: 2048, 40>}, {transform_indices = @transform_2, window_bounds = array<i64: 2048, 40>}, {transform_indices = @transform_3, window_bounds = array<i64: 2048, 40>}, {transform_indices = @transform_4, window_bounds = array<i64: 2048, 40>}]} {
    %get3A = arith.constant 0 : index
    %get3A_0 = memref.load %arg1[%get3A] : memref<1xf32, #tpu.memory_space<smem>>
    %get3A_1 = arith.constant 0 : index
    %get3A_2 = arith.constant 0 : index
    %get3A_3 = vector.load %arg2[%get3A_1, %get3A_2] : memref<2048x40xf32, #tpu.memory_space<vmem>>, vector<2048x40xf32>
    %mul3A = vector.broadcast %get3A_0 : f32 to vector<2048x40xf32>
    %mul3A_4 = arith.mulf %mul3A, %get3A_3 : vector<2048x40xf32>
    %get3A_5 = arith.constant 0 : index
    %get3A_6 = arith.constant 0 : index
    %get3A_7 = vector.load %arg3[%get3A_5, %get3A_6] : memref<2048x40xf32, #tpu.memory_space<vmem>>, vector<2048x40xf32>
    %get3A_8 = arith.constant 0 : index
    %get3A_9 = arith.constant 0 : index
    %get3A_10 = vector.load %arg4[%get3A_8, %get3A_9] : memref<2048x40xf32, #tpu.memory_space<vmem>>, vector<2048x40xf32>
    %mul3A_11 = arith.mulf %get3A_7, %get3A_10 : vector<2048x40xf32>
    %add3A = arith.addf %mul3A_4, %mul3A_11 : vector<2048x40xf32>
    %swap3A = arith.constant 0 : index
    %swap3A_12 = arith.constant 0 : index
    %swap3A_13 = vector.load %arg5[%swap3A, %swap3A_12] : memref<2048x40xf32, #tpu.memory_space<vmem>>, vector<2048x40xf32>
    tpu.vector_store %arg5[%swap3A, %swap3A_12], %add3A {strides = array<i32>} : memref<2048x40xf32, #tpu.memory_space<vmem>>, vector<2048x40xf32>,
    return
  }
  func.func @transform_0(%arg0: i32) -> i32 {
    %c0_i32 = arith.constant 0 : i32
    %c0_i32_0 = arith.constant 0 : i32
    return %c0_i32 : i32
  }
  func.func @transform_1(%arg0: i32) -> (i32, i32) {
    %c0_i32 = arith.constant 0 : i32
    %c0_i32_0 = arith.constant 0 : i32
    return %arg0, %c0_i32 : i32, i32
  }
  func.func @transform_2(%arg0: i32) -> (i32, i32) {
    %c0_i32 = arith.constant 0 : i32
    %c0_i32_0 = arith.constant 0 : i32
    return %arg0, %c0_i32 : i32, i32
  }
  func.func @transform_3(%arg0: i32) -> (i32, i32) {
    %c0_i32 = arith.constant 0 : i32
    %c0_i32_0 = arith.constant 0 : i32
    return %arg0, %c0_i32 : i32, i32
  }
  func.func @transform_4(%arg0: i32) -> (i32, i32) {
    %c0_i32 = arith.constant 0 : i32
    %c0_i32_0 = arith.constant 0 : i32
    return %arg0, %c0_i32 : i32, i32
  }
}

</mosaic_0001>

<sc_bundles>
// kernel: kernel.26.cloned.1.call-start
scs
__scs_entry_jumppad:
0x0: {  	(pc) =	sbr.rel $0x88, $3  }
0x1: {  	(tag) =	ssettag $0x0;
	lr =	simm.s32 $0x1  }
0x2: {  	[smem:$0x3F9A] =	sst lr;
	_ =	strace $0xD0000000  }
0x3: {  	_ = 	snop  }
0x4: {  	_ = 	snop  }
0x5: {  	_ = 	snop  }
0x6: {  	_ = 	snop  }
0x7: {  	_ = 	snop  }
__scs_overlays_trampoline_lowered:
0x8: {  	[smem:$0x3FA9] =	sst s0  }
0x9: {  	[smem:$0x3FAA] =	sst s1  }
0xa: {  	[smem:$0x3FAB] =	sst s2  }
0xb: {  	[smem:$0x3FAC] =	sst s3  }
0xc: {  	[smem:$0x3FAD] =	sst s4  }
0xd: {  	[smem:$0x3FAE] =	sst s5  }
0xe: {  	[smem:$0x3FAF] =	sst s6  }
0xf: {  	[smem:$0x3FB0] =	sst s7  }
0x10: {  	[smem:$0x3FB1] =	sst s8  }
0x11: {  	[smem:$0x3FB2] =	sst s9;
	s0 =	simm.s32 @!p0 $0x0  }
0x12: {  	s1 =	sld [smem:$0x3F98];
	s0 =	simm.s32 @p0 $0x1  }
0x13: {  	[smem:$0x3FB3] =	sst s0;
	s0 =	simm.s32 @!p1 $0x0  }
0x14: {  	s2 =	sld [smem:$0x3F97];
	s0 =	simm.s32 @p1 $0x1  }
0x15: {  	[smem:$0x3FB4] =	sst s0;
	s0 =	simm.s32 @!p2 $0x0  }
0x16: {  	s3 =	sld [smem:$0x3FDB];
	s0 =	simm.s32 @p2 $0x1  }
0x17: {  	s4 =	simm.s32 $0x1BF5;
	[smem:$0x3FB6] =	sst s0  }
0x18: {  	s0 =	sld [smem:$0x3F99];
	_ =	swait.ge [sflag:s4], $0x0  }
0x19: {  	s7 =	sld [smem:$0x3F9A]  }
0x1a: {  	s8 =	sadd.s32 $0xFFFFE003, lr  }
0x1b: {  	s9 =	sadd.s32 $0xFFFFFEF7, lr;
	s5 =	simm.s32 $0xFFFFFFFF;
	p2 =	slt.u32 s8, $0xFFFFF086  }
0x1c: {  	p1 =	slt.u32 s9, $0xF7A;
	s5 =	simm.s32 @!p2 $0x0  }
0x1d: {  	s5 =	simm.s32 @p1 $0x1;
	p0 =	seq.s32 s7, s2  }
0x1e: {  	s7 =	smul.u32 @!p0 $0xF7A, s2;
	p2 =	seq.s32 @!p0 s5, $0x0  }
0x1f: {  	s9 =	smul.u32 $0xF7A, s1;
	s8 =	simm.s32 @!p0 $0x1BF5;
	p2 =	por !p2, p0  }
0x20: {  	[sflag:s8] =	ssyncset.s32 @!p0 $0xFFFFF086;
	s6 =	sadd.s32 @!p0 s3, s7;
	s7 =	simm.s32 @!p0 $0x108  }
0x21: {  	s3 =	sadd.s32 s3, s9;
	s6 =	sadd.s32 @!p0 $0x88, s6;
	s7 =	simm.s32 @p2 $0x1082  }
0x22: {  	[simem:s7], [sflag:s8] =	dma.local @!p0 [hbm:s6], $0xF7A  }
0x23: {  	s9 =	sor.u32 $0xD0000000, s2;
	s6 =	simm.s32 $0x108;
	_ =	swait.ge @!p0 [sflag:s8], $0x0  }
0x24: {  	s3 =	sadd.s32 $0x88, s3;
	s6 =	simm.s32 @!p1 $0x1082;
	[sflag:s4] =	ssyncset.s32 $0xFFFFF086  }
0x25: {  	[simem:s6], [sflag:s4] =	dma.local [hbm:s3], $0xF7A  }
0x26: {  	[smem:$0x3F9A] =	sst s1;
	(tag) =	ssettag s2;
	_ =	strace s9  }
0x27: {  	s1 =	sld [smem:$0x3FAA]  }
0x28: {  	s2 =	sld [smem:$0x3FAB]  }
0x29: {  	s4 =	sld [smem:$0x3FAD]  }
0x2a: {  	p0 =	seq.s32 s5, $0x0;
	s5 =	sld [smem:$0x3FAE]  }
0x2b: {  	s6 =	sld [smem:$0x3FAF]  }
0x2c: {  	s7 =	sld [smem:$0x3FB0]  }
0x2d: {  	s3 =	simm.s32 $0x108;
	s8 =	sld [smem:$0x3FB1]  }
0x2e: {  	s3 =	simm.s32 @!p0 $0x1082;
	s9 =	sld [smem:$0x3FB2]  }
0x2f: {  	lr =	sadd.s32 s0, s3;
	s0 =	sld [smem:$0x3FA9]  }
0x30: {  	s3 =	sld [smem:$0x3FAC]  }
0x31: {  	[smem:$0x3FB5] =	sst s10  }
0x32: {  	s10 =	sld [smem:$0x3FB3];
	_ =	sdelay $0x3  }
0x33: {  	p0 =	seq.s32 s10, $0x1;
	s10 =	sld [smem:$0x3FB5];
	_ =	sdelay $0x3  }
0x34: {  	[smem:$0x3FB5] =	sst s10  }
0x35: {  	s10 =	sld [smem:$0x3FB4];
	_ =	sdelay $0x3  }
0x36: {  	p1 =	seq.s32 s10, $0x1;
	s10 =	sld [smem:$0x3FB5];
	_ =	sdelay $0x3  }
0x37: {  	[smem:$0x3FB5] =	sst s10  }
0x38: {  	s10 =	sld [smem:$0x3FB6]  }
0x39: {  	_ = 	snop;
	(pc) =	sbr.ind lr, $3  }
0x3a: {  	_ = 	snop  }
0x3b: {  	_ = 	snop  }
0x3c: {  	p2 =	seq.s32 s10, $0x1;
	s10 =	sld [smem:$0x3FB5]  }
0x3d: {  	_ =	shalt  }
0x3e: {  	_ =	shalt  }
0x3f: {  	_ =	shalt  }
0x40: {  	_ =	shalt  }
0x41: {  	_ =	shalt  }
0x42: {  	_ =	shalt  }
0x43: {  	_ =	shalt  }
0x44: {  	_ =	shalt  }
0x45: {  	_ =	shalt  }
0x46: {  	_ =	shalt  }
0x47: {  	_ =	shalt  }
0x48: {  	_ =	shalt  }
0x49: {  	_ =	shalt  }
0x4a: {  	_ =	shalt  }
0x4b: {  	_ =	shalt  }
0x4c: {  	_ =	shalt  }
0x4d: {  	_ =	shalt  }
0x4e: {  	_ =	shalt  }
0x4f: {  	_ =	shalt  }
0x50: {  	_ =	shalt  }
0x51: {  	_ =	shalt  }
0x52: {  	_ =	shalt  }
0x53: {  	_ =	shalt  }
0x54: {  	_ =	shalt  }
0x55: {  	_ =	shalt  }
0x56: {  	_ =	shalt  }
0x57: {  	_ =	shalt  }
0x58: {  	_ =	shalt  }
0x59: {  	_ =	shalt  }
0x5a: {  	_ =	shalt  }
0x5b: {  	_ =	shalt  }
0x5c: {  	_ =	shalt  }
0x5d: {  	_ =	shalt  }
0x5e: {  	_ =	shalt  }
0x5f: {  	_ =	shalt  }
0x60: {  	_ =	shalt  }
0x61: {  	_ =	shalt  }
0x62: {  	_ =	shalt  }
0x63: {  	_ =	shalt  }
0x64: {  	_ =	shalt  }
0x65: {  	_ =	shalt  }
0x66: {  	_ =	shalt  }
0x67: {  	_ =	shalt  }
0x68: {  	_ =	shalt  }
0x69: {  	_ =	shalt  }
0x6a: {  	_ =	shalt  }
0x6b: {  	_ =	shalt  }
0x6c: {  	_ =	shalt  }
0x6d: {  	_ =	shalt  }
0x6e: {  	_ =	shalt  }
0x6f: {  	_ =	shalt  }
0x70: {  	_ =	shalt  }
0x71: {  	_ =	shalt  }
0x72: {  	_ =	shalt  }
0x73: {  	_ =	shalt  }
0x74: {  	_ =	shalt  }
0x75: {  	_ =	shalt  }
0x76: {  	_ =	shalt  }
0x77: {  	_ =	shalt  }
0x78: {  	_ =	shalt  }
0x79: {  	_ =	shalt  }
0x7a: {  	_ =	shalt  }
0x7b: {  	_ =	shalt  }
0x7c: {  	_ =	shalt  }
0x7d: {  	_ =	shalt  }
0x7e: {  	_ =	shalt  }
0x7f: {  	_ =	shalt  }
0x80: {  	_ =	shalt  }
0x81: {  	_ =	shalt  }
0x82: {  	_ =	shalt  }
0x83: {  	_ =	shalt  }
0x84: {  	_ =	shalt  }
0x85: {  	_ =	shalt  }
0x86: {  	_ =	shalt  }
0x87: {  	_ =	shalt  }
.Lfunc_end0:
.L_simem_size_0:
called_computation_lowered:
.L_overlay_start_0:
0x88: {  	s2 =	sld [smem:$0x3FD9]  }
0x89: {  	s3 =	sld [smem:$0x3FFE];
	_ =	sdelay $0x1  }
0x8a: {  	s1 =	srdreg.scid  }
0x8b: {  	s0 =	sand.u32 $0x1, s1  }
0x8c: {  	s17 =	sshll.u32 s0, $0xA;
	s2 =	sadd.s32 s3, s2  }
0x8d: {  	s2 =	sadd.s32 s2, s17  }
0x8e: {  	[smem:$0x3FC1] =	sst s2  }
0x8f: {  	_ = 	snop  }
0x90: {  	s2 =	sld [smem:$0x3FD0];
	(tm) =	ssettm $0x1  }
0x91: {  	s18 =	sld [smem:$0x3FFB];
	_ =	sdelay $0x3  }
0x92: {  	_ =	strace s18  }
0x93: {  	s3 =	sld [smem:$0x3FFC];
	_ =	sdelay $0x3  }
0x94: {  	_ =	strace s3  }
0x95: {  	s3 =	sld [smem:$0x3FFD];
	_ =	sdelay $0x3  }
0x96: {  	_ =	strace s3  }
0x97: {  	_ =	strace $0x8FFFFFFF  }
0x98: {  	s19 =	sld [smem:$0x3FDB];
	_ =	sdelay $0x1  }
0x99: {  	s4 =	simm.s32 $_scs_section_size  }
0x9a: {  	s5 =	simm.s32 $_size__tile_overlayer_lowered;
	s6 =	simm.s32 $_tile_overlayer_lowered  }
0x9b: {  	s22 =	simm.s32 $0x1BFF;
	s21 =	sshll.u32 s6, $0x1;
	s3 =	sadd.s32 s4, s19  }
0x9c: {  	s7 =	simm.s32 $0x0;
	s20 =	sshll.u32 s5, $0x1;
	s5 =	sadd.s32 s21, s3  }
0x9d: {  	[timem:s7], [sflag:s22] =	dma.local [hbm:s5], s20  }
0x9e: {  	_ =	swait.ge [sflag:s22], s20  }
0x9f: {  	s4 =	ssub.s32 $0x0, s20;
	[sflag:s22] =	ssyncset.done $0x0  }
0xa0: {  	[sflag:s22] =	ssyncadd.s32 s4;
	_ =	sdelay $0x1  }
0xa1: {  	s23 =	simm.s32 $0x1B8B  }
0xa2: {  	_ =	swait.ge [sflag:s23], $0x1  }
0xa3: {  	[sflag:s23] =	ssyncset.done $0x0  }
0xa4: {  	s25 =	simm.s32 $0x1B8E;
	s24 =	sld [smem:$0x3FFE];
	[sflag:s23] =	ssyncadd.s32 $0xFFFFFFFF  }
0xa5: {  	s26 =	simm.s32 $execute0_lowered;
	[smem:$0x3FD2] =	sst s25  }
0xa6: {  	s5 =	sshll.u32 s26, $0x1;
	_ =	strace $0x80000046;
	[dreg:$0x1] =	wrdreg $0xFFFFFFFF  }
0xa7: {  	s28 =	simm.s32 $_size_execute0_lowered;
	s3 =	sadd.s32 s3, s5;
	[dreg:$0x0] =	wrdreg $0x0  }
0xa8: {  	s5 =	sshll.u32 s28, $0x1;
	[dreg:$0x2] =	wrdreg s3  }
0xa9: {  	[dreg:$0x3] =	wrdreg s5  }
0xaa: {  	[dreg:$0x4] =	wrdreg $0xC0  }
0xab: {  	_ =	task [dreg:s7], $0x5FFFF  }
0xac: {  	[dreg:$0x1] =	wrdreg $0xFFFFFFFF  }
0xad: {  	[dreg:$0x0] =	wrdreg $0x60  }
0xae: {  	[dreg:$0x2] =	wrdreg s24  }
0xaf: {  	[dreg:$0x3] =	wrdreg s2  }
0xb0: {  	[dreg:$0x4] =	wrdreg $0x63000  }
0xb1: {  	[dreg:$0x5] =	wrdreg $0x9  }
0xb2: {  	_ =	task.clear_ibuf [dreg:s7], $0x6FFFF;
	_ =	strace $0x90000046  }
0xb3: {  	s29 =	simm.s32 $0x9;
	_ =	strace $0x80000048  }
0xb4: {  	_ =	swait.ge [sflag:s29], $0x1  }
0xb5: {  	[sflag:s29] =	ssyncadd.s32 $0xFFFFFFFF  }
0xb6: {  	_ =	strace $0x90000048  }
0xb7: {  	_ =	sfence  }
0xb8: {  	s30 =	sld [smem:$0x0];
	_ =	sdelay $0x2  }
0xb9: {  	s31 =	sshll.u32 s1, $0xD;
	s1 =	sshrl.u32 s1, $0x2  }
0xba: {  	s3 =	sand.u32 $0x4000, s31;
	s1 =	sadd.s32 s1, s30  }
0xbb: {  	s0 =	sor.u32 s3, s0;
	s1 =	sshll.u32 s1, $0x11  }
0xbc: {  	s0 =	sor.u32 s1, s0  }
0xbd: {  	s0 =	sadd.s32 $0x8F2B, s0  }
0xbe: {  	[sflag:s0] =	ssyncadd.remote.s32 $0x1  }
0xbf: {  	_ =	sfence.sel $0xFFFF  }
0xc0: {  	[dreg:$0x0] =	wrdreg $0xFFFFFFFF;
	(pc) =	sbr.abs _section_cstart, $3  }
0xc1: {  	[dreg:$0x1] =	wrdreg $0xFFFFFFFF  }
0xc2: {  	_ =	task.clear_ibuf [dreg:s7], $0x2FFFF;
	_ =	strace $0x9FFFFFFF  }
0xc3: {  	(tm) =	ssettm $0x7FFFFFFF  }
tec
execute0_lowered:
.L_overlay_start_1:
0x0: {  	(tag) =	ssettag $0x1  }
0x1: {  	s5 =	rddreg [dreg:$0x0]  }
0x2: {  	s7 =	rddreg [dreg:$0x1]  }
0x3: {  	s2 =	rddreg [dreg:$0x2]  }
0x4: {  	s0 =	rddreg [dreg:$0x3]  }
0x5: {  	s4 =	srdreg.scid;
	s1 =	stileid.u32  }
0x6: {  	s3 =	simm.s32 $0x0;
	s14 =	simm.s32 $0x2F600;
	s15 =	simm.s32 $0x4F00  }
0x7: {  	s16 =	simm.s32 $0x1;
	s17 =	simm.s32 $0x0;
	s8 =	sand.u32 $0x1, s4  }
0x8: {  	s29 =	sshll.u32 s1, $0x1;
	[smem:$0x7FF] =	sst s3;
	s6 =	smul.u32 $0x6400, s1  }
0x9: {  	s31 =	sshll.u32 s1, $0x6;
	s4 =	sor.u32 s8, s29;
	_ =	strace $0x80000047  }
0xa: {  	s10 =	ssub.s32 $0x2, s8;
	p0 =	seq.s32 s8, $0x1;
	s9 =	smul.u32 $0x4F0, s4  }
0xb: {  	s4 =	sadd.s32 $0xC800, s5;
	s11 =	sshrl.u32 s6, $0x3;
	s12 =	sshrl.u32 s10, $0x1  }
0xc: {  	s30 =	sadd.s32 s6, s2;
	s6 =	sor.u32 $0x1C02, s31;
	s14 =	simm.s32 @!p0 $0x3BE00  }
0xd: {  	s11 =	sadd.s32 s11, s5;
	s10 =	ssub.s32 s10, s12;
	s12 =	simm.s32 $0x2  }
0xe: {  	s13 =	sadd.s32 s9, s5;
	s5 =	sadd.s32 $0x22E00, s11;
	s7 =	sadd.s32 s7, s9  }
0xf: {  	s9 =	smax.u32 s10, $0x1;
	s10 =	sadd.s32 s14, s11;
	s11 =	sshrl.u32 s30, $0x3  }
0x10: {  	s14 =	simm.s32 $0x80;
	s8 =	sadd.s32 $0x19000, s13;
	s13 =	simm.s32 $0x2780  }
.LBB2_1:
0x11: {  	[spmem:s11], [sflag:s6] =	dma.local [hbm:s5], $0xC80  }
0x12: {  	_ =	swait.ge [sflag:s12], $0xC80  }
0x13: {  	[sflag:s12] =	ssyncset.done $0x0  }
0x14: {  	[sflag:s12] =	ssyncadd.s32 $0xFFFFF380  }
0x15: {  	[tilespmem:s3], [sflag:$0x2] =	stream.linear.gather [hbm4b:s7+s3], $0x2780, $0x38;
	[tilespmem:$0xC700] =	vst v63  }
0x16: {  	_ =	swait.ge [sflag:s12], $0x2780  }
0x17: {  	[sflag:s12] =	ssyncset.done $0x0  }
0x18: {  	[sflag:s12] =	ssyncadd.s32 $0xFFFFD880  }
0x19: {  	[tilespmem:s13], [sflag:$0x2] =	stream.linear.gather [hbm4b:s8+s3], $0x2780, $0x38;
	[tilespmem:$0xC700] =	vst v63  }
0x1a: {  	_ =	swait.ge [sflag:s12], $0x2780  }
0x1b: {  	[sflag:s12] =	ssyncset.done $0x0  }
0x1c: {  	[sflag:s12] =	ssyncadd.s32 $0xFFFFD880  }
0x1d: {  	s18 =	simm.s32 $0x0;
	[bflag:$0x0] =	sbarrier.arrive $0xFFFF  }
0x1e: {  	[tilespmem:s15], [sflag:$0x1] =	stream.indirect.gather [hbm4b:s4+s14], $0x28, s18, s14, $0xb8;
	[tilespmem:$0xC700] =	vst v63  }
0x1f: {  	_ =	swait.ge [sflag:s16], $0x1400  }
0x20: {  	[sflag:s16] =	ssyncset.done $0x0  }
0x21: {  	s31 =	simm.s32 $0x2780;
	[sflag:s16] =	ssyncadd.s32 $0xFFFFEC00  }
0x22: {  	[spmem:s2] =	stream.indirect.scatter.add.f32 [tilespmem:s15], [sflag:$0x2], $0x28, s31, s14, $0xb8;
	[tilespmem:$0xC700] =	vst v63  }
0x23: {  	_ =	swait.ge [sflag:s12], $0x1400  }
0x24: {  	s19 =	simm.s32 $0x400;
	s18 =	simm.s32 $0x200;
	[sflag:s12] =	ssyncset.done $0x0  }
.LBB2_2:
0x25: {  	s20 =	sshra.s32 s18, $0x2  }
0x26: {  	[sflag:s12] =	ssyncadd.s32 $0xFFFFEC00;
	s18 =	smov.u32 s19;
	s21 =	sadd.s32 $0x200, s19  }
0x27: {  	[tilespmem:s15], [sflag:$0x1] =	stream.indirect.gather [hbm4b:s4+s14], $0x28, s20, s14, $0xb8;
	[tilespmem:$0xC700] =	vst v63  }
0x28: {  	p0 =	sne.s32 s19, $0x9C00;
	_ =	swait.ge [sflag:s16], $0x1400  }
.Ltmp0:
0x29: {  	[sflag:s16] =	ssyncset.done $0x0;
	(pc) =	sbr.rel @p0 .LBB2_2-.Ltmp0, $4  }
0x2a: {  	s19 =	sadd.s32 $0x2780, s20;
	[sflag:s16] =	ssyncadd.s32 $0xFFFFEC00  }
0x2b: {  	[spmem:s2] =	stream.indirect.scatter.add.f32 [tilespmem:s15], [sflag:$0x2], $0x28, s19, s14, $0xb8;
	[tilespmem:$0xC700] =	vst v63  }
0x2c: {  	_ =	swait.ge [sflag:s12], $0x1400  }
0x2d: {  	s19 =	smov.u32 s21;
	[sflag:s12] =	ssyncset.done $0x0  }
0x2e: {  	s18 =	sshra.s32 s18, $0x2;
	[sflag:s12] =	ssyncadd.s32 $0xFFFFEC00  }
0x2f: {  	[tilespmem:s15], [sflag:$0x1] =	stream.indirect.gather [hbm4b:s4+s14], $0x28, s18, s14, $0xb8;
	[tilespmem:$0xC700] =	vst v63  }
0x30: {  	_ =	swait.ge [sflag:s16], $0x1400  }
0x31: {  	[sflag:s16] =	ssyncset.done $0x0  }
0x32: {  	s18 =	sadd.s32 $0x2780, s18;
	[sflag:s16] =	ssyncadd.s32 $0xFFFFEC00  }
0x33: {  	[spmem:s2] =	stream.indirect.scatter.add.f32 [tilespmem:s15], [sflag:$0x2], $0x28, s18, s14, $0xb8;
	[tilespmem:$0xC700] =	vst v63  }
0x34: {  	_ =	swait.ge [sflag:s12], $0x1400  }
0x35: {  	s17 =	sadd.s32 $0x1, s17;
	[sflag:s12] =	ssyncset.done $0x0  }
0x36: {  	p0 =	sne.s32 s17, s9;
	[sflag:s12] =	ssyncadd.s32 $0xFFFFEC00  }
.Ltmp1:
0x37: {  	[bflag:$0x0] =	sbarrier.arrive $0xFFFF;
	(pc) =	sbr.rel @p0 .LBB2_1-.Ltmp1, $4  }
0x38: {  	[hbm:s10], [sflag:s6] =	dma.local [spmem:s11], $0xC80  }
0x39: {  	_ =	swait.ge [sflag:s12], $0xC80  }
0x3a: {  	[sflag:s12] =	ssyncset.done $0x0  }
0x3b: {  	[sflag:s12] =	ssyncadd.s32 $0xFFFFF380  }
0x3c: {  	_ =	sfence.sel $0x180000  }
0x3d: {  	[bflag:$0x0] =	sbarrier.arrive $0xFFFF  }
0x3e: {  	p0 =	sne.s32 s1, $0x0;
	_ =	strace $0x90000047  }
0x3f: {  	s0 =	sadd.s32 @!p0 $0x100000, s0;
	[bflag:$0x2] =	sbarrier.arrive $0xFFFF  }
0x40: {  	[sflag:s0] =	ssyncadd.tile.s32 @!p0 $0x1;
	_ =	shalt  }
.Lfunc_end2:
_tile_overlayer_lowered:
.L_overlay_start_2:
0x41: {  	(tag) =	ssettag $0x2  }
0x42: {  	s0 =	rddreg [dreg:$0x0];
	s2 =	stileid.u32  }
0x43: {  	s1 =	rddreg [dreg:$0x1];
	p0 =	sne.s32 s2, $0x0  }
0x44: {  	s3 =	rddreg [dreg:$0x2];
	[bflag:$0x3] =	sbarrier.arrive $0xFFFF;
	s2 =	simm.s32 @!p0 $0x1C02  }
0x45: {  	[timem:s3], [sflag:s2] =	dma.local @!p0 [hbm:s0], s1  }
0x46: {  	s0 =	simm.s32 @!p0 $0x2  }
0x47: {  	_ =	swait.ge @!p0 [sflag:s0], s1  }
0x48: {  	s1 =	ssub.s32 @!p0 $0x0, s1;
	[sflag:s0] =	ssyncset.done @!p0 $0x0  }
0x49: {  	[sflag:s0] =	ssyncadd.s32 @!p0 s1  }
0x4a: {  	[bflag:$0x3] =	sbarrier.arrive $0xFFFF  }
0x4b: {  	_ =	shalt  }

// kernel: kernel.29.cloned.1.call-start
scs
__scs_entry_jumppad:
0x0: {  	(pc) =	sbr.rel $0x88, $3  }
0x1: {  	(tag) =	ssettag $0x0;
	lr =	simm.s32 $0x1  }
0x2: {  	[smem:$0x3F9A] =	sst lr;
	_ =	strace $0xD0000000  }
0x3: {  	_ = 	snop  }
0x4: {  	_ = 	snop  }
0x5: {  	_ = 	snop  }
0x6: {  	_ = 	snop  }
0x7: {  	_ = 	snop  }
__scs_overlays_trampoline_lowered:
0x8: {  	[smem:$0x3FA9] =	sst s0  }
0x9: {  	[smem:$0x3FAA] =	sst s1  }
0xa: {  	[smem:$0x3FAB] =	sst s2  }
0xb: {  	[smem:$0x3FAC] =	sst s3  }
0xc: {  	[smem:$0x3FAD] =	sst s4  }
0xd: {  	[smem:$0x3FAE] =	sst s5  }
0xe: {  	[smem:$0x3FAF] =	sst s6  }
0xf: {  	[smem:$0x3FB0] =	sst s7  }
0x10: {  	[smem:$0x3FB1] =	sst s8  }
0x11: {  	[smem:$0x3FB2] =	sst s9;
	s0 =	simm.s32 @!p0 $0x0  }
0x12: {  	s1 =	sld [smem:$0x3F98];
	s0 =	simm.s32 @p0 $0x1  }
0x13: {  	[smem:$0x3FB3] =	sst s0;
	s0 =	simm.s32 @!p1 $0x0  }
0x14: {  	s2 =	sld [smem:$0x3F97];
	s0 =	simm.s32 @p1 $0x1  }
0x15: {  	[smem:$0x3FB4] =	sst s0;
	s0 =	simm.s32 @!p2 $0x0  }
0x16: {  	s3 =	sld [smem:$0x3FDB];
	s0 =	simm.s32 @p2 $0x1  }
0x17: {  	s4 =	simm.s32 $0x1BF5;
	[smem:$0x3FB6] =	sst s0  }
0x18: {  	s0 =	sld [smem:$0x3F99];
	_ =	swait.ge [sflag:s4], $0x0  }
0x19: {  	s7 =	sld [smem:$0x3F9A]  }
0x1a: {  	s8 =	sadd.s32 $0xFFFFE003, lr  }
0x1b: {  	s9 =	sadd.s32 $0xFFFFFEF7, lr;
	s5 =	simm.s32 $0xFFFFFFFF;
	p2 =	slt.u32 s8, $0xFFFFF086  }
0x1c: {  	p1 =	slt.u32 s9, $0xF7A;
	s5 =	simm.s32 @!p2 $0x0  }
0x1d: {  	s5 =	simm.s32 @p1 $0x1;
	p0 =	seq.s32 s7, s2  }
0x1e: {  	s7 =	smul.u32 @!p0 $0xF7A, s2;
	p2 =	seq.s32 @!p0 s5, $0x0  }
0x1f: {  	s9 =	smul.u32 $0xF7A, s1;
	s8 =	simm.s32 @!p0 $0x1BF5;
	p2 =	por !p2, p0  }
0x20: {  	[sflag:s8] =	ssyncset.s32 @!p0 $0xFFFFF086;
	s6 =	sadd.s32 @!p0 s3, s7;
	s7 =	simm.s32 @!p0 $0x108  }
0x21: {  	s3 =	sadd.s32 s3, s9;
	s6 =	sadd.s32 @!p0 $0x88, s6;
	s7 =	simm.s32 @p2 $0x1082  }
0x22: {  	[simem:s7], [sflag:s8] =	dma.local @!p0 [hbm:s6], $0xF7A  }
0x23: {  	s9 =	sor.u32 $0xD0000000, s2;
	s6 =	simm.s32 $0x108;
	_ =	swait.ge @!p0 [sflag:s8], $0x0  }
0x24: {  	s3 =	sadd.s32 $0x88, s3;
	s6 =	simm.s32 @!p1 $0x1082;
	[sflag:s4] =	ssyncset.s32 $0xFFFFF086  }
0x25: {  	[simem:s6], [sflag:s4] =	dma.local [hbm:s3], $0xF7A  }
0x26: {  	[smem:$0x3F9A] =	sst s1;
	(tag) =	ssettag s2;
	_ =	strace s9  }
0x27: {  	s1 =	sld [smem:$0x3FAA]  }
0x28: {  	s2 =	sld [smem:$0x3FAB]  }
0x29: {  	s4 =	sld [smem:$0x3FAD]  }
0x2a: {  	p0 =	seq.s32 s5, $0x0;
	s5 =	sld [smem:$0x3FAE]  }
0x2b: {  	s6 =	sld [smem:$0x3FAF]  }
0x2c: {  	s7 =	sld [smem:$0x3FB0]  }
0x2d: {  	s3 =	simm.s32 $0x108;
	s8 =	sld [smem:$0x3FB1]  }
0x2e: {  	s3 =	simm.s32 @!p0 $0x1082;
	s9 =	sld [smem:$0x3FB2]  }
0x2f: {  	lr =	sadd.s32 s0, s3;
	s0 =	sld [smem:$0x3FA9]  }
0x30: {  	s3 =	sld [smem:$0x3FAC]  }
0x31: {  	[smem:$0x3FB5] =	sst s10  }
0x32: {  	s10 =	sld [smem:$0x3FB3];
	_ =	sdelay $0x3  }
0x33: {  	p0 =	seq.s32 s10, $0x1;
	s10 =	sld [smem:$0x3FB5];
	_ =	sdelay $0x3  }
0x34: {  	[smem:$0x3FB5] =	sst s10  }
0x35: {  	s10 =	sld [smem:$0x3FB4];
	_ =	sdelay $0x3  }
0x36: {  	p1 =	seq.s32 s10, $0x1;
	s10 =	sld [smem:$0x3FB5];
	_ =	sdelay $0x3  }
0x37: {  	[smem:$0x3FB5] =	sst s10  }
0x38: {  	s10 =	sld [smem:$0x3FB6]  }
0x39: {  	_ = 	snop;
	(pc) =	sbr.ind lr, $3  }
0x3a: {  	_ = 	snop  }
0x3b: {  	_ = 	snop  }
0x3c: {  	p2 =	seq.s32 s10, $0x1;
	s10 =	sld [smem:$0x3FB5]  }
0x3d: {  	_ =	shalt  }
0x3e: {  	_ =	shalt  }
0x3f: {  	_ =	shalt  }
0x40: {  	_ =	shalt  }
0x41: {  	_ =	shalt  }
0x42: {  	_ =	shalt  }
0x43: {  	_ =	shalt  }
0x44: {  	_ =	shalt  }
0x45: {  	_ =	shalt  }
0x46: {  	_ =	shalt  }
0x47: {  	_ =	shalt  }
0x48: {  	_ =	shalt  }
0x49: {  	_ =	shalt  }
0x4a: {  	_ =	shalt  }
0x4b: {  	_ =	shalt  }
0x4c: {  	_ =	shalt  }
0x4d: {  	_ =	shalt  }
0x4e: {  	_ =	shalt  }
0x4f: {  	_ =	shalt  }
0x50: {  	_ =	shalt  }
0x51: {  	_ =	shalt  }
0x52: {  	_ =	shalt  }
0x53: {  	_ =	shalt  }
0x54: {  	_ =	shalt  }
0x55: {  	_ =	shalt  }
0x56: {  	_ =	shalt  }
0x57: {  	_ =	shalt  }
0x58: {  	_ =	shalt  }
0x59: {  	_ =	shalt  }
0x5a: {  	_ =	shalt  }
0x5b: {  	_ =	shalt  }
0x5c: {  	_ =	shalt  }
0x5d: {  	_ =	shalt  }
0x5e: {  	_ =	shalt  }
0x5f: {  	_ =	shalt  }
0x60: {  	_ =	shalt  }
0x61: {  	_ =	shalt  }
0x62: {  	_ =	shalt  }
0x63: {  	_ =	shalt  }
0x64: {  	_ =	shalt  }
0x65: {  	_ =	shalt  }
0x66: {  	_ =	shalt  }
0x67: {  	_ =	shalt  }
0x68: {  	_ =	shalt  }
0x69: {  	_ =	shalt  }
0x6a: {  	_ =	shalt  }
0x6b: {  	_ =	shalt  }
0x6c: {  	_ =	shalt  }
0x6d: {  	_ =	shalt  }
0x6e: {  	_ =	shalt  }
0x6f: {  	_ =	shalt  }
0x70: {  	_ =	shalt  }
0x71: {  	_ =	shalt  }
0x72: {  	_ =	shalt  }
0x73: {  	_ =	shalt  }
0x74: {  	_ =	shalt  }
0x75: {  	_ =	shalt  }
0x76: {  	_ =	shalt  }
0x77: {  	_ =	shalt  }
0x78: {  	_ =	shalt  }
0x79: {  	_ =	shalt  }
0x7a: {  	_ =	shalt  }
0x7b: {  	_ =	shalt  }
0x7c: {  	_ =	shalt  }
0x7d: {  	_ =	shalt  }
0x7e: {  	_ =	shalt  }
0x7f: {  	_ =	shalt  }
0x80: {  	_ =	shalt  }
0x81: {  	_ =	shalt  }
0x82: {  	_ =	shalt  }
0x83: {  	_ =	shalt  }
0x84: {  	_ =	shalt  }
0x85: {  	_ =	shalt  }
0x86: {  	_ =	shalt  }
0x87: {  	_ =	shalt  }
.Lfunc_end0:
.L_simem_size_0:
called_computation.1_lowered:
.L_overlay_start_0:
0x88: {  	s2 =	sld [smem:$0x3FD9]  }
0x89: {  	s3 =	sld [smem:$0x3FFE];
	_ =	sdelay $0x1  }
0x8a: {  	s1 =	srdreg.scid  }
0x8b: {  	s0 =	sand.u32 $0x1, s1  }
0x8c: {  	s17 =	sshll.u32 s0, $0xA;
	s2 =	sadd.s32 s3, s2  }
0x8d: {  	s2 =	sadd.s32 s2, s17  }
0x8e: {  	[smem:$0x3FC1] =	sst s2  }
0x8f: {  	_ = 	snop  }
0x90: {  	s2 =	sld [smem:$0x3FD0];
	(tm) =	ssettm $0x1  }
0x91: {  	s18 =	sld [smem:$0x3FFB];
	_ =	sdelay $0x3  }
0x92: {  	_ =	strace s18  }
0x93: {  	s3 =	sld [smem:$0x3FFC];
	_ =	sdelay $0x3  }
0x94: {  	_ =	strace s3  }
0x95: {  	s3 =	sld [smem:$0x3FFD];
	_ =	sdelay $0x3  }
0x96: {  	_ =	strace s3  }
0x97: {  	_ =	strace $0x8FFFFFFF  }
0x98: {  	s19 =	sld [smem:$0x3FDB];
	_ =	sdelay $0x1  }
0x99: {  	s4 =	simm.s32 $_scs_section_size  }
0x9a: {  	s5 =	simm.s32 $_size__tile_overlayer_lowered;
	s6 =	simm.s32 $_tile_overlayer_lowered  }
0x9b: {  	s22 =	simm.s32 $0x1BFF;
	s21 =	sshll.u32 s6, $0x1;
	s3 =	sadd.s32 s4, s19  }
0x9c: {  	s7 =	simm.s32 $0x0;
	s20 =	sshll.u32 s5, $0x1;
	s5 =	sadd.s32 s21, s3  }
0x9d: {  	[timem:s7], [sflag:s22] =	dma.local [hbm:s5], s20  }
0x9e: {  	_ =	swait.ge [sflag:s22], s20  }
0x9f: {  	s4 =	ssub.s32 $0x0, s20;
	[sflag:s22] =	ssyncset.done $0x0  }
0xa0: {  	[sflag:s22] =	ssyncadd.s32 s4;
	_ =	sdelay $0x1  }
0xa1: {  	s23 =	simm.s32 $0x1B8B  }
0xa2: {  	_ =	swait.ge [sflag:s23], $0x1  }
0xa3: {  	[sflag:s23] =	ssyncset.done $0x0  }
0xa4: {  	s25 =	simm.s32 $0x1B8E;
	s24 =	sld [smem:$0x3FFE];
	[sflag:s23] =	ssyncadd.s32 $0xFFFFFFFF  }
0xa5: {  	s26 =	simm.s32 $execute0_lowered;
	[smem:$0x3FD2] =	sst s25  }
0xa6: {  	s5 =	sshll.u32 s26, $0x1;
	_ =	strace $0x80000049;
	[dreg:$0x1] =	wrdreg $0xFFFFFFFF  }
0xa7: {  	s28 =	simm.s32 $_size_execute0_lowered;
	s3 =	sadd.s32 s3, s5;
	[dreg:$0x0] =	wrdreg $0x0  }
0xa8: {  	s5 =	sshll.u32 s28, $0x1;
	[dreg:$0x2] =	wrdreg s3  }
0xa9: {  	[dreg:$0x3] =	wrdreg s5  }
0xaa: {  	[dreg:$0x4] =	wrdreg $0xC0  }
0xab: {  	_ =	task [dreg:s7], $0x5FFFF  }
0xac: {  	[dreg:$0x1] =	wrdreg $0xFFFFFFFF  }
0xad: {  	[dreg:$0x0] =	wrdreg $0x60  }
0xae: {  	[dreg:$0x2] =	wrdreg s24  }
0xaf: {  	[dreg:$0x3] =	wrdreg s2  }
0xb0: {  	[dreg:$0x4] =	wrdreg $0x63000  }
0xb1: {  	[dreg:$0x5] =	wrdreg $0x9  }
0xb2: {  	_ =	task.clear_ibuf [dreg:s7], $0x6FFFF;
	_ =	strace $0x90000049  }
0xb3: {  	s29 =	simm.s32 $0x9;
	_ =	strace $0x8000004B  }
0xb4: {  	_ =	swait.ge [sflag:s29], $0x1  }
0xb5: {  	[sflag:s29] =	ssyncadd.s32 $0xFFFFFFFF  }
0xb6: {  	_ =	strace $0x9000004B  }
0xb7: {  	_ =	sfence  }
0xb8: {  	s30 =	sld [smem:$0x0];
	_ =	sdelay $0x2  }
0xb9: {  	s31 =	sshll.u32 s1, $0xD;
	s1 =	sshrl.u32 s1, $0x2  }
0xba: {  	s3 =	sand.u32 $0x4000, s31;
	s1 =	sadd.s32 s1, s30  }
0xbb: {  	s0 =	sor.u32 s3, s0;
	s1 =	sshll.u32 s1, $0x11  }
0xbc: {  	s0 =	sor.u32 s1, s0  }
0xbd: {  	s0 =	sadd.s32 $0x8F2B, s0  }
0xbe: {  	[sflag:s0] =	ssyncadd.remote.s32 $0x1  }
0xbf: {  	_ =	sfence.sel $0xFFFF  }
0xc0: {  	[dreg:$0x0] =	wrdreg $0xFFFFFFFF;
	(pc) =	sbr.abs _section_cstart, $3  }
0xc1: {  	[dreg:$0x1] =	wrdreg $0xFFFFFFFF  }
0xc2: {  	_ =	task.clear_ibuf [dreg:s7], $0x2FFFF;
	_ =	strace $0x9FFFFFFF  }
0xc3: {  	(tm) =	ssettm $0x7FFFFFFF  }
tec
execute0_lowered:
.L_overlay_start_1:
0x0: {  	(tag) =	ssettag $0x1  }
0x1: {  	s5 =	rddreg [dreg:$0x0]  }
0x2: {  	s7 =	rddreg [dreg:$0x1]  }
0x3: {  	s2 =	rddreg [dreg:$0x2]  }
0x4: {  	s0 =	rddreg [dreg:$0x3]  }
0x5: {  	s4 =	srdreg.scid;
	s1 =	stileid.u32  }
0x6: {  	s3 =	simm.s32 $0x0;
	s14 =	simm.s32 $0x2F600;
	s15 =	simm.s32 $0x4F00  }
0x7: {  	s16 =	simm.s32 $0x1;
	s17 =	simm.s32 $0x0;
	s8 =	sand.u32 $0x1, s4  }
0x8: {  	s29 =	sshll.u32 s1, $0x1;
	[smem:$0x7FF] =	sst s3;
	s6 =	smul.u32 $0x6400, s1  }
0x9: {  	s31 =	sshll.u32 s1, $0x6;
	s4 =	sor.u32 s8, s29;
	_ =	strace $0x8000004A  }
0xa: {  	s10 =	ssub.s32 $0x2, s8;
	p0 =	seq.s32 s8, $0x1;
	s9 =	smul.u32 $0x4F0, s4  }
0xb: {  	s4 =	sadd.s32 $0xC800, s5;
	s11 =	sshrl.u32 s6, $0x3;
	s12 =	sshrl.u32 s10, $0x1  }
0xc: {  	s30 =	sadd.s32 s6, s2;
	s6 =	sor.u32 $0x1C02, s31;
	s14 =	simm.s32 @!p0 $0x3BE00  }
0xd: {  	s11 =	sadd.s32 s11, s5;
	s10 =	ssub.s32 s10, s12;
	s12 =	simm.s32 $0x2  }
0xe: {  	s13 =	sadd.s32 s9, s5;
	s5 =	sadd.s32 $0x22E00, s11;
	s7 =	sadd.s32 s7, s9  }
0xf: {  	s9 =	smax.u32 s10, $0x1;
	s10 =	sadd.s32 s14, s11;
	s11 =	sshrl.u32 s30, $0x3  }
0x10: {  	s14 =	simm.s32 $0x80;
	s8 =	sadd.s32 $0x19000, s13;
	s13 =	simm.s32 $0x2780  }
.LBB2_1:
0x11: {  	[spmem:s11], [sflag:s6] =	dma.local [hbm:s5], $0xC80  }
0x12: {  	_ =	swait.ge [sflag:s12], $0xC80  }
0x13: {  	[sflag:s12] =	ssyncset.done $0x0  }
0x14: {  	[sflag:s12] =	ssyncadd.s32 $0xFFFFF380  }
0x15: {  	[tilespmem:s3], [sflag:$0x2] =	stream.linear.gather [hbm4b:s7+s3], $0x2780, $0x38;
	[tilespmem:$0xC700] =	vst v63  }
0x16: {  	_ =	swait.ge [sflag:s12], $0x2780  }
0x17: {  	[sflag:s12] =	ssyncset.done $0x0  }
0x18: {  	[sflag:s12] =	ssyncadd.s32 $0xFFFFD880  }
0x19: {  	[tilespmem:s13], [sflag:$0x2] =	stream.linear.gather [hbm4b:s8+s3], $0x2780, $0x38;
	[tilespmem:$0xC700] =	vst v63  }
0x1a: {  	_ =	swait.ge [sflag:s12], $0x2780  }
0x1b: {  	[sflag:s12] =	ssyncset.done $0x0  }
0x1c: {  	[sflag:s12] =	ssyncadd.s32 $0xFFFFD880  }
0x1d: {  	s18 =	simm.s32 $0x0;
	[bflag:$0x0] =	sbarrier.arrive $0xFFFF  }
0x1e: {  	[tilespmem:s15], [sflag:$0x1] =	stream.indirect.gather [hbm4b:s4+s14], $0x28, s18, s14, $0xb8;
	[tilespmem:$0xC700] =	vst v63  }
0x1f: {  	_ =	swait.ge [sflag:s16], $0x1400  }
0x20: {  	[sflag:s16] =	ssyncset.done $0x0  }
0x21: {  	s31 =	simm.s32 $0x2780;
	[sflag:s16] =	ssyncadd.s32 $0xFFFFEC00  }
0x22: {  	[spmem:s2] =	stream.indirect.scatter.add.f32 [tilespmem:s15], [sflag:$0x2], $0x28, s31, s14, $0xb8;
	[tilespmem:$0xC700] =	vst v63  }
0x23: {  	_ =	swait.ge [sflag:s12], $0x1400  }
0x24: {  	s19 =	simm.s32 $0x400;
	s18 =	simm.s32 $0x200;
	[sflag:s12] =	ssyncset.done $0x0  }
.LBB2_2:
0x25: {  	s20 =	sshra.s32 s18, $0x2  }
0x26: {  	[sflag:s12] =	ssyncadd.s32 $0xFFFFEC00;
	s18 =	smov.u32 s19;
	s21 =	sadd.s32 $0x200, s19  }
0x27: {  	[tilespmem:s15], [sflag:$0x1] =	stream.indirect.gather [hbm4b:s4+s14], $0x28, s20, s14, $0xb8;
	[tilespmem:$0xC700] =	vst v63  }
0x28: {  	p0 =	sne.s32 s19, $0x9C00;
	_ =	swait.ge [sflag:s16], $0x1400  }
.Ltmp0:
0x29: {  	[sflag:s16] =	ssyncset.done $0x0;
	(pc) =	sbr.rel @p0 .LBB2_2-.Ltmp0, $4  }
0x2a: {  	s19 =	sadd.s32 $0x2780, s20;
	[sflag:s16] =	ssyncadd.s32 $0xFFFFEC00  }
0x2b: {  	[spmem:s2] =	stream.indirect.scatter.add.f32 [tilespmem:s15], [sflag:$0x2], $0x28, s19, s14, $0xb8;
	[tilespmem:$0xC700] =	vst v63  }
0x2c: {  	_ =	swait.ge [sflag:s12], $0x1400  }
0x2d: {  	s19 =	smov.u32 s21;
	[sflag:s12] =	ssyncset.done $0x0  }
0x2e: {  	s18 =	sshra.s32 s18, $0x2;
	[sflag:s12] =	ssyncadd.s32 $0xFFFFEC00  }
0x2f: {  	[tilespmem:s15], [sflag:$0x1] =	stream.indirect.gather [hbm4b:s4+s14], $0x28, s18, s14, $0xb8;
	[tilespmem:$0xC700] =	vst v63  }
0x30: {  	_ =	swait.ge [sflag:s16], $0x1400  }
0x31: {  	[sflag:s16] =	ssyncset.done $0x0  }
0x32: {  	s18 =	sadd.s32 $0x2780, s18;
	[sflag:s16] =	ssyncadd.s32 $0xFFFFEC00  }
0x33: {  	[spmem:s2] =	stream.indirect.scatter.add.f32 [tilespmem:s15], [sflag:$0x2], $0x28, s18, s14, $0xb8;
	[tilespmem:$0xC700] =	vst v63  }
0x34: {  	_ =	swait.ge [sflag:s12], $0x1400  }
0x35: {  	s17 =	sadd.s32 $0x1, s17;
	[sflag:s12] =	ssyncset.done $0x0  }
0x36: {  	p0 =	sne.s32 s17, s9;
	[sflag:s12] =	ssyncadd.s32 $0xFFFFEC00  }
.Ltmp1:
0x37: {  	[bflag:$0x0] =	sbarrier.arrive $0xFFFF;
	(pc) =	sbr.rel @p0 .LBB2_1-.Ltmp1, $4  }
0x38: {  	[hbm:s10], [sflag:s6] =	dma.local [spmem:s11], $0xC80  }
0x39: {  	_ =	swait.ge [sflag:s12], $0xC80  }
0x3a: {  	[sflag:s12] =	ssyncset.done $0x0  }
0x3b: {  	[sflag:s12] =	ssyncadd.s32 $0xFFFFF380  }
0x3c: {  	_ =	sfence.sel $0x180000  }
0x3d: {  	[bflag:$0x0] =	sbarrier.arrive $0xFFFF  }
0x3e: {  	p0 =	sne.s32 s1, $0x0;
	_ =	strace $0x9000004A  }
0x3f: {  	s0 =	sadd.s32 @!p0 $0x100000, s0;
	[bflag:$0x2] =	sbarrier.arrive $0xFFFF  }
0x40: {  	[sflag:s0] =	ssyncadd.tile.s32 @!p0 $0x1;
	_ =	shalt  }
.Lfunc_end2:
_tile_overlayer_lowered:
.L_overlay_start_2:
0x41: {  	(tag) =	ssettag $0x2  }
0x42: {  	s0 =	rddreg [dreg:$0x0];
	s2 =	stileid.u32  }
0x43: {  	s1 =	rddreg [dreg:$0x1];
	p0 =	sne.s32 s2, $0x0  }
0x44: {  	s3 =	rddreg [dreg:$0x2];
	[bflag:$0x3] =	sbarrier.arrive $0xFFFF;
	s2 =	simm.s32 @!p0 $0x1C02  }
0x45: {  	[timem:s3], [sflag:s2] =	dma.local @!p0 [hbm:s0], s1  }
0x46: {  	s0 =	simm.s32 @!p0 $0x2  }
0x47: {  	_ =	swait.ge @!p0 [sflag:s0], s1  }
0x48: {  	s1 =	ssub.s32 @!p0 $0x0, s1;
	[sflag:s0] =	ssyncset.done @!p0 $0x0  }
0x49: {  	[sflag:s0] =	ssyncadd.s32 @!p0 s1  }
0x4a: {  	[bflag:$0x3] =	sbarrier.arrive $0xFFFF  }
0x4b: {  	_ =	shalt  }

// kernel: kernel.32.cloned.1.call-start
scs
__scs_entry_jumppad:
0x0: {  	(pc) =	sbr.rel $0x88, $3  }
0x1: {  	(tag) =	ssettag $0x0;
	lr =	simm.s32 $0x1  }
0x2: {  	[smem:$0x3F9A] =	sst lr;
	_ =	strace $0xD0000000  }
0x3: {  	_ = 	snop  }
0x4: {  	_ = 	snop  }
0x5: {  	_ = 	snop  }
0x6: {  	_ = 	snop  }
0x7: {  	_ = 	snop  }
__scs_overlays_trampoline_lowered:
0x8: {  	[smem:$0x3FA9] =	sst s0  }
0x9: {  	[smem:$0x3FAA] =	sst s1  }
0xa: {  	[smem:$0x3FAB] =	sst s2  }
0xb: {  	[smem:$0x3FAC] =	sst s3  }
0xc: {  	[smem:$0x3FAD] =	sst s4  }
0xd: {  	[smem:$0x3FAE] =	sst s5  }
0xe: {  	[smem:$0x3FAF] =	sst s6  }
0xf: {  	[smem:$0x3FB0] =	sst s7  }
0x10: {  	[smem:$0x3FB1] =	sst s8  }
0x11: {  	[smem:$0x3FB2] =	sst s9;
	s0 =	simm.s32 @!p0 $0x0  }
0x12: {  	s1 =	sld [smem:$0x3F98];
	s0 =	simm.s32 @p0 $0x1  }
0x13: {  	[smem:$0x3FB3] =	sst s0;
	s0 =	simm.s32 @!p1 $0x0  }
0x14: {  	s2 =	sld [smem:$0x3F97];
	s0 =	simm.s32 @p1 $0x1  }
0x15: {  	[smem:$0x3FB4] =	sst s0;
	s0 =	simm.s32 @!p2 $0x0  }
0x16: {  	s3 =	sld [smem:$0x3FDB];
	s0 =	simm.s32 @p2 $0x1  }
0x17: {  	s4 =	simm.s32 $0x1BF5;
	[smem:$0x3FB6] =	sst s0  }
0x18: {  	s0 =	sld [smem:$0x3F99];
	_ =	swait.ge [sflag:s4], $0x0  }
0x19: {  	s7 =	sld [smem:$0x3F9A]  }
0x1a: {  	s8 =	sadd.s32 $0xFFFFE003, lr  }
0x1b: {  	s9 =	sadd.s32 $0xFFFFFEF7, lr;
	s5 =	simm.s32 $0xFFFFFFFF;
	p2 =	slt.u32 s8, $0xFFFFF086  }
0x1c: {  	p1 =	slt.u32 s9, $0xF7A;
	s5 =	simm.s32 @!p2 $0x0  }
0x1d: {  	s5 =	simm.s32 @p1 $0x1;
	p0 =	seq.s32 s7, s2  }
0x1e: {  	s7 =	smul.u32 @!p0 $0xF7A, s2;
	p2 =	seq.s32 @!p0 s5, $0x0  }
0x1f: {  	s9 =	smul.u32 $0xF7A, s1;
	s8 =	simm.s32 @!p0 $0x1BF5;
	p2 =	por !p2, p0  }
0x20: {  	[sflag:s8] =	ssyncset.s32 @!p0 $0xFFFFF086;
	s6 =	sadd.s32 @!p0 s3, s7;
	s7 =	simm.s32 @!p0 $0x108  }
0x21: {  	s3 =	sadd.s32 s3, s9;
	s6 =	sadd.s32 @!p0 $0x88, s6;
	s7 =	simm.s32 @p2 $0x1082  }
0x22: {  	[simem:s7], [sflag:s8] =	dma.local @!p0 [hbm:s6], $0xF7A  }
0x23: {  	s9 =	sor.u32 $0xD0000000, s2;
	s6 =	simm.s32 $0x108;
	_ =	swait.ge @!p0 [sflag:s8], $0x0  }
0x24: {  	s3 =	sadd.s32 $0x88, s3;
	s6 =	simm.s32 @!p1 $0x1082;
	[sflag:s4] =	ssyncset.s32 $0xFFFFF086  }
0x25: {  	[simem:s6], [sflag:s4] =	dma.local [hbm:s3], $0xF7A  }
0x26: {  	[smem:$0x3F9A] =	sst s1;
	(tag) =	ssettag s2;
	_ =	strace s9  }
0x27: {  	s1 =	sld [smem:$0x3FAA]  }
0x28: {  	s2 =	sld [smem:$0x3FAB]  }
0x29: {  	s4 =	sld [smem:$0x3FAD]  }
0x2a: {  	p0 =	seq.s32 s5, $0x0;
	s5 =	sld [smem:$0x3FAE]  }
0x2b: {  	s6 =	sld [smem:$0x3FAF]  }
0x2c: {  	s7 =	sld [smem:$0x3FB0]  }
0x2d: {  	s3 =	simm.s32 $0x108;
	s8 =	sld [smem:$0x3FB1]  }
0x2e: {  	s3 =	simm.s32 @!p0 $0x1082;
	s9 =	sld [smem:$0x3FB2]  }
0x2f: {  	lr =	sadd.s32 s0, s3;
	s0 =	sld [smem:$0x3FA9]  }
0x30: {  	s3 =	sld [smem:$0x3FAC]  }
0x31: {  	[smem:$0x3FB5] =	sst s10  }
0x32: {  	s10 =	sld [smem:$0x3FB3];
	_ =	sdelay $0x3  }
0x33: {  	p0 =	seq.s32 s10, $0x1;
	s10 =	sld [smem:$0x3FB5];
	_ =	sdelay $0x3  }
0x34: {  	[smem:$0x3FB5] =	sst s10  }
0x35: {  	s10 =	sld [smem:$0x3FB4];
	_ =	sdelay $0x3  }
0x36: {  	p1 =	seq.s32 s10, $0x1;
	s10 =	sld [smem:$0x3FB5];
	_ =	sdelay $0x3  }
0x37: {  	[smem:$0x3FB5] =	sst s10  }
0x38: {  	s10 =	sld [smem:$0x3FB6]  }
0x39: {  	_ = 	snop;
	(pc) =	sbr.ind lr, $3  }
0x3a: {  	_ = 	snop  }
0x3b: {  	_ = 	snop  }
0x3c: {  	p2 =	seq.s32 s10, $0x1;
	s10 =	sld [smem:$0x3FB5]  }
0x3d: {  	_ =	shalt  }
0x3e: {  	_ =	shalt  }
0x3f: {  	_ =	shalt  }
0x40: {  	_ =	shalt  }
0x41: {  	_ =	shalt  }
0x42: {  	_ =	shalt  }
0x43: {  	_ =	shalt  }
0x44: {  	_ =	shalt  }
0x45: {  	_ =	shalt  }
0x46: {  	_ =	shalt  }
0x47: {  	_ =	shalt  }
0x48: {  	_ =	shalt  }
0x49: {  	_ =	shalt  }
0x4a: {  	_ =	shalt  }
0x4b: {  	_ =	shalt  }
0x4c: {  	_ =	shalt  }
0x4d: {  	_ =	shalt  }
0x4e: {  	_ =	shalt  }
0x4f: {  	_ =	shalt  }
0x50: {  	_ =	shalt  }
0x51: {  	_ =	shalt  }
0x52: {  	_ =	shalt  }
0x53: {  	_ =	shalt  }
0x54: {  	_ =	shalt  }
0x55: {  	_ =	shalt  }
0x56: {  	_ =	shalt  }
0x57: {  	_ =	shalt  }
0x58: {  	_ =	shalt  }
0x59: {  	_ =	shalt  }
0x5a: {  	_ =	shalt  }
0x5b: {  	_ =	shalt  }
0x5c: {  	_ =	shalt  }
0x5d: {  	_ =	shalt  }
0x5e: {  	_ =	shalt  }
0x5f: {  	_ =	shalt  }
0x60: {  	_ =	shalt  }
0x61: {  	_ =	shalt  }
0x62: {  	_ =	shalt  }
0x63: {  	_ =	shalt  }
0x64: {  	_ =	shalt  }
0x65: {  	_ =	shalt  }
0x66: {  	_ =	shalt  }
0x67: {  	_ =	shalt  }
0x68: {  	_ =	shalt  }
0x69: {  	_ =	shalt  }
0x6a: {  	_ =	shalt  }
0x6b: {  	_ =	shalt  }
0x6c: {  	_ =	shalt  }
0x6d: {  	_ =	shalt  }
0x6e: {  	_ =	shalt  }
0x6f: {  	_ =	shalt  }
0x70: {  	_ =	shalt  }
0x71: {  	_ =	shalt  }
0x72: {  	_ =	shalt  }
0x73: {  	_ =	shalt  }
0x74: {  	_ =	shalt  }
0x75: {  	_ =	shalt  }
0x76: {  	_ =	shalt  }
0x77: {  	_ =	shalt  }
0x78: {  	_ =	shalt  }
0x79: {  	_ =	shalt  }
0x7a: {  	_ =	shalt  }
0x7b: {  	_ =	shalt  }
0x7c: {  	_ =	shalt  }
0x7d: {  	_ =	shalt  }
0x7e: {  	_ =	shalt  }
0x7f: {  	_ =	shalt  }
0x80: {  	_ =	shalt  }
0x81: {  	_ =	shalt  }
0x82: {  	_ =	shalt  }
0x83: {  	_ =	shalt  }
0x84: {  	_ =	shalt  }
0x85: {  	_ =	shalt  }
0x86: {  	_ =	shalt  }
0x87: {  	_ =	shalt  }
.Lfunc_end0:
.L_simem_size_0:
called_computation.2_lowered:
.L_overlay_start_0:
0x88: {  	s2 =	sld [smem:$0x3FD9]  }
0x89: {  	s3 =	sld [smem:$0x3FFE];
	_ =	sdelay $0x1  }
0x8a: {  	s1 =	srdreg.scid  }
0x8b: {  	s0 =	sand.u32 $0x1, s1  }
0x8c: {  	s17 =	sshll.u32 s0, $0xA;
	s2 =	sadd.s32 s3, s2  }
0x8d: {  	s2 =	sadd.s32 s2, s17  }
0x8e: {  	[smem:$0x3FC1] =	sst s2  }
0x8f: {  	_ = 	snop  }
0x90: {  	s2 =	sld [smem:$0x3FD0];
	(tm) =	ssettm $0x1  }
0x91: {  	s18 =	sld [smem:$0x3FFB];
	_ =	sdelay $0x3  }
0x92: {  	_ =	strace s18  }
0x93: {  	s3 =	sld [smem:$0x3FFC];
	_ =	sdelay $0x3  }
0x94: {  	_ =	strace s3  }
0x95: {  	s3 =	sld [smem:$0x3FFD];
	_ =	sdelay $0x3  }
0x96: {  	_ =	strace s3  }
0x97: {  	_ =	strace $0x8FFFFFFF  }
0x98: {  	s19 =	sld [smem:$0x3FDB];
	_ =	sdelay $0x1  }
0x99: {  	s4 =	simm.s32 $_scs_section_size  }
0x9a: {  	s5 =	simm.s32 $_size__tile_overlayer_lowered;
	s6 =	simm.s32 $_tile_overlayer_lowered  }
0x9b: {  	s22 =	simm.s32 $0x1BFF;
	s21 =	sshll.u32 s6, $0x1;
	s3 =	sadd.s32 s4, s19  }
0x9c: {  	s7 =	simm.s32 $0x0;
	s20 =	sshll.u32 s5, $0x1;
	s5 =	sadd.s32 s21, s3  }
0x9d: {  	[timem:s7], [sflag:s22] =	dma.local [hbm:s5], s20  }
0x9e: {  	_ =	swait.ge [sflag:s22], s20  }
0x9f: {  	s4 =	ssub.s32 $0x0, s20;
	[sflag:s22] =	ssyncset.done $0x0  }
0xa0: {  	[sflag:s22] =	ssyncadd.s32 s4;
	_ =	sdelay $0x1  }
0xa1: {  	s23 =	simm.s32 $0x1B8B  }
0xa2: {  	_ =	swait.ge [sflag:s23], $0x1  }
0xa3: {  	[sflag:s23] =	ssyncset.done $0x0  }
0xa4: {  	s25 =	simm.s32 $0x1B8E;
	s24 =	sld [smem:$0x3FFE];
	[sflag:s23] =	ssyncadd.s32 $0xFFFFFFFF  }
0xa5: {  	s26 =	simm.s32 $execute0_lowered;
	[smem:$0x3FD2] =	sst s25  }
0xa6: {  	s5 =	sshll.u32 s26, $0x1;
	_ =	strace $0x8000004C;
	[dreg:$0x1] =	wrdreg $0xFFFFFFFF  }
0xa7: {  	s28 =	simm.s32 $_size_execute0_lowered;
	s3 =	sadd.s32 s3, s5;
	[dreg:$0x0] =	wrdreg $0x0  }
0xa8: {  	s5 =	sshll.u32 s28, $0x1;
	[dreg:$0x2] =	wrdreg s3  }
0xa9: {  	[dreg:$0x3] =	wrdreg s5  }
0xaa: {  	[dreg:$0x4] =	wrdreg $0xC0  }
0xab: {  	_ =	task [dreg:s7], $0x5FFFF  }
0xac: {  	[dreg:$0x1] =	wrdreg $0xFFFFFFFF  }
0xad: {  	[dreg:$0x0] =	wrdreg $0x60  }
0xae: {  	[dreg:$0x2] =	wrdreg s24  }
0xaf: {  	[dreg:$0x3] =	wrdreg s2  }
0xb0: {  	[dreg:$0x4] =	wrdreg $0x63000  }
0xb1: {  	[dreg:$0x5] =	wrdreg $0x9  }
0xb2: {  	_ =	task.clear_ibuf [dreg:s7], $0x6FFFF;
	_ =	strace $0x9000004C  }
0xb3: {  	s29 =	simm.s32 $0x9;
	_ =	strace $0x8000004E  }
0xb4: {  	_ =	swait.ge [sflag:s29], $0x1  }
0xb5: {  	[sflag:s29] =	ssyncadd.s32 $0xFFFFFFFF  }
0xb6: {  	_ =	strace $0x9000004E  }
0xb7: {  	_ =	sfence  }
0xb8: {  	s30 =	sld [smem:$0x0];
	_ =	sdelay $0x2  }
0xb9: {  	s31 =	sshll.u32 s1, $0xD;
	s1 =	sshrl.u32 s1, $0x2  }
0xba: {  	s3 =	sand.u32 $0x4000, s31;
	s1 =	sadd.s32 s1, s30  }
0xbb: {  	s0 =	sor.u32 s3, s0;
	s1 =	sshll.u32 s1, $0x11  }
0xbc: {  	s0 =	sor.u32 s1, s0  }
0xbd: {  	s0 =	sadd.s32 $0x8F2B, s0  }
0xbe: {  	[sflag:s0] =	ssyncadd.remote.s32 $0x1  }
0xbf: {  	_ =	sfence.sel $0xFFFF  }
0xc0: {  	[dreg:$0x0] =	wrdreg $0xFFFFFFFF;
	(pc) =	sbr.abs _section_cstart, $3  }
0xc1: {  	[dreg:$0x1] =	wrdreg $0xFFFFFFFF  }
0xc2: {  	_ =	task.clear_ibuf [dreg:s7], $0x2FFFF;
	_ =	strace $0x9FFFFFFF  }
0xc3: {  	(tm) =	ssettm $0x7FFFFFFF  }
tec
execute0_lowered:
.L_overlay_start_1:
0x0: {  	(tag) =	ssettag $0x1  }
0x1: {  	s5 =	rddreg [dreg:$0x0]  }
0x2: {  	s7 =	rddreg [dreg:$0x1]  }
0x3: {  	s2 =	rddreg [dreg:$0x2]  }
0x4: {  	s0 =	rddreg [dreg:$0x3]  }
0x5: {  	s4 =	srdreg.scid;
	s1 =	stileid.u32  }
0x6: {  	s3 =	simm.s32 $0x0;
	s14 =	simm.s32 $0x2F600;
	s15 =	simm.s32 $0x4F00  }
0x7: {  	s16 =	simm.s32 $0x1;
	s17 =	simm.s32 $0x0;
	s8 =	sand.u32 $0x1, s4  }
0x8: {  	s29 =	sshll.u32 s1, $0x1;
	[smem:$0x7FF] =	sst s3;
	s6 =	smul.u32 $0x6400, s1  }
0x9: {  	s31 =	sshll.u32 s1, $0x6;
	s4 =	sor.u32 s8, s29;
	_ =	strace $0x8000004D  }
0xa: {  	s10 =	ssub.s32 $0x2, s8;
	p0 =	seq.s32 s8, $0x1;
	s9 =	smul.u32 $0x4F0, s4  }
0xb: {  	s4 =	sadd.s32 $0xC800, s5;
	s11 =	sshrl.u32 s6, $0x3;
	s12 =	sshrl.u32 s10, $0x1  }
0xc: {  	s30 =	sadd.s32 s6, s2;
	s6 =	sor.u32 $0x1C02, s31;
	s14 =	simm.s32 @!p0 $0x3BE00  }
0xd: {  	s11 =	sadd.s32 s11, s5;
	s10 =	ssub.s32 s10, s12;
	s12 =	simm.s32 $0x2  }
0xe: {  	s13 =	sadd.s32 s9, s5;
	s5 =	sadd.s32 $0x22E00, s11;
	s7 =	sadd.s32 s7, s9  }
0xf: {  	s9 =	smax.u32 s10, $0x1;
	s10 =	sadd.s32 s14, s11;
	s11 =	sshrl.u32 s30, $0x3  }
0x10: {  	s14 =	simm.s32 $0x80;
	s8 =	sadd.s32 $0x19000, s13;
	s13 =	simm.s32 $0x2780  }
.LBB2_1:
0x11: {  	[spmem:s11], [sflag:s6] =	dma.local [hbm:s5], $0xC80  }
0x12: {  	_ =	swait.ge [sflag:s12], $0xC80  }
0x13: {  	[sflag:s12] =	ssyncset.done $0x0  }
0x14: {  	[sflag:s12] =	ssyncadd.s32 $0xFFFFF380  }
0x15: {  	[tilespmem:s3], [sflag:$0x2] =	stream.linear.gather [hbm4b:s7+s3], $0x2780, $0x38;
	[tilespmem:$0xC700] =	vst v63  }
0x16: {  	_ =	swait.ge [sflag:s12], $0x2780  }
0x17: {  	[sflag:s12] =	ssyncset.done $0x0  }
0x18: {  	[sflag:s12] =	ssyncadd.s32 $0xFFFFD880  }
0x19: {  	[tilespmem:s13], [sflag:$0x2] =	stream.linear.gather [hbm4b:s8+s3], $0x2780, $0x38;
	[tilespmem:$0xC700] =	vst v63  }
0x1a: {  	_ =	swait.ge [sflag:s12], $0x2780  }
0x1b: {  	[sflag:s12] =	ssyncset.done $0x0  }
0x1c: {  	[sflag:s12] =	ssyncadd.s32 $0xFFFFD880  }
0x1d: {  	s18 =	simm.s32 $0x0;
	[bflag:$0x0] =	sbarrier.arrive $0xFFFF  }
0x1e: {  	[tilespmem:s15], [sflag:$0x1] =	stream.indirect.gather [hbm4b:s4+s14], $0x28, s18, s14, $0xb8;
	[tilespmem:$0xC700] =	vst v63  }
0x1f: {  	_ =	swait.ge [sflag:s16], $0x1400  }
0x20: {  	[sflag:s16] =	ssyncset.done $0x0  }
0x21: {  	s31 =	simm.s32 $0x2780;
	[sflag:s16] =	ssyncadd.s32 $0xFFFFEC00  }
0x22: {  	[spmem:s2] =	stream.indirect.scatter.add.f32 [tilespmem:s15], [sflag:$0x2], $0x28, s31, s14, $0xb8;
	[tilespmem:$0xC700] =	vst v63  }
0x23: {  	_ =	swait.ge [sflag:s12], $0x1400  }
0x24: {  	s19 =	simm.s32 $0x400;
	s18 =	simm.s32 $0x200;
	[sflag:s12] =	ssyncset.done $0x0  }
.LBB2_2:
0x25: {  	s20 =	sshra.s32 s18, $0x2  }
0x26: {  	[sflag:s12] =	ssyncadd.s32 $0xFFFFEC00;
	s18 =	smov.u32 s19;
	s21 =	sadd.s32 $0x200, s19  }
0x27: {  	[tilespmem:s15], [sflag:$0x1] =	stream.indirect.gather [hbm4b:s4+s14], $0x28, s20, s14, $0xb8;
	[tilespmem:$0xC700] =	vst v63  }
0x28: {  	p0 =	sne.s32 s19, $0x9C00;
	_ =	swait.ge [sflag:s16], $0x1400  }
.Ltmp0:
0x29: {  	[sflag:s16] =	ssyncset.done $0x0;
	(pc) =	sbr.rel @p0 .LBB2_2-.Ltmp0, $4  }
0x2a: {  	s19 =	sadd.s32 $0x2780, s20;
	[sflag:s16] =	ssyncadd.s32 $0xFFFFEC00  }
0x2b: {  	[spmem:s2] =	stream.indirect.scatter.add.f32 [tilespmem:s15], [sflag:$0x2], $0x28, s19, s14, $0xb8;
	[tilespmem:$0xC700] =	vst v63  }
0x2c: {  	_ =	swait.ge [sflag:s12], $0x1400  }
0x2d: {  	s19 =	smov.u32 s21;
	[sflag:s12] =	ssyncset.done $0x0  }
0x2e: {  	s18 =	sshra.s32 s18, $0x2;
	[sflag:s12] =	ssyncadd.s32 $0xFFFFEC00  }
0x2f: {  	[tilespmem:s15], [sflag:$0x1] =	stream.indirect.gather [hbm4b:s4+s14], $0x28, s18, s14, $0xb8;
	[tilespmem:$0xC700] =	vst v63  }
0x30: {  	_ =	swait.ge [sflag:s16], $0x1400  }
0x31: {  	[sflag:s16] =	ssyncset.done $0x0  }
0x32: {  	s18 =	sadd.s32 $0x2780, s18;
	[sflag:s16] =	ssyncadd.s32 $0xFFFFEC00  }
0x33: {  	[spmem:s2] =	stream.indirect.scatter.add.f32 [tilespmem:s15], [sflag:$0x2], $0x28, s18, s14, $0xb8;
	[tilespmem:$0xC700] =	vst v63  }
0x34: {  	_ =	swait.ge [sflag:s12], $0x1400  }
0x35: {  	s17 =	sadd.s32 $0x1, s17;
	[sflag:s12] =	ssyncset.done $0x0  }
0x36: {  	p0 =	sne.s32 s17, s9;
	[sflag:s12] =	ssyncadd.s32 $0xFFFFEC00  }
.Ltmp1:
0x37: {  	[bflag:$0x0] =	sbarrier.arrive $0xFFFF;
	(pc) =	sbr.rel @p0 .LBB2_1-.Ltmp1, $4  }
0x38: {  	[hbm:s10], [sflag:s6] =	dma.local [spmem:s11], $0xC80  }
0x39: {  	_ =	swait.ge [sflag:s12], $0xC80  }
0x3a: {  	[sflag:s12] =	ssyncset.done $0x0  }
0x3b: {  	[sflag:s12] =	ssyncadd.s32 $0xFFFFF380  }
0x3c: {  	_ =	sfence.sel $0x180000  }
0x3d: {  	[bflag:$0x0] =	sbarrier.arrive $0xFFFF  }
0x3e: {  	p0 =	sne.s32 s1, $0x0;
	_ =	strace $0x9000004D  }
0x3f: {  	s0 =	sadd.s32 @!p0 $0x100000, s0;
	[bflag:$0x2] =	sbarrier.arrive $0xFFFF  }
0x40: {  	[sflag:s0] =	ssyncadd.tile.s32 @!p0 $0x1;
	_ =	shalt  }
.Lfunc_end2:
_tile_overlayer_lowered:
.L_overlay_start_2:
0x41: {  	(tag) =	ssettag $0x2  }
0x42: {  	s0 =	rddreg [dreg:$0x0];
	s2 =	stileid.u32  }
0x43: {  	s1 =	rddreg [dreg:$0x1];
	p0 =	sne.s32 s2, $0x0  }
0x44: {  	s3 =	rddreg [dreg:$0x2];
	[bflag:$0x3] =	sbarrier.arrive $0xFFFF;
	s2 =	simm.s32 @!p0 $0x1C02  }
0x45: {  	[timem:s3], [sflag:s2] =	dma.local @!p0 [hbm:s0], s1  }
0x46: {  	s0 =	simm.s32 @!p0 $0x2  }
0x47: {  	_ =	swait.ge @!p0 [sflag:s0], s1  }
0x48: {  	s1 =	ssub.s32 @!p0 $0x0, s1;
	[sflag:s0] =	ssyncset.done @!p0 $0x0  }
0x49: {  	[sflag:s0] =	ssyncadd.s32 @!p0 s1  }
0x4a: {  	[bflag:$0x3] =	sbarrier.arrive $0xFFFF  }
0x4b: {  	_ =	shalt  }

// kernel: kernel.35.cloned.1.call-start
scs
__scs_entry_jumppad:
0x0: {  	(pc) =	sbr.rel $0x88, $3  }
0x1: {  	(tag) =	ssettag $0x0;
	lr =	simm.s32 $0x1  }
0x2: {  	[smem:$0x3F9A] =	sst lr;
	_ =	strace $0xD0000000  }
0x3: {  	_ = 	snop  }
0x4: {  	_ = 	snop  }
0x5: {  	_ = 	snop  }
0x6: {  	_ = 	snop  }
0x7: {  	_ = 	snop  }
__scs_overlays_trampoline_lowered:
0x8: {  	[smem:$0x3FA9] =	sst s0  }
0x9: {  	[smem:$0x3FAA] =	sst s1  }
0xa: {  	[smem:$0x3FAB] =	sst s2  }
0xb: {  	[smem:$0x3FAC] =	sst s3  }
0xc: {  	[smem:$0x3FAD] =	sst s4  }
0xd: {  	[smem:$0x3FAE] =	sst s5  }
0xe: {  	[smem:$0x3FAF] =	sst s6  }
0xf: {  	[smem:$0x3FB0] =	sst s7  }
0x10: {  	[smem:$0x3FB1] =	sst s8  }
0x11: {  	[smem:$0x3FB2] =	sst s9;
	s0 =	simm.s32 @!p0 $0x0  }
0x12: {  	s1 =	sld [smem:$0x3F98];
	s0 =	simm.s32 @p0 $0x1  }
0x13: {  	[smem:$0x3FB3] =	sst s0;
	s0 =	simm.s32 @!p1 $0x0  }
0x14: {  	s2 =	sld [smem:$0x3F97];
	s0 =	simm.s32 @p1 $0x1  }
0x15: {  	[smem:$0x3FB4] =	sst s0;
	s0 =	simm.s32 @!p2 $0x0  }
0x16: {  	s3 =	sld [smem:$0x3FDB];
	s0 =	simm.s32 @p2 $0x1  }
0x17: {  	s4 =	simm.s32 $0x1BF5;
	[smem:$0x3FB6] =	sst s0  }
0x18: {  	s0 =	sld [smem:$0x3F99];
	_ =	swait.ge [sflag:s4], $0x0  }
0x19: {  	s7 =	sld [smem:$0x3F9A]  }
0x1a: {  	s8 =	sadd.s32 $0xFFFFE003, lr  }
0x1b: {  	s9 =	sadd.s32 $0xFFFFFEF7, lr;
	s5 =	simm.s32 $0xFFFFFFFF;
	p2 =	slt.u32 s8, $0xFFFFF086  }
0x1c: {  	p1 =	slt.u32 s9, $0xF7A;
	s5 =	simm.s32 @!p2 $0x0  }
0x1d: {  	s5 =	simm.s32 @p1 $0x1;
	p0 =	seq.s32 s7, s2  }
0x1e: {  	s7 =	smul.u32 @!p0 $0xF7A, s2;
	p2 =	seq.s32 @!p0 s5, $0x0  }
0x1f: {  	s9 =	smul.u32 $0xF7A, s1;
	s8 =	simm.s32 @!p0 $0x1BF5;
	p2 =	por !p2, p0  }
0x20: {  	[sflag:s8] =	ssyncset.s32 @!p0 $0xFFFFF086;
	s6 =	sadd.s32 @!p0 s3, s7;
	s7 =	simm.s32 @!p0 $0x108  }
0x21: {  	s3 =	sadd.s32 s3, s9;
	s6 =	sadd.s32 @!p0 $0x88, s6;
	s7 =	simm.s32 @p2 $0x1082  }
0x22: {  	[simem:s7], [sflag:s8] =	dma.local @!p0 [hbm:s6], $0xF7A  }
0x23: {  	s9 =	sor.u32 $0xD0000000, s2;
	s6 =	simm.s32 $0x108;
	_ =	swait.ge @!p0 [sflag:s8], $0x0  }
0x24: {  	s3 =	sadd.s32 $0x88, s3;
	s6 =	simm.s32 @!p1 $0x1082;
	[sflag:s4] =	ssyncset.s32 $0xFFFFF086  }
0x25: {  	[simem:s6], [sflag:s4] =	dma.local [hbm:s3], $0xF7A  }
0x26: {  	[smem:$0x3F9A] =	sst s1;
	(tag) =	ssettag s2;
	_ =	strace s9  }
0x27: {  	s1 =	sld [smem:$0x3FAA]  }
0x28: {  	s2 =	sld [smem:$0x3FAB]  }
0x29: {  	s4 =	sld [smem:$0x3FAD]  }
0x2a: {  	p0 =	seq.s32 s5, $0x0;
	s5 =	sld [smem:$0x3FAE]  }
0x2b: {  	s6 =	sld [smem:$0x3FAF]  }
0x2c: {  	s7 =	sld [smem:$0x3FB0]  }
0x2d: {  	s3 =	simm.s32 $0x108;
	s8 =	sld [smem:$0x3FB1]  }
0x2e: {  	s3 =	simm.s32 @!p0 $0x1082;
	s9 =	sld [smem:$0x3FB2]  }
0x2f: {  	lr =	sadd.s32 s0, s3;
	s0 =	sld [smem:$0x3FA9]  }
0x30: {  	s3 =	sld [smem:$0x3FAC]  }
0x31: {  	[smem:$0x3FB5] =	sst s10  }
0x32: {  	s10 =	sld [smem:$0x3FB3];
	_ =	sdelay $0x3  }
0x33: {  	p0 =	seq.s32 s10, $0x1;
	s10 =	sld [smem:$0x3FB5];
	_ =	sdelay $0x3  }
0x34: {  	[smem:$0x3FB5] =	sst s10  }
0x35: {  	s10 =	sld [smem:$0x3FB4];
	_ =	sdelay $0x3  }
0x36: {  	p1 =	seq.s32 s10, $0x1;
	s10 =	sld [smem:$0x3FB5];
	_ =	sdelay $0x3  }
0x37: {  	[smem:$0x3FB5] =	sst s10  }
0x38: {  	s10 =	sld [smem:$0x3FB6]  }
0x39: {  	_ = 	snop;
	(pc) =	sbr.ind lr, $3  }
0x3a: {  	_ = 	snop  }
0x3b: {  	_ = 	snop  }
0x3c: {  	p2 =	seq.s32 s10, $0x1;
	s10 =	sld [smem:$0x3FB5]  }
0x3d: {  	_ =	shalt  }
0x3e: {  	_ =	shalt  }
0x3f: {  	_ =	shalt  }
0x40: {  	_ =	shalt  }
0x41: {  	_ =	shalt  }
0x42: {  	_ =	shalt  }
0x43: {  	_ =	shalt  }
0x44: {  	_ =	shalt  }
0x45: {  	_ =	shalt  }
0x46: {  	_ =	shalt  }
0x47: {  	_ =	shalt  }
0x48: {  	_ =	shalt  }
0x49: {  	_ =	shalt  }
0x4a: {  	_ =	shalt  }
0x4b: {  	_ =	shalt  }
0x4c: {  	_ =	shalt  }
0x4d: {  	_ =	shalt  }
0x4e: {  	_ =	shalt  }
0x4f: {  	_ =	shalt  }
0x50: {  	_ =	shalt  }
0x51: {  	_ =	shalt  }
0x52: {  	_ =	shalt  }
0x53: {  	_ =	shalt  }
0x54: {  	_ =	shalt  }
0x55: {  	_ =	shalt  }
0x56: {  	_ =	shalt  }
0x57: {  	_ =	shalt  }
0x58: {  	_ =	shalt  }
0x59: {  	_ =	shalt  }
0x5a: {  	_ =	shalt  }
0x5b: {  	_ =	shalt  }
0x5c: {  	_ =	shalt  }
0x5d: {  	_ =	shalt  }
0x5e: {  	_ =	shalt  }
0x5f: {  	_ =	shalt  }
0x60: {  	_ =	shalt  }
0x61: {  	_ =	shalt  }
0x62: {  	_ =	shalt  }
0x63: {  	_ =	shalt  }
0x64: {  	_ =	shalt  }
0x65: {  	_ =	shalt  }
0x66: {  	_ =	shalt  }
0x67: {  	_ =	shalt  }
0x68: {  	_ =	shalt  }
0x69: {  	_ =	shalt  }
0x6a: {  	_ =	shalt  }
0x6b: {  	_ =	shalt  }
0x6c: {  	_ =	shalt  }
0x6d: {  	_ =	shalt  }
0x6e: {  	_ =	shalt  }
0x6f: {  	_ =	shalt  }
0x70: {  	_ =	shalt  }
0x71: {  	_ =	shalt  }
0x72: {  	_ =	shalt  }
0x73: {  	_ =	shalt  }
0x74: {  	_ =	shalt  }
0x75: {  	_ =	shalt  }
0x76: {  	_ =	shalt  }
0x77: {  	_ =	shalt  }
0x78: {  	_ =	shalt  }
0x79: {  	_ =	shalt  }
0x7a: {  	_ =	shalt  }
0x7b: {  	_ =	shalt  }
0x7c: {  	_ =	shalt  }
0x7d: {  	_ =	shalt  }
0x7e: {  	_ =	shalt  }
0x7f: {  	_ =	shalt  }
0x80: {  	_ =	shalt  }
0x81: {  	_ =	shalt  }
0x82: {  	_ =	shalt  }
0x83: {  	_ =	shalt  }
0x84: {  	_ =	shalt  }
0x85: {  	_ =	shalt  }
0x86: {  	_ =	shalt  }
0x87: {  	_ =	shalt  }
.Lfunc_end0:
.L_simem_size_0:
called_computation.3_lowered:
.L_overlay_start_0:
0x88: {  	s2 =	sld [smem:$0x3FD9]  }
0x89: {  	s3 =	sld [smem:$0x3FFE];
	_ =	sdelay $0x1  }
0x8a: {  	s1 =	srdreg.scid  }
0x8b: {  	s0 =	sand.u32 $0x1, s1  }
0x8c: {  	s17 =	sshll.u32 s0, $0xA;
	s2 =	sadd.s32 s3, s2  }
0x8d: {  	s2 =	sadd.s32 s2, s17  }
0x8e: {  	[smem:$0x3FC1] =	sst s2  }
0x8f: {  	_ = 	snop  }
0x90: {  	s2 =	sld [smem:$0x3FD0];
	(tm) =	ssettm $0x1  }
0x91: {  	s18 =	sld [smem:$0x3FFB];
	_ =	sdelay $0x3  }
0x92: {  	_ =	strace s18  }
0x93: {  	s3 =	sld [smem:$0x3FFC];
	_ =	sdelay $0x3  }
0x94: {  	_ =	strace s3  }
0x95: {  	s3 =	sld [smem:$0x3FFD];
	_ =	sdelay $0x3  }
0x96: {  	_ =	strace s3  }
0x97: {  	_ =	strace $0x8FFFFFFF  }
0x98: {  	s19 =	sld [smem:$0x3FDB];
	_ =	sdelay $0x1  }
0x99: {  	s4 =	simm.s32 $_scs_section_size  }
0x9a: {  	s5 =	simm.s32 $_size__tile_overlayer_lowered;
	s6 =	simm.s32 $_tile_overlayer_lowered  }
0x9b: {  	s22 =	simm.s32 $0x1BFF;
	s21 =	sshll.u32 s6, $0x1;
	s3 =	sadd.s32 s4, s19  }
0x9c: {  	s7 =	simm.s32 $0x0;
	s20 =	sshll.u32 s5, $0x1;
	s5 =	sadd.s32 s21, s3  }
0x9d: {  	[timem:s7], [sflag:s22] =	dma.local [hbm:s5], s20  }
0x9e: {  	_ =	swait.ge [sflag:s22], s20  }
0x9f: {  	s4 =	ssub.s32 $0x0, s20;
	[sflag:s22] =	ssyncset.done $0x0  }
0xa0: {  	[sflag:s22] =	ssyncadd.s32 s4;
	_ =	sdelay $0x1  }
0xa1: {  	s23 =	simm.s32 $0x1B8B  }
0xa2: {  	_ =	swait.ge [sflag:s23], $0x1  }
0xa3: {  	[sflag:s23] =	ssyncset.done $0x0  }
0xa4: {  	s25 =	simm.s32 $0x1B8E;
	s24 =	sld [smem:$0x3FFE];
	[sflag:s23] =	ssyncadd.s32 $0xFFFFFFFF  }
0xa5: {  	s26 =	simm.s32 $execute0_lowered;
	[smem:$0x3FD2] =	sst s25  }
0xa6: {  	s5 =	sshll.u32 s26, $0x1;
	_ =	strace $0x8000004F;
	[dreg:$0x1] =	wrdreg $0xFFFFFFFF  }
0xa7: {  	s28 =	simm.s32 $_size_execute0_lowered;
	s3 =	sadd.s32 s3, s5;
	[dreg:$0x0] =	wrdreg $0x0  }
0xa8: {  	s5 =	sshll.u32 s28, $0x1;
	[dreg:$0x2] =	wrdreg s3  }
0xa9: {  	[dreg:$0x3] =	wrdreg s5  }
0xaa: {  	[dreg:$0x4] =	wrdreg $0xC0  }
0xab: {  	_ =	task [dreg:s7], $0x5FFFF  }
0xac: {  	[dreg:$0x1] =	wrdreg $0xFFFFFFFF  }
0xad: {  	[dreg:$0x0] =	wrdreg $0x60  }
0xae: {  	[dreg:$0x2] =	wrdreg s24  }
0xaf: {  	[dreg:$0x3] =	wrdreg s2  }
0xb0: {  	[dreg:$0x4] =	wrdreg $0x63000  }
0xb1: {  	[dreg:$0x5] =	wrdreg $0x9  }
0xb2: {  	_ =	task.clear_ibuf [dreg:s7], $0x6FFFF;
	_ =	strace $0x9000004F  }
0xb3: {  	s29 =	simm.s32 $0x9;
	_ =	strace $0x80000051  }
0xb4: {  	_ =	swait.ge [sflag:s29], $0x1  }
0xb5: {  	[sflag:s29] =	ssyncadd.s32 $0xFFFFFFFF  }
0xb6: {  	_ =	strace $0x90000051  }
0xb7: {  	_ =	sfence  }
0xb8: {  	s30 =	sld [smem:$0x0];
	_ =	sdelay $0x2  }
0xb9: {  	s31 =	sshll.u32 s1, $0xD;
	s1 =	sshrl.u32 s1, $0x2  }
0xba: {  	s3 =	sand.u32 $0x4000, s31;
	s1 =	sadd.s32 s1, s30  }
0xbb: {  	s0 =	sor.u32 s3, s0;
	s1 =	sshll.u32 s1, $0x11  }
0xbc: {  	s0 =	sor.u32 s1, s0  }
0xbd: {  	s0 =	sadd.s32 $0x8F2B, s0  }
0xbe: {  	[sflag:s0] =	ssyncadd.remote.s32 $0x1  }
0xbf: {  	_ =	sfence.sel $0xFFFF  }
0xc0: {  	[dreg:$0x0] =	wrdreg $0xFFFFFFFF;
	(pc) =	sbr.abs _section_cstart, $3  }
0xc1: {  	[dreg:$0x1] =	wrdreg $0xFFFFFFFF  }
0xc2: {  	_ =	task.clear_ibuf [dreg:s7], $0x2FFFF;
	_ =	strace $0x9FFFFFFF  }
0xc3: {  	(tm) =	ssettm $0x7FFFFFFF  }
tec
execute0_lowered:
.L_overlay_start_1:
0x0: {  	(tag) =	ssettag $0x1  }
0x1: {  	s5 =	rddreg [dreg:$0x0]  }
0x2: {  	s7 =	rddreg [dreg:$0x1]  }
0x3: {  	s2 =	rddreg [dreg:$0x2]  }
0x4: {  	s0 =	rddreg [dreg:$0x3]  }
0x5: {  	s4 =	srdreg.scid;
	s1 =	stileid.u32  }
0x6: {  	s3 =	simm.s32 $0x0;
	s14 =	simm.s32 $0x2F600;
	s15 =	simm.s32 $0x4F00  }
0x7: {  	s16 =	simm.s32 $0x1;
	s17 =	simm.s32 $0x0;
	s8 =	sand.u32 $0x1, s4  }
0x8: {  	s29 =	sshll.u32 s1, $0x1;
	[smem:$0x7FF] =	sst s3;
	s6 =	smul.u32 $0x6400, s1  }
0x9: {  	s31 =	sshll.u32 s1, $0x6;
	s4 =	sor.u32 s8, s29;
	_ =	strace $0x80000050  }
0xa: {  	s10 =	ssub.s32 $0x2, s8;
	p0 =	seq.s32 s8, $0x1;
	s9 =	smul.u32 $0x4F0, s4  }
0xb: {  	s4 =	sadd.s32 $0xC800, s5;
	s11 =	sshrl.u32 s6, $0x3;
	s12 =	sshrl.u32 s10, $0x1  }
0xc: {  	s30 =	sadd.s32 s6, s2;
	s6 =	sor.u32 $0x1C02, s31;
	s14 =	simm.s32 @!p0 $0x3BE00  }
0xd: {  	s11 =	sadd.s32 s11, s5;
	s10 =	ssub.s32 s10, s12;
	s12 =	simm.s32 $0x2  }
0xe: {  	s13 =	sadd.s32 s9, s5;
	s5 =	sadd.s32 $0x22E00, s11;
	s7 =	sadd.s32 s7, s9  }
0xf: {  	s9 =	smax.u32 s10, $0x1;
	s10 =	sadd.s32 s14, s11;
	s11 =	sshrl.u32 s30, $0x3  }
0x10: {  	s14 =	simm.s32 $0x80;
	s8 =	sadd.s32 $0x19000, s13;
	s13 =	simm.s32 $0x2780  }
.LBB2_1:
0x11: {  	[spmem:s11], [sflag:s6] =	dma.local [hbm:s5], $0xC80  }
0x12: {  	_ =	swait.ge [sflag:s12], $0xC80  }
0x13: {  	[sflag:s12] =	ssyncset.done $0x0  }
0x14: {  	[sflag:s12] =	ssyncadd.s32 $0xFFFFF380  }
0x15: {  	[tilespmem:s3], [sflag:$0x2] =	stream.linear.gather [hbm4b:s7+s3], $0x2780, $0x38;
	[tilespmem:$0xC700] =	vst v63  }
0x16: {  	_ =	swait.ge [sflag:s12], $0x2780  }
0x17: {  	[sflag:s12] =	ssyncset.done $0x0  }
0x18: {  	[sflag:s12] =	ssyncadd.s32 $0xFFFFD880  }
0x19: {  	[tilespmem:s13], [sflag:$0x2] =	stream.linear.gather [hbm4b:s8+s3], $0x2780, $0x38;
	[tilespmem:$0xC700] =	vst v63  }
0x1a: {  	_ =	swait.ge [sflag:s12], $0x2780  }
0x1b: {  	[sflag:s12] =	ssyncset.done $0x0  }
0x1c: {  	[sflag:s12] =	ssyncadd.s32 $0xFFFFD880  }
0x1d: {  	s18 =	simm.s32 $0x0;
	[bflag:$0x0] =	sbarrier.arrive $0xFFFF  }
0x1e: {  	[tilespmem:s15], [sflag:$0x1] =	stream.indirect.gather [hbm4b:s4+s14], $0x28, s18, s14, $0xb8;
	[tilespmem:$0xC700] =	vst v63  }
0x1f: {  	_ =	swait.ge [sflag:s16], $0x1400  }
0x20: {  	[sflag:s16] =	ssyncset.done $0x0  }
0x21: {  	s31 =	simm.s32 $0x2780;
	[sflag:s16] =	ssyncadd.s32 $0xFFFFEC00  }
0x22: {  	[spmem:s2] =	stream.indirect.scatter.add.f32 [tilespmem:s15], [sflag:$0x2], $0x28, s31, s14, $0xb8;
	[tilespmem:$0xC700] =	vst v63  }
0x23: {  	_ =	swait.ge [sflag:s12], $0x1400  }
0x24: {  	s19 =	simm.s32 $0x400;
	s18 =	simm.s32 $0x200;
	[sflag:s12] =	ssyncset.done $0x0  }
.LBB2_2:
0x25: {  	s20 =	sshra.s32 s18, $0x2  }
0x26: {  	[sflag:s12] =	ssyncadd.s32 $0xFFFFEC00;
	s18 =	smov.u32 s19;
	s21 =	sadd.s32 $0x200, s19  }
0x27: {  	[tilespmem:s15], [sflag:$0x1] =	stream.indirect.gather [hbm4b:s4+s14], $0x28, s20, s14, $0xb8;
	[tilespmem:$0xC700] =	vst v63  }
0x28: {  	p0 =	sne.s32 s19, $0x9C00;
	_ =	swait.ge [sflag:s16], $0x1400  }
.Ltmp0:
0x29: {  	[sflag:s16] =	ssyncset.done $0x0;
	(pc) =	sbr.rel @p0 .LBB2_2-.Ltmp0, $4  }
0x2a: {  	s19 =	sadd.s32 $0x2780, s20;
	[sflag:s16] =	ssyncadd.s32 $0xFFFFEC00  }
0x2b: {  	[spmem:s2] =	stream.indirect.scatter.add.f32 [tilespmem:s15], [sflag:$0x2], $0x28, s19, s14, $0xb8;
	[tilespmem:$0xC700] =	vst v63  }
0x2c: {  	_ =	swait.ge [sflag:s12], $0x1400  }
0x2d: {  	s19 =	smov.u32 s21;
	[sflag:s12] =	ssyncset.done $0x0  }
0x2e: {  	s18 =	sshra.s32 s18, $0x2;
	[sflag:s12] =	ssyncadd.s32 $0xFFFFEC00  }
0x2f: {  	[tilespmem:s15], [sflag:$0x1] =	stream.indirect.gather [hbm4b:s4+s14], $0x28, s18, s14, $0xb8;
	[tilespmem:$0xC700] =	vst v63  }
0x30: {  	_ =	swait.ge [sflag:s16], $0x1400  }
0x31: {  	[sflag:s16] =	ssyncset.done $0x0  }
0x32: {  	s18 =	sadd.s32 $0x2780, s18;
	[sflag:s16] =	ssyncadd.s32 $0xFFFFEC00  }
0x33: {  	[spmem:s2] =	stream.indirect.scatter.add.f32 [tilespmem:s15], [sflag:$0x2], $0x28, s18, s14, $0xb8;
	[tilespmem:$0xC700] =	vst v63  }
0x34: {  	_ =	swait.ge [sflag:s12], $0x1400  }
0x35: {  	s17 =	sadd.s32 $0x1, s17;
	[sflag:s12] =	ssyncset.done $0x0  }
0x36: {  	p0 =	sne.s32 s17, s9;
	[sflag:s12] =	ssyncadd.s32 $0xFFFFEC00  }
.Ltmp1:
0x37: {  	[bflag:$0x0] =	sbarrier.arrive $0xFFFF;
	(pc) =	sbr.rel @p0 .LBB2_1-.Ltmp1, $4  }
0x38: {  	[hbm:s10], [sflag:s6] =	dma.local [spmem:s11], $0xC80  }
0x39: {  	_ =	swait.ge [sflag:s12], $0xC80  }
0x3a: {  	[sflag:s12] =	ssyncset.done $0x0  }
0x3b: {  	[sflag:s12] =	ssyncadd.s32 $0xFFFFF380  }
0x3c: {  	_ =	sfence.sel $0x180000  }
0x3d: {  	[bflag:$0x0] =	sbarrier.arrive $0xFFFF  }
0x3e: {  	p0 =	sne.s32 s1, $0x0;
	_ =	strace $0x90000050  }
0x3f: {  	s0 =	sadd.s32 @!p0 $0x100000, s0;
	[bflag:$0x2] =	sbarrier.arrive $0xFFFF  }
0x40: {  	[sflag:s0] =	ssyncadd.tile.s32 @!p0 $0x1;
	_ =	shalt  }
.Lfunc_end2:
_tile_overlayer_lowered:
.L_overlay_start_2:
0x41: {  	(tag) =	ssettag $0x2  }
0x42: {  	s0 =	rddreg [dreg:$0x0];
	s2 =	stileid.u32  }
0x43: {  	s1 =	rddreg [dreg:$0x1];
	p0 =	sne.s32 s2, $0x0  }
0x44: {  	s3 =	rddreg [dreg:$0x2];
	[bflag:$0x3] =	sbarrier.arrive $0xFFFF;
	s2 =	simm.s32 @!p0 $0x1C02  }
0x45: {  	[timem:s3], [sflag:s2] =	dma.local @!p0 [hbm:s0], s1  }
0x46: {  	s0 =	simm.s32 @!p0 $0x2  }
0x47: {  	_ =	swait.ge @!p0 [sflag:s0], s1  }
0x48: {  	s1 =	ssub.s32 @!p0 $0x0, s1;
	[sflag:s0] =	ssyncset.done @!p0 $0x0  }
0x49: {  	[sflag:s0] =	ssyncadd.s32 @!p0 s1  }
0x4a: {  	[bflag:$0x3] =	sbarrier.arrive $0xFFFF  }
0x4b: {  	_ =	shalt  }

// kernel: kernel.38.cloned.1.call-start
scs
__scs_entry_jumppad:
0x0: {  	(pc) =	sbr.rel $0x88, $3  }
0x1: {  	(tag) =	ssettag $0x0;
	lr =	simm.s32 $0x1  }
0x2: {  	[smem:$0x3F9A] =	sst lr;
	_ =	strace $0xD0000000  }
0x3: {  	_ = 	snop  }
0x4: {  	_ = 	snop  }
0x5: {  	_ = 	snop  }
0x6: {  	_ = 	snop  }
0x7: {  	_ = 	snop  }
__scs_overlays_trampoline_lowered:
0x8: {  	[smem:$0x3FA9] =	sst s0  }
0x9: {  	[smem:$0x3FAA] =	sst s1  }
0xa: {  	[smem:$0x3FAB] =	sst s2  }
0xb: {  	[smem:$0x3FAC] =	sst s3  }
0xc: {  	[smem:$0x3FAD] =	sst s4  }
0xd: {  	[smem:$0x3FAE] =	sst s5  }
0xe: {  	[smem:$0x3FAF] =	sst s6  }
0xf: {  	[smem:$0x3FB0] =	sst s7  }
0x10: {  	[smem:$0x3FB1] =	sst s8  }
0x11: {  	[smem:$0x3FB2] =	sst s9;
	s0 =	simm.s32 @!p0 $0x0  }
0x12: {  	s1 =	sld [smem:$0x3F98];
	s0 =	simm.s32 @p0 $0x1  }
0x13: {  	[smem:$0x3FB3] =	sst s0;
	s0 =	simm.s32 @!p1 $0x0  }
0x14: {  	s2 =	sld [smem:$0x3F97];
	s0 =	simm.s32 @p1 $0x1  }
0x15: {  	[smem:$0x3FB4] =	sst s0;
	s0 =	simm.s32 @!p2 $0x0  }
0x16: {  	s3 =	sld [smem:$0x3FDB];
	s0 =	simm.s32 @p2 $0x1  }
0x17: {  	s4 =	simm.s32 $0x1BF5;
	[smem:$0x3FB6] =	sst s0  }
0x18: {  	s0 =	sld [smem:$0x3F99];
	_ =	swait.ge [sflag:s4], $0x0  }
0x19: {  	s7 =	sld [smem:$0x3F9A]  }
0x1a: {  	s8 =	sadd.s32 $0xFFFFE003, lr  }
0x1b: {  	s9 =	sadd.s32 $0xFFFFFEF7, lr;
	s5 =	simm.s32 $0xFFFFFFFF;
	p2 =	slt.u32 s8, $0xFFFFF086  }
0x1c: {  	p1 =	slt.u32 s9, $0xF7A;
	s5 =	simm.s32 @!p2 $0x0  }
0x1d: {  	s5 =	simm.s32 @p1 $0x1;
	p0 =	seq.s32 s7, s2  }
0x1e: {  	s7 =	smul.u32 @!p0 $0xF7A, s2;
	p2 =	seq.s32 @!p0 s5, $0x0  }
0x1f: {  	s9 =	smul.u32 $0xF7A, s1;
	s8 =	simm.s32 @!p0 $0x1BF5;
	p2 =	por !p2, p0  }
0x20: {  	[sflag:s8] =	ssyncset.s32 @!p0 $0xFFFFF086;
	s6 =	sadd.s32 @!p0 s3, s7;
	s7 =	simm.s32 @!p0 $0x108  }
0x21: {  	s3 =	sadd.s32 s3, s9;
	s6 =	sadd.s32 @!p0 $0x88, s6;
	s7 =	simm.s32 @p2 $0x1082  }
0x22: {  	[simem:s7], [sflag:s8] =	dma.local @!p0 [hbm:s6], $0xF7A  }
0x23: {  	s9 =	sor.u32 $0xD0000000, s2;
	s6 =	simm.s32 $0x108;
	_ =	swait.ge @!p0 [sflag:s8], $0x0  }
0x24: {  	s3 =	sadd.s32 $0x88, s3;
	s6 =	simm.s32 @!p1 $0x1082;
	[sflag:s4] =	ssyncset.s32 $0xFFFFF086  }
0x25: {  	[simem:s6], [sflag:s4] =	dma.local [hbm:s3], $0xF7A  }
0x26: {  	[smem:$0x3F9A] =	sst s1;
	(tag) =	ssettag s2;
	_ =	strace s9  }
0x27: {  	s1 =	sld [smem:$0x3FAA]  }
0x28: {  	s2 =	sld [smem:$0x3FAB]  }
0x29: {  	s4 =	sld [smem:$0x3FAD]  }
0x2a: {  	p0 =	seq.s32 s5, $0x0;
	s5 =	sld [smem:$0x3FAE]  }
0x2b: {  	s6 =	sld [smem:$0x3FAF]  }
0x2c: {  	s7 =	sld [smem:$0x3FB0]  }
0x2d: {  	s3 =	simm.s32 $0x108;
	s8 =	sld [smem:$0x3FB1]  }
0x2e: {  	s3 =	simm.s32 @!p0 $0x1082;
	s9 =	sld [smem:$0x3FB2]  }
0x2f: {  	lr =	sadd.s32 s0, s3;
	s0 =	sld [smem:$0x3FA9]  }
0x30: {  	s3 =	sld [smem:$0x3FAC]  }
0x31: {  	[smem:$0x3FB5] =	sst s10  }
0x32: {  	s10 =	sld [smem:$0x3FB3];
	_ =	sdelay $0x3  }
0x33: {  	p0 =	seq.s32 s10, $0x1;
	s10 =	sld [smem:$0x3FB5];
	_ =	sdelay $0x3  }
0x34: {  	[smem:$0x3FB5] =	sst s10  }
0x35: {  	s10 =	sld [smem:$0x3FB4];
	_ =	sdelay $0x3  }
0x36: {  	p1 =	seq.s32 s10, $0x1;
	s10 =	sld [smem:$0x3FB5];
	_ =	sdelay $0x3  }
0x37: {  	[smem:$0x3FB5] =	sst s10  }
0x38: {  	s10 =	sld [smem:$0x3FB6]  }
0x39: {  	_ = 	snop;
	(pc) =	sbr.ind lr, $3  }
0x3a: {  	_ = 	snop  }
0x3b: {  	_ = 	snop  }
0x3c: {  	p2 =	seq.s32 s10, $0x1;
	s10 =	sld [smem:$0x3FB5]  }
0x3d: {  	_ =	shalt  }
0x3e: {  	_ =	shalt  }
0x3f: {  	_ =	shalt  }
0x40: {  	_ =	shalt  }
0x41: {  	_ =	shalt  }
0x42: {  	_ =	shalt  }
0x43: {  	_ =	shalt  }
0x44: {  	_ =	shalt  }
0x45: {  	_ =	shalt  }
0x46: {  	_ =	shalt  }
0x47: {  	_ =	shalt  }
0x48: {  	_ =	shalt  }
0x49: {  	_ =	shalt  }
0x4a: {  	_ =	shalt  }
0x4b: {  	_ =	shalt  }
0x4c: {  	_ =	shalt  }
0x4d: {  	_ =	shalt  }
0x4e: {  	_ =	shalt  }
0x4f: {  	_ =	shalt  }
0x50: {  	_ =	shalt  }
0x51: {  	_ =	shalt  }
0x52: {  	_ =	shalt  }
0x53: {  	_ =	shalt  }
0x54: {  	_ =	shalt  }
0x55: {  	_ =	shalt  }
0x56: {  	_ =	shalt  }
0x57: {  	_ =	shalt  }
0x58: {  	_ =	shalt  }
0x59: {  	_ =	shalt  }
0x5a: {  	_ =	shalt  }
0x5b: {  	_ =	shalt  }
0x5c: {  	_ =	shalt  }
0x5d: {  	_ =	shalt  }
0x5e: {  	_ =	shalt  }
0x5f: {  	_ =	shalt  }
0x60: {  	_ =	shalt  }
0x61: {  	_ =	shalt  }
0x62: {  	_ =	shalt  }
0x63: {  	_ =	shalt  }
0x64: {  	_ =	shalt  }
0x65: {  	_ =	shalt  }
0x66: {  	_ =	shalt  }
0x67: {  	_ =	shalt  }
0x68: {  	_ =	shalt  }
0x69: {  	_ =	shalt  }
0x6a: {  	_ =	shalt  }
0x6b: {  	_ =	shalt  }
0x6c: {  	_ =	shalt  }
0x6d: {  	_ =	shalt  }
0x6e: {  	_ =	shalt  }
0x6f: {  	_ =	shalt  }
0x70: {  	_ =	shalt  }
0x71: {  	_ =	shalt  }
0x72: {  	_ =	shalt  }
0x73: {  	_ =	shalt  }
0x74: {  	_ =	shalt  }
0x75: {  	_ =	shalt  }
0x76: {  	_ =	shalt  }
0x77: {  	_ =	shalt  }
0x78: {  	_ =	shalt  }
0x79: {  	_ =	shalt  }
0x7a: {  	_ =	shalt  }
0x7b: {  	_ =	shalt  }
0x7c: {  	_ =	shalt  }
0x7d: {  	_ =	shalt  }
0x7e: {  	_ =	shalt  }
0x7f: {  	_ =	shalt  }
0x80: {  	_ =	shalt  }
0x81: {  	_ =	shalt  }
0x82: {  	_ =	shalt  }
0x83: {  	_ =	shalt  }
0x84: {  	_ =	shalt  }
0x85: {  	_ =	shalt  }
0x86: {  	_ =	shalt  }
0x87: {  	_ =	shalt  }
.Lfunc_end0:
.L_simem_size_0:
called_computation.4_lowered:
.L_overlay_start_0:
0x88: {  	s2 =	sld [smem:$0x3FD9]  }
0x89: {  	s3 =	sld [smem:$0x3FFE];
	_ =	sdelay $0x1  }
0x8a: {  	s1 =	srdreg.scid  }
0x8b: {  	s0 =	sand.u32 $0x1, s1  }
0x8c: {  	s17 =	sshll.u32 s0, $0xA;
	s2 =	sadd.s32 s3, s2  }
0x8d: {  	s2 =	sadd.s32 s2, s17  }
0x8e: {  	[smem:$0x3FC1] =	sst s2  }
0x8f: {  	_ = 	snop  }
0x90: {  	s2 =	sld [smem:$0x3FD0];
	(tm) =	ssettm $0x1  }
0x91: {  	s18 =	sld [smem:$0x3FFB];
	_ =	sdelay $0x3  }
0x92: {  	_ =	strace s18  }
0x93: {  	s3 =	sld [smem:$0x3FFC];
	_ =	sdelay $0x3  }
0x94: {  	_ =	strace s3  }
0x95: {  	s3 =	sld [smem:$0x3FFD];
	_ =	sdelay $0x3  }
0x96: {  	_ =	strace s3  }
0x97: {  	_ =	strace $0x8FFFFFFF  }
0x98: {  	s19 =	sld [smem:$0x3FDB];
	_ =	sdelay $0x1  }
0x99: {  	s4 =	simm.s32 $_scs_section_size  }
0x9a: {  	s5 =	simm.s32 $_size__tile_overlayer_lowered;
	s6 =	simm.s32 $_tile_overlayer_lowered  }
0x9b: {  	s22 =	simm.s32 $0x1BFF;
	s21 =	sshll.u32 s6, $0x1;
	s3 =	sadd.s32 s4, s19  }
0x9c: {  	s7 =	simm.s32 $0x0;
	s20 =	sshll.u32 s5, $0x1;
	s5 =	sadd.s32 s21, s3  }
0x9d: {  	[timem:s7], [sflag:s22] =	dma.local [hbm:s5], s20  }
0x9e: {  	_ =	swait.ge [sflag:s22], s20  }
0x9f: {  	s4 =	ssub.s32 $0x0, s20;
	[sflag:s22] =	ssyncset.done $0x0  }
0xa0: {  	[sflag:s22] =	ssyncadd.s32 s4;
	_ =	sdelay $0x1  }
0xa1: {  	s23 =	simm.s32 $0x1B8B  }
0xa2: {  	_ =	swait.ge [sflag:s23], $0x1  }
0xa3: {  	[sflag:s23] =	ssyncset.done $0x0  }
0xa4: {  	s25 =	simm.s32 $0x1B8E;
	s24 =	sld [smem:$0x3FFE];
	[sflag:s23] =	ssyncadd.s32 $0xFFFFFFFF  }
0xa5: {  	s26 =	simm.s32 $execute0_lowered;
	[smem:$0x3FD2] =	sst s25  }
0xa6: {  	s5 =	sshll.u32 s26, $0x1;
	_ =	strace $0x80000052;
	[dreg:$0x1] =	wrdreg $0xFFFFFFFF  }
0xa7: {  	s28 =	simm.s32 $_size_execute0_lowered;
	s3 =	sadd.s32 s3, s5;
	[dreg:$0x0] =	wrdreg $0x0  }
0xa8: {  	s5 =	sshll.u32 s28, $0x1;
	[dreg:$0x2] =	wrdreg s3  }
0xa9: {  	[dreg:$0x3] =	wrdreg s5  }
0xaa: {  	[dreg:$0x4] =	wrdreg $0xC0  }
0xab: {  	_ =	task [dreg:s7], $0x5FFFF  }
0xac: {  	[dreg:$0x1] =	wrdreg $0xFFFFFFFF  }
0xad: {  	[dreg:$0x0] =	wrdreg $0x60  }
0xae: {  	[dreg:$0x2] =	wrdreg s24  }
0xaf: {  	[dreg:$0x3] =	wrdreg s2  }
0xb0: {  	[dreg:$0x4] =	wrdreg $0x63000  }
0xb1: {  	[dreg:$0x5] =	wrdreg $0x9  }
0xb2: {  	_ =	task.clear_ibuf [dreg:s7], $0x6FFFF;
	_ =	strace $0x90000052  }
0xb3: {  	s29 =	simm.s32 $0x9;
	_ =	strace $0x80000054  }
0xb4: {  	_ =	swait.ge [sflag:s29], $0x1  }
0xb5: {  	[sflag:s29] =	ssyncadd.s32 $0xFFFFFFFF  }
0xb6: {  	_ =	strace $0x90000054  }
0xb7: {  	_ =	sfence  }
0xb8: {  	s30 =	sld [smem:$0x0];
	_ =	sdelay $0x2  }
0xb9: {  	s31 =	sshll.u32 s1, $0xD;
	s1 =	sshrl.u32 s1, $0x2  }
0xba: {  	s3 =	sand.u32 $0x4000, s31;
	s1 =	sadd.s32 s1, s30  }
0xbb: {  	s0 =	sor.u32 s3, s0;
	s1 =	sshll.u32 s1, $0x11  }
0xbc: {  	s0 =	sor.u32 s1, s0  }
0xbd: {  	s0 =	sadd.s32 $0x8F2B, s0  }
0xbe: {  	[sflag:s0] =	ssyncadd.remote.s32 $0x1  }
0xbf: {  	_ =	sfence.sel $0xFFFF  }
0xc0: {  	[dreg:$0x0] =	wrdreg $0xFFFFFFFF;
	(pc) =	sbr.abs _section_cstart, $3  }
0xc1: {  	[dreg:$0x1] =	wrdreg $0xFFFFFFFF  }
0xc2: {  	_ =	task.clear_ibuf [dreg:s7], $0x2FFFF;
	_ =	strace $0x9FFFFFFF  }
0xc3: {  	(tm) =	ssettm $0x7FFFFFFF  }
tec
execute0_lowered:
.L_overlay_start_1:
0x0: {  	(tag) =	ssettag $0x1  }
0x1: {  	s5 =	rddreg [dreg:$0x0]  }
0x2: {  	s7 =	rddreg [dreg:$0x1]  }
0x3: {  	s2 =	rddreg [dreg:$0x2]  }
0x4: {  	s0 =	rddreg [dreg:$0x3]  }
0x5: {  	s4 =	srdreg.scid;
	s1 =	stileid.u32  }
0x6: {  	s3 =	simm.s32 $0x0;
	s14 =	simm.s32 $0x2F600;
	s15 =	simm.s32 $0x4F00  }
0x7: {  	s16 =	simm.s32 $0x1;
	s17 =	simm.s32 $0x0;
	s8 =	sand.u32 $0x1, s4  }
0x8: {  	s29 =	sshll.u32 s1, $0x1;
	[smem:$0x7FF] =	sst s3;
	s6 =	smul.u32 $0x6400, s1  }
0x9: {  	s31 =	sshll.u32 s1, $0x6;
	s4 =	sor.u32 s8, s29;
	_ =	strace $0x80000053  }
0xa: {  	s10 =	ssub.s32 $0x2, s8;
	p0 =	seq.s32 s8, $0x1;
	s9 =	smul.u32 $0x4F0, s4  }
0xb: {  	s4 =	sadd.s32 $0xC800, s5;
	s11 =	sshrl.u32 s6, $0x3;
	s12 =	sshrl.u32 s10, $0x1  }
0xc: {  	s30 =	sadd.s32 s6, s2;
	s6 =	sor.u32 $0x1C02, s31;
	s14 =	simm.s32 @!p0 $0x3BE00  }
0xd: {  	s11 =	sadd.s32 s11, s5;
	s10 =	ssub.s32 s10, s12;
	s12 =	simm.s32 $0x2  }
0xe: {  	s13 =	sadd.s32 s9, s5;
	s5 =	sadd.s32 $0x22E00, s11;
	s7 =	sadd.s32 s7, s9  }
0xf: {  	s9 =	smax.u32 s10, $0x1;
	s10 =	sadd.s32 s14, s11;
	s11 =	sshrl.u32 s30, $0x3  }
0x10: {  	s14 =	simm.s32 $0x80;
	s8 =	sadd.s32 $0x19000, s13;
	s13 =	simm.s32 $0x2780  }
.LBB2_1:
0x11: {  	[spmem:s11], [sflag:s6] =	dma.local [hbm:s5], $0xC80  }
0x12: {  	_ =	swait.ge [sflag:s12], $0xC80  }
0x13: {  	[sflag:s12] =	ssyncset.done $0x0  }
0x14: {  	[sflag:s12] =	ssyncadd.s32 $0xFFFFF380  }
0x15: {  	[tilespmem:s3], [sflag:$0x2] =	stream.linear.gather [hbm4b:s7+s3], $0x2780, $0x38;
	[tilespmem:$0xC700] =	vst v63  }
0x16: {  	_ =	swait.ge [sflag:s12], $0x2780  }
0x17: {  	[sflag:s12] =	ssyncset.done $0x0  }
0x18: {  	[sflag:s12] =	ssyncadd.s32 $0xFFFFD880  }
0x19: {  	[tilespmem:s13], [sflag:$0x2] =	stream.linear.gather [hbm4b:s8+s3], $0x2780, $0x38;
	[tilespmem:$0xC700] =	vst v63  }
0x1a: {  	_ =	swait.ge [sflag:s12], $0x2780  }
0x1b: {  	[sflag:s12] =	ssyncset.done $0x0  }
0x1c: {  	[sflag:s12] =	ssyncadd.s32 $0xFFFFD880  }
0x1d: {  	s18 =	simm.s32 $0x0;
	[bflag:$0x0] =	sbarrier.arrive $0xFFFF  }
0x1e: {  	[tilespmem:s15], [sflag:$0x1] =	stream.indirect.gather [hbm4b:s4+s14], $0x28, s18, s14, $0xb8;
	[tilespmem:$0xC700] =	vst v63  }
0x1f: {  	_ =	swait.ge [sflag:s16], $0x1400  }
0x20: {  	[sflag:s16] =	ssyncset.done $0x0  }
0x21: {  	s31 =	simm.s32 $0x2780;
	[sflag:s16] =	ssyncadd.s32 $0xFFFFEC00  }
0x22: {  	[spmem:s2] =	stream.indirect.scatter.add.f32 [tilespmem:s15], [sflag:$0x2], $0x28, s31, s14, $0xb8;
	[tilespmem:$0xC700] =	vst v63  }
0x23: {  	_ =	swait.ge [sflag:s12], $0x1400  }
0x24: {  	s19 =	simm.s32 $0x400;
	s18 =	simm.s32 $0x200;
	[sflag:s12] =	ssyncset.done $0x0  }
.LBB2_2:
0x25: {  	s20 =	sshra.s32 s18, $0x2  }
0x26: {  	[sflag:s12] =	ssyncadd.s32 $0xFFFFEC00;
	s18 =	smov.u32 s19;
	s21 =	sadd.s32 $0x200, s19  }
0x27: {  	[tilespmem:s15], [sflag:$0x1] =	stream.indirect.gather [hbm4b:s4+s14], $0x28, s20, s14, $0xb8;
	[tilespmem:$0xC700] =	vst v63  }
0x28: {  	p0 =	sne.s32 s19, $0x9C00;
	_ =	swait.ge [sflag:s16], $0x1400  }
.Ltmp0:
0x29: {  	[sflag:s16] =	ssyncset.done $0x0;
	(pc) =	sbr.rel @p0 .LBB2_2-.Ltmp0, $4  }
0x2a: {  	s19 =	sadd.s32 $0x2780, s20;
	[sflag:s16] =	ssyncadd.s32 $0xFFFFEC00  }
0x2b: {  	[spmem:s2] =	stream.indirect.scatter.add.f32 [tilespmem:s15], [sflag:$0x2], $0x28, s19, s14, $0xb8;
	[tilespmem:$0xC700] =	vst v63  }
0x2c: {  	_ =	swait.ge [sflag:s12], $0x1400  }
0x2d: {  	s19 =	smov.u32 s21;
	[sflag:s12] =	ssyncset.done $0x0  }
0x2e: {  	s18 =	sshra.s32 s18, $0x2;
	[sflag:s12] =	ssyncadd.s32 $0xFFFFEC00  }
0x2f: {  	[tilespmem:s15], [sflag:$0x1] =	stream.indirect.gather [hbm4b:s4+s14], $0x28, s18, s14, $0xb8;
	[tilespmem:$0xC700] =	vst v63  }
0x30: {  	_ =	swait.ge [sflag:s16], $0x1400  }
0x31: {  	[sflag:s16] =	ssyncset.done $0x0  }
0x32: {  	s18 =	sadd.s32 $0x2780, s18;
	[sflag:s16] =	ssyncadd.s32 $0xFFFFEC00  }
0x33: {  	[spmem:s2] =	stream.indirect.scatter.add.f32 [tilespmem:s15], [sflag:$0x2], $0x28, s18, s14, $0xb8;
	[tilespmem:$0xC700] =	vst v63  }
0x34: {  	_ =	swait.ge [sflag:s12], $0x1400  }
0x35: {  	s17 =	sadd.s32 $0x1, s17;
	[sflag:s12] =	ssyncset.done $0x0  }
0x36: {  	p0 =	sne.s32 s17, s9;
	[sflag:s12] =	ssyncadd.s32 $0xFFFFEC00  }
.Ltmp1:
0x37: {  	[bflag:$0x0] =	sbarrier.arrive $0xFFFF;
	(pc) =	sbr.rel @p0 .LBB2_1-.Ltmp1, $4  }
0x38: {  	[hbm:s10], [sflag:s6] =	dma.local [spmem:s11], $0xC80  }
0x39: {  	_ =	swait.ge [sflag:s12], $0xC80  }
0x3a: {  	[sflag:s12] =	ssyncset.done $0x0  }
0x3b: {  	[sflag:s12] =	ssyncadd.s32 $0xFFFFF380  }
0x3c: {  	_ =	sfence.sel $0x180000  }
0x3d: {  	[bflag:$0x0] =	sbarrier.arrive $0xFFFF  }
0x3e: {  	p0 =	sne.s32 s1, $0x0;
	_ =	strace $0x90000053  }
0x3f: {  	s0 =	sadd.s32 @!p0 $0x100000, s0;
	[bflag:$0x2] =	sbarrier.arrive $0xFFFF  }
0x40: {  	[sflag:s0] =	ssyncadd.tile.s32 @!p0 $0x1;
	_ =	shalt  }
.Lfunc_end2:
_tile_overlayer_lowered:
.L_overlay_start_2:
0x41: {  	(tag) =	ssettag $0x2  }
0x42: {  	s0 =	rddreg [dreg:$0x0];
	s2 =	stileid.u32  }
0x43: {  	s1 =	rddreg [dreg:$0x1];
	p0 =	sne.s32 s2, $0x0  }
0x44: {  	s3 =	rddreg [dreg:$0x2];
	[bflag:$0x3] =	sbarrier.arrive $0xFFFF;
	s2 =	simm.s32 @!p0 $0x1C02  }
0x45: {  	[timem:s3], [sflag:s2] =	dma.local @!p0 [hbm:s0], s1  }
0x46: {  	s0 =	simm.s32 @!p0 $0x2  }
0x47: {  	_ =	swait.ge @!p0 [sflag:s0], s1  }
0x48: {  	s1 =	ssub.s32 @!p0 $0x0, s1;
	[sflag:s0] =	ssyncset.done @!p0 $0x0  }
0x49: {  	[sflag:s0] =	ssyncadd.s32 @!p0 s1  }
0x4a: {  	[bflag:$0x3] =	sbarrier.arrive $0xFFFF  }
0x4b: {  	_ =	shalt  }

// kernel: kernel.41.cloned.1.call-start
scs
__scs_entry_jumppad:
0x0: {  	(pc) =	sbr.rel $0x88, $3  }
0x1: {  	(tag) =	ssettag $0x0;
	lr =	simm.s32 $0x1  }
0x2: {  	[smem:$0x3F9A] =	sst lr;
	_ =	strace $0xD0000000  }
0x3: {  	_ = 	snop  }
0x4: {  	_ = 	snop  }
0x5: {  	_ = 	snop  }
0x6: {  	_ = 	snop  }
0x7: {  	_ = 	snop  }
__scs_overlays_trampoline_lowered:
0x8: {  	[smem:$0x3FA9] =	sst s0  }
0x9: {  	[smem:$0x3FAA] =	sst s1  }
0xa: {  	[smem:$0x3FAB] =	sst s2  }
0xb: {  	[smem:$0x3FAC] =	sst s3  }
0xc: {  	[smem:$0x3FAD] =	sst s4  }
0xd: {  	[smem:$0x3FAE] =	sst s5  }
0xe: {  	[smem:$0x3FAF] =	sst s6  }
0xf: {  	[smem:$0x3FB0] =	sst s7  }
0x10: {  	[smem:$0x3FB1] =	sst s8  }
0x11: {  	[smem:$0x3FB2] =	sst s9;
	s0 =	simm.s32 @!p0 $0x0  }
0x12: {  	s1 =	sld [smem:$0x3F98];
	s0 =	simm.s32 @p0 $0x1  }
0x13: {  	[smem:$0x3FB3] =	sst s0;
	s0 =	simm.s32 @!p1 $0x0  }
0x14: {  	s2 =	sld [smem:$0x3F97];
	s0 =	simm.s32 @p1 $0x1  }
0x15: {  	[smem:$0x3FB4] =	sst s0;
	s0 =	simm.s32 @!p2 $0x0  }
0x16: {  	s3 =	sld [smem:$0x3FDB];
	s0 =	simm.s32 @p2 $0x1  }
0x17: {  	s4 =	simm.s32 $0x1BF5;
	[smem:$0x3FB6] =	sst s0  }
0x18: {  	s0 =	sld [smem:$0x3F99];
	_ =	swait.ge [sflag:s4], $0x0  }
0x19: {  	s7 =	sld [smem:$0x3F9A]  }
0x1a: {  	s8 =	sadd.s32 $0xFFFFE003, lr  }
0x1b: {  	s9 =	sadd.s32 $0xFFFFFEF7, lr;
	s5 =	simm.s32 $0xFFFFFFFF;
	p2 =	slt.u32 s8, $0xFFFFF086  }
0x1c: {  	p1 =	slt.u32 s9, $0xF7A;
	s5 =	simm.s32 @!p2 $0x0  }
0x1d: {  	s5 =	simm.s32 @p1 $0x1;
	p0 =	seq.s32 s7, s2  }
0x1e: {  	s7 =	smul.u32 @!p0 $0xF7A, s2;
	p2 =	seq.s32 @!p0 s5, $0x0  }
0x1f: {  	s9 =	smul.u32 $0xF7A, s1;
	s8 =	simm.s32 @!p0 $0x1BF5;
	p2 =	por !p2, p0  }
0x20: {  	[sflag:s8] =	ssyncset.s32 @!p0 $0xFFFFF086;
	s6 =	sadd.s32 @!p0 s3, s7;
	s7 =	simm.s32 @!p0 $0x108  }
0x21: {  	s3 =	sadd.s32 s3, s9;
	s6 =	sadd.s32 @!p0 $0x88, s6;
	s7 =	simm.s32 @p2 $0x1082  }
0x22: {  	[simem:s7], [sflag:s8] =	dma.local @!p0 [hbm:s6], $0xF7A  }
0x23: {  	s9 =	sor.u32 $0xD0000000, s2;
	s6 =	simm.s32 $0x108;
	_ =	swait.ge @!p0 [sflag:s8], $0x0  }
0x24: {  	s3 =	sadd.s32 $0x88, s3;
	s6 =	simm.s32 @!p1 $0x1082;
	[sflag:s4] =	ssyncset.s32 $0xFFFFF086  }
0x25: {  	[simem:s6], [sflag:s4] =	dma.local [hbm:s3], $0xF7A  }
0x26: {  	[smem:$0x3F9A] =	sst s1;
	(tag) =	ssettag s2;
	_ =	strace s9  }
0x27: {  	s1 =	sld [smem:$0x3FAA]  }
0x28: {  	s2 =	sld [smem:$0x3FAB]  }
0x29: {  	s4 =	sld [smem:$0x3FAD]  }
0x2a: {  	p0 =	seq.s32 s5, $0x0;
	s5 =	sld [smem:$0x3FAE]  }
0x2b: {  	s6 =	sld [smem:$0x3FAF]  }
0x2c: {  	s7 =	sld [smem:$0x3FB0]  }
0x2d: {  	s3 =	simm.s32 $0x108;
	s8 =	sld [smem:$0x3FB1]  }
0x2e: {  	s3 =	simm.s32 @!p0 $0x1082;
	s9 =	sld [smem:$0x3FB2]  }
0x2f: {  	lr =	sadd.s32 s0, s3;
	s0 =	sld [smem:$0x3FA9]  }
0x30: {  	s3 =	sld [smem:$0x3FAC]  }
0x31: {  	[smem:$0x3FB5] =	sst s10  }
0x32: {  	s10 =	sld [smem:$0x3FB3];
	_ =	sdelay $0x3  }
0x33: {  	p0 =	seq.s32 s10, $0x1;
	s10 =	sld [smem:$0x3FB5];
	_ =	sdelay $0x3  }
0x34: {  	[smem:$0x3FB5] =	sst s10  }
0x35: {  	s10 =	sld [smem:$0x3FB4];
	_ =	sdelay $0x3  }
0x36: {  	p1 =	seq.s32 s10, $0x1;
	s10 =	sld [smem:$0x3FB5];
	_ =	sdelay $0x3  }
0x37: {  	[smem:$0x3FB5] =	sst s10  }
0x38: {  	s10 =	sld [smem:$0x3FB6]  }
0x39: {  	_ = 	snop;
	(pc) =	sbr.ind lr, $3  }
0x3a: {  	_ = 	snop  }
0x3b: {  	_ = 	snop  }
0x3c: {  	p2 =	seq.s32 s10, $0x1;
	s10 =	sld [smem:$0x3FB5]  }
0x3d: {  	_ =	shalt  }
0x3e: {  	_ =	shalt  }
0x3f: {  	_ =	shalt  }
0x40: {  	_ =	shalt  }
0x41: {  	_ =	shalt  }
0x42: {  	_ =	shalt  }
0x43: {  	_ =	shalt  }
0x44: {  	_ =	shalt  }
0x45: {  	_ =	shalt  }
0x46: {  	_ =	shalt  }
0x47: {  	_ =	shalt  }
0x48: {  	_ =	shalt  }
0x49: {  	_ =	shalt  }
0x4a: {  	_ =	shalt  }
0x4b: {  	_ =	shalt  }
0x4c: {  	_ =	shalt  }
0x4d: {  	_ =	shalt  }
0x4e: {  	_ =	shalt  }
0x4f: {  	_ =	shalt  }
0x50: {  	_ =	shalt  }
0x51: {  	_ =	shalt  }
0x52: {  	_ =	shalt  }
0x53: {  	_ =	shalt  }
0x54: {  	_ =	shalt  }
0x55: {  	_ =	shalt  }
0x56: {  	_ =	shalt  }
0x57: {  	_ =	shalt  }
0x58: {  	_ =	shalt  }
0x59: {  	_ =	shalt  }
0x5a: {  	_ =	shalt  }
0x5b: {  	_ =	shalt  }
0x5c: {  	_ =	shalt  }
0x5d: {  	_ =	shalt  }
0x5e: {  	_ =	shalt  }
0x5f: {  	_ =	shalt  }
0x60: {  	_ =	shalt  }
0x61: {  	_ =	shalt  }
0x62: {  	_ =	shalt  }
0x63: {  	_ =	shalt  }
0x64: {  	_ =	shalt  }
0x65: {  	_ =	shalt  }
0x66: {  	_ =	shalt  }
0x67: {  	_ =	shalt  }
0x68: {  	_ =	shalt  }
0x69: {  	_ =	shalt  }
0x6a: {  	_ =	shalt  }
0x6b: {  	_ =	shalt  }
0x6c: {  	_ =	shalt  }
0x6d: {  	_ =	shalt  }
0x6e: {  	_ =	shalt  }
0x6f: {  	_ =	shalt  }
0x70: {  	_ =	shalt  }
0x71: {  	_ =	shalt  }
0x72: {  	_ =	shalt  }
0x73: {  	_ =	shalt  }
0x74: {  	_ =	shalt  }
0x75: {  	_ =	shalt  }
0x76: {  	_ =	shalt  }
0x77: {  	_ =	shalt  }
0x78: {  	_ =	shalt  }
0x79: {  	_ =	shalt  }
0x7a: {  	_ =	shalt  }
0x7b: {  	_ =	shalt  }
0x7c: {  	_ =	shalt  }
0x7d: {  	_ =	shalt  }
0x7e: {  	_ =	shalt  }
0x7f: {  	_ =	shalt  }
0x80: {  	_ =	shalt  }
0x81: {  	_ =	shalt  }
0x82: {  	_ =	shalt  }
0x83: {  	_ =	shalt  }
0x84: {  	_ =	shalt  }
0x85: {  	_ =	shalt  }
0x86: {  	_ =	shalt  }
0x87: {  	_ =	shalt  }
.Lfunc_end0:
.L_simem_size_0:
called_computation.5_lowered:
.L_overlay_start_0:
0x88: {  	s2 =	sld [smem:$0x3FD9]  }
0x89: {  	s3 =	sld [smem:$0x3FFE];
	_ =	sdelay $0x1  }
0x8a: {  	s1 =	srdreg.scid  }
0x8b: {  	s0 =	sand.u32 $0x1, s1  }
0x8c: {  	s17 =	sshll.u32 s0, $0xA;
	s2 =	sadd.s32 s3, s2  }
0x8d: {  	s2 =	sadd.s32 s2, s17  }
0x8e: {  	[smem:$0x3FC1] =	sst s2  }
0x8f: {  	_ = 	snop  }
0x90: {  	s2 =	sld [smem:$0x3FD0];
	(tm) =	ssettm $0x1  }
0x91: {  	s18 =	sld [smem:$0x3FFB];
	_ =	sdelay $0x3  }
0x92: {  	_ =	strace s18  }
0x93: {  	s3 =	sld [smem:$0x3FFC];
	_ =	sdelay $0x3  }
0x94: {  	_ =	strace s3  }
0x95: {  	s3 =	sld [smem:$0x3FFD];
	_ =	sdelay $0x3  }
0x96: {  	_ =	strace s3  }
0x97: {  	_ =	strace $0x8FFFFFFF  }
0x98: {  	s19 =	sld [smem:$0x3FDB];
	_ =	sdelay $0x1  }
0x99: {  	s4 =	simm.s32 $_scs_section_size  }
0x9a: {  	s5 =	simm.s32 $_size__tile_overlayer_lowered;
	s6 =	simm.s32 $_tile_overlayer_lowered  }
0x9b: {  	s22 =	simm.s32 $0x1BFF;
	s21 =	sshll.u32 s6, $0x1;
	s3 =	sadd.s32 s4, s19  }
0x9c: {  	s7 =	simm.s32 $0x0;
	s20 =	sshll.u32 s5, $0x1;
	s5 =	sadd.s32 s21, s3  }
0x9d: {  	[timem:s7], [sflag:s22] =	dma.local [hbm:s5], s20  }
0x9e: {  	_ =	swait.ge [sflag:s22], s20  }
0x9f: {  	s4 =	ssub.s32 $0x0, s20;
	[sflag:s22] =	ssyncset.done $0x0  }
0xa0: {  	[sflag:s22] =	ssyncadd.s32 s4;
	_ =	sdelay $0x1  }
0xa1: {  	s23 =	simm.s32 $0x1B8B  }
0xa2: {  	_ =	swait.ge [sflag:s23], $0x1  }
0xa3: {  	[sflag:s23] =	ssyncset.done $0x0  }
0xa4: {  	s25 =	simm.s32 $0x1B8E;
	s24 =	sld [smem:$0x3FFE];
	[sflag:s23] =	ssyncadd.s32 $0xFFFFFFFF  }
0xa5: {  	s26 =	simm.s32 $execute0_lowered;
	[smem:$0x3FD2] =	sst s25  }
0xa6: {  	s5 =	sshll.u32 s26, $0x1;
	_ =	strace $0x80000055;
	[dreg:$0x1] =	wrdreg $0xFFFFFFFF  }
0xa7: {  	s28 =	simm.s32 $_size_execute0_lowered;
	s3 =	sadd.s32 s3, s5;
	[dreg:$0x0] =	wrdreg $0x0  }
0xa8: {  	s5 =	sshll.u32 s28, $0x1;
	[dreg:$0x2] =	wrdreg s3  }
0xa9: {  	[dreg:$0x3] =	wrdreg s5  }
0xaa: {  	[dreg:$0x4] =	wrdreg $0xC0  }
0xab: {  	_ =	task [dreg:s7], $0x5FFFF  }
0xac: {  	[dreg:$0x1] =	wrdreg $0xFFFFFFFF  }
0xad: {  	[dreg:$0x0] =	wrdreg $0x60  }
0xae: {  	[dreg:$0x2] =	wrdreg s24  }
0xaf: {  	[dreg:$0x3] =	wrdreg s2  }
0xb0: {  	[dreg:$0x4] =	wrdreg $0x63000  }
0xb1: {  	[dreg:$0x5] =	wrdreg $0x9  }
0xb2: {  	_ =	task.clear_ibuf [dreg:s7], $0x6FFFF;
	_ =	strace $0x90000055  }
0xb3: {  	s29 =	simm.s32 $0x9;
	_ =	strace $0x80000057  }
0xb4: {  	_ =	swait.ge [sflag:s29], $0x1  }
0xb5: {  	[sflag:s29] =	ssyncadd.s32 $0xFFFFFFFF  }
0xb6: {  	_ =	strace $0x90000057  }
0xb7: {  	_ =	sfence  }
0xb8: {  	s30 =	sld [smem:$0x0];
	_ =	sdelay $0x2  }
0xb9: {  	s31 =	sshll.u32 s1, $0xD;
	s1 =	sshrl.u32 s1, $0x2  }
0xba: {  	s3 =	sand.u32 $0x4000, s31;
	s1 =	sadd.s32 s1, s30  }
0xbb: {  	s0 =	sor.u32 s3, s0;
	s1 =	sshll.u32 s1, $0x11  }
0xbc: {  	s0 =	sor.u32 s1, s0  }
0xbd: {  	s0 =	sadd.s32 $0x8F2B, s0  }
0xbe: {  	[sflag:s0] =	ssyncadd.remote.s32 $0x1  }
0xbf: {  	_ =	sfence.sel $0xFFFF  }
0xc0: {  	[dreg:$0x0] =	wrdreg $0xFFFFFFFF;
	(pc) =	sbr.abs _section_cstart, $3  }
0xc1: {  	[dreg:$0x1] =	wrdreg $0xFFFFFFFF  }
0xc2: {  	_ =	task.clear_ibuf [dreg:s7], $0x2FFFF;
	_ =	strace $0x9FFFFFFF  }
0xc3: {  	(tm) =	ssettm $0x7FFFFFFF  }
tec
execute0_lowered:
.L_overlay_start_1:
0x0: {  	(tag) =	ssettag $0x1  }
0x1: {  	s5 =	rddreg [dreg:$0x0]  }
0x2: {  	s7 =	rddreg [dreg:$0x1]  }
0x3: {  	s2 =	rddreg [dreg:$0x2]  }
0x4: {  	s0 =	rddreg [dreg:$0x3]  }
0x5: {  	s4 =	srdreg.scid;
	s1 =	stileid.u32  }
0x6: {  	s3 =	simm.s32 $0x0;
	s14 =	simm.s32 $0x2F600;
	s15 =	simm.s32 $0x4F00  }
0x7: {  	s16 =	simm.s32 $0x1;
	s17 =	simm.s32 $0x0;
	s8 =	sand.u32 $0x1, s4  }
0x8: {  	s29 =	sshll.u32 s1, $0x1;
	[smem:$0x7FF] =	sst s3;
	s6 =	smul.u32 $0x6400, s1  }
0x9: {  	s31 =	sshll.u32 s1, $0x6;
	s4 =	sor.u32 s8, s29;
	_ =	strace $0x80000056  }
0xa: {  	s10 =	ssub.s32 $0x2, s8;
	p0 =	seq.s32 s8, $0x1;
	s9 =	smul.u32 $0x4F0, s4  }
0xb: {  	s4 =	sadd.s32 $0xC800, s5;
	s11 =	sshrl.u32 s6, $0x3;
	s12 =	sshrl.u32 s10, $0x1  }
0xc: {  	s30 =	sadd.s32 s6, s2;
	s6 =	sor.u32 $0x1C02, s31;
	s14 =	simm.s32 @!p0 $0x3BE00  }
0xd: {  	s11 =	sadd.s32 s11, s5;
	s10 =	ssub.s32 s10, s12;
	s12 =	simm.s32 $0x2  }
0xe: {  	s13 =	sadd.s32 s9, s5;
	s5 =	sadd.s32 $0x22E00, s11;
	s7 =	sadd.s32 s7, s9  }
0xf: {  	s9 =	smax.u32 s10, $0x1;
	s10 =	sadd.s32 s14, s11;
	s11 =	sshrl.u32 s30, $0x3  }
0x10: {  	s14 =	simm.s32 $0x80;
	s8 =	sadd.s32 $0x19000, s13;
	s13 =	simm.s32 $0x2780  }
.LBB2_1:
0x11: {  	[spmem:s11], [sflag:s6] =	dma.local [hbm:s5], $0xC80  }
0x12: {  	_ =	swait.ge [sflag:s12], $0xC80  }
0x13: {  	[sflag:s12] =	ssyncset.done $0x0  }
0x14: {  	[sflag:s12] =	ssyncadd.s32 $0xFFFFF380  }
0x15: {  	[tilespmem:s3], [sflag:$0x2] =	stream.linear.gather [hbm4b:s7+s3], $0x2780, $0x38;
	[tilespmem:$0xC700] =	vst v63  }
0x16: {  	_ =	swait.ge [sflag:s12], $0x2780  }
0x17: {  	[sflag:s12] =	ssyncset.done $0x0  }
0x18: {  	[sflag:s12] =	ssyncadd.s32 $0xFFFFD880  }
0x19: {  	[tilespmem:s13], [sflag:$0x2] =	stream.linear.gather [hbm4b:s8+s3], $0x2780, $0x38;
	[tilespmem:$0xC700] =	vst v63  }
0x1a: {  	_ =	swait.ge [sflag:s12], $0x2780  }
0x1b: {  	[sflag:s12] =	ssyncset.done $0x0  }
0x1c: {  	[sflag:s12] =	ssyncadd.s32 $0xFFFFD880  }
0x1d: {  	s18 =	simm.s32 $0x0;
	[bflag:$0x0] =	sbarrier.arrive $0xFFFF  }
0x1e: {  	[tilespmem:s15], [sflag:$0x1] =	stream.indirect.gather [hbm4b:s4+s14], $0x28, s18, s14, $0xb8;
	[tilespmem:$0xC700] =	vst v63  }
0x1f: {  	_ =	swait.ge [sflag:s16], $0x1400  }
0x20: {  	[sflag:s16] =	ssyncset.done $0x0  }
0x21: {  	s31 =	simm.s32 $0x2780;
	[sflag:s16] =	ssyncadd.s32 $0xFFFFEC00  }
0x22: {  	[spmem:s2] =	stream.indirect.scatter.add.f32 [tilespmem:s15], [sflag:$0x2], $0x28, s31, s14, $0xb8;
	[tilespmem:$0xC700] =	vst v63  }
0x23: {  	_ =	swait.ge [sflag:s12], $0x1400  }
0x24: {  	s19 =	simm.s32 $0x400;
	s18 =	simm.s32 $0x200;
	[sflag:s12] =	ssyncset.done $0x0  }
.LBB2_2:
0x25: {  	s20 =	sshra.s32 s18, $0x2  }
0x26: {  	[sflag:s12] =	ssyncadd.s32 $0xFFFFEC00;
	s18 =	smov.u32 s19;
	s21 =	sadd.s32 $0x200, s19  }
0x27: {  	[tilespmem:s15], [sflag:$0x1] =	stream.indirect.gather [hbm4b:s4+s14], $0x28, s20, s14, $0xb8;
	[tilespmem:$0xC700] =	vst v63  }
0x28: {  	p0 =	sne.s32 s19, $0x9C00;
	_ =	swait.ge [sflag:s16], $0x1400  }
.Ltmp0:
0x29: {  	[sflag:s16] =	ssyncset.done $0x0;
	(pc) =	sbr.rel @p0 .LBB2_2-.Ltmp0, $4  }
0x2a: {  	s19 =	sadd.s32 $0x2780, s20;
	[sflag:s16] =	ssyncadd.s32 $0xFFFFEC00  }
0x2b: {  	[spmem:s2] =	stream.indirect.scatter.add.f32 [tilespmem:s15], [sflag:$0x2], $0x28, s19, s14, $0xb8;
	[tilespmem:$0xC700] =	vst v63  }
0x2c: {  	_ =	swait.ge [sflag:s12], $0x1400  }
0x2d: {  	s19 =	smov.u32 s21;
	[sflag:s12] =	ssyncset.done $0x0  }
0x2e: {  	s18 =	sshra.s32 s18, $0x2;
	[sflag:s12] =	ssyncadd.s32 $0xFFFFEC00  }
0x2f: {  	[tilespmem:s15], [sflag:$0x1] =	stream.indirect.gather [hbm4b:s4+s14], $0x28, s18, s14, $0xb8;
	[tilespmem:$0xC700] =	vst v63  }
0x30: {  	_ =	swait.ge [sflag:s16], $0x1400  }
0x31: {  	[sflag:s16] =	ssyncset.done $0x0  }
0x32: {  	s18 =	sadd.s32 $0x2780, s18;
	[sflag:s16] =	ssyncadd.s32 $0xFFFFEC00  }
0x33: {  	[spmem:s2] =	stream.indirect.scatter.add.f32 [tilespmem:s15], [sflag:$0x2], $0x28, s18, s14, $0xb8;
	[tilespmem:$0xC700] =	vst v63  }
0x34: {  	_ =	swait.ge [sflag:s12], $0x1400  }
0x35: {  	s17 =	sadd.s32 $0x1, s17;
	[sflag:s12] =	ssyncset.done $0x0  }
0x36: {  	p0 =	sne.s32 s17, s9;
	[sflag:s12] =	ssyncadd.s32 $0xFFFFEC00  }
.Ltmp1:
0x37: {  	[bflag:$0x0] =	sbarrier.arrive $0xFFFF;
	(pc) =	sbr.rel @p0 .LBB2_1-.Ltmp1, $4  }
0x38: {  	[hbm:s10], [sflag:s6] =	dma.local [spmem:s11], $0xC80  }
0x39: {  	_ =	swait.ge [sflag:s12], $0xC80  }
0x3a: {  	[sflag:s12] =	ssyncset.done $0x0  }
0x3b: {  	[sflag:s12] =	ssyncadd.s32 $0xFFFFF380  }
0x3c: {  	_ =	sfence.sel $0x180000  }
0x3d: {  	[bflag:$0x0] =	sbarrier.arrive $0xFFFF  }
0x3e: {  	p0 =	sne.s32 s1, $0x0;
	_ =	strace $0x90000056  }
0x3f: {  	s0 =	sadd.s32 @!p0 $0x100000, s0;
	[bflag:$0x2] =	sbarrier.arrive $0xFFFF  }
0x40: {  	[sflag:s0] =	ssyncadd.tile.s32 @!p0 $0x1;
	_ =	shalt  }
.Lfunc_end2:
_tile_overlayer_lowered:
.L_overlay_start_2:
0x41: {  	(tag) =	ssettag $0x2  }
0x42: {  	s0 =	rddreg [dreg:$0x0];
	s2 =	stileid.u32  }
0x43: {  	s1 =	rddreg [dreg:$0x1];
	p0 =	sne.s32 s2, $0x0  }
0x44: {  	s3 =	rddreg [dreg:$0x2];
	[bflag:$0x3] =	sbarrier.arrive $0xFFFF;
	s2 =	simm.s32 @!p0 $0x1C02  }
0x45: {  	[timem:s3], [sflag:s2] =	dma.local @!p0 [hbm:s0], s1  }
0x46: {  	s0 =	simm.s32 @!p0 $0x2  }
0x47: {  	_ =	swait.ge @!p0 [sflag:s0], s1  }
0x48: {  	s1 =	ssub.s32 @!p0 $0x0, s1;
	[sflag:s0] =	ssyncset.done @!p0 $0x0  }
0x49: {  	[sflag:s0] =	ssyncadd.s32 @!p0 s1  }
0x4a: {  	[bflag:$0x3] =	sbarrier.arrive $0xFFFF  }
0x4b: {  	_ =	shalt  }

// kernel: kernel.44.cloned.1.call-start
scs
__scs_entry_jumppad:
0x0: {  	(pc) =	sbr.rel $0x88, $3  }
0x1: {  	(tag) =	ssettag $0x0;
	lr =	simm.s32 $0x1  }
0x2: {  	[smem:$0x3F9A] =	sst lr;
	_ =	strace $0xD0000000  }
0x3: {  	_ = 	snop  }
0x4: {  	_ = 	snop  }
0x5: {  	_ = 	snop  }
0x6: {  	_ = 	snop  }
0x7: {  	_ = 	snop  }
__scs_overlays_trampoline_lowered:
0x8: {  	[smem:$0x3FA9] =	sst s0  }
0x9: {  	[smem:$0x3FAA] =	sst s1  }
0xa: {  	[smem:$0x3FAB] =	sst s2  }
0xb: {  	[smem:$0x3FAC] =	sst s3  }
0xc: {  	[smem:$0x3FAD] =	sst s4  }
0xd: {  	[smem:$0x3FAE] =	sst s5  }
0xe: {  	[smem:$0x3FAF] =	sst s6  }
0xf: {  	[smem:$0x3FB0] =	sst s7  }
0x10: {  	[smem:$0x3FB1] =	sst s8  }
0x11: {  	[smem:$0x3FB2] =	sst s9;
	s0 =	simm.s32 @!p0 $0x0  }
0x12: {  	s1 =	sld [smem:$0x3F98];
	s0 =	simm.s32 @p0 $0x1  }
0x13: {  	[smem:$0x3FB3] =	sst s0;
	s0 =	simm.s32 @!p1 $0x0  }
0x14: {  	s2 =	sld [smem:$0x3F97];
	s0 =	simm.s32 @p1 $0x1  }
0x15: {  	[smem:$0x3FB4] =	sst s0;
	s0 =	simm.s32 @!p2 $0x0  }
0x16: {  	s3 =	sld [smem:$0x3FDB];
	s0 =	simm.s32 @p2 $0x1  }
0x17: {  	s4 =	simm.s32 $0x1BF5;
	[smem:$0x3FB6] =	sst s0  }
0x18: {  	s0 =	sld [smem:$0x3F99];
	_ =	swait.ge [sflag:s4], $0x0  }
0x19: {  	s7 =	sld [smem:$0x3F9A]  }
0x1a: {  	s8 =	sadd.s32 $0xFFFFE003, lr  }
0x1b: {  	s9 =	sadd.s32 $0xFFFFFEF7, lr;
	s5 =	simm.s32 $0xFFFFFFFF;
	p2 =	slt.u32 s8, $0xFFFFF086  }
0x1c: {  	p1 =	slt.u32 s9, $0xF7A;
	s5 =	simm.s32 @!p2 $0x0  }
0x1d: {  	s5 =	simm.s32 @p1 $0x1;
	p0 =	seq.s32 s7, s2  }
0x1e: {  	s7 =	smul.u32 @!p0 $0xF7A, s2;
	p2 =	seq.s32 @!p0 s5, $0x0  }
0x1f: {  	s9 =	smul.u32 $0xF7A, s1;
	s8 =	simm.s32 @!p0 $0x1BF5;
	p2 =	por !p2, p0  }
0x20: {  	[sflag:s8] =	ssyncset.s32 @!p0 $0xFFFFF086;
	s6 =	sadd.s32 @!p0 s3, s7;
	s7 =	simm.s32 @!p0 $0x108  }
0x21: {  	s3 =	sadd.s32 s3, s9;
	s6 =	sadd.s32 @!p0 $0x88, s6;
	s7 =	simm.s32 @p2 $0x1082  }
0x22: {  	[simem:s7], [sflag:s8] =	dma.local @!p0 [hbm:s6], $0xF7A  }
0x23: {  	s9 =	sor.u32 $0xD0000000, s2;
	s6 =	simm.s32 $0x108;
	_ =	swait.ge @!p0 [sflag:s8], $0x0  }
0x24: {  	s3 =	sadd.s32 $0x88, s3;
	s6 =	simm.s32 @!p1 $0x1082;
	[sflag:s4] =	ssyncset.s32 $0xFFFFF086  }
0x25: {  	[simem:s6], [sflag:s4] =	dma.local [hbm:s3], $0xF7A  }
0x26: {  	[smem:$0x3F9A] =	sst s1;
	(tag) =	ssettag s2;
	_ =	strace s9  }
0x27: {  	s1 =	sld [smem:$0x3FAA]  }
0x28: {  	s2 =	sld [smem:$0x3FAB]  }
0x29: {  	s4 =	sld [smem:$0x3FAD]  }
0x2a: {  	p0 =	seq.s32 s5, $0x0;
	s5 =	sld [smem:$0x3FAE]  }
0x2b: {  	s6 =	sld [smem:$0x3FAF]  }
0x2c: {  	s7 =	sld [smem:$0x3FB0]  }
0x2d: {  	s3 =	simm.s32 $0x108;
	s8 =	sld [smem:$0x3FB1]  }
0x2e: {  	s3 =	simm.s32 @!p0 $0x1082;
	s9 =	sld [smem:$0x3FB2]  }
0x2f: {  	lr =	sadd.s32 s0, s3;
	s0 =	sld [smem:$0x3FA9]  }
0x30: {  	s3 =	sld [smem:$0x3FAC]  }
0x31: {  	[smem:$0x3FB5] =	sst s10  }
0x32: {  	s10 =	sld [smem:$0x3FB3];
	_ =	sdelay $0x3  }
0x33: {  	p0 =	seq.s32 s10, $0x1;
	s10 =	sld [smem:$0x3FB5];
	_ =	sdelay $0x3  }
0x34: {  	[smem:$0x3FB5] =	sst s10  }
0x35: {  	s10 =	sld [smem:$0x3FB4];
	_ =	sdelay $0x3  }
0x36: {  	p1 =	seq.s32 s10, $0x1;
	s10 =	sld [smem:$0x3FB5];
	_ =	sdelay $0x3  }
0x37: {  	[smem:$0x3FB5] =	sst s10  }
0x38: {  	s10 =	sld [smem:$0x3FB6]  }
0x39: {  	_ = 	snop;
	(pc) =	sbr.ind lr, $3  }
0x3a: {  	_ = 	snop  }
0x3b: {  	_ = 	snop  }
0x3c: {  	p2 =	seq.s32 s10, $0x1;
	s10 =	sld [smem:$0x3FB5]  }
0x3d: {  	_ =	shalt  }
0x3e: {  	_ =	shalt  }
0x3f: {  	_ =	shalt  }
0x40: {  	_ =	shalt  }
0x41: {  	_ =	shalt  }
0x42: {  	_ =	shalt  }
0x43: {  	_ =	shalt  }
0x44: {  	_ =	shalt  }
0x45: {  	_ =	shalt  }
0x46: {  	_ =	shalt  }
0x47: {  	_ =	shalt  }
0x48: {  	_ =	shalt  }
0x49: {  	_ =	shalt  }
0x4a: {  	_ =	shalt  }
0x4b: {  	_ =	shalt  }
0x4c: {  	_ =	shalt  }
0x4d: {  	_ =	shalt  }
0x4e: {  	_ =	shalt  }
0x4f: {  	_ =	shalt  }
0x50: {  	_ =	shalt  }
0x51: {  	_ =	shalt  }
0x52: {  	_ =	shalt  }
0x53: {  	_ =	shalt  }
0x54: {  	_ =	shalt  }
0x55: {  	_ =	shalt  }
0x56: {  	_ =	shalt  }
0x57: {  	_ =	shalt  }
0x58: {  	_ =	shalt  }
0x59: {  	_ =	shalt  }
0x5a: {  	_ =	shalt  }
0x5b: {  	_ =	shalt  }
0x5c: {  	_ =	shalt  }
0x5d: {  	_ =	shalt  }
0x5e: {  	_ =	shalt  }
0x5f: {  	_ =	shalt  }
0x60: {  	_ =	shalt  }
0x61: {  	_ =	shalt  }
0x62: {  	_ =	shalt  }
0x63: {  	_ =	shalt  }
0x64: {  	_ =	shalt  }
0x65: {  	_ =	shalt  }
0x66: {  	_ =	shalt  }
0x67: {  	_ =	shalt  }
0x68: {  	_ =	shalt  }
0x69: {  	_ =	shalt  }
0x6a: {  	_ =	shalt  }
0x6b: {  	_ =	shalt  }
0x6c: {  	_ =	shalt  }
0x6d: {  	_ =	shalt  }
0x6e: {  	_ =	shalt  }
0x6f: {  	_ =	shalt  }
0x70: {  	_ =	shalt  }
0x71: {  	_ =	shalt  }
0x72: {  	_ =	shalt  }
0x73: {  	_ =	shalt  }
0x74: {  	_ =	shalt  }
0x75: {  	_ =	shalt  }
0x76: {  	_ =	shalt  }
0x77: {  	_ =	shalt  }
0x78: {  	_ =	shalt  }
0x79: {  	_ =	shalt  }
0x7a: {  	_ =	shalt  }
0x7b: {  	_ =	shalt  }
0x7c: {  	_ =	shalt  }
0x7d: {  	_ =	shalt  }
0x7e: {  	_ =	shalt  }
0x7f: {  	_ =	shalt  }
0x80: {  	_ =	shalt  }
0x81: {  	_ =	shalt  }
0x82: {  	_ =	shalt  }
0x83: {  	_ =	shalt  }
0x84: {  	_ =	shalt  }
0x85: {  	_ =	shalt  }
0x86: {  	_ =	shalt  }
0x87: {  	_ =	shalt  }
.Lfunc_end0:
.L_simem_size_0:
called_computation.6_lowered:
.L_overlay_start_0:
0x88: {  	s2 =	sld [smem:$0x3FD9]  }
0x89: {  	s3 =	sld [smem:$0x3FFE];
	_ =	sdelay $0x1  }
0x8a: {  	s1 =	srdreg.scid  }
0x8b: {  	s0 =	sand.u32 $0x1, s1  }
0x8c: {  	s17 =	sshll.u32 s0, $0xA;
	s2 =	sadd.s32 s3, s2  }
0x8d: {  	s2 =	sadd.s32 s2, s17  }
0x8e: {  	[smem:$0x3FC1] =	sst s2  }
0x8f: {  	_ = 	snop  }
0x90: {  	s2 =	sld [smem:$0x3FD0];
	(tm) =	ssettm $0x1  }
0x91: {  	s18 =	sld [smem:$0x3FFB];
	_ =	sdelay $0x3  }
0x92: {  	_ =	strace s18  }
0x93: {  	s3 =	sld [smem:$0x3FFC];
	_ =	sdelay $0x3  }
0x94: {  	_ =	strace s3  }
0x95: {  	s3 =	sld [smem:$0x3FFD];
	_ =	sdelay $0x3  }
0x96: {  	_ =	strace s3  }
0x97: {  	_ =	strace $0x8FFFFFFF  }
0x98: {  	s19 =	sld [smem:$0x3FDB];
	_ =	sdelay $0x1  }
0x99: {  	s4 =	simm.s32 $_scs_section_size  }
0x9a: {  	s5 =	simm.s32 $_size__tile_overlayer_lowered;
	s6 =	simm.s32 $_tile_overlayer_lowered  }
0x9b: {  	s22 =	simm.s32 $0x1BFF;
	s21 =	sshll.u32 s6, $0x1;
	s3 =	sadd.s32 s4, s19  }
0x9c: {  	s7 =	simm.s32 $0x0;
	s20 =	sshll.u32 s5, $0x1;
	s5 =	sadd.s32 s21, s3  }
0x9d: {  	[timem:s7], [sflag:s22] =	dma.local [hbm:s5], s20  }
0x9e: {  	_ =	swait.ge [sflag:s22], s20  }
0x9f: {  	s4 =	ssub.s32 $0x0, s20;
	[sflag:s22] =	ssyncset.done $0x0  }
0xa0: {  	[sflag:s22] =	ssyncadd.s32 s4;
	_ =	sdelay $0x1  }
0xa1: {  	s23 =	simm.s32 $0x1B8B  }
0xa2: {  	_ =	swait.ge [sflag:s23], $0x1  }
0xa3: {  	[sflag:s23] =	ssyncset.done $0x0  }
0xa4: {  	s25 =	simm.s32 $0x1B8E;
	s24 =	sld [smem:$0x3FFE];
	[sflag:s23] =	ssyncadd.s32 $0xFFFFFFFF  }
0xa5: {  	s26 =	simm.s32 $execute0_lowered;
	[smem:$0x3FD2] =	sst s25  }
0xa6: {  	s5 =	sshll.u32 s26, $0x1;
	_ =	strace $0x80000058;
	[dreg:$0x1] =	wrdreg $0xFFFFFFFF  }
0xa7: {  	s28 =	simm.s32 $_size_execute0_lowered;
	s3 =	sadd.s32 s3, s5;
	[dreg:$0x0] =	wrdreg $0x0  }
0xa8: {  	s5 =	sshll.u32 s28, $0x1;
	[dreg:$0x2] =	wrdreg s3  }
0xa9: {  	[dreg:$0x3] =	wrdreg s5  }
0xaa: {  	[dreg:$0x4] =	wrdreg $0xC0  }
0xab: {  	_ =	task [dreg:s7], $0x5FFFF  }
0xac: {  	[dreg:$0x1] =	wrdreg $0xFFFFFFFF  }
0xad: {  	[dreg:$0x0] =	wrdreg $0x60  }
0xae: {  	[dreg:$0x2] =	wrdreg s24  }
0xaf: {  	[dreg:$0x3] =	wrdreg s2  }
0xb0: {  	[dreg:$0x4] =	wrdreg $0x63000  }
0xb1: {  	[dreg:$0x5] =	wrdreg $0x9  }
0xb2: {  	_ =	task.clear_ibuf [dreg:s7], $0x6FFFF;
	_ =	strace $0x90000058  }
0xb3: {  	s29 =	simm.s32 $0x9;
	_ =	strace $0x8000005A  }
0xb4: {  	_ =	swait.ge [sflag:s29], $0x1  }
0xb5: {  	[sflag:s29] =	ssyncadd.s32 $0xFFFFFFFF  }
0xb6: {  	_ =	strace $0x9000005A  }
0xb7: {  	_ =	sfence  }
0xb8: {  	s30 =	sld [smem:$0x0];
	_ =	sdelay $0x2  }
0xb9: {  	s31 =	sshll.u32 s1, $0xD;
	s1 =	sshrl.u32 s1, $0x2  }
0xba: {  	s3 =	sand.u32 $0x4000, s31;
	s1 =	sadd.s32 s1, s30  }
0xbb: {  	s0 =	sor.u32 s3, s0;
	s1 =	sshll.u32 s1, $0x11  }
0xbc: {  	s0 =	sor.u32 s1, s0  }
0xbd: {  	s0 =	sadd.s32 $0x8F2B, s0  }
0xbe: {  	[sflag:s0] =	ssyncadd.remote.s32 $0x1  }
0xbf: {  	_ =	sfence.sel $0xFFFF  }
0xc0: {  	[dreg:$0x0] =	wrdreg $0xFFFFFFFF;
	(pc) =	sbr.abs _section_cstart, $3  }
0xc1: {  	[dreg:$0x1] =	wrdreg $0xFFFFFFFF  }
0xc2: {  	_ =	task.clear_ibuf [dreg:s7], $0x2FFFF;
	_ =	strace $0x9FFFFFFF  }
0xc3: {  	(tm) =	ssettm $0x7FFFFFFF  }
tec
execute0_lowered:
.L_overlay_start_1:
0x0: {  	(tag) =	ssettag $0x1  }
0x1: {  	s5 =	rddreg [dreg:$0x0]  }
0x2: {  	s7 =	rddreg [dreg:$0x1]  }
0x3: {  	s2 =	rddreg [dreg:$0x2]  }
0x4: {  	s0 =	rddreg [dreg:$0x3]  }
0x5: {  	s4 =	srdreg.scid;
	s1 =	stileid.u32  }
0x6: {  	s3 =	simm.s32 $0x0;
	s14 =	simm.s32 $0x2F600;
	s15 =	simm.s32 $0x4F00  }
0x7: {  	s16 =	simm.s32 $0x1;
	s17 =	simm.s32 $0x0;
	s8 =	sand.u32 $0x1, s4  }
0x8: {  	s29 =	sshll.u32 s1, $0x1;
	[smem:$0x7FF] =	sst s3;
	s6 =	smul.u32 $0x6400, s1  }
0x9: {  	s31 =	sshll.u32 s1, $0x6;
	s4 =	sor.u32 s8, s29;
	_ =	strace $0x80000059  }
0xa: {  	s10 =	ssub.s32 $0x2, s8;
	p0 =	seq.s32 s8, $0x1;
	s9 =	smul.u32 $0x4F0, s4  }
0xb: {  	s4 =	sadd.s32 $0xC800, s5;
	s11 =	sshrl.u32 s6, $0x3;
	s12 =	sshrl.u32 s10, $0x1  }
0xc: {  	s30 =	sadd.s32 s6, s2;
	s6 =	sor.u32 $0x1C02, s31;
	s14 =	simm.s32 @!p0 $0x3BE00  }
0xd: {  	s11 =	sadd.s32 s11, s5;
	s10 =	ssub.s32 s10, s12;
	s12 =	simm.s32 $0x2  }
0xe: {  	s13 =	sadd.s32 s9, s5;
	s5 =	sadd.s32 $0x22E00, s11;
	s7 =	sadd.s32 s7, s9  }
0xf: {  	s9 =	smax.u32 s10, $0x1;
	s10 =	sadd.s32 s14, s11;
	s11 =	sshrl.u32 s30, $0x3  }
0x10: {  	s14 =	simm.s32 $0x80;
	s8 =	sadd.s32 $0x19000, s13;
	s13 =	simm.s32 $0x2780  }
.LBB2_1:
0x11: {  	[spmem:s11], [sflag:s6] =	dma.local [hbm:s5], $0xC80  }
0x12: {  	_ =	swait.ge [sflag:s12], $0xC80  }
0x13: {  	[sflag:s12] =	ssyncset.done $0x0  }
0x14: {  	[sflag:s12] =	ssyncadd.s32 $0xFFFFF380  }
0x15: {  	[tilespmem:s3], [sflag:$0x2] =	stream.linear.gather [hbm4b:s7+s3], $0x2780, $0x38;
	[tilespmem:$0xC700] =	vst v63  }
0x16: {  	_ =	swait.ge [sflag:s12], $0x2780  }
0x17: {  	[sflag:s12] =	ssyncset.done $0x0  }
0x18: {  	[sflag:s12] =	ssyncadd.s32 $0xFFFFD880  }
0x19: {  	[tilespmem:s13], [sflag:$0x2] =	stream.linear.gather [hbm4b:s8+s3], $0x2780, $0x38;
	[tilespmem:$0xC700] =	vst v63  }
0x1a: {  	_ =	swait.ge [sflag:s12], $0x2780  }
0x1b: {  	[sflag:s12] =	ssyncset.done $0x0  }
0x1c: {  	[sflag:s12] =	ssyncadd.s32 $0xFFFFD880  }
0x1d: {  	s18 =	simm.s32 $0x0;
	[bflag:$0x0] =	sbarrier.arrive $0xFFFF  }
0x1e: {  	[tilespmem:s15], [sflag:$0x1] =	stream.indirect.gather [hbm4b:s4+s14], $0x28, s18, s14, $0xb8;
	[tilespmem:$0xC700] =	vst v63  }
0x1f: {  	_ =	swait.ge [sflag:s16], $0x1400  }
0x20: {  	[sflag:s16] =	ssyncset.done $0x0  }
0x21: {  	s31 =	simm.s32 $0x2780;
	[sflag:s16] =	ssyncadd.s32 $0xFFFFEC00  }
0x22: {  	[spmem:s2] =	stream.indirect.scatter.add.f32 [tilespmem:s15], [sflag:$0x2], $0x28, s31, s14, $0xb8;
	[tilespmem:$0xC700] =	vst v63  }
0x23: {  	_ =	swait.ge [sflag:s12], $0x1400  }
0x24: {  	s19 =	simm.s32 $0x400;
	s18 =	simm.s32 $0x200;
	[sflag:s12] =	ssyncset.done $0x0  }
.LBB2_2:
0x25: {  	s20 =	sshra.s32 s18, $0x2  }
0x26: {  	[sflag:s12] =	ssyncadd.s32 $0xFFFFEC00;
	s18 =	smov.u32 s19;
	s21 =	sadd.s32 $0x200, s19  }
0x27: {  	[tilespmem:s15], [sflag:$0x1] =	stream.indirect.gather [hbm4b:s4+s14], $0x28, s20, s14, $0xb8;
	[tilespmem:$0xC700] =	vst v63  }
0x28: {  	p0 =	sne.s32 s19, $0x9C00;
	_ =	swait.ge [sflag:s16], $0x1400  }
.Ltmp0:
0x29: {  	[sflag:s16] =	ssyncset.done $0x0;
	(pc) =	sbr.rel @p0 .LBB2_2-.Ltmp0, $4  }
0x2a: {  	s19 =	sadd.s32 $0x2780, s20;
	[sflag:s16] =	ssyncadd.s32 $0xFFFFEC00  }
0x2b: {  	[spmem:s2] =	stream.indirect.scatter.add.f32 [tilespmem:s15], [sflag:$0x2], $0x28, s19, s14, $0xb8;
	[tilespmem:$0xC700] =	vst v63  }
0x2c: {  	_ =	swait.ge [sflag:s12], $0x1400  }
0x2d: {  	s19 =	smov.u32 s21;
	[sflag:s12] =	ssyncset.done $0x0  }
0x2e: {  	s18 =	sshra.s32 s18, $0x2;
	[sflag:s12] =	ssyncadd.s32 $0xFFFFEC00  }
0x2f: {  	[tilespmem:s15], [sflag:$0x1] =	stream.indirect.gather [hbm4b:s4+s14], $0x28, s18, s14, $0xb8;
	[tilespmem:$0xC700] =	vst v63  }
0x30: {  	_ =	swait.ge [sflag:s16], $0x1400  }
0x31: {  	[sflag:s16] =	ssyncset.done $0x0  }
0x32: {  	s18 =	sadd.s32 $0x2780, s18;
	[sflag:s16] =	ssyncadd.s32 $0xFFFFEC00  }
0x33: {  	[spmem:s2] =	stream.indirect.scatter.add.f32 [tilespmem:s15], [sflag:$0x2], $0x28, s18, s14, $0xb8;
	[tilespmem:$0xC700] =	vst v63  }
0x34: {  	_ =	swait.ge [sflag:s12], $0x1400  }
0x35: {  	s17 =	sadd.s32 $0x1, s17;
	[sflag:s12] =	ssyncset.done $0x0  }
0x36: {  	p0 =	sne.s32 s17, s9;
	[sflag:s12] =	ssyncadd.s32 $0xFFFFEC00  }
.Ltmp1:
0x37: {  	[bflag:$0x0] =	sbarrier.arrive $0xFFFF;
	(pc) =	sbr.rel @p0 .LBB2_1-.Ltmp1, $4  }
0x38: {  	[hbm:s10], [sflag:s6] =	dma.local [spmem:s11], $0xC80  }
0x39: {  	_ =	swait.ge [sflag:s12], $0xC80  }
0x3a: {  	[sflag:s12] =	ssyncset.done $0x0  }
0x3b: {  	[sflag:s12] =	ssyncadd.s32 $0xFFFFF380  }
0x3c: {  	_ =	sfence.sel $0x180000  }
0x3d: {  	[bflag:$0x0] =	sbarrier.arrive $0xFFFF  }
0x3e: {  	p0 =	sne.s32 s1, $0x0;
	_ =	strace $0x90000059  }
0x3f: {  	s0 =	sadd.s32 @!p0 $0x100000, s0;
	[bflag:$0x2] =	sbarrier.arrive $0xFFFF  }
0x40: {  	[sflag:s0] =	ssyncadd.tile.s32 @!p0 $0x1;
	_ =	shalt  }
.Lfunc_end2:
_tile_overlayer_lowered:
.L_overlay_start_2:
0x41: {  	(tag) =	ssettag $0x2  }
0x42: {  	s0 =	rddreg [dreg:$0x0];
	s2 =	stileid.u32  }
0x43: {  	s1 =	rddreg [dreg:$0x1];
	p0 =	sne.s32 s2, $0x0  }
0x44: {  	s3 =	rddreg [dreg:$0x2];
	[bflag:$0x3] =	sbarrier.arrive $0xFFFF;
	s2 =	simm.s32 @!p0 $0x1C02  }
0x45: {  	[timem:s3], [sflag:s2] =	dma.local @!p0 [hbm:s0], s1  }
0x46: {  	s0 =	simm.s32 @!p0 $0x2  }
0x47: {  	_ =	swait.ge @!p0 [sflag:s0], s1  }
0x48: {  	s1 =	ssub.s32 @!p0 $0x0, s1;
	[sflag:s0] =	ssyncset.done @!p0 $0x0  }
0x49: {  	[sflag:s0] =	ssyncadd.s32 @!p0 s1  }
0x4a: {  	[bflag:$0x3] =	sbarrier.arrive $0xFFFF  }
0x4b: {  	_ =	shalt  }

// kernel: kernel.47.cloned.1.call-start
scs
__scs_entry_jumppad:
0x0: {  	(pc) =	sbr.rel $0x88, $3  }
0x1: {  	(tag) =	ssettag $0x0;
	lr =	simm.s32 $0x1  }
0x2: {  	[smem:$0x3F9A] =	sst lr;
	_ =	strace $0xD0000000  }
0x3: {  	_ = 	snop  }
0x4: {  	_ = 	snop  }
0x5: {  	_ = 	snop  }
0x6: {  	_ = 	snop  }
0x7: {  	_ = 	snop  }
__scs_overlays_trampoline_lowered:
0x8: {  	[smem:$0x3FA9] =	sst s0  }
0x9: {  	[smem:$0x3FAA] =	sst s1  }
0xa: {  	[smem:$0x3FAB] =	sst s2  }
0xb: {  	[smem:$0x3FAC] =	sst s3  }
0xc: {  	[smem:$0x3FAD] =	sst s4  }
0xd: {  	[smem:$0x3FAE] =	sst s5  }
0xe: {  	[smem:$0x3FAF] =	sst s6  }
0xf: {  	[smem:$0x3FB0] =	sst s7  }
0x10: {  	[smem:$0x3FB1] =	sst s8  }
0x11: {  	[smem:$0x3FB2] =	sst s9;
	s0 =	simm.s32 @!p0 $0x0  }
0x12: {  	s1 =	sld [smem:$0x3F98];
	s0 =	simm.s32 @p0 $0x1  }
0x13: {  	[smem:$0x3FB3] =	sst s0;
	s0 =	simm.s32 @!p1 $0x0  }
0x14: {  	s2 =	sld [smem:$0x3F97];
	s0 =	simm.s32 @p1 $0x1  }
0x15: {  	[smem:$0x3FB4] =	sst s0;
	s0 =	simm.s32 @!p2 $0x0  }
0x16: {  	s3 =	sld [smem:$0x3FDB];
	s0 =	simm.s32 @p2 $0x1  }
0x17: {  	s4 =	simm.s32 $0x1BF5;
	[smem:$0x3FB6] =	sst s0  }
0x18: {  	s0 =	sld [smem:$0x3F99];
	_ =	swait.ge [sflag:s4], $0x0  }
0x19: {  	s7 =	sld [smem:$0x3F9A]  }
0x1a: {  	s8 =	sadd.s32 $0xFFFFE003, lr  }
0x1b: {  	s9 =	sadd.s32 $0xFFFFFEF7, lr;
	s5 =	simm.s32 $0xFFFFFFFF;
	p2 =	slt.u32 s8, $0xFFFFF086  }
0x1c: {  	p1 =	slt.u32 s9, $0xF7A;
	s5 =	simm.s32 @!p2 $0x0  }
0x1d: {  	s5 =	simm.s32 @p1 $0x1;
	p0 =	seq.s32 s7, s2  }
0x1e: {  	s7 =	smul.u32 @!p0 $0xF7A, s2;
	p2 =	seq.s32 @!p0 s5, $0x0  }
0x1f: {  	s9 =	smul.u32 $0xF7A, s1;
	s8 =	simm.s32 @!p0 $0x1BF5;
	p2 =	por !p2, p0  }
0x20: {  	[sflag:s8] =	ssyncset.s32 @!p0 $0xFFFFF086;
	s6 =	sadd.s32 @!p0 s3, s7;
	s7 =	simm.s32 @!p0 $0x108  }
0x21: {  	s3 =	sadd.s32 s3, s9;
	s6 =	sadd.s32 @!p0 $0x88, s6;
	s7 =	simm.s32 @p2 $0x1082  }
0x22: {  	[simem:s7], [sflag:s8] =	dma.local @!p0 [hbm:s6], $0xF7A  }
0x23: {  	s9 =	sor.u32 $0xD0000000, s2;
	s6 =	simm.s32 $0x108;
	_ =	swait.ge @!p0 [sflag:s8], $0x0  }
0x24: {  	s3 =	sadd.s32 $0x88, s3;
	s6 =	simm.s32 @!p1 $0x1082;
	[sflag:s4] =	ssyncset.s32 $0xFFFFF086  }
0x25: {  	[simem:s6], [sflag:s4] =	dma.local [hbm:s3], $0xF7A  }
0x26: {  	[smem:$0x3F9A] =	sst s1;
	(tag) =	ssettag s2;
	_ =	strace s9  }
0x27: {  	s1 =	sld [smem:$0x3FAA]  }
0x28: {  	s2 =	sld [smem:$0x3FAB]  }
0x29: {  	s4 =	sld [smem:$0x3FAD]  }
0x2a: {  	p0 =	seq.s32 s5, $0x0;
	s5 =	sld [smem:$0x3FAE]  }
0x2b: {  	s6 =	sld [smem:$0x3FAF]  }
0x2c: {  	s7 =	sld [smem:$0x3FB0]  }
0x2d: {  	s3 =	simm.s32 $0x108;
	s8 =	sld [smem:$0x3FB1]  }
0x2e: {  	s3 =	simm.s32 @!p0 $0x1082;
	s9 =	sld [smem:$0x3FB2]  }
0x2f: {  	lr =	sadd.s32 s0, s3;
	s0 =	sld [smem:$0x3FA9]  }
0x30: {  	s3 =	sld [smem:$0x3FAC]  }
0x31: {  	[smem:$0x3FB5] =	sst s10  }
0x32: {  	s10 =	sld [smem:$0x3FB3];
	_ =	sdelay $0x3  }
0x33: {  	p0 =	seq.s32 s10, $0x1;
	s10 =	sld [smem:$0x3FB5];
	_ =	sdelay $0x3  }
0x34: {  	[smem:$0x3FB5] =	sst s10  }
0x35: {  	s10 =	sld [smem:$0x3FB4];
	_ =	sdelay $0x3  }
0x36: {  	p1 =	seq.s32 s10, $0x1;
	s10 =	sld [smem:$0x3FB5];
	_ =	sdelay $0x3  }
0x37: {  	[smem:$0x3FB5] =	sst s10  }
0x38: {  	s10 =	sld [smem:$0x3FB6]  }
0x39: {  	_ = 	snop;
	(pc) =	sbr.ind lr, $3  }
0x3a: {  	_ = 	snop  }
0x3b: {  	_ = 	snop  }
0x3c: {  	p2 =	seq.s32 s10, $0x1;
	s10 =	sld [smem:$0x3FB5]  }
0x3d: {  	_ =	shalt  }
0x3e: {  	_ =	shalt  }
0x3f: {  	_ =	shalt  }
0x40: {  	_ =	shalt  }
0x41: {  	_ =	shalt  }
0x42: {  	_ =	shalt  }
0x43: {  	_ =	shalt  }
0x44: {  	_ =	shalt  }
0x45: {  	_ =	shalt  }
0x46: {  	_ =	shalt  }
0x47: {  	_ =	shalt  }
0x48: {  	_ =	shalt  }
0x49: {  	_ =	shalt  }
0x4a: {  	_ =	shalt  }
0x4b: {  	_ =	shalt  }
0x4c: {  	_ =	shalt  }
0x4d: {  	_ =	shalt  }
0x4e: {  	_ =	shalt  }
0x4f: {  	_ =	shalt  }
0x50: {  	_ =	shalt  }
0x51: {  	_ =	shalt  }
0x52: {  	_ =	shalt  }
0x53: {  	_ =	shalt  }
0x54: {  	_ =	shalt  }
0x55: {  	_ =	shalt  }
0x56: {  	_ =	shalt  }
0x57: {  	_ =	shalt  }
0x58: {  	_ =	shalt  }
0x59: {  	_ =	shalt  }
0x5a: {  	_ =	shalt  }
0x5b: {  	_ =	shalt  }
0x5c: {  	_ =	shalt  }
0x5d: {  	_ =	shalt  }
0x5e: {  	_ =	shalt  }
0x5f: {  	_ =	shalt  }
0x60: {  	_ =	shalt  }
0x61: {  	_ =	shalt  }
0x62: {  	_ =	shalt  }
0x63: {  	_ =	shalt  }
0x64: {  	_ =	shalt  }
0x65: {  	_ =	shalt  }
0x66: {  	_ =	shalt  }
0x67: {  	_ =	shalt  }
0x68: {  	_ =	shalt  }
0x69: {  	_ =	shalt  }
0x6a: {  	_ =	shalt  }
0x6b: {  	_ =	shalt  }
0x6c: {  	_ =	shalt  }
0x6d: {  	_ =	shalt  }
0x6e: {  	_ =	shalt  }
0x6f: {  	_ =	shalt  }
0x70: {  	_ =	shalt  }
0x71: {  	_ =	shalt  }
0x72: {  	_ =	shalt  }
0x73: {  	_ =	shalt  }
0x74: {  	_ =	shalt  }
0x75: {  	_ =	shalt  }
0x76: {  	_ =	shalt  }
0x77: {  	_ =	shalt  }
0x78: {  	_ =	shalt  }
0x79: {  	_ =	shalt  }
0x7a: {  	_ =	shalt  }
0x7b: {  	_ =	shalt  }
0x7c: {  	_ =	shalt  }
0x7d: {  	_ =	shalt  }
0x7e: {  	_ =	shalt  }
0x7f: {  	_ =	shalt  }
0x80: {  	_ =	shalt  }
0x81: {  	_ =	shalt  }
0x82: {  	_ =	shalt  }
0x83: {  	_ =	shalt  }
0x84: {  	_ =	shalt  }
0x85: {  	_ =	shalt  }
0x86: {  	_ =	shalt  }
0x87: {  	_ =	shalt  }
.Lfunc_end0:
.L_simem_size_0:
called_computation.7_lowered:
.L_overlay_start_0:
0x88: {  	s2 =	sld [smem:$0x3FD9]  }
0x89: {  	s3 =	sld [smem:$0x3FFE];
	_ =	sdelay $0x1  }
0x8a: {  	s1 =	srdreg.scid  }
0x8b: {  	s0 =	sand.u32 $0x1, s1  }
0x8c: {  	s17 =	sshll.u32 s0, $0xA;
	s2 =	sadd.s32 s3, s2  }
0x8d: {  	s2 =	sadd.s32 s2, s17  }
0x8e: {  	[smem:$0x3FC1] =	sst s2  }
0x8f: {  	_ = 	snop  }
0x90: {  	s2 =	sld [smem:$0x3FD0];
	(tm) =	ssettm $0x1  }
0x91: {  	s18 =	sld [smem:$0x3FFB];
	_ =	sdelay $0x3  }
0x92: {  	_ =	strace s18  }
0x93: {  	s3 =	sld [smem:$0x3FFC];
	_ =	sdelay $0x3  }
0x94: {  	_ =	strace s3  }
0x95: {  	s3 =	sld [smem:$0x3FFD];
	_ =	sdelay $0x3  }
0x96: {  	_ =	strace s3  }
0x97: {  	_ =	strace $0x8FFFFFFF  }
0x98: {  	s19 =	sld [smem:$0x3FDB];
	_ =	sdelay $0x1  }
0x99: {  	s4 =	simm.s32 $_scs_section_size  }
0x9a: {  	s5 =	simm.s32 $_size__tile_overlayer_lowered;
	s6 =	simm.s32 $_tile_overlayer_lowered  }
0x9b: {  	s22 =	simm.s32 $0x1BFF;
	s21 =	sshll.u32 s6, $0x1;
	s3 =	sadd.s32 s4, s19  }
0x9c: {  	s7 =	simm.s32 $0x0;
	s20 =	sshll.u32 s5, $0x1;
	s5 =	sadd.s32 s21, s3  }
0x9d: {  	[timem:s7], [sflag:s22] =	dma.local [hbm:s5], s20  }
0x9e: {  	_ =	swait.ge [sflag:s22], s20  }
0x9f: {  	s4 =	ssub.s32 $0x0, s20;
	[sflag:s22] =	ssyncset.done $0x0  }
0xa0: {  	[sflag:s22] =	ssyncadd.s32 s4;
	_ =	sdelay $0x1  }
0xa1: {  	s23 =	simm.s32 $0x1B8B  }
0xa2: {  	_ =	swait.ge [sflag:s23], $0x1  }
0xa3: {  	[sflag:s23] =	ssyncset.done $0x0  }
0xa4: {  	s25 =	simm.s32 $0x1B8E;
	s24 =	sld [smem:$0x3FFE];
	[sflag:s23] =	ssyncadd.s32 $0xFFFFFFFF  }
0xa5: {  	s26 =	simm.s32 $execute0_lowered;
	[smem:$0x3FD2] =	sst s25  }
0xa6: {  	s5 =	sshll.u32 s26, $0x1;
	_ =	strace $0x8000005B;
	[dreg:$0x1] =	wrdreg $0xFFFFFFFF  }
0xa7: {  	s28 =	simm.s32 $_size_execute0_lowered;
	s3 =	sadd.s32 s3, s5;
	[dreg:$0x0] =	wrdreg $0x0  }
0xa8: {  	s5 =	sshll.u32 s28, $0x1;
	[dreg:$0x2] =	wrdreg s3  }
0xa9: {  	[dreg:$0x3] =	wrdreg s5  }
0xaa: {  	[dreg:$0x4] =	wrdreg $0xC0  }
0xab: {  	_ =	task [dreg:s7], $0x5FFFF  }
0xac: {  	[dreg:$0x1] =	wrdreg $0xFFFFFFFF  }
0xad: {  	[dreg:$0x0] =	wrdreg $0x60  }
0xae: {  	[dreg:$0x2] =	wrdreg s24  }
0xaf: {  	[dreg:$0x3] =	wrdreg s2  }
0xb0: {  	[dreg:$0x4] =	wrdreg $0x63000  }
0xb1: {  	[dreg:$0x5] =	wrdreg $0x9  }
0xb2: {  	_ =	task.clear_ibuf [dreg:s7], $0x6FFFF;
	_ =	strace $0x9000005B  }
0xb3: {  	s29 =	simm.s32 $0x9;
	_ =	strace $0x8000005D  }
0xb4: {  	_ =	swait.ge [sflag:s29], $0x1  }
0xb5: {  	[sflag:s29] =	ssyncadd.s32 $0xFFFFFFFF  }
0xb6: {  	_ =	strace $0x9000005D  }
0xb7: {  	_ =	sfence  }
0xb8: {  	s30 =	sld [smem:$0x0];
	_ =	sdelay $0x2  }
0xb9: {  	s31 =	sshll.u32 s1, $0xD;
	s1 =	sshrl.u32 s1, $0x2  }
0xba: {  	s3 =	sand.u32 $0x4000, s31;
	s1 =	sadd.s32 s1, s30  }
0xbb: {  	s0 =	sor.u32 s3, s0;
	s1 =	sshll.u32 s1, $0x11  }
0xbc: {  	s0 =	sor.u32 s1, s0  }
0xbd: {  	s0 =	sadd.s32 $0x8F2B, s0  }
0xbe: {  	[sflag:s0] =	ssyncadd.remote.s32 $0x1  }
0xbf: {  	_ =	sfence.sel $0xFFFF  }
0xc0: {  	[dreg:$0x0] =	wrdreg $0xFFFFFFFF;
	(pc) =	sbr.abs _section_cstart, $3  }
0xc1: {  	[dreg:$0x1] =	wrdreg $0xFFFFFFFF  }
0xc2: {  	_ =	task.clear_ibuf [dreg:s7], $0x2FFFF;
	_ =	strace $0x9FFFFFFF  }
0xc3: {  	(tm) =	ssettm $0x7FFFFFFF  }
tec
execute0_lowered:
.L_overlay_start_1:
0x0: {  	(tag) =	ssettag $0x1  }
0x1: {  	s5 =	rddreg [dreg:$0x0]  }
0x2: {  	s7 =	rddreg [dreg:$0x1]  }
0x3: {  	s2 =	rddreg [dreg:$0x2]  }
0x4: {  	s0 =	rddreg [dreg:$0x3]  }
0x5: {  	s4 =	srdreg.scid;
	s1 =	stileid.u32  }
0x6: {  	s3 =	simm.s32 $0x0;
	s14 =	simm.s32 $0x2F600;
	s15 =	simm.s32 $0x4F00  }
0x7: {  	s16 =	simm.s32 $0x1;
	s17 =	simm.s32 $0x0;
	s8 =	sand.u32 $0x1, s4  }
0x8: {  	s29 =	sshll.u32 s1, $0x1;
	[smem:$0x7FF] =	sst s3;
	s6 =	smul.u32 $0x6400, s1  }
0x9: {  	s31 =	sshll.u32 s1, $0x6;
	s4 =	sor.u32 s8, s29;
	_ =	strace $0x8000005C  }
0xa: {  	s10 =	ssub.s32 $0x2, s8;
	p0 =	seq.s32 s8, $0x1;
	s9 =	smul.u32 $0x4F0, s4  }
0xb: {  	s4 =	sadd.s32 $0xC800, s5;
	s11 =	sshrl.u32 s6, $0x3;
	s12 =	sshrl.u32 s10, $0x1  }
0xc: {  	s30 =	sadd.s32 s6, s2;
	s6 =	sor.u32 $0x1C02, s31;
	s14 =	simm.s32 @!p0 $0x3BE00  }
0xd: {  	s11 =	sadd.s32 s11, s5;
	s10 =	ssub.s32 s10, s12;
	s12 =	simm.s32 $0x2  }
0xe: {  	s13 =	sadd.s32 s9, s5;
	s5 =	sadd.s32 $0x22E00, s11;
	s7 =	sadd.s32 s7, s9  }
0xf: {  	s9 =	smax.u32 s10, $0x1;
	s10 =	sadd.s32 s14, s11;
	s11 =	sshrl.u32 s30, $0x3  }
0x10: {  	s14 =	simm.s32 $0x80;
	s8 =	sadd.s32 $0x19000, s13;
	s13 =	simm.s32 $0x2780  }
.LBB2_1:
0x11: {  	[spmem:s11], [sflag:s6] =	dma.local [hbm:s5], $0xC80  }
0x12: {  	_ =	swait.ge [sflag:s12], $0xC80  }
0x13: {  	[sflag:s12] =	ssyncset.done $0x0  }
0x14: {  	[sflag:s12] =	ssyncadd.s32 $0xFFFFF380  }
0x15: {  	[tilespmem:s3], [sflag:$0x2] =	stream.linear.gather [hbm4b:s7+s3], $0x2780, $0x38;
	[tilespmem:$0xC700] =	vst v63  }
0x16: {  	_ =	swait.ge [sflag:s12], $0x2780  }
0x17: {  	[sflag:s12] =	ssyncset.done $0x0  }
0x18: {  	[sflag:s12] =	ssyncadd.s32 $0xFFFFD880  }
0x19: {  	[tilespmem:s13], [sflag:$0x2] =	stream.linear.gather [hbm4b:s8+s3], $0x2780, $0x38;
	[tilespmem:$0xC700] =	vst v63  }
0x1a: {  	_ =	swait.ge [sflag:s12], $0x2780  }
0x1b: {  	[sflag:s12] =	ssyncset.done $0x0  }
0x1c: {  	[sflag:s12] =	ssyncadd.s32 $0xFFFFD880  }
0x1d: {  	s18 =	simm.s32 $0x0;
	[bflag:$0x0] =	sbarrier.arrive $0xFFFF  }
0x1e: {  	[tilespmem:s15], [sflag:$0x1] =	stream.indirect.gather [hbm4b:s4+s14], $0x28, s18, s14, $0xb8;
	[tilespmem:$0xC700] =	vst v63  }
0x1f: {  	_ =	swait.ge [sflag:s16], $0x1400  }
0x20: {  	[sflag:s16] =	ssyncset.done $0x0  }
0x21: {  	s31 =	simm.s32 $0x2780;
	[sflag:s16] =	ssyncadd.s32 $0xFFFFEC00  }
0x22: {  	[spmem:s2] =	stream.indirect.scatter.add.f32 [tilespmem:s15], [sflag:$0x2], $0x28, s31, s14, $0xb8;
	[tilespmem:$0xC700] =	vst v63  }
0x23: {  	_ =	swait.ge [sflag:s12], $0x1400  }
0x24: {  	s19 =	simm.s32 $0x400;
	s18 =	simm.s32 $0x200;
	[sflag:s12] =	ssyncset.done $0x0  }
.LBB2_2:
0x25: {  	s20 =	sshra.s32 s18, $0x2  }
0x26: {  	[sflag:s12] =	ssyncadd.s32 $0xFFFFEC00;
	s18 =	smov.u32 s19;
	s21 =	sadd.s32 $0x200, s19  }
0x27: {  	[tilespmem:s15], [sflag:$0x1] =	stream.indirect.gather [hbm4b:s4+s14], $0x28, s20, s14, $0xb8;
	[tilespmem:$0xC700] =	vst v63  }
0x28: {  	p0 =	sne.s32 s19, $0x9C00;
	_ =	swait.ge [sflag:s16], $0x1400  }
.Ltmp0:
0x29: {  	[sflag:s16] =	ssyncset.done $0x0;
	(pc) =	sbr.rel @p0 .LBB2_2-.Ltmp0, $4  }
0x2a: {  	s19 =	sadd.s32 $0x2780, s20;
	[sflag:s16] =	ssyncadd.s32 $0xFFFFEC00  }
0x2b: {  	[spmem:s2] =	stream.indirect.scatter.add.f32 [tilespmem:s15], [sflag:$0x2], $0x28, s19, s14, $0xb8;
	[tilespmem:$0xC700] =	vst v63  }
0x2c: {  	_ =	swait.ge [sflag:s12], $0x1400  }
0x2d: {  	s19 =	smov.u32 s21;
	[sflag:s12] =	ssyncset.done $0x0  }
0x2e: {  	s18 =	sshra.s32 s18, $0x2;
	[sflag:s12] =	ssyncadd.s32 $0xFFFFEC00  }
0x2f: {  	[tilespmem:s15], [sflag:$0x1] =	stream.indirect.gather [hbm4b:s4+s14], $0x28, s18, s14, $0xb8;
	[tilespmem:$0xC700] =	vst v63  }
0x30: {  	_ =	swait.ge [sflag:s16], $0x1400  }
0x31: {  	[sflag:s16] =	ssyncset.done $0x0  }
0x32: {  	s18 =	sadd.s32 $0x2780, s18;
	[sflag:s16] =	ssyncadd.s32 $0xFFFFEC00  }
0x33: {  	[spmem:s2] =	stream.indirect.scatter.add.f32 [tilespmem:s15], [sflag:$0x2], $0x28, s18, s14, $0xb8;
	[tilespmem:$0xC700] =	vst v63  }
0x34: {  	_ =	swait.ge [sflag:s12], $0x1400  }
0x35: {  	s17 =	sadd.s32 $0x1, s17;
	[sflag:s12] =	ssyncset.done $0x0  }
0x36: {  	p0 =	sne.s32 s17, s9;
	[sflag:s12] =	ssyncadd.s32 $0xFFFFEC00  }
.Ltmp1:
0x37: {  	[bflag:$0x0] =	sbarrier.arrive $0xFFFF;
	(pc) =	sbr.rel @p0 .LBB2_1-.Ltmp1, $4  }
0x38: {  	[hbm:s10], [sflag:s6] =	dma.local [spmem:s11], $0xC80  }
0x39: {  	_ =	swait.ge [sflag:s12], $0xC80  }
0x3a: {  	[sflag:s12] =	ssyncset.done $0x0  }
0x3b: {  	[sflag:s12] =	ssyncadd.s32 $0xFFFFF380  }
0x3c: {  	_ =	sfence.sel $0x180000  }
0x3d: {  	[bflag:$0x0] =	sbarrier.arrive $0xFFFF  }
0x3e: {  	p0 =	sne.s32 s1, $0x0;
	_ =	strace $0x9000005C  }
0x3f: {  	s0 =	sadd.s32 @!p0 $0x100000, s0;
	[bflag:$0x2] =	sbarrier.arrive $0xFFFF  }
0x40: {  	[sflag:s0] =	ssyncadd.tile.s32 @!p0 $0x1;
	_ =	shalt  }
.Lfunc_end2:
_tile_overlayer_lowered:
.L_overlay_start_2:
0x41: {  	(tag) =	ssettag $0x2  }
0x42: {  	s0 =	rddreg [dreg:$0x0];
	s2 =	stileid.u32  }
0x43: {  	s1 =	rddreg [dreg:$0x1];
	p0 =	sne.s32 s2, $0x0  }
0x44: {  	s3 =	rddreg [dreg:$0x2];
	[bflag:$0x3] =	sbarrier.arrive $0xFFFF;
	s2 =	simm.s32 @!p0 $0x1C02  }
0x45: {  	[timem:s3], [sflag:s2] =	dma.local @!p0 [hbm:s0], s1  }
0x46: {  	s0 =	simm.s32 @!p0 $0x2  }
0x47: {  	_ =	swait.ge @!p0 [sflag:s0], s1  }
0x48: {  	s1 =	ssub.s32 @!p0 $0x0, s1;
	[sflag:s0] =	ssyncset.done @!p0 $0x0  }
0x49: {  	[sflag:s0] =	ssyncadd.s32 @!p0 s1  }
0x4a: {  	[bflag:$0x3] =	sbarrier.arrive $0xFFFF  }
0x4b: {  	_ =	shalt  }

// kernel: kernel.50.cloned.1.call-start
scs
__scs_entry_jumppad:
0x0: {  	(pc) =	sbr.rel $0x88, $3  }
0x1: {  	(tag) =	ssettag $0x0;
	lr =	simm.s32 $0x1  }
0x2: {  	[smem:$0x3F9A] =	sst lr;
	_ =	strace $0xD0000000  }
0x3: {  	_ = 	snop  }
0x4: {  	_ = 	snop  }
0x5: {  	_ = 	snop  }
0x6: {  	_ = 	snop  }
0x7: {  	_ = 	snop  }
__scs_overlays_trampoline_lowered:
0x8: {  	[smem:$0x3FA9] =	sst s0  }
0x9: {  	[smem:$0x3FAA] =	sst s1  }
0xa: {  	[smem:$0x3FAB] =	sst s2  }
0xb: {  	[smem:$0x3FAC] =	sst s3  }
0xc: {  	[smem:$0x3FAD] =	sst s4  }
0xd: {  	[smem:$0x3FAE] =	sst s5  }
0xe: {  	[smem:$0x3FAF] =	sst s6  }
0xf: {  	[smem:$0x3FB0] =	sst s7  }
0x10: {  	[smem:$0x3FB1] =	sst s8  }
0x11: {  	[smem:$0x3FB2] =	sst s9;
	s0 =	simm.s32 @!p0 $0x0  }
0x12: {  	s1 =	sld [smem:$0x3F98];
	s0 =	simm.s32 @p0 $0x1  }
0x13: {  	[smem:$0x3FB3] =	sst s0;
	s0 =	simm.s32 @!p1 $0x0  }
0x14: {  	s2 =	sld [smem:$0x3F97];
	s0 =	simm.s32 @p1 $0x1  }
0x15: {  	[smem:$0x3FB4] =	sst s0;
	s0 =	simm.s32 @!p2 $0x0  }
0x16: {  	s3 =	sld [smem:$0x3FDB];
	s0 =	simm.s32 @p2 $0x1  }
0x17: {  	s4 =	simm.s32 $0x1BF5;
	[smem:$0x3FB6] =	sst s0  }
0x18: {  	s0 =	sld [smem:$0x3F99];
	_ =	swait.ge [sflag:s4], $0x0  }
0x19: {  	s7 =	sld [smem:$0x3F9A]  }
0x1a: {  	s8 =	sadd.s32 $0xFFFFE003, lr  }
0x1b: {  	s9 =	sadd.s32 $0xFFFFFEF7, lr;
	s5 =	simm.s32 $0xFFFFFFFF;
	p2 =	slt.u32 s8, $0xFFFFF086  }
0x1c: {  	p1 =	slt.u32 s9, $0xF7A;
	s5 =	simm.s32 @!p2 $0x0  }
0x1d: {  	s5 =	simm.s32 @p1 $0x1;
	p0 =	seq.s32 s7, s2  }
0x1e: {  	s7 =	smul.u32 @!p0 $0xF7A, s2;
	p2 =	seq.s32 @!p0 s5, $0x0  }
0x1f: {  	s9 =	smul.u32 $0xF7A, s1;
	s8 =	simm.s32 @!p0 $0x1BF5;
	p2 =	por !p2, p0  }
0x20: {  	[sflag:s8] =	ssyncset.s32 @!p0 $0xFFFFF086;
	s6 =	sadd.s32 @!p0 s3, s7;
	s7 =	simm.s32 @!p0 $0x108  }
0x21: {  	s3 =	sadd.s32 s3, s9;
	s6 =	sadd.s32 @!p0 $0x88, s6;
	s7 =	simm.s32 @p2 $0x1082  }
0x22: {  	[simem:s7], [sflag:s8] =	dma.local @!p0 [hbm:s6], $0xF7A  }
0x23: {  	s9 =	sor.u32 $0xD0000000, s2;
	s6 =	simm.s32 $0x108;
	_ =	swait.ge @!p0 [sflag:s8], $0x0  }
0x24: {  	s3 =	sadd.s32 $0x88, s3;
	s6 =	simm.s32 @!p1 $0x1082;
	[sflag:s4] =	ssyncset.s32 $0xFFFFF086  }
0x25: {  	[simem:s6], [sflag:s4] =	dma.local [hbm:s3], $0xF7A  }
0x26: {  	[smem:$0x3F9A] =	sst s1;
	(tag) =	ssettag s2;
	_ =	strace s9  }
0x27: {  	s1 =	sld [smem:$0x3FAA]  }
0x28: {  	s2 =	sld [smem:$0x3FAB]  }
0x29: {  	s4 =	sld [smem:$0x3FAD]  }
0x2a: {  	p0 =	seq.s32 s5, $0x0;
	s5 =	sld [smem:$0x3FAE]  }
0x2b: {  	s6 =	sld [smem:$0x3FAF]  }
0x2c: {  	s7 =	sld [smem:$0x3FB0]  }
0x2d: {  	s3 =	simm.s32 $0x108;
	s8 =	sld [smem:$0x3FB1]  }
0x2e: {  	s3 =	simm.s32 @!p0 $0x1082;
	s9 =	sld [smem:$0x3FB2]  }
0x2f: {  	lr =	sadd.s32 s0, s3;
	s0 =	sld [smem:$0x3FA9]  }
0x30: {  	s3 =	sld [smem:$0x3FAC]  }
0x31: {  	[smem:$0x3FB5] =	sst s10  }
0x32: {  	s10 =	sld [smem:$0x3FB3];
	_ =	sdelay $0x3  }
0x33: {  	p0 =	seq.s32 s10, $0x1;
	s10 =	sld [smem:$0x3FB5];
	_ =	sdelay $0x3  }
0x34: {  	[smem:$0x3FB5] =	sst s10  }
0x35: {  	s10 =	sld [smem:$0x3FB4];
	_ =	sdelay $0x3  }
0x36: {  	p1 =	seq.s32 s10, $0x1;
	s10 =	sld [smem:$0x3FB5];
	_ =	sdelay $0x3  }
0x37: {  	[smem:$0x3FB5] =	sst s10  }
0x38: {  	s10 =	sld [smem:$0x3FB6]  }
0x39: {  	_ = 	snop;
	(pc) =	sbr.ind lr, $3  }
0x3a: {  	_ = 	snop  }
0x3b: {  	_ = 	snop  }
0x3c: {  	p2 =	seq.s32 s10, $0x1;
	s10 =	sld [smem:$0x3FB5]  }
0x3d: {  	_ =	shalt  }
0x3e: {  	_ =	shalt  }
0x3f: {  	_ =	shalt  }
0x40: {  	_ =	shalt  }
0x41: {  	_ =	shalt  }
0x42: {  	_ =	shalt  }
0x43: {  	_ =	shalt  }
0x44: {  	_ =	shalt  }
0x45: {  	_ =	shalt  }
0x46: {  	_ =	shalt  }
0x47: {  	_ =	shalt  }
0x48: {  	_ =	shalt  }
0x49: {  	_ =	shalt  }
0x4a: {  	_ =	shalt  }
0x4b: {  	_ =	shalt  }
0x4c: {  	_ =	shalt  }
0x4d: {  	_ =	shalt  }
0x4e: {  	_ =	shalt  }
0x4f: {  	_ =	shalt  }
0x50: {  	_ =	shalt  }
0x51: {  	_ =	shalt  }
0x52: {  	_ =	shalt  }
0x53: {  	_ =	shalt  }
0x54: {  	_ =	shalt  }
0x55: {  	_ =	shalt  }
0x56: {  	_ =	shalt  }
0x57: {  	_ =	shalt  }
0x58: {  	_ =	shalt  }
0x59: {  	_ =	shalt  }
0x5a: {  	_ =	shalt  }
0x5b: {  	_ =	shalt  }
0x5c: {  	_ =	shalt  }
0x5d: {  	_ =	shalt  }
0x5e: {  	_ =	shalt  }
0x5f: {  	_ =	shalt  }
0x60: {  	_ =	shalt  }
0x61: {  	_ =	shalt  }
0x62: {  	_ =	shalt  }
0x63: {  	_ =	shalt  }
0x64: {  	_ =	shalt  }
0x65: {  	_ =	shalt  }
0x66: {  	_ =	shalt  }
0x67: {  	_ =	shalt  }
0x68: {  	_ =	shalt  }
0x69: {  	_ =	shalt  }
0x6a: {  	_ =	shalt  }
0x6b: {  	_ =	shalt  }
0x6c: {  	_ =	shalt  }
0x6d: {  	_ =	shalt  }
0x6e: {  	_ =	shalt  }
0x6f: {  	_ =	shalt  }
0x70: {  	_ =	shalt  }
0x71: {  	_ =	shalt  }
0x72: {  	_ =	shalt  }
0x73: {  	_ =	shalt  }
0x74: {  	_ =	shalt  }
0x75: {  	_ =	shalt  }
0x76: {  	_ =	shalt  }
0x77: {  	_ =	shalt  }
0x78: {  	_ =	shalt  }
0x79: {  	_ =	shalt  }
0x7a: {  	_ =	shalt  }
0x7b: {  	_ =	shalt  }
0x7c: {  	_ =	shalt  }
0x7d: {  	_ =	shalt  }
0x7e: {  	_ =	shalt  }
0x7f: {  	_ =	shalt  }
0x80: {  	_ =	shalt  }
0x81: {  	_ =	shalt  }
0x82: {  	_ =	shalt  }
0x83: {  	_ =	shalt  }
0x84: {  	_ =	shalt  }
0x85: {  	_ =	shalt  }
0x86: {  	_ =	shalt  }
0x87: {  	_ =	shalt  }
.Lfunc_end0:
.L_simem_size_0:
called_computation.8_lowered:
.L_overlay_start_0:
0x88: {  	s2 =	sld [smem:$0x3FD9]  }
0x89: {  	s3 =	sld [smem:$0x3FFE];
	_ =	sdelay $0x1  }
0x8a: {  	s1 =	srdreg.scid  }
0x8b: {  	s0 =	sand.u32 $0x1, s1  }
0x8c: {  	s17 =	sshll.u32 s0, $0xA;
	s2 =	sadd.s32 s3, s2  }
0x8d: {  	s2 =	sadd.s32 s2, s17  }
0x8e: {  	[smem:$0x3FC1] =	sst s2  }
0x8f: {  	_ = 	snop  }
0x90: {  	s2 =	sld [smem:$0x3FD0];
	(tm) =	ssettm $0x1  }
0x91: {  	s18 =	sld [smem:$0x3FFB];
	_ =	sdelay $0x3  }
0x92: {  	_ =	strace s18  }
0x93: {  	s3 =	sld [smem:$0x3FFC];
	_ =	sdelay $0x3  }
0x94: {  	_ =	strace s3  }
0x95: {  	s3 =	sld [smem:$0x3FFD];
	_ =	sdelay $0x3  }
0x96: {  	_ =	strace s3  }
0x97: {  	_ =	strace $0x8FFFFFFF  }
0x98: {  	s19 =	sld [smem:$0x3FDB];
	_ =	sdelay $0x1  }
0x99: {  	s4 =	simm.s32 $_scs_section_size  }
0x9a: {  	s5 =	simm.s32 $_size__tile_overlayer_lowered;
	s6 =	simm.s32 $_tile_overlayer_lowered  }
0x9b: {  	s22 =	simm.s32 $0x1BFF;
	s21 =	sshll.u32 s6, $0x1;
	s3 =	sadd.s32 s4, s19  }
0x9c: {  	s7 =	simm.s32 $0x0;
	s20 =	sshll.u32 s5, $0x1;
	s5 =	sadd.s32 s21, s3  }
0x9d: {  	[timem:s7], [sflag:s22] =	dma.local [hbm:s5], s20  }
0x9e: {  	_ =	swait.ge [sflag:s22], s20  }
0x9f: {  	s4 =	ssub.s32 $0x0, s20;
	[sflag:s22] =	ssyncset.done $0x0  }
0xa0: {  	[sflag:s22] =	ssyncadd.s32 s4;
	_ =	sdelay $0x1  }
0xa1: {  	s23 =	simm.s32 $0x1B8B  }
0xa2: {  	_ =	swait.ge [sflag:s23], $0x1  }
0xa3: {  	[sflag:s23] =	ssyncset.done $0x0  }
0xa4: {  	s25 =	simm.s32 $0x1B8E;
	s24 =	sld [smem:$0x3FFE];
	[sflag:s23] =	ssyncadd.s32 $0xFFFFFFFF  }
0xa5: {  	s26 =	simm.s32 $execute0_lowered;
	[smem:$0x3FD2] =	sst s25  }
0xa6: {  	s5 =	sshll.u32 s26, $0x1;
	_ =	strace $0x8000005E;
	[dreg:$0x1] =	wrdreg $0xFFFFFFFF  }
0xa7: {  	s28 =	simm.s32 $_size_execute0_lowered;
	s3 =	sadd.s32 s3, s5;
	[dreg:$0x0] =	wrdreg $0x0  }
0xa8: {  	s5 =	sshll.u32 s28, $0x1;
	[dreg:$0x2] =	wrdreg s3  }
0xa9: {  	[dreg:$0x3] =	wrdreg s5  }
0xaa: {  	[dreg:$0x4] =	wrdreg $0xC0  }
0xab: {  	_ =	task [dreg:s7], $0x5FFFF  }
0xac: {  	[dreg:$0x1] =	wrdreg $0xFFFFFFFF  }
0xad: {  	[dreg:$0x0] =	wrdreg $0x60  }
0xae: {  	[dreg:$0x2] =	wrdreg s24  }
0xaf: {  	[dreg:$0x3] =	wrdreg s2  }
0xb0: {  	[dreg:$0x4] =	wrdreg $0x63000  }
0xb1: {  	[dreg:$0x5] =	wrdreg $0x9  }
0xb2: {  	_ =	task.clear_ibuf [dreg:s7], $0x6FFFF;
	_ =	strace $0x9000005E  }
0xb3: {  	s29 =	simm.s32 $0x9;
	_ =	strace $0x80000060  }
0xb4: {  	_ =	swait.ge [sflag:s29], $0x1  }
0xb5: {  	[sflag:s29] =	ssyncadd.s32 $0xFFFFFFFF  }
0xb6: {  	_ =	strace $0x90000060  }
0xb7: {  	_ =	sfence  }
0xb8: {  	s30 =	sld [smem:$0x0];
	_ =	sdelay $0x2  }
0xb9: {  	s31 =	sshll.u32 s1, $0xD;
	s1 =	sshrl.u32 s1, $0x2  }
0xba: {  	s3 =	sand.u32 $0x4000, s31;
	s1 =	sadd.s32 s1, s30  }
0xbb: {  	s0 =	sor.u32 s3, s0;
	s1 =	sshll.u32 s1, $0x11  }
0xbc: {  	s0 =	sor.u32 s1, s0  }
0xbd: {  	s0 =	sadd.s32 $0x8F2B, s0  }
0xbe: {  	[sflag:s0] =	ssyncadd.remote.s32 $0x1  }
0xbf: {  	_ =	sfence.sel $0xFFFF  }
0xc0: {  	[dreg:$0x0] =	wrdreg $0xFFFFFFFF;
	(pc) =	sbr.abs _section_cstart, $3  }
0xc1: {  	[dreg:$0x1] =	wrdreg $0xFFFFFFFF  }
0xc2: {  	_ =	task.clear_ibuf [dreg:s7], $0x2FFFF;
	_ =	strace $0x9FFFFFFF  }
0xc3: {  	(tm) =	ssettm $0x7FFFFFFF  }
tec
execute0_lowered:
.L_overlay_start_1:
0x0: {  	(tag) =	ssettag $0x1  }
0x1: {  	s5 =	rddreg [dreg:$0x0]  }
0x2: {  	s7 =	rddreg [dreg:$0x1]  }
0x3: {  	s2 =	rddreg [dreg:$0x2]  }
0x4: {  	s0 =	rddreg [dreg:$0x3]  }
0x5: {  	s4 =	srdreg.scid;
	s1 =	stileid.u32  }
0x6: {  	s3 =	simm.s32 $0x0;
	s14 =	simm.s32 $0x2F600;
	s15 =	simm.s32 $0x4F00  }
0x7: {  	s16 =	simm.s32 $0x1;
	s17 =	simm.s32 $0x0;
	s8 =	sand.u32 $0x1, s4  }
0x8: {  	s29 =	sshll.u32 s1, $0x1;
	[smem:$0x7FF] =	sst s3;
	s6 =	smul.u32 $0x6400, s1  }
0x9: {  	s31 =	sshll.u32 s1, $0x6;
	s4 =	sor.u32 s8, s29;
	_ =	strace $0x8000005F  }
0xa: {  	s10 =	ssub.s32 $0x2, s8;
	p0 =	seq.s32 s8, $0x1;
	s9 =	smul.u32 $0x4F0, s4  }
0xb: {  	s4 =	sadd.s32 $0xC800, s5;
	s11 =	sshrl.u32 s6, $0x3;
	s12 =	sshrl.u32 s10, $0x1  }
0xc: {  	s30 =	sadd.s32 s6, s2;
	s6 =	sor.u32 $0x1C02, s31;
	s14 =	simm.s32 @!p0 $0x3BE00  }
0xd: {  	s11 =	sadd.s32 s11, s5;
	s10 =	ssub.s32 s10, s12;
	s12 =	simm.s32 $0x2  }
0xe: {  	s13 =	sadd.s32 s9, s5;
	s5 =	sadd.s32 $0x22E00, s11;
	s7 =	sadd.s32 s7, s9  }
0xf: {  	s9 =	smax.u32 s10, $0x1;
	s10 =	sadd.s32 s14, s11;
	s11 =	sshrl.u32 s30, $0x3  }
0x10: {  	s14 =	simm.s32 $0x80;
	s8 =	sadd.s32 $0x19000, s13;
	s13 =	simm.s32 $0x2780  }
.LBB2_1:
0x11: {  	[spmem:s11], [sflag:s6] =	dma.local [hbm:s5], $0xC80  }
0x12: {  	_ =	swait.ge [sflag:s12], $0xC80  }
0x13: {  	[sflag:s12] =	ssyncset.done $0x0  }
0x14: {  	[sflag:s12] =	ssyncadd.s32 $0xFFFFF380  }
0x15: {  	[tilespmem:s3], [sflag:$0x2] =	stream.linear.gather [hbm4b:s7+s3], $0x2780, $0x38;
	[tilespmem:$0xC700] =	vst v63  }
0x16: {  	_ =	swait.ge [sflag:s12], $0x2780  }
0x17: {  	[sflag:s12] =	ssyncset.done $0x0  }
0x18: {  	[sflag:s12] =	ssyncadd.s32 $0xFFFFD880  }
0x19: {  	[tilespmem:s13], [sflag:$0x2] =	stream.linear.gather [hbm4b:s8+s3], $0x2780, $0x38;
	[tilespmem:$0xC700] =	vst v63  }
0x1a: {  	_ =	swait.ge [sflag:s12], $0x2780  }
0x1b: {  	[sflag:s12] =	ssyncset.done $0x0  }
0x1c: {  	[sflag:s12] =	ssyncadd.s32 $0xFFFFD880  }
0x1d: {  	s18 =	simm.s32 $0x0;
	[bflag:$0x0] =	sbarrier.arrive $0xFFFF  }
0x1e: {  	[tilespmem:s15], [sflag:$0x1] =	stream.indirect.gather [hbm4b:s4+s14], $0x28, s18, s14, $0xb8;
	[tilespmem:$0xC700] =	vst v63  }
0x1f: {  	_ =	swait.ge [sflag:s16], $0x1400  }
0x20: {  	[sflag:s16] =	ssyncset.done $0x0  }
0x21: {  	s31 =	simm.s32 $0x2780;
	[sflag:s16] =	ssyncadd.s32 $0xFFFFEC00  }
0x22: {  	[spmem:s2] =	stream.indirect.scatter.add.f32 [tilespmem:s15], [sflag:$0x2], $0x28, s31, s14, $0xb8;
	[tilespmem:$0xC700] =	vst v63  }
0x23: {  	_ =	swait.ge [sflag:s12], $0x1400  }
0x24: {  	s19 =	simm.s32 $0x400;
	s18 =	simm.s32 $0x200;
	[sflag:s12] =	ssyncset.done $0x0  }
.LBB2_2:
0x25: {  	s20 =	sshra.s32 s18, $0x2  }
0x26: {  	[sflag:s12] =	ssyncadd.s32 $0xFFFFEC00;
	s18 =	smov.u32 s19;
	s21 =	sadd.s32 $0x200, s19  }
0x27: {  	[tilespmem:s15], [sflag:$0x1] =	stream.indirect.gather [hbm4b:s4+s14], $0x28, s20, s14, $0xb8;
	[tilespmem:$0xC700] =	vst v63  }
0x28: {  	p0 =	sne.s32 s19, $0x9C00;
	_ =	swait.ge [sflag:s16], $0x1400  }
.Ltmp0:
0x29: {  	[sflag:s16] =	ssyncset.done $0x0;
	(pc) =	sbr.rel @p0 .LBB2_2-.Ltmp0, $4  }
0x2a: {  	s19 =	sadd.s32 $0x2780, s20;
	[sflag:s16] =	ssyncadd.s32 $0xFFFFEC00  }
0x2b: {  	[spmem:s2] =	stream.indirect.scatter.add.f32 [tilespmem:s15], [sflag:$0x2], $0x28, s19, s14, $0xb8;
	[tilespmem:$0xC700] =	vst v63  }
0x2c: {  	_ =	swait.ge [sflag:s12], $0x1400  }
0x2d: {  	s19 =	smov.u32 s21;
	[sflag:s12] =	ssyncset.done $0x0  }
0x2e: {  	s18 =	sshra.s32 s18, $0x2;
	[sflag:s12] =	ssyncadd.s32 $0xFFFFEC00  }
0x2f: {  	[tilespmem:s15], [sflag:$0x1] =	stream.indirect.gather [hbm4b:s4+s14], $0x28, s18, s14, $0xb8;
	[tilespmem:$0xC700] =	vst v63  }
0x30: {  	_ =	swait.ge [sflag:s16], $0x1400  }
0x31: {  	[sflag:s16] =	ssyncset.done $0x0  }
0x32: {  	s18 =	sadd.s32 $0x2780, s18;
	[sflag:s16] =	ssyncadd.s32 $0xFFFFEC00  }
0x33: {  	[spmem:s2] =	stream.indirect.scatter.add.f32 [tilespmem:s15], [sflag:$0x2], $0x28, s18, s14, $0xb8;
	[tilespmem:$0xC700] =	vst v63  }
0x34: {  	_ =	swait.ge [sflag:s12], $0x1400  }
0x35: {  	s17 =	sadd.s32 $0x1, s17;
	[sflag:s12] =	ssyncset.done $0x0  }
0x36: {  	p0 =	sne.s32 s17, s9;
	[sflag:s12] =	ssyncadd.s32 $0xFFFFEC00  }
.Ltmp1:
0x37: {  	[bflag:$0x0] =	sbarrier.arrive $0xFFFF;
	(pc) =	sbr.rel @p0 .LBB2_1-.Ltmp1, $4  }
0x38: {  	[hbm:s10], [sflag:s6] =	dma.local [spmem:s11], $0xC80  }
0x39: {  	_ =	swait.ge [sflag:s12], $0xC80  }
0x3a: {  	[sflag:s12] =	ssyncset.done $0x0  }
0x3b: {  	[sflag:s12] =	ssyncadd.s32 $0xFFFFF380  }
0x3c: {  	_ =	sfence.sel $0x180000  }
0x3d: {  	[bflag:$0x0] =	sbarrier.arrive $0xFFFF  }
0x3e: {  	p0 =	sne.s32 s1, $0x0;
	_ =	strace $0x9000005F  }
0x3f: {  	s0 =	sadd.s32 @!p0 $0x100000, s0;
	[bflag:$0x2] =	sbarrier.arrive $0xFFFF  }
0x40: {  	[sflag:s0] =	ssyncadd.tile.s32 @!p0 $0x1;
	_ =	shalt  }
.Lfunc_end2:
_tile_overlayer_lowered:
.L_overlay_start_2:
0x41: {  	(tag) =	ssettag $0x2  }
0x42: {  	s0 =	rddreg [dreg:$0x0];
	s2 =	stileid.u32  }
0x43: {  	s1 =	rddreg [dreg:$0x1];
	p0 =	sne.s32 s2, $0x0  }
0x44: {  	s3 =	rddreg [dreg:$0x2];
	[bflag:$0x3] =	sbarrier.arrive $0xFFFF;
	s2 =	simm.s32 @!p0 $0x1C02  }
0x45: {  	[timem:s3], [sflag:s2] =	dma.local @!p0 [hbm:s0], s1  }
0x46: {  	s0 =	simm.s32 @!p0 $0x2  }
0x47: {  	_ =	swait.ge @!p0 [sflag:s0], s1  }
0x48: {  	s1 =	ssub.s32 @!p0 $0x0, s1;
	[sflag:s0] =	ssyncset.done @!p0 $0x0  }
0x49: {  	[sflag:s0] =	ssyncadd.s32 @!p0 s1  }
0x4a: {  	[bflag:$0x3] =	sbarrier.arrive $0xFFFF  }
0x4b: {  	_ =	shalt  }

// kernel: kernel.53.cloned.1.call-start
scs
__scs_entry_jumppad:
0x0: {  	(pc) =	sbr.rel $0x88, $3  }
0x1: {  	(tag) =	ssettag $0x0;
	lr =	simm.s32 $0x1  }
0x2: {  	[smem:$0x3F9A] =	sst lr;
	_ =	strace $0xD0000000  }
0x3: {  	_ = 	snop  }
0x4: {  	_ = 	snop  }
0x5: {  	_ = 	snop  }
0x6: {  	_ = 	snop  }
0x7: {  	_ = 	snop  }
__scs_overlays_trampoline_lowered:
0x8: {  	[smem:$0x3FA9] =	sst s0  }
0x9: {  	[smem:$0x3FAA] =	sst s1  }
0xa: {  	[smem:$0x3FAB] =	sst s2  }
0xb: {  	[smem:$0x3FAC] =	sst s3  }
0xc: {  	[smem:$0x3FAD] =	sst s4  }
0xd: {  	[smem:$0x3FAE] =	sst s5  }
0xe: {  	[smem:$0x3FAF] =	sst s6  }
0xf: {  	[smem:$0x3FB0] =	sst s7  }
0x10: {  	[smem:$0x3FB1] =	sst s8  }
0x11: {  	[smem:$0x3FB2] =	sst s9;
	s0 =	simm.s32 @!p0 $0x0  }
0x12: {  	s1 =	sld [smem:$0x3F98];
	s0 =	simm.s32 @p0 $0x1  }
0x13: {  	[smem:$0x3FB3] =	sst s0;
	s0 =	simm.s32 @!p1 $0x0  }
0x14: {  	s2 =	sld [smem:$0x3F97];
	s0 =	simm.s32 @p1 $0x1  }
0x15: {  	[smem:$0x3FB4] =	sst s0;
	s0 =	simm.s32 @!p2 $0x0  }
0x16: {  	s3 =	sld [smem:$0x3FDB];
	s0 =	simm.s32 @p2 $0x1  }
0x17: {  	s4 =	simm.s32 $0x1BF5;
	[smem:$0x3FB6] =	sst s0  }
0x18: {  	s0 =	sld [smem:$0x3F99];
	_ =	swait.ge [sflag:s4], $0x0  }
0x19: {  	s7 =	sld [smem:$0x3F9A]  }
0x1a: {  	s8 =	sadd.s32 $0xFFFFE003, lr  }
0x1b: {  	s9 =	sadd.s32 $0xFFFFFEF7, lr;
	s5 =	simm.s32 $0xFFFFFFFF;
	p2 =	slt.u32 s8, $0xFFFFF086  }
0x1c: {  	p1 =	slt.u32 s9, $0xF7A;
	s5 =	simm.s32 @!p2 $0x0  }
0x1d: {  	s5 =	simm.s32 @p1 $0x1;
	p0 =	seq.s32 s7, s2  }
0x1e: {  	s7 =	smul.u32 @!p0 $0xF7A, s2;
	p2 =	seq.s32 @!p0 s5, $0x0  }
0x1f: {  	s9 =	smul.u32 $0xF7A, s1;
	s8 =	simm.s32 @!p0 $0x1BF5;
	p2 =	por !p2, p0  }
0x20: {  	[sflag:s8] =	ssyncset.s32 @!p0 $0xFFFFF086;
	s6 =	sadd.s32 @!p0 s3, s7;
	s7 =	simm.s32 @!p0 $0x108  }
0x21: {  	s3 =	sadd.s32 s3, s9;
	s6 =	sadd.s32 @!p0 $0x88, s6;
	s7 =	simm.s32 @p2 $0x1082  }
0x22: {  	[simem:s7], [sflag:s8] =	dma.local @!p0 [hbm:s6], $0xF7A  }
0x23: {  	s9 =	sor.u32 $0xD0000000, s2;
	s6 =	simm.s32 $0x108;
	_ =	swait.ge @!p0 [sflag:s8], $0x0  }
0x24: {  	s3 =	sadd.s32 $0x88, s3;
	s6 =	simm.s32 @!p1 $0x1082;
	[sflag:s4] =	ssyncset.s32 $0xFFFFF086  }
0x25: {  	[simem:s6], [sflag:s4] =	dma.local [hbm:s3], $0xF7A  }
0x26: {  	[smem:$0x3F9A] =	sst s1;
	(tag) =	ssettag s2;
	_ =	strace s9  }
0x27: {  	s1 =	sld [smem:$0x3FAA]  }
0x28: {  	s2 =	sld [smem:$0x3FAB]  }
0x29: {  	s4 =	sld [smem:$0x3FAD]  }
0x2a: {  	p0 =	seq.s32 s5, $0x0;
	s5 =	sld [smem:$0x3FAE]  }
0x2b: {  	s6 =	sld [smem:$0x3FAF]  }
0x2c: {  	s7 =	sld [smem:$0x3FB0]  }
0x2d: {  	s3 =	simm.s32 $0x108;
	s8 =	sld [smem:$0x3FB1]  }
0x2e: {  	s3 =	simm.s32 @!p0 $0x1082;
	s9 =	sld [smem:$0x3FB2]  }
0x2f: {  	lr =	sadd.s32 s0, s3;
	s0 =	sld [smem:$0x3FA9]  }
0x30: {  	s3 =	sld [smem:$0x3FAC]  }
0x31: {  	[smem:$0x3FB5] =	sst s10  }
0x32: {  	s10 =	sld [smem:$0x3FB3];
	_ =	sdelay $0x3  }
0x33: {  	p0 =	seq.s32 s10, $0x1;
	s10 =	sld [smem:$0x3FB5];
	_ =	sdelay $0x3  }
0x34: {  	[smem:$0x3FB5] =	sst s10  }
0x35: {  	s10 =	sld [smem:$0x3FB4];
	_ =	sdelay $0x3  }
0x36: {  	p1 =	seq.s32 s10, $0x1;
	s10 =	sld [smem:$0x3FB5];
	_ =	sdelay $0x3  }
0x37: {  	[smem:$0x3FB5] =	sst s10  }
0x38: {  	s10 =	sld [smem:$0x3FB6]  }
0x39: {  	_ = 	snop;
	(pc) =	sbr.ind lr, $3  }
0x3a: {  	_ = 	snop  }
0x3b: {  	_ = 	snop  }
0x3c: {  	p2 =	seq.s32 s10, $0x1;
	s10 =	sld [smem:$0x3FB5]  }
0x3d: {  	_ =	shalt  }
0x3e: {  	_ =	shalt  }
0x3f: {  	_ =	shalt  }
0x40: {  	_ =	shalt  }
0x41: {  	_ =	shalt  }
0x42: {  	_ =	shalt  }
0x43: {  	_ =	shalt  }
0x44: {  	_ =	shalt  }
0x45: {  	_ =	shalt  }
0x46: {  	_ =	shalt  }
0x47: {  	_ =	shalt  }
0x48: {  	_ =	shalt  }
0x49: {  	_ =	shalt  }
0x4a: {  	_ =	shalt  }
0x4b: {  	_ =	shalt  }
0x4c: {  	_ =	shalt  }
0x4d: {  	_ =	shalt  }
0x4e: {  	_ =	shalt  }
0x4f: {  	_ =	shalt  }
0x50: {  	_ =	shalt  }
0x51: {  	_ =	shalt  }
0x52: {  	_ =	shalt  }
0x53: {  	_ =	shalt  }
0x54: {  	_ =	shalt  }
0x55: {  	_ =	shalt  }
0x56: {  	_ =	shalt  }
0x57: {  	_ =	shalt  }
0x58: {  	_ =	shalt  }
0x59: {  	_ =	shalt  }
0x5a: {  	_ =	shalt  }
0x5b: {  	_ =	shalt  }
0x5c: {  	_ =	shalt  }
0x5d: {  	_ =	shalt  }
0x5e: {  	_ =	shalt  }
0x5f: {  	_ =	shalt  }
0x60: {  	_ =	shalt  }
0x61: {  	_ =	shalt  }
0x62: {  	_ =	shalt  }
0x63: {  	_ =	shalt  }
0x64: {  	_ =	shalt  }
0x65: {  	_ =	shalt  }
0x66: {  	_ =	shalt  }
0x67: {  	_ =	shalt  }
0x68: {  	_ =	shalt  }
0x69: {  	_ =	shalt  }
0x6a: {  	_ =	shalt  }
0x6b: {  	_ =	shalt  }
0x6c: {  	_ =	shalt  }
0x6d: {  	_ =	shalt  }
0x6e: {  	_ =	shalt  }
0x6f: {  	_ =	shalt  }
0x70: {  	_ =	shalt  }
0x71: {  	_ =	shalt  }
0x72: {  	_ =	shalt  }
0x73: {  	_ =	shalt  }
0x74: {  	_ =	shalt  }
0x75: {  	_ =	shalt  }
0x76: {  	_ =	shalt  }
0x77: {  	_ =	shalt  }
0x78: {  	_ =	shalt  }
0x79: {  	_ =	shalt  }
0x7a: {  	_ =	shalt  }
0x7b: {  	_ =	shalt  }
0x7c: {  	_ =	shalt  }
0x7d: {  	_ =	shalt  }
0x7e: {  	_ =	shalt  }
0x7f: {  	_ =	shalt  }
0x80: {  	_ =	shalt  }
0x81: {  	_ =	shalt  }
0x82: {  	_ =	shalt  }
0x83: {  	_ =	shalt  }
0x84: {  	_ =	shalt  }
0x85: {  	_ =	shalt  }
0x86: {  	_ =	shalt  }
0x87: {  	_ =	shalt  }
.Lfunc_end0:
.L_simem_size_0:
called_computation.9_lowered:
.L_overlay_start_0:
0x88: {  	s2 =	sld [smem:$0x3FD9]  }
0x89: {  	s3 =	sld [smem:$0x3FFE];
	_ =	sdelay $0x1  }
0x8a: {  	s1 =	srdreg.scid  }
0x8b: {  	s0 =	sand.u32 $0x1, s1  }
0x8c: {  	s17 =	sshll.u32 s0, $0xA;
	s2 =	sadd.s32 s3, s2  }
0x8d: {  	s2 =	sadd.s32 s2, s17  }
0x8e: {  	[smem:$0x3FC1] =	sst s2  }
0x8f: {  	_ = 	snop  }
0x90: {  	s2 =	sld [smem:$0x3FD0];
	(tm) =	ssettm $0x1  }
0x91: {  	s18 =	sld [smem:$0x3FFB];
	_ =	sdelay $0x3  }
0x92: {  	_ =	strace s18  }
0x93: {  	s3 =	sld [smem:$0x3FFC];
	_ =	sdelay $0x3  }
0x94: {  	_ =	strace s3  }
0x95: {  	s3 =	sld [smem:$0x3FFD];
	_ =	sdelay $0x3  }
0x96: {  	_ =	strace s3  }
0x97: {  	_ =	strace $0x8FFFFFFF  }
0x98: {  	s19 =	sld [smem:$0x3FDB];
	_ =	sdelay $0x1  }
0x99: {  	s4 =	simm.s32 $_scs_section_size  }
0x9a: {  	s5 =	simm.s32 $_size__tile_overlayer_lowered;
	s6 =	simm.s32 $_tile_overlayer_lowered  }
0x9b: {  	s22 =	simm.s32 $0x1BFF;
	s21 =	sshll.u32 s6, $0x1;
	s3 =	sadd.s32 s4, s19  }
0x9c: {  	s7 =	simm.s32 $0x0;
	s20 =	sshll.u32 s5, $0x1;
	s5 =	sadd.s32 s21, s3  }
0x9d: {  	[timem:s7], [sflag:s22] =	dma.local [hbm:s5], s20  }
0x9e: {  	_ =	swait.ge [sflag:s22], s20  }
0x9f: {  	s4 =	ssub.s32 $0x0, s20;
	[sflag:s22] =	ssyncset.done $0x0  }
0xa0: {  	[sflag:s22] =	ssyncadd.s32 s4;
	_ =	sdelay $0x1  }
0xa1: {  	s23 =	simm.s32 $0x1B8B  }
0xa2: {  	_ =	swait.ge [sflag:s23], $0x1  }
0xa3: {  	[sflag:s23] =	ssyncset.done $0x0  }
0xa4: {  	s25 =	simm.s32 $0x1B8E;
	s24 =	sld [smem:$0x3FFE];
	[sflag:s23] =	ssyncadd.s32 $0xFFFFFFFF  }
0xa5: {  	s26 =	simm.s32 $execute0_lowered;
	[smem:$0x3FD2] =	sst s25  }
0xa6: {  	s5 =	sshll.u32 s26, $0x1;
	_ =	strace $0x80000061;
	[dreg:$0x1] =	wrdreg $0xFFFFFFFF  }
0xa7: {  	s28 =	simm.s32 $_size_execute0_lowered;
	s3 =	sadd.s32 s3, s5;
	[dreg:$0x0] =	wrdreg $0x0  }
0xa8: {  	s5 =	sshll.u32 s28, $0x1;
	[dreg:$0x2] =	wrdreg s3  }
0xa9: {  	[dreg:$0x3] =	wrdreg s5  }
0xaa: {  	[dreg:$0x4] =	wrdreg $0xC0  }
0xab: {  	_ =	task [dreg:s7], $0x5FFFF  }
0xac: {  	[dreg:$0x1] =	wrdreg $0xFFFFFFFF  }
0xad: {  	[dreg:$0x0] =	wrdreg $0x60  }
0xae: {  	[dreg:$0x2] =	wrdreg s24  }
0xaf: {  	[dreg:$0x3] =	wrdreg s2  }
0xb0: {  	[dreg:$0x4] =	wrdreg $0x63000  }
0xb1: {  	[dreg:$0x5] =	wrdreg $0x9  }
0xb2: {  	_ =	task.clear_ibuf [dreg:s7], $0x6FFFF;
	_ =	strace $0x90000061  }
0xb3: {  	s29 =	simm.s32 $0x9;
	_ =	strace $0x80000063  }
0xb4: {  	_ =	swait.ge [sflag:s29], $0x1  }
0xb5: {  	[sflag:s29] =	ssyncadd.s32 $0xFFFFFFFF  }
0xb6: {  	_ =	strace $0x90000063  }
0xb7: {  	_ =	sfence  }
0xb8: {  	s30 =	sld [smem:$0x0];
	_ =	sdelay $0x2  }
0xb9: {  	s31 =	sshll.u32 s1, $0xD;
	s1 =	sshrl.u32 s1, $0x2  }
0xba: {  	s3 =	sand.u32 $0x4000, s31;
	s1 =	sadd.s32 s1, s30  }
0xbb: {  	s0 =	sor.u32 s3, s0;
	s1 =	sshll.u32 s1, $0x11  }
0xbc: {  	s0 =	sor.u32 s1, s0  }
0xbd: {  	s0 =	sadd.s32 $0x8F2B, s0  }
0xbe: {  	[sflag:s0] =	ssyncadd.remote.s32 $0x1  }
0xbf: {  	_ =	sfence.sel $0xFFFF  }
0xc0: {  	[dreg:$0x0] =	wrdreg $0xFFFFFFFF;
	(pc) =	sbr.abs _section_cstart, $3  }
0xc1: {  	[dreg:$0x1] =	wrdreg $0xFFFFFFFF  }
0xc2: {  	_ =	task.clear_ibuf [dreg:s7], $0x2FFFF;
	_ =	strace $0x9FFFFFFF  }
0xc3: {  	(tm) =	ssettm $0x7FFFFFFF  }
tec
execute0_lowered:
.L_overlay_start_1:
0x0: {  	(tag) =	ssettag $0x1  }
0x1: {  	s5 =	rddreg [dreg:$0x0]  }
0x2: {  	s7 =	rddreg [dreg:$0x1]  }
0x3: {  	s2 =	rddreg [dreg:$0x2]  }
0x4: {  	s0 =	rddreg [dreg:$0x3]  }
0x5: {  	s4 =	srdreg.scid;
	s1 =	stileid.u32  }
0x6: {  	s3 =	simm.s32 $0x0;
	s14 =	simm.s32 $0x2F600;
	s15 =	simm.s32 $0x4F00  }
0x7: {  	s16 =	simm.s32 $0x1;
	s17 =	simm.s32 $0x0;
	s8 =	sand.u32 $0x1, s4  }
0x8: {  	s29 =	sshll.u32 s1, $0x1;
	[smem:$0x7FF] =	sst s3;
	s6 =	smul.u32 $0x6400, s1  }
0x9: {  	s31 =	sshll.u32 s1, $0x6;
	s4 =	sor.u32 s8, s29;
	_ =	strace $0x80000062  }
0xa: {  	s10 =	ssub.s32 $0x2, s8;
	p0 =	seq.s32 s8, $0x1;
	s9 =	smul.u32 $0x4F0, s4  }
0xb: {  	s4 =	sadd.s32 $0xC800, s5;
	s11 =	sshrl.u32 s6, $0x3;
	s12 =	sshrl.u32 s10, $0x1  }
0xc: {  	s30 =	sadd.s32 s6, s2;
	s6 =	sor.u32 $0x1C02, s31;
	s14 =	simm.s32 @!p0 $0x3BE00  }
0xd: {  	s11 =	sadd.s32 s11, s5;
	s10 =	ssub.s32 s10, s12;
	s12 =	simm.s32 $0x2  }
0xe: {  	s13 =	sadd.s32 s9, s5;
	s5 =	sadd.s32 $0x22E00, s11;
	s7 =	sadd.s32 s7, s9  }
0xf: {  	s9 =	smax.u32 s10, $0x1;
	s10 =	sadd.s32 s14, s11;
	s11 =	sshrl.u32 s30, $0x3  }
0x10: {  	s14 =	simm.s32 $0x80;
	s8 =	sadd.s32 $0x19000, s13;
	s13 =	simm.s32 $0x2780  }
.LBB2_1:
0x11: {  	[spmem:s11], [sflag:s6] =	dma.local [hbm:s5], $0xC80  }
0x12: {  	_ =	swait.ge [sflag:s12], $0xC80  }
0x13: {  	[sflag:s12] =	ssyncset.done $0x0  }
0x14: {  	[sflag:s12] =	ssyncadd.s32 $0xFFFFF380  }
0x15: {  	[tilespmem:s3], [sflag:$0x2] =	stream.linear.gather [hbm4b:s7+s3], $0x2780, $0x38;
	[tilespmem:$0xC700] =	vst v63  }
0x16: {  	_ =	swait.ge [sflag:s12], $0x2780  }
0x17: {  	[sflag:s12] =	ssyncset.done $0x0  }
0x18: {  	[sflag:s12] =	ssyncadd.s32 $0xFFFFD880  }
0x19: {  	[tilespmem:s13], [sflag:$0x2] =	stream.linear.gather [hbm4b:s8+s3], $0x2780, $0x38;
	[tilespmem:$0xC700] =	vst v63  }
0x1a: {  	_ =	swait.ge [sflag:s12], $0x2780  }
0x1b: {  	[sflag:s12] =	ssyncset.done $0x0  }
0x1c: {  	[sflag:s12] =	ssyncadd.s32 $0xFFFFD880  }
0x1d: {  	s18 =	simm.s32 $0x0;
	[bflag:$0x0] =	sbarrier.arrive $0xFFFF  }
0x1e: {  	[tilespmem:s15], [sflag:$0x1] =	stream.indirect.gather [hbm4b:s4+s14], $0x28, s18, s14, $0xb8;
	[tilespmem:$0xC700] =	vst v63  }
0x1f: {  	_ =	swait.ge [sflag:s16], $0x1400  }
0x20: {  	[sflag:s16] =	ssyncset.done $0x0  }
0x21: {  	s31 =	simm.s32 $0x2780;
	[sflag:s16] =	ssyncadd.s32 $0xFFFFEC00  }
0x22: {  	[spmem:s2] =	stream.indirect.scatter.add.f32 [tilespmem:s15], [sflag:$0x2], $0x28, s31, s14, $0xb8;
	[tilespmem:$0xC700] =	vst v63  }
0x23: {  	_ =	swait.ge [sflag:s12], $0x1400  }
0x24: {  	s19 =	simm.s32 $0x400;
	s18 =	simm.s32 $0x200;
	[sflag:s12] =	ssyncset.done $0x0  }
.LBB2_2:
0x25: {  	s20 =	sshra.s32 s18, $0x2  }
0x26: {  	[sflag:s12] =	ssyncadd.s32 $0xFFFFEC00;
	s18 =	smov.u32 s19;
	s21 =	sadd.s32 $0x200, s19  }
0x27: {  	[tilespmem:s15], [sflag:$0x1] =	stream.indirect.gather [hbm4b:s4+s14], $0x28, s20, s14, $0xb8;
	[tilespmem:$0xC700] =	vst v63  }
0x28: {  	p0 =	sne.s32 s19, $0x9C00;
	_ =	swait.ge [sflag:s16], $0x1400  }
.Ltmp0:
0x29: {  	[sflag:s16] =	ssyncset.done $0x0;
	(pc) =	sbr.rel @p0 .LBB2_2-.Ltmp0, $4  }
0x2a: {  	s19 =	sadd.s32 $0x2780, s20;
	[sflag:s16] =	ssyncadd.s32 $0xFFFFEC00  }
0x2b: {  	[spmem:s2] =	stream.indirect.scatter.add.f32 [tilespmem:s15], [sflag:$0x2], $0x28, s19, s14, $0xb8;
	[tilespmem:$0xC700] =	vst v63  }
0x2c: {  	_ =	swait.ge [sflag:s12], $0x1400  }
0x2d: {  	s19 =	smov.u32 s21;
	[sflag:s12] =	ssyncset.done $0x0  }
0x2e: {  	s18 =	sshra.s32 s18, $0x2;
	[sflag:s12] =	ssyncadd.s32 $0xFFFFEC00  }
0x2f: {  	[tilespmem:s15], [sflag:$0x1] =	stream.indirect.gather [hbm4b:s4+s14], $0x28, s18, s14, $0xb8;
	[tilespmem:$0xC700] =	vst v63  }
0x30: {  	_ =	swait.ge [sflag:s16], $0x1400  }
0x31: {  	[sflag:s16] =	ssyncset.done $0x0  }
0x32: {  	s18 =	sadd.s32 $0x2780, s18;
	[sflag:s16] =	ssyncadd.s32 $0xFFFFEC00  }
0x33: {  	[spmem:s2] =	stream.indirect.scatter.add.f32 [tilespmem:s15], [sflag:$0x2], $0x28, s18, s14, $0xb8;
	[tilespmem:$0xC700] =	vst v63  }
0x34: {  	_ =	swait.ge [sflag:s12], $0x1400  }
0x35: {  	s17 =	sadd.s32 $0x1, s17;
	[sflag:s12] =	ssyncset.done $0x0  }
0x36: {  	p0 =	sne.s32 s17, s9;
	[sflag:s12] =	ssyncadd.s32 $0xFFFFEC00  }
.Ltmp1:
0x37: {  	[bflag:$0x0] =	sbarrier.arrive $0xFFFF;
	(pc) =	sbr.rel @p0 .LBB2_1-.Ltmp1, $4  }
0x38: {  	[hbm:s10], [sflag:s6] =	dma.local [spmem:s11], $0xC80  }
0x39: {  	_ =	swait.ge [sflag:s12], $0xC80  }
0x3a: {  	[sflag:s12] =	ssyncset.done $0x0  }
0x3b: {  	[sflag:s12] =	ssyncadd.s32 $0xFFFFF380  }
0x3c: {  	_ =	sfence.sel $0x180000  }
0x3d: {  	[bflag:$0x0] =	sbarrier.arrive $0xFFFF  }
0x3e: {  	p0 =	sne.s32 s1, $0x0;
	_ =	strace $0x90000062  }
0x3f: {  	s0 =	sadd.s32 @!p0 $0x100000, s0;
	[bflag:$0x2] =	sbarrier.arrive $0xFFFF  }
0x40: {  	[sflag:s0] =	ssyncadd.tile.s32 @!p0 $0x1;
	_ =	shalt  }
.Lfunc_end2:
_tile_overlayer_lowered:
.L_overlay_start_2:
0x41: {  	(tag) =	ssettag $0x2  }
0x42: {  	s0 =	rddreg [dreg:$0x0];
	s2 =	stileid.u32  }
0x43: {  	s1 =	rddreg [dreg:$0x1];
	p0 =	sne.s32 s2, $0x0  }
0x44: {  	s3 =	rddreg [dreg:$0x2];
	[bflag:$0x3] =	sbarrier.arrive $0xFFFF;
	s2 =	simm.s32 @!p0 $0x1C02  }
0x45: {  	[timem:s3], [sflag:s2] =	dma.local @!p0 [hbm:s0], s1  }
0x46: {  	s0 =	simm.s32 @!p0 $0x2  }
0x47: {  	_ =	swait.ge @!p0 [sflag:s0], s1  }
0x48: {  	s1 =	ssub.s32 @!p0 $0x0, s1;
	[sflag:s0] =	ssyncset.done @!p0 $0x0  }
0x49: {  	[sflag:s0] =	ssyncadd.s32 @!p0 s1  }
0x4a: {  	[bflag:$0x3] =	sbarrier.arrive $0xFFFF  }
0x4b: {  	_ =	shalt  }

// kernel: kernel.56.cloned.1.call-start
scs
__scs_entry_jumppad:
0x0: {  	(pc) =	sbr.rel $0x88, $3  }
0x1: {  	(tag) =	ssettag $0x0;
	lr =	simm.s32 $0x1  }
0x2: {  	[smem:$0x3F9A] =	sst lr;
	_ =	strace $0xD0000000  }
0x3: {  	_ = 	snop  }
0x4: {  	_ = 	snop  }
0x5: {  	_ = 	snop  }
0x6: {  	_ = 	snop  }
0x7: {  	_ = 	snop  }
__scs_overlays_trampoline_lowered:
0x8: {  	[smem:$0x3FA9] =	sst s0  }
0x9: {  	[smem:$0x3FAA] =	sst s1  }
0xa: {  	[smem:$0x3FAB] =	sst s2  }
0xb: {  	[smem:$0x3FAC] =	sst s3  }
0xc: {  	[smem:$0x3FAD] =	sst s4  }
0xd: {  	[smem:$0x3FAE] =	sst s5  }
0xe: {  	[smem:$0x3FAF] =	sst s6  }
0xf: {  	[smem:$0x3FB0] =	sst s7  }
0x10: {  	[smem:$0x3FB1] =	sst s8  }
0x11: {  	[smem:$0x3FB2] =	sst s9;
	s0 =	simm.s32 @!p0 $0x0  }
0x12: {  	s1 =	sld [smem:$0x3F98];
	s0 =	simm.s32 @p0 $0x1  }
0x13: {  	[smem:$0x3FB3] =	sst s0;
	s0 =	simm.s32 @!p1 $0x0  }
0x14: {  	s2 =	sld [smem:$0x3F97];
	s0 =	simm.s32 @p1 $0x1  }
0x15: {  	[smem:$0x3FB4] =	sst s0;
	s0 =	simm.s32 @!p2 $0x0  }
0x16: {  	s3 =	sld [smem:$0x3FDB];
	s0 =	simm.s32 @p2 $0x1  }
0x17: {  	s4 =	simm.s32 $0x1BF5;
	[smem:$0x3FB6] =	sst s0  }
0x18: {  	s0 =	sld [smem:$0x3F99];
	_ =	swait.ge [sflag:s4], $0x0  }
0x19: {  	s7 =	sld [smem:$0x3F9A]  }
0x1a: {  	s8 =	sadd.s32 $0xFFFFE003, lr  }
0x1b: {  	s9 =	sadd.s32 $0xFFFFFEF7, lr;
	s5 =	simm.s32 $0xFFFFFFFF;
	p2 =	slt.u32 s8, $0xFFFFF086  }
0x1c: {  	p1 =	slt.u32 s9, $0xF7A;
	s5 =	simm.s32 @!p2 $0x0  }
0x1d: {  	s5 =	simm.s32 @p1 $0x1;
	p0 =	seq.s32 s7, s2  }
0x1e: {  	s7 =	smul.u32 @!p0 $0xF7A, s2;
	p2 =	seq.s32 @!p0 s5, $0x0  }
0x1f: {  	s9 =	smul.u32 $0xF7A, s1;
	s8 =	simm.s32 @!p0 $0x1BF5;
	p2 =	por !p2, p0  }
0x20: {  	[sflag:s8] =	ssyncset.s32 @!p0 $0xFFFFF086;
	s6 =	sadd.s32 @!p0 s3, s7;
	s7 =	simm.s32 @!p0 $0x108  }
0x21: {  	s3 =	sadd.s32 s3, s9;
	s6 =	sadd.s32 @!p0 $0x88, s6;
	s7 =	simm.s32 @p2 $0x1082  }
0x22: {  	[simem:s7], [sflag:s8] =	dma.local @!p0 [hbm:s6], $0xF7A  }
0x23: {  	s9 =	sor.u32 $0xD0000000, s2;
	s6 =	simm.s32 $0x108;
	_ =	swait.ge @!p0 [sflag:s8], $0x0  }
0x24: {  	s3 =	sadd.s32 $0x88, s3;
	s6 =	simm.s32 @!p1 $0x1082;
	[sflag:s4] =	ssyncset.s32 $0xFFFFF086  }
0x25: {  	[simem:s6], [sflag:s4] =	dma.local [hbm:s3], $0xF7A  }
0x26: {  	[smem:$0x3F9A] =	sst s1;
	(tag) =	ssettag s2;
	_ =	strace s9  }
0x27: {  	s1 =	sld [smem:$0x3FAA]  }
0x28: {  	s2 =	sld [smem:$0x3FAB]  }
0x29: {  	s4 =	sld [smem:$0x3FAD]  }
0x2a: {  	p0 =	seq.s32 s5, $0x0;
	s5 =	sld [smem:$0x3FAE]  }
0x2b: {  	s6 =	sld [smem:$0x3FAF]  }
0x2c: {  	s7 =	sld [smem:$0x3FB0]  }
0x2d: {  	s3 =	simm.s32 $0x108;
	s8 =	sld [smem:$0x3FB1]  }
0x2e: {  	s3 =	simm.s32 @!p0 $0x1082;
	s9 =	sld [smem:$0x3FB2]  }
0x2f: {  	lr =	sadd.s32 s0, s3;
	s0 =	sld [smem:$0x3FA9]  }
0x30: {  	s3 =	sld [smem:$0x3FAC]  }
0x31: {  	[smem:$0x3FB5] =	sst s10  }
0x32: {  	s10 =	sld [smem:$0x3FB3];
	_ =	sdelay $0x3  }
0x33: {  	p0 =	seq.s32 s10, $0x1;
	s10 =	sld [smem:$0x3FB5];
	_ =	sdelay $0x3  }
0x34: {  	[smem:$0x3FB5] =	sst s10  }
0x35: {  	s10 =	sld [smem:$0x3FB4];
	_ =	sdelay $0x3  }
0x36: {  	p1 =	seq.s32 s10, $0x1;
	s10 =	sld [smem:$0x3FB5];
	_ =	sdelay $0x3  }
0x37: {  	[smem:$0x3FB5] =	sst s10  }
0x38: {  	s10 =	sld [smem:$0x3FB6]  }
0x39: {  	_ = 	snop;
	(pc) =	sbr.ind lr, $3  }
0x3a: {  	_ = 	snop  }
0x3b: {  	_ = 	snop  }
0x3c: {  	p2 =	seq.s32 s10, $0x1;
	s10 =	sld [smem:$0x3FB5]  }
0x3d: {  	_ =	shalt  }
0x3e: {  	_ =	shalt  }
0x3f: {  	_ =	shalt  }
0x40: {  	_ =	shalt  }
0x41: {  	_ =	shalt  }
0x42: {  	_ =	shalt  }
0x43: {  	_ =	shalt  }
0x44: {  	_ =	shalt  }
0x45: {  	_ =	shalt  }
0x46: {  	_ =	shalt  }
0x47: {  	_ =	shalt  }
0x48: {  	_ =	shalt  }
0x49: {  	_ =	shalt  }
0x4a: {  	_ =	shalt  }
0x4b: {  	_ =	shalt  }
0x4c: {  	_ =	shalt  }
0x4d: {  	_ =	shalt  }
0x4e: {  	_ =	shalt  }
0x4f: {  	_ =	shalt  }
0x50: {  	_ =	shalt  }
0x51: {  	_ =	shalt  }
0x52: {  	_ =	shalt  }
0x53: {  	_ =	shalt  }
0x54: {  	_ =	shalt  }
0x55: {  	_ =	shalt  }
0x56: {  	_ =	shalt  }
0x57: {  	_ =	shalt  }
0x58: {  	_ =	shalt  }
0x59: {  	_ =	shalt  }
0x5a: {  	_ =	shalt  }
0x5b: {  	_ =	shalt  }
0x5c: {  	_ =	shalt  }
0x5d: {  	_ =	shalt  }
0x5e: {  	_ =	shalt  }
0x5f: {  	_ =	shalt  }
0x60: {  	_ =	shalt  }
0x61: {  	_ =	shalt  }
0x62: {  	_ =	shalt  }
0x63: {  	_ =	shalt  }
0x64: {  	_ =	shalt  }
0x65: {  	_ =	shalt  }
0x66: {  	_ =	shalt  }
0x67: {  	_ =	shalt  }
0x68: {  	_ =	shalt  }
0x69: {  	_ =	shalt  }
0x6a: {  	_ =	shalt  }
0x6b: {  	_ =	shalt  }
0x6c: {  	_ =	shalt  }
0x6d: {  	_ =	shalt  }
0x6e: {  	_ =	shalt  }
0x6f: {  	_ =	shalt  }
0x70: {  	_ =	shalt  }
0x71: {  	_ =	shalt  }
0x72: {  	_ =	shalt  }
0x73: {  	_ =	shalt  }
0x74: {  	_ =	shalt  }
0x75: {  	_ =	shalt  }
0x76: {  	_ =	shalt  }
0x77: {  	_ =	shalt  }
0x78: {  	_ =	shalt  }
0x79: {  	_ =	shalt  }
0x7a: {  	_ =	shalt  }
0x7b: {  	_ =	shalt  }
0x7c: {  	_ =	shalt  }
0x7d: {  	_ =	shalt  }
0x7e: {  	_ =	shalt  }
0x7f: {  	_ =	shalt  }
0x80: {  	_ =	shalt  }
0x81: {  	_ =	shalt  }
0x82: {  	_ =	shalt  }
0x83: {  	_ =	shalt  }
0x84: {  	_ =	shalt  }
0x85: {  	_ =	shalt  }
0x86: {  	_ =	shalt  }
0x87: {  	_ =	shalt  }
.Lfunc_end0:
.L_simem_size_0:
called_computation.10_lowered:
.L_overlay_start_0:
0x88: {  	s2 =	sld [smem:$0x3FD9]  }
0x89: {  	s3 =	sld [smem:$0x3FFE];
	_ =	sdelay $0x1  }
0x8a: {  	s1 =	srdreg.scid  }
0x8b: {  	s0 =	sand.u32 $0x1, s1  }
0x8c: {  	s17 =	sshll.u32 s0, $0xA;
	s2 =	sadd.s32 s3, s2  }
0x8d: {  	s2 =	sadd.s32 s2, s17  }
0x8e: {  	[smem:$0x3FC1] =	sst s2  }
0x8f: {  	_ = 	snop  }
0x90: {  	s2 =	sld [smem:$0x3FD0];
	(tm) =	ssettm $0x1  }
0x91: {  	s18 =	sld [smem:$0x3FFB];
	_ =	sdelay $0x3  }
0x92: {  	_ =	strace s18  }
0x93: {  	s3 =	sld [smem:$0x3FFC];
	_ =	sdelay $0x3  }
0x94: {  	_ =	strace s3  }
0x95: {  	s3 =	sld [smem:$0x3FFD];
	_ =	sdelay $0x3  }
0x96: {  	_ =	strace s3  }
0x97: {  	_ =	strace $0x8FFFFFFF  }
0x98: {  	s19 =	sld [smem:$0x3FDB];
	_ =	sdelay $0x1  }
0x99: {  	s4 =	simm.s32 $_scs_section_size  }
0x9a: {  	s5 =	simm.s32 $_size__tile_overlayer_lowered;
	s6 =	simm.s32 $_tile_overlayer_lowered  }
0x9b: {  	s22 =	simm.s32 $0x1BFF;
	s21 =	sshll.u32 s6, $0x1;
	s3 =	sadd.s32 s4, s19  }
0x9c: {  	s7 =	simm.s32 $0x0;
	s20 =	sshll.u32 s5, $0x1;
	s5 =	sadd.s32 s21, s3  }
0x9d: {  	[timem:s7], [sflag:s22] =	dma.local [hbm:s5], s20  }
0x9e: {  	_ =	swait.ge [sflag:s22], s20  }
0x9f: {  	s4 =	ssub.s32 $0x0, s20;
	[sflag:s22] =	ssyncset.done $0x0  }
0xa0: {  	[sflag:s22] =	ssyncadd.s32 s4;
	_ =	sdelay $0x1  }
0xa1: {  	s23 =	simm.s32 $0x1B8B  }
0xa2: {  	_ =	swait.ge [sflag:s23], $0x1  }
0xa3: {  	[sflag:s23] =	ssyncset.done $0x0  }
0xa4: {  	s25 =	simm.s32 $0x1B8E;
	s24 =	sld [smem:$0x3FFE];
	[sflag:s23] =	ssyncadd.s32 $0xFFFFFFFF  }
0xa5: {  	s26 =	simm.s32 $execute0_lowered;
	[smem:$0x3FD2] =	sst s25  }
0xa6: {  	s5 =	sshll.u32 s26, $0x1;
	_ =	strace $0x80000064;
	[dreg:$0x1] =	wrdreg $0xFFFFFFFF  }
0xa7: {  	s28 =	simm.s32 $_size_execute0_lowered;
	s3 =	sadd.s32 s3, s5;
	[dreg:$0x0] =	wrdreg $0x0  }
0xa8: {  	s5 =	sshll.u32 s28, $0x1;
	[dreg:$0x2] =	wrdreg s3  }
0xa9: {  	[dreg:$0x3] =	wrdreg s5  }
0xaa: {  	[dreg:$0x4] =	wrdreg $0xC0  }
0xab: {  	_ =	task [dreg:s7], $0x5FFFF  }
0xac: {  	[dreg:$0x1] =	wrdreg $0xFFFFFFFF  }
0xad: {  	[dreg:$0x0] =	wrdreg $0x60  }
0xae: {  	[dreg:$0x2] =	wrdreg s24  }
0xaf: {  	[dreg:$0x3] =	wrdreg s2  }
0xb0: {  	[dreg:$0x4] =	wrdreg $0x63000  }
0xb1: {  	[dreg:$0x5] =	wrdreg $0x9  }
0xb2: {  	_ =	task.clear_ibuf [dreg:s7], $0x6FFFF;
	_ =	strace $0x90000064  }
0xb3: {  	s29 =	simm.s32 $0x9;
	_ =	strace $0x80000066  }
0xb4: {  	_ =	swait.ge [sflag:s29], $0x1  }
0xb5: {  	[sflag:s29] =	ssyncadd.s32 $0xFFFFFFFF  }
0xb6: {  	_ =	strace $0x90000066  }
0xb7: {  	_ =	sfence  }
0xb8: {  	s30 =	sld [smem:$0x0];
	_ =	sdelay $0x2  }
0xb9: {  	s31 =	sshll.u32 s1, $0xD;
	s1 =	sshrl.u32 s1, $0x2  }
0xba: {  	s3 =	sand.u32 $0x4000, s31;
	s1 =	sadd.s32 s1, s30  }
0xbb: {  	s0 =	sor.u32 s3, s0;
	s1 =	sshll.u32 s1, $0x11  }
0xbc: {  	s0 =	sor.u32 s1, s0  }
0xbd: {  	s0 =	sadd.s32 $0x8F2B, s0  }
0xbe: {  	[sflag:s0] =	ssyncadd.remote.s32 $0x1  }
0xbf: {  	_ =	sfence.sel $0xFFFF  }
0xc0: {  	[dreg:$0x0] =	wrdreg $0xFFFFFFFF;
	(pc) =	sbr.abs _section_cstart, $3  }
0xc1: {  	[dreg:$0x1] =	wrdreg $0xFFFFFFFF  }
0xc2: {  	_ =	task.clear_ibuf [dreg:s7], $0x2FFFF;
	_ =	strace $0x9FFFFFFF  }
0xc3: {  	(tm) =	ssettm $0x7FFFFFFF  }
tec
execute0_lowered:
.L_overlay_start_1:
0x0: {  	(tag) =	ssettag $0x1  }
0x1: {  	s5 =	rddreg [dreg:$0x0]  }
0x2: {  	s7 =	rddreg [dreg:$0x1]  }
0x3: {  	s2 =	rddreg [dreg:$0x2]  }
0x4: {  	s0 =	rddreg [dreg:$0x3]  }
0x5: {  	s4 =	srdreg.scid;
	s1 =	stileid.u32  }
0x6: {  	s3 =	simm.s32 $0x0;
	s14 =	simm.s32 $0x2F600;
	s15 =	simm.s32 $0x4F00  }
0x7: {  	s16 =	simm.s32 $0x1;
	s17 =	simm.s32 $0x0;
	s8 =	sand.u32 $0x1, s4  }
0x8: {  	s29 =	sshll.u32 s1, $0x1;
	[smem:$0x7FF] =	sst s3;
	s6 =	smul.u32 $0x6400, s1  }
0x9: {  	s31 =	sshll.u32 s1, $0x6;
	s4 =	sor.u32 s8, s29;
	_ =	strace $0x80000065  }
0xa: {  	s10 =	ssub.s32 $0x2, s8;
	p0 =	seq.s32 s8, $0x1;
	s9 =	smul.u32 $0x4F0, s4  }
0xb: {  	s4 =	sadd.s32 $0xC800, s5;
	s11 =	sshrl.u32 s6, $0x3;
	s12 =	sshrl.u32 s10, $0x1  }
0xc: {  	s30 =	sadd.s32 s6, s2;
	s6 =	sor.u32 $0x1C02, s31;
	s14 =	simm.s32 @!p0 $0x3BE00  }
0xd: {  	s11 =	sadd.s32 s11, s5;
	s10 =	ssub.s32 s10, s12;
	s12 =	simm.s32 $0x2  }
0xe: {  	s13 =	sadd.s32 s9, s5;
	s5 =	sadd.s32 $0x22E00, s11;
	s7 =	sadd.s32 s7, s9  }
0xf: {  	s9 =	smax.u32 s10, $0x1;
	s10 =	sadd.s32 s14, s11;
	s11 =	sshrl.u32 s30, $0x3  }
0x10: {  	s14 =	simm.s32 $0x80;
	s8 =	sadd.s32 $0x19000, s13;
	s13 =	simm.s32 $0x2780  }
.LBB2_1:
0x11: {  	[spmem:s11], [sflag:s6] =	dma.local [hbm:s5], $0xC80  }
0x12: {  	_ =	swait.ge [sflag:s12], $0xC80  }
0x13: {  	[sflag:s12] =	ssyncset.done $0x0  }
0x14: {  	[sflag:s12] =	ssyncadd.s32 $0xFFFFF380  }
0x15: {  	[tilespmem:s3], [sflag:$0x2] =	stream.linear.gather [hbm4b:s7+s3], $0x2780, $0x38;
	[tilespmem:$0xC700] =	vst v63  }
0x16: {  	_ =	swait.ge [sflag:s12], $0x2780  }
0x17: {  	[sflag:s12] =	ssyncset.done $0x0  }
0x18: {  	[sflag:s12] =	ssyncadd.s32 $0xFFFFD880  }
0x19: {  	[tilespmem:s13], [sflag:$0x2] =	stream.linear.gather [hbm4b:s8+s3], $0x2780, $0x38;
	[tilespmem:$0xC700] =	vst v63  }
0x1a: {  	_ =	swait.ge [sflag:s12], $0x2780  }
0x1b: {  	[sflag:s12] =	ssyncset.done $0x0  }
0x1c: {  	[sflag:s12] =	ssyncadd.s32 $0xFFFFD880  }
0x1d: {  	s18 =	simm.s32 $0x0;
	[bflag:$0x0] =	sbarrier.arrive $0xFFFF  }
0x1e: {  	[tilespmem:s15], [sflag:$0x1] =	stream.indirect.gather [hbm4b:s4+s14], $0x28, s18, s14, $0xb8;
	[tilespmem:$0xC700] =	vst v63  }
0x1f: {  	_ =	swait.ge [sflag:s16], $0x1400  }
0x20: {  	[sflag:s16] =	ssyncset.done $0x0  }
0x21: {  	s31 =	simm.s32 $0x2780;
	[sflag:s16] =	ssyncadd.s32 $0xFFFFEC00  }
0x22: {  	[spmem:s2] =	stream.indirect.scatter.add.f32 [tilespmem:s15], [sflag:$0x2], $0x28, s31, s14, $0xb8;
	[tilespmem:$0xC700] =	vst v63  }
0x23: {  	_ =	swait.ge [sflag:s12], $0x1400  }
0x24: {  	s19 =	simm.s32 $0x400;
	s18 =	simm.s32 $0x200;
	[sflag:s12] =	ssyncset.done $0x0  }
.LBB2_2:
0x25: {  	s20 =	sshra.s32 s18, $0x2  }
0x26: {  	[sflag:s12] =	ssyncadd.s32 $0xFFFFEC00;
	s18 =	smov.u32 s19;
	s21 =	sadd.s32 $0x200, s19  }
0x27: {  	[tilespmem:s15], [sflag:$0x1] =	stream.indirect.gather [hbm4b:s4+s14], $0x28, s20, s14, $0xb8;
	[tilespmem:$0xC700] =	vst v63  }
0x28: {  	p0 =	sne.s32 s19, $0x9C00;
	_ =	swait.ge [sflag:s16], $0x1400  }
.Ltmp0:
0x29: {  	[sflag:s16] =	ssyncset.done $0x0;
	(pc) =	sbr.rel @p0 .LBB2_2-.Ltmp0, $4  }
0x2a: {  	s19 =	sadd.s32 $0x2780, s20;
	[sflag:s16] =	ssyncadd.s32 $0xFFFFEC00  }
0x2b: {  	[spmem:s2] =	stream.indirect.scatter.add.f32 [tilespmem:s15], [sflag:$0x2], $0x28, s19, s14, $0xb8;
	[tilespmem:$0xC700] =	vst v63  }
0x2c: {  	_ =	swait.ge [sflag:s12], $0x1400  }
0x2d: {  	s19 =	smov.u32 s21;
	[sflag:s12] =	ssyncset.done $0x0  }
0x2e: {  	s18 =	sshra.s32 s18, $0x2;
	[sflag:s12] =	ssyncadd.s32 $0xFFFFEC00  }
0x2f: {  	[tilespmem:s15], [sflag:$0x1] =	stream.indirect.gather [hbm4b:s4+s14], $0x28, s18, s14, $0xb8;
	[tilespmem:$0xC700] =	vst v63  }
0x30: {  	_ =	swait.ge [sflag:s16], $0x1400  }
0x31: {  	[sflag:s16] =	ssyncset.done $0x0  }
0x32: {  	s18 =	sadd.s32 $0x2780, s18;
	[sflag:s16] =	ssyncadd.s32 $0xFFFFEC00  }
0x33: {  	[spmem:s2] =	stream.indirect.scatter.add.f32 [tilespmem:s15], [sflag:$0x2], $0x28, s18, s14, $0xb8;
	[tilespmem:$0xC700] =	vst v63  }
0x34: {  	_ =	swait.ge [sflag:s12], $0x1400  }
0x35: {  	s17 =	sadd.s32 $0x1, s17;
	[sflag:s12] =	ssyncset.done $0x0  }
0x36: {  	p0 =	sne.s32 s17, s9;
	[sflag:s12] =	ssyncadd.s32 $0xFFFFEC00  }
.Ltmp1:
0x37: {  	[bflag:$0x0] =	sbarrier.arrive $0xFFFF;
	(pc) =	sbr.rel @p0 .LBB2_1-.Ltmp1, $4  }
0x38: {  	[hbm:s10], [sflag:s6] =	dma.local [spmem:s11], $0xC80  }
0x39: {  	_ =	swait.ge [sflag:s12], $0xC80  }
0x3a: {  	[sflag:s12] =	ssyncset.done $0x0  }
0x3b: {  	[sflag:s12] =	ssyncadd.s32 $0xFFFFF380  }
0x3c: {  	_ =	sfence.sel $0x180000  }
0x3d: {  	[bflag:$0x0] =	sbarrier.arrive $0xFFFF  }
0x3e: {  	p0 =	sne.s32 s1, $0x0;
	_ =	strace $0x90000065  }
0x3f: {  	s0 =	sadd.s32 @!p0 $0x100000, s0;
	[bflag:$0x2] =	sbarrier.arrive $0xFFFF  }
0x40: {  	[sflag:s0] =	ssyncadd.tile.s32 @!p0 $0x1;
	_ =	shalt  }
.Lfunc_end2:
_tile_overlayer_lowered:
.L_overlay_start_2:
0x41: {  	(tag) =	ssettag $0x2  }
0x42: {  	s0 =	rddreg [dreg:$0x0];
	s2 =	stileid.u32  }
0x43: {  	s1 =	rddreg [dreg:$0x1];
	p0 =	sne.s32 s2, $0x0  }
0x44: {  	s3 =	rddreg [dreg:$0x2];
	[bflag:$0x3] =	sbarrier.arrive $0xFFFF;
	s2 =	simm.s32 @!p0 $0x1C02  }
0x45: {  	[timem:s3], [sflag:s2] =	dma.local @!p0 [hbm:s0], s1  }
0x46: {  	s0 =	simm.s32 @!p0 $0x2  }
0x47: {  	_ =	swait.ge @!p0 [sflag:s0], s1  }
0x48: {  	s1 =	ssub.s32 @!p0 $0x0, s1;
	[sflag:s0] =	ssyncset.done @!p0 $0x0  }
0x49: {  	[sflag:s0] =	ssyncadd.s32 @!p0 s1  }
0x4a: {  	[bflag:$0x3] =	sbarrier.arrive $0xFFFF  }
0x4b: {  	_ =	shalt  }

</sc_bundles>
